<compile_context>
chip_gen: v7x
topology: tpu7x:2x2x1
jax: 0.10.2.dev20260603
libtpu: 0.0.44.dev20260713+nightly
codegen_flags: <defaults>
</compile_context>

<pallas_src>
import functools
import itertools

import jax
import jax.numpy as jnp
from jax import lax
from jax.experimental import pallas as pl
from jax.experimental.pallas import tpu as pltpu
from jax.experimental.pallas import tpu_sc as plsc

_LANES = 16
_TRIPLETS = tuple(itertools.combinations(range(7), 3))
_NT = len(_TRIPLETS)


def _sqrt_pos(x):
    i = plsc.bitcast(x, jnp.int32)
    y = plsc.bitcast(jnp.int32(0x5F3759DF) - lax.shift_right_arithmetic(i, 1),
                     jnp.float32)
    xh = 0.5 * x
    y = y * (1.5 - xh * y * y)
    y = y * (1.5 - xh * y * y)
    return x * y


def _ranks16(g_ref, k, iota, na):
    rows = jnp.minimum(iota + jnp.int32(16 * k), jnp.int32(na - 1)) * 3
    a = plsc.load_gather(g_ref, [rows])
    b = plsc.load_gather(g_ref, [rows + 1])
    c = plsc.load_gather(g_ref, [rows + 2])
    t = (7 - a) * (6 - a) * (5 - a)
    s1 = 35 - lax.shift_right_logical(t * 683, 12)
    s2 = lax.shift_right_logical((b - a - 1) * (12 - a - b), 1)
    s3 = c - b - 1
    return (s1 + s2 + s3) * 16


@functools.lru_cache(maxsize=None)
def _build(batch, na):
    nw = 32
    rw = batch // nw
    ng = rw // _LANES
    nav = -(-na // _LANES)
    mesh = plsc.VectorSubcoreMesh(core_axis_name="c", subcore_axis_name="s")

    @functools.partial(
        pl.kernel,
        mesh=mesh,
        out_type=jax.ShapeDtypeStruct((batch * na,), jnp.float32),
        compiler_params=pltpu.CompilerParams(needs_layout_passes=False),
        scratch_types=[
            pltpu.VMEM((rw * 28,), jnp.float32),
            pltpu.VMEM((na * 3,), jnp.int32),
            pltpu.VMEM((na * 3,), jnp.int32),
            pltpu.VMEM((_NT * _LANES,), jnp.float32),
            pltpu.VMEM((rw * na,), jnp.float32),
        ],
    )
    def sc_kernel(fm_hbm, g1_hbm, g2_hbm, out_hbm,
                  fm_v, g1_v, g2_v, mass_v, out_v):
        wid = lax.axis_index("s") * 2 + lax.axis_index("c")
        pltpu.sync_copy(fm_hbm.at[pl.ds(wid * (rw * 28), rw * 28)], fm_v)
        pltpu.sync_copy(g1_hbm, g1_v)
        pltpu.sync_copy(g2_hbm, g2_v)

        iota = jnp.arange(_LANES, dtype=jnp.int32)
        r1_vecs = [_ranks16(g1_v, k, iota, na) for k in range(nav)]
        r2_vecs = [_ranks16(g2_v, k, iota, na) for k in range(nav)]
        off1s = [r1_vecs[a // _LANES][a % _LANES] for a in range(na)]
        off2s = [r2_vecs[a // _LANES][a % _LANES] for a in range(na)]
        iota28 = iota * 28
        iota_na = iota * na

        def group_body(g, carry):
            rows28 = iota28 + g * (28 * _LANES)
            jets = [[plsc.load_gather(fm_v, [rows28 + (4 * j + c)])
                     for c in range(4)] for j in range(7)]
            pair_cache = {}

            def pair_sum(i, j):
                if (i, j) not in pair_cache:
                    pair_cache[(i, j)] = [jets[i][c] + jets[j][c]
                                          for c in range(4)]
                return pair_cache[(i, j)]

            for t, (i, j, k) in enumerate(_TRIPLETS):
                p = pair_sum(i, j)
                e = p[0] + jets[k][0]
                x = p[1] + jets[k][1]
                y = p[2] + jets[k][2]
                z = p[3] + jets[k][3]
                m2 = e * e - x * x - y * y - z * z
                mass_v[pl.ds(t * _LANES, _LANES)] = _sqrt_pos(
                    jnp.maximum(m2, 1e-12))

            rows_na = iota_na + g * (na * _LANES)
            for a in range(na):
                m1 = mass_v[pl.ds(off1s[a], _LANES)]
                m2m = mass_v[pl.ds(off2s[a], _LANES)]
                num = jnp.abs(m1 - m2m)
                den = jnp.maximum(m1 + m2m, 1e-8)
                plsc.store_scatter(out_v, [rows_na + a], -(num / den))
            return carry

        lax.fori_loop(0, ng, group_body, jnp.int32(0))
        pltpu.sync_copy(out_v, out_hbm.at[pl.ds(wid * (rw * na), rw * na)])

    return sc_kernel


def kernel(four_momenta, group1_indices, group2_indices):
    batch, nj, nc = four_momenta.shape
    na = group1_indices.shape[0]
    fm_flat = four_momenta.reshape(batch * nj * nc)
    out = _build(batch, na)(fm_flat,
                            group1_indices.astype(jnp.int32).reshape(na * 3),
                            group2_indices.astype(jnp.int32).reshape(na * 3))
    return out.reshape(batch, na)

# --- scband reference (transcript-rebuilt; emitter-appended) ---
"""Pipeline reference for scband-mass-asymmetry-classical-solver-20074677141523 (READ-ONLY COPY).

The authoritative reference and input builder live on the scoring server;
editing this copy changes nothing except your own understanding.
"""

import itertools
import jax, jax.numpy as jnp
import numpy as np


def build_assignment_tensors(num_jets: int):
    jets = list(range(num_jets))
    g1_list, g2_list = [], []
    seen = set()
    for g1 in itertools.combinations(jets, 3):
        rest = [j for j in jets if j not in g1]
        for g2 in itertools.combinations(rest, 3):
            key = frozenset([tuple(sorted(g1)), tuple(sorted(g2))])
            if key in seen:
                continue
            seen.add(key)
            g1_list.append(g1)
            g2_list.append(g2)
    return (np.asarray(g1_list, dtype=np.int64), np.asarray(g2_list, dtype=np.int64))


def compute_invariant_mass(p4):
    # p4: (..., 4) with (E, px, py, pz)
    m2 = p4[..., 0] ** 2 - p4[..., 1] ** 2 - p4[..., 2] ** 2 - p4[..., 3] ** 2
    return jnp.sqrt(jnp.clip(m2, 0.0, None))


def setup_inputs(seed: int = 0) -> dict:
    key = jax.random.key(seed)
    k1, k2 = jax.random.split(key)
    batch, num_jets = 16384, 7
    # physical four-momenta: E = sqrt(|p|^2 + m^2) guarantees m2 > 0 for single jets
    p3 = jax.random.normal(k1, (batch, num_jets, 3), dtype=jnp.float32) * 50.0
    mass = jax.random.uniform(k2, (batch, num_jets, 1), dtype=jnp.float32) * 10.0 + 1.0
    E = jnp.sqrt(jnp.sum(p3 ** 2, axis=-1, keepdims=True) + mass ** 2)
    four_momenta = jnp.concatenate([E, p3], axis=-1)
    g1, g2 = build_assignment_tensors(num_jets)
    return {
        'four_momenta': four_momenta,
        'group1_indices': jnp.asarray(g1),
        'group2_indices': jnp.asarray(g2),
    }


def reference(four_momenta, group1_indices, group2_indices):
    # gather jets per assignment group and segment-sum over the 3 jets
    # four_momenta: (B, J, 4); group*_indices: (NA, 3)
    g1 = jnp.take(four_momenta, group1_indices, axis=1)  # (B, NA, 3, 4)
    g1_sum = g1.sum(axis=2)                               # (B, NA, 4)
    g2 = jnp.take(four_momenta, group2_indices, axis=1)
    g2_sum = g2.sum(axis=2)
    m1 = compute_invariant_mass(g1_sum)
    m2 = compute_invariant_mass(g2_sum)
    asymmetry = jnp.abs(m1 - m2) / jnp.clip(m1 + m2, 1e-08, None)
    logits = -asymmetry
    return logits

if __name__ == "__main__":
    import jax
    _d = setup_inputs()
    print(jax.jit(kernel)(*tuple(_d.values())))

</pallas_src>

<mosaic_0001>
#map = affine_map<(d0, d1) -> (0)>
module attributes {stable_mosaic.version = 14 : i64} {
  func.func @sc_kernel(%arg0: i32, %arg1: i32, %arg2: memref<458752xf32, #tpu.memory_space<hbm>>, %arg3: memref<210xi32, #tpu.memory_space<hbm>>, %arg4: memref<210xi32, #tpu.memory_space<hbm>>, %arg5: memref<1146880xf32, #tpu.memory_space<hbm>>, %arg6: memref<14336xf32, #tpu.memory_space<vmem>>, %arg7: memref<210xi32, #tpu.memory_space<vmem>>, %arg8: memref<210xi32, #tpu.memory_space<vmem>>, %arg9: memref<560xf32, #tpu.memory_space<vmem>>, %arg10: memref<35840xf32, #tpu.memory_space<vmem>>) attributes {dimension_semantics = [#tpu.dimension_semantics<core_parallel>, #tpu.dimension_semantics<subcore_parallel>], iteration_bounds = array<i64: 2, 16>, scalar_prefetch = 0 : i64, scratch_operands = 5 : i64, tpu.core_type = #tpu.core_type<sc_vector_subcore>, window_params = [{transform_indices = #map}, {transform_indices = #map}, {transform_indices = #map}, {transform_indices = #map}]} {
    %mul3A = arith.constant 2 : i32
    %mul3A_0 = arith.muli %arg1, %mul3A : i32
    %add3A = arith.addi %mul3A_0, %arg0 : i32
    %mul3A_1 = arith.constant 14336 : i32
    %mul3A_2 = arith.muli %add3A, %mul3A_1 : i32
    "tpu.region"() ({
      %run_scoped3A = tpu.sem_alloc : memref<!tpu.dma_semaphore, #tpu.memory_space<semaphore_mem>>
      %dma_start3A = tpu.memref_slice %arg2[%mul3A_2] : memref<458752xf32, #tpu.memory_space<hbm>> -> memref<14336xf32, #tpu.memory_space<hbm>>
      %dma_start3A_880 = tpu.memref_slice %arg2[%mul3A_2] : memref<458752xf32, #tpu.memory_space<hbm>> -> memref<14336xf32, #tpu.memory_space<hbm>>
      tpu.enqueue_dma source(%dma_start3A_880 : memref<14336xf32, #tpu.memory_space<hbm>>) target(%arg6 : memref<14336xf32, #tpu.memory_space<vmem>>) target_semaphore(%run_scoped3A : memref<!tpu.dma_semaphore, #tpu.memory_space<semaphore_mem>>)
      %dma_wait3A = tpu.memref_slice %arg2[%mul3A_2] : memref<458752xf32, #tpu.memory_space<hbm>> -> memref<14336xf32, #tpu.memory_space<hbm>>
      %dma_wait3A_881 = tpu.memref_slice %arg2[%mul3A_2] : memref<458752xf32, #tpu.memory_space<hbm>> -> memref<14336xf32, #tpu.memory_space<hbm>>
      tpu.wait_dma2 semaphore(%run_scoped3A : memref<!tpu.dma_semaphore, #tpu.memory_space<semaphore_mem>>) src(%dma_wait3A_881 : memref<14336xf32, #tpu.memory_space<hbm>>) dst(%arg6 : memref<14336xf32, #tpu.memory_space<vmem>>)
      tpu.yield
    }) : () -> ()
    "tpu.region"() ({
      %run_scoped3A = tpu.sem_alloc : memref<!tpu.dma_semaphore, #tpu.memory_space<semaphore_mem>>
      tpu.enqueue_dma source(%arg3 : memref<210xi32, #tpu.memory_space<hbm>>) target(%arg7 : memref<210xi32, #tpu.memory_space<vmem>>) target_semaphore(%run_scoped3A : memref<!tpu.dma_semaphore, #tpu.memory_space<semaphore_mem>>)
      tpu.wait_dma2 semaphore(%run_scoped3A : memref<!tpu.dma_semaphore, #tpu.memory_space<semaphore_mem>>) src(%arg3 : memref<210xi32, #tpu.memory_space<hbm>>) dst(%arg7 : memref<210xi32, #tpu.memory_space<vmem>>)
      tpu.yield
    }) : () -> ()
    "tpu.region"() ({
      %run_scoped3A = tpu.sem_alloc : memref<!tpu.dma_semaphore, #tpu.memory_space<semaphore_mem>>
      tpu.enqueue_dma source(%arg4 : memref<210xi32, #tpu.memory_space<hbm>>) target(%arg8 : memref<210xi32, #tpu.memory_space<vmem>>) target_semaphore(%run_scoped3A : memref<!tpu.dma_semaphore, #tpu.memory_space<semaphore_mem>>)
      tpu.wait_dma2 semaphore(%run_scoped3A : memref<!tpu.dma_semaphore, #tpu.memory_space<semaphore_mem>>) src(%arg4 : memref<210xi32, #tpu.memory_space<hbm>>) dst(%arg8 : memref<210xi32, #tpu.memory_space<vmem>>)
      tpu.yield
    }) : () -> ()
    %iota3A = tpu.iota {dimensions = array<i32: 0>} : vector<16xi32>
    %add3A_3 = arith.constant 0 : i32
    %add3A_4 = vector.broadcast %add3A_3 : i32 to vector<16xi32>
    %add3A_5 = arith.addi %iota3A, %add3A_4 : vector<16xi32>
    %min3A = arith.constant 69 : i32
    %min3A_6 = vector.broadcast %min3A : i32 to vector<16xi32>
    %min3A_7 = arith.minsi %add3A_5, %min3A_6 : vector<16xi32>
    %mul3A_8 = arith.constant 3 : i32
    %mul3A_9 = vector.broadcast %mul3A_8 : i32 to vector<16xi32>
    %mul3A_10 = arith.muli %min3A_7, %mul3A_9 : vector<16xi32>
    %gather3A = tpu.vector_load_idx %arg7[%mul3A_10] : memref<210xi32, #tpu.memory_space<vmem>>[vector<16xi32>], vector<16xi32>,
    %add3A_11 = arith.constant 1 : i32
    %add3A_12 = vector.broadcast %add3A_11 : i32 to vector<16xi32>
    %add3A_13 = arith.addi %mul3A_10, %add3A_12 : vector<16xi32>
    %gather3A_14 = tpu.vector_load_idx %arg7[%add3A_13] : memref<210xi32, #tpu.memory_space<vmem>>[vector<16xi32>], vector<16xi32>,
    %add3A_15 = arith.constant 2 : i32
    %add3A_16 = vector.broadcast %add3A_15 : i32 to vector<16xi32>
    %add3A_17 = arith.addi %mul3A_10, %add3A_16 : vector<16xi32>
    %gather3A_18 = tpu.vector_load_idx %arg7[%add3A_17] : memref<210xi32, #tpu.memory_space<vmem>>[vector<16xi32>], vector<16xi32>,
    %sub3A = arith.constant 7 : i32
    %sub3A_19 = vector.broadcast %sub3A : i32 to vector<16xi32>
    %sub3A_20 = arith.subi %sub3A_19, %gather3A : vector<16xi32>
    %sub3A_21 = arith.constant 6 : i32
    %sub3A_22 = vector.broadcast %sub3A_21 : i32 to vector<16xi32>
    %sub3A_23 = arith.subi %sub3A_22, %gather3A : vector<16xi32>
    %mul3A_24 = arith.muli %sub3A_20, %sub3A_23 : vector<16xi32>
    %sub3A_25 = arith.constant 5 : i32
    %sub3A_26 = vector.broadcast %sub3A_25 : i32 to vector<16xi32>
    %sub3A_27 = arith.subi %sub3A_26, %gather3A : vector<16xi32>
    %mul3A_28 = arith.muli %mul3A_24, %sub3A_27 : vector<16xi32>
    %mul3A_29 = arith.constant 683 : i32
    %mul3A_30 = vector.broadcast %mul3A_29 : i32 to vector<16xi32>
    %mul3A_31 = arith.muli %mul3A_28, %mul3A_30 : vector<16xi32>
    %shift_right_logical3A = arith.constant 12 : i32
    %shift_right_logical3A_32 = vector.broadcast %shift_right_logical3A : i32 to vector<16xi32>
    %shift_right_logical3A_33 = arith.shrui %mul3A_31, %shift_right_logical3A_32 : vector<16xi32>
    %sub3A_34 = arith.constant 35 : i32
    %sub3A_35 = vector.broadcast %sub3A_34 : i32 to vector<16xi32>
    %sub3A_36 = arith.subi %sub3A_35, %shift_right_logical3A_33 : vector<16xi32>
    %sub3A_37 = arith.subi %gather3A_14, %gather3A : vector<16xi32>
    %sub3A_38 = arith.constant 1 : i32
    %sub3A_39 = vector.broadcast %sub3A_38 : i32 to vector<16xi32>
    %sub3A_40 = arith.subi %sub3A_37, %sub3A_39 : vector<16xi32>
    %sub3A_41 = arith.constant 12 : i32
    %sub3A_42 = vector.broadcast %sub3A_41 : i32 to vector<16xi32>
    %sub3A_43 = arith.subi %sub3A_42, %gather3A : vector<16xi32>
    %sub3A_44 = arith.subi %sub3A_43, %gather3A_14 : vector<16xi32>
    %mul3A_45 = arith.muli %sub3A_40, %sub3A_44 : vector<16xi32>
    %shift_right_logical3A_46 = arith.constant 1 : i32
    %shift_right_logical3A_47 = vector.broadcast %shift_right_logical3A_46 : i32 to vector<16xi32>
    %shift_right_logical3A_48 = arith.shrui %mul3A_45, %shift_right_logical3A_47 : vector<16xi32>
    %sub3A_49 = arith.subi %gather3A_18, %gather3A_14 : vector<16xi32>
    %sub3A_50 = arith.constant 1 : i32
    %sub3A_51 = vector.broadcast %sub3A_50 : i32 to vector<16xi32>
    %sub3A_52 = arith.subi %sub3A_49, %sub3A_51 : vector<16xi32>
    %add3A_53 = arith.addi %sub3A_36, %shift_right_logical3A_48 : vector<16xi32>
    %add3A_54 = arith.addi %add3A_53, %sub3A_52 : vector<16xi32>
    %mul3A_55 = arith.constant 16 : i32
    %mul3A_56 = vector.broadcast %mul3A_55 : i32 to vector<16xi32>
    %mul3A_57 = arith.muli %add3A_54, %mul3A_56 : vector<16xi32>
    %add3A_58 = arith.constant 16 : i32
    %add3A_59 = vector.broadcast %add3A_58 : i32 to vector<16xi32>
    %add3A_60 = arith.addi %iota3A, %add3A_59 : vector<16xi32>
    %min3A_61 = arith.constant 69 : i32
    %min3A_62 = vector.broadcast %min3A_61 : i32 to vector<16xi32>
    %min3A_63 = arith.minsi %add3A_60, %min3A_62 : vector<16xi32>
    %mul3A_64 = arith.constant 3 : i32
    %mul3A_65 = vector.broadcast %mul3A_64 : i32 to vector<16xi32>
    %mul3A_66 = arith.muli %min3A_63, %mul3A_65 : vector<16xi32>
    %gather3A_67 = tpu.vector_load_idx %arg7[%mul3A_66] : memref<210xi32, #tpu.memory_space<vmem>>[vector<16xi32>], vector<16xi32>,
    %add3A_68 = arith.constant 1 : i32
    %add3A_69 = vector.broadcast %add3A_68 : i32 to vector<16xi32>
    %add3A_70 = arith.addi %mul3A_66, %add3A_69 : vector<16xi32>
    %gather3A_71 = tpu.vector_load_idx %arg7[%add3A_70] : memref<210xi32, #tpu.memory_space<vmem>>[vector<16xi32>], vector<16xi32>,
    %add3A_72 = arith.constant 2 : i32
    %add3A_73 = vector.broadcast %add3A_72 : i32 to vector<16xi32>
    %add3A_74 = arith.addi %mul3A_66, %add3A_73 : vector<16xi32>
    %gather3A_75 = tpu.vector_load_idx %arg7[%add3A_74] : memref<210xi32, #tpu.memory_space<vmem>>[vector<16xi32>], vector<16xi32>,
    %sub3A_76 = arith.constant 7 : i32
    %sub3A_77 = vector.broadcast %sub3A_76 : i32 to vector<16xi32>
    %sub3A_78 = arith.subi %sub3A_77, %gather3A_67 : vector<16xi32>
    %sub3A_79 = arith.constant 6 : i32
    %sub3A_80 = vector.broadcast %sub3A_79 : i32 to vector<16xi32>
    %sub3A_81 = arith.subi %sub3A_80, %gather3A_67 : vector<16xi32>
    %mul3A_82 = arith.muli %sub3A_78, %sub3A_81 : vector<16xi32>
    %sub3A_83 = arith.constant 5 : i32
    %sub3A_84 = vector.broadcast %sub3A_83 : i32 to vector<16xi32>
    %sub3A_85 = arith.subi %sub3A_84, %gather3A_67 : vector<16xi32>
    %mul3A_86 = arith.muli %mul3A_82, %sub3A_85 : vector<16xi32>
    %mul3A_87 = arith.constant 683 : i32
    %mul3A_88 = vector.broadcast %mul3A_87 : i32 to vector<16xi32>
    %mul3A_89 = arith.muli %mul3A_86, %mul3A_88 : vector<16xi32>
    %shift_right_logical3A_90 = arith.constant 12 : i32
    %shift_right_logical3A_91 = vector.broadcast %shift_right_logical3A_90 : i32 to vector<16xi32>
    %shift_right_logical3A_92 = arith.shrui %mul3A_89, %shift_right_logical3A_91 : vector<16xi32>
    %sub3A_93 = arith.constant 35 : i32
    %sub3A_94 = vector.broadcast %sub3A_93 : i32 to vector<16xi32>
    %sub3A_95 = arith.subi %sub3A_94, %shift_right_logical3A_92 : vector<16xi32>
    %sub3A_96 = arith.subi %gather3A_71, %gather3A_67 : vector<16xi32>
    %sub3A_97 = arith.constant 1 : i32
    %sub3A_98 = vector.broadcast %sub3A_97 : i32 to vector<16xi32>
    %sub3A_99 = arith.subi %sub3A_96, %sub3A_98 : vector<16xi32>
    %sub3A_100 = arith.constant 12 : i32
    %sub3A_101 = vector.broadcast %sub3A_100 : i32 to vector<16xi32>
    %sub3A_102 = arith.subi %sub3A_101, %gather3A_67 : vector<16xi32>
    %sub3A_103 = arith.subi %sub3A_102, %gather3A_71 : vector<16xi32>
    %mul3A_104 = arith.muli %sub3A_99, %sub3A_103 : vector<16xi32>
    %shift_right_logical3A_105 = arith.constant 1 : i32
    %shift_right_logical3A_106 = vector.broadcast %shift_right_logical3A_105 : i32 to vector<16xi32>
    %shift_right_logical3A_107 = arith.shrui %mul3A_104, %shift_right_logical3A_106 : vector<16xi32>
    %sub3A_108 = arith.subi %gather3A_75, %gather3A_71 : vector<16xi32>
    %sub3A_109 = arith.constant 1 : i32
    %sub3A_110 = vector.broadcast %sub3A_109 : i32 to vector<16xi32>
    %sub3A_111 = arith.subi %sub3A_108, %sub3A_110 : vector<16xi32>
    %add3A_112 = arith.addi %sub3A_95, %shift_right_logical3A_107 : vector<16xi32>
    %add3A_113 = arith.addi %add3A_112, %sub3A_111 : vector<16xi32>
    %mul3A_114 = arith.constant 16 : i32
    %mul3A_115 = vector.broadcast %mul3A_114 : i32 to vector<16xi32>
    %mul3A_116 = arith.muli %add3A_113, %mul3A_115 : vector<16xi32>
    %add3A_117 = arith.constant 32 : i32
    %add3A_118 = vector.broadcast %add3A_117 : i32 to vector<16xi32>
    %add3A_119 = arith.addi %iota3A, %add3A_118 : vector<16xi32>
    %min3A_120 = arith.constant 69 : i32
    %min3A_121 = vector.broadcast %min3A_120 : i32 to vector<16xi32>
    %min3A_122 = arith.minsi %add3A_119, %min3A_121 : vector<16xi32>
    %mul3A_123 = arith.constant 3 : i32
    %mul3A_124 = vector.broadcast %mul3A_123 : i32 to vector<16xi32>
    %mul3A_125 = arith.muli %min3A_122, %mul3A_124 : vector<16xi32>
    %gather3A_126 = tpu.vector_load_idx %arg7[%mul3A_125] : memref<210xi32, #tpu.memory_space<vmem>>[vector<16xi32>], vector<16xi32>,
    %add3A_127 = arith.constant 1 : i32
    %add3A_128 = vector.broadcast %add3A_127 : i32 to vector<16xi32>
    %add3A_129 = arith.addi %mul3A_125, %add3A_128 : vector<16xi32>
    %gather3A_130 = tpu.vector_load_idx %arg7[%add3A_129] : memref<210xi32, #tpu.memory_space<vmem>>[vector<16xi32>], vector<16xi32>,
    %add3A_131 = arith.constant 2 : i32
    %add3A_132 = vector.broadcast %add3A_131 : i32 to vector<16xi32>
    %add3A_133 = arith.addi %mul3A_125, %add3A_132 : vector<16xi32>
    %gather3A_134 = tpu.vector_load_idx %arg7[%add3A_133] : memref<210xi32, #tpu.memory_space<vmem>>[vector<16xi32>], vector<16xi32>,
    %sub3A_135 = arith.constant 7 : i32
    %sub3A_136 = vector.broadcast %sub3A_135 : i32 to vector<16xi32>
    %sub3A_137 = arith.subi %sub3A_136, %gather3A_126 : vector<16xi32>
    %sub3A_138 = arith.constant 6 : i32
    %sub3A_139 = vector.broadcast %sub3A_138 : i32 to vector<16xi32>
    %sub3A_140 = arith.subi %sub3A_139, %gather3A_126 : vector<16xi32>
    %mul3A_141 = arith.muli %sub3A_137, %sub3A_140 : vector<16xi32>
    %sub3A_142 = arith.constant 5 : i32
    %sub3A_143 = vector.broadcast %sub3A_142 : i32 to vector<16xi32>
    %sub3A_144 = arith.subi %sub3A_143, %gather3A_126 : vector<16xi32>
    %mul3A_145 = arith.muli %mul3A_141, %sub3A_144 : vector<16xi32>
    %mul3A_146 = arith.constant 683 : i32
    %mul3A_147 = vector.broadcast %mul3A_146 : i32 to vector<16xi32>
    %mul3A_148 = arith.muli %mul3A_145, %mul3A_147 : vector<16xi32>
    %shift_right_logical3A_149 = arith.constant 12 : i32
    %shift_right_logical3A_150 = vector.broadcast %shift_right_logical3A_149 : i32 to vector<16xi32>
    %shift_right_logical3A_151 = arith.shrui %mul3A_148, %shift_right_logical3A_150 : vector<16xi32>
    %sub3A_152 = arith.constant 35 : i32
    %sub3A_153 = vector.broadcast %sub3A_152 : i32 to vector<16xi32>
    %sub3A_154 = arith.subi %sub3A_153, %shift_right_logical3A_151 : vector<16xi32>
    %sub3A_155 = arith.subi %gather3A_130, %gather3A_126 : vector<16xi32>
    %sub3A_156 = arith.constant 1 : i32
    %sub3A_157 = vector.broadcast %sub3A_156 : i32 to vector<16xi32>
    %sub3A_158 = arith.subi %sub3A_155, %sub3A_157 : vector<16xi32>
    %sub3A_159 = arith.constant 12 : i32
    %sub3A_160 = vector.broadcast %sub3A_159 : i32 to vector<16xi32>
    %sub3A_161 = arith.subi %sub3A_160, %gather3A_126 : vector<16xi32>
    %sub3A_162 = arith.subi %sub3A_161, %gather3A_130 : vector<16xi32>
    %mul3A_163 = arith.muli %sub3A_158, %sub3A_162 : vector<16xi32>
    %shift_right_logical3A_164 = arith.constant 1 : i32
    %shift_right_logical3A_165 = vector.broadcast %shift_right_logical3A_164 : i32 to vector<16xi32>
    %shift_right_logical3A_166 = arith.shrui %mul3A_163, %shift_right_logical3A_165 : vector<16xi32>
    %sub3A_167 = arith.subi %gather3A_134, %gather3A_130 : vector<16xi32>
    %sub3A_168 = arith.constant 1 : i32
    %sub3A_169 = vector.broadcast %sub3A_168 : i32 to vector<16xi32>
    %sub3A_170 = arith.subi %sub3A_167, %sub3A_169 : vector<16xi32>
    %add3A_171 = arith.addi %sub3A_154, %shift_right_logical3A_166 : vector<16xi32>
    %add3A_172 = arith.addi %add3A_171, %sub3A_170 : vector<16xi32>
    %mul3A_173 = arith.constant 16 : i32
    %mul3A_174 = vector.broadcast %mul3A_173 : i32 to vector<16xi32>
    %mul3A_175 = arith.muli %add3A_172, %mul3A_174 : vector<16xi32>
    %add3A_176 = arith.constant 48 : i32
    %add3A_177 = vector.broadcast %add3A_176 : i32 to vector<16xi32>
    %add3A_178 = arith.addi %iota3A, %add3A_177 : vector<16xi32>
    %min3A_179 = arith.constant 69 : i32
    %min3A_180 = vector.broadcast %min3A_179 : i32 to vector<16xi32>
    %min3A_181 = arith.minsi %add3A_178, %min3A_180 : vector<16xi32>
    %mul3A_182 = arith.constant 3 : i32
    %mul3A_183 = vector.broadcast %mul3A_182 : i32 to vector<16xi32>
    %mul3A_184 = arith.muli %min3A_181, %mul3A_183 : vector<16xi32>
    %gather3A_185 = tpu.vector_load_idx %arg7[%mul3A_184] : memref<210xi32, #tpu.memory_space<vmem>>[vector<16xi32>], vector<16xi32>,
    %add3A_186 = arith.constant 1 : i32
    %add3A_187 = vector.broadcast %add3A_186 : i32 to vector<16xi32>
    %add3A_188 = arith.addi %mul3A_184, %add3A_187 : vector<16xi32>
    %gather3A_189 = tpu.vector_load_idx %arg7[%add3A_188] : memref<210xi32, #tpu.memory_space<vmem>>[vector<16xi32>], vector<16xi32>,
    %add3A_190 = arith.constant 2 : i32
    %add3A_191 = vector.broadcast %add3A_190 : i32 to vector<16xi32>
    %add3A_192 = arith.addi %mul3A_184, %add3A_191 : vector<16xi32>
    %gather3A_193 = tpu.vector_load_idx %arg7[%add3A_192] : memref<210xi32, #tpu.memory_space<vmem>>[vector<16xi32>], vector<16xi32>,
    %sub3A_194 = arith.constant 7 : i32
    %sub3A_195 = vector.broadcast %sub3A_194 : i32 to vector<16xi32>
    %sub3A_196 = arith.subi %sub3A_195, %gather3A_185 : vector<16xi32>
    %sub3A_197 = arith.constant 6 : i32
    %sub3A_198 = vector.broadcast %sub3A_197 : i32 to vector<16xi32>
    %sub3A_199 = arith.subi %sub3A_198, %gather3A_185 : vector<16xi32>
    %mul3A_200 = arith.muli %sub3A_196, %sub3A_199 : vector<16xi32>
    %sub3A_201 = arith.constant 5 : i32
    %sub3A_202 = vector.broadcast %sub3A_201 : i32 to vector<16xi32>
    %sub3A_203 = arith.subi %sub3A_202, %gather3A_185 : vector<16xi32>
    %mul3A_204 = arith.muli %mul3A_200, %sub3A_203 : vector<16xi32>
    %mul3A_205 = arith.constant 683 : i32
    %mul3A_206 = vector.broadcast %mul3A_205 : i32 to vector<16xi32>
    %mul3A_207 = arith.muli %mul3A_204, %mul3A_206 : vector<16xi32>
    %shift_right_logical3A_208 = arith.constant 12 : i32
    %shift_right_logical3A_209 = vector.broadcast %shift_right_logical3A_208 : i32 to vector<16xi32>
    %shift_right_logical3A_210 = arith.shrui %mul3A_207, %shift_right_logical3A_209 : vector<16xi32>
    %sub3A_211 = arith.constant 35 : i32
    %sub3A_212 = vector.broadcast %sub3A_211 : i32 to vector<16xi32>
    %sub3A_213 = arith.subi %sub3A_212, %shift_right_logical3A_210 : vector<16xi32>
    %sub3A_214 = arith.subi %gather3A_189, %gather3A_185 : vector<16xi32>
    %sub3A_215 = arith.constant 1 : i32
    %sub3A_216 = vector.broadcast %sub3A_215 : i32 to vector<16xi32>
    %sub3A_217 = arith.subi %sub3A_214, %sub3A_216 : vector<16xi32>
    %sub3A_218 = arith.constant 12 : i32
    %sub3A_219 = vector.broadcast %sub3A_218 : i32 to vector<16xi32>
    %sub3A_220 = arith.subi %sub3A_219, %gather3A_185 : vector<16xi32>
    %sub3A_221 = arith.subi %sub3A_220, %gather3A_189 : vector<16xi32>
    %mul3A_222 = arith.muli %sub3A_217, %sub3A_221 : vector<16xi32>
    %shift_right_logical3A_223 = arith.constant 1 : i32
    %shift_right_logical3A_224 = vector.broadcast %shift_right_logical3A_223 : i32 to vector<16xi32>
    %shift_right_logical3A_225 = arith.shrui %mul3A_222, %shift_right_logical3A_224 : vector<16xi32>
    %sub3A_226 = arith.subi %gather3A_193, %gather3A_189 : vector<16xi32>
    %sub3A_227 = arith.constant 1 : i32
    %sub3A_228 = vector.broadcast %sub3A_227 : i32 to vector<16xi32>
    %sub3A_229 = arith.subi %sub3A_226, %sub3A_228 : vector<16xi32>
    %add3A_230 = arith.addi %sub3A_213, %shift_right_logical3A_225 : vector<16xi32>
    %add3A_231 = arith.addi %add3A_230, %sub3A_229 : vector<16xi32>
    %mul3A_232 = arith.constant 16 : i32
    %mul3A_233 = vector.broadcast %mul3A_232 : i32 to vector<16xi32>
    %mul3A_234 = arith.muli %add3A_231, %mul3A_233 : vector<16xi32>
    %add3A_235 = arith.constant 64 : i32
    %add3A_236 = vector.broadcast %add3A_235 : i32 to vector<16xi32>
    %add3A_237 = arith.addi %iota3A, %add3A_236 : vector<16xi32>
    %min3A_238 = arith.constant 69 : i32
    %min3A_239 = vector.broadcast %min3A_238 : i32 to vector<16xi32>
    %min3A_240 = arith.minsi %add3A_237, %min3A_239 : vector<16xi32>
    %mul3A_241 = arith.constant 3 : i32
    %mul3A_242 = vector.broadcast %mul3A_241 : i32 to vector<16xi32>
    %mul3A_243 = arith.muli %min3A_240, %mul3A_242 : vector<16xi32>
    %gather3A_244 = tpu.vector_load_idx %arg7[%mul3A_243] : memref<210xi32, #tpu.memory_space<vmem>>[vector<16xi32>], vector<16xi32>,
    %add3A_245 = arith.constant 1 : i32
    %add3A_246 = vector.broadcast %add3A_245 : i32 to vector<16xi32>
    %add3A_247 = arith.addi %mul3A_243, %add3A_246 : vector<16xi32>
    %gather3A_248 = tpu.vector_load_idx %arg7[%add3A_247] : memref<210xi32, #tpu.memory_space<vmem>>[vector<16xi32>], vector<16xi32>,
    %add3A_249 = arith.constant 2 : i32
    %add3A_250 = vector.broadcast %add3A_249 : i32 to vector<16xi32>
    %add3A_251 = arith.addi %mul3A_243, %add3A_250 : vector<16xi32>
    %gather3A_252 = tpu.vector_load_idx %arg7[%add3A_251] : memref<210xi32, #tpu.memory_space<vmem>>[vector<16xi32>], vector<16xi32>,
    %sub3A_253 = arith.constant 7 : i32
    %sub3A_254 = vector.broadcast %sub3A_253 : i32 to vector<16xi32>
    %sub3A_255 = arith.subi %sub3A_254, %gather3A_244 : vector<16xi32>
    %sub3A_256 = arith.constant 6 : i32
    %sub3A_257 = vector.broadcast %sub3A_256 : i32 to vector<16xi32>
    %sub3A_258 = arith.subi %sub3A_257, %gather3A_244 : vector<16xi32>
    %mul3A_259 = arith.muli %sub3A_255, %sub3A_258 : vector<16xi32>
    %sub3A_260 = arith.constant 5 : i32
    %sub3A_261 = vector.broadcast %sub3A_260 : i32 to vector<16xi32>
    %sub3A_262 = arith.subi %sub3A_261, %gather3A_244 : vector<16xi32>
    %mul3A_263 = arith.muli %mul3A_259, %sub3A_262 : vector<16xi32>
    %mul3A_264 = arith.constant 683 : i32
    %mul3A_265 = vector.broadcast %mul3A_264 : i32 to vector<16xi32>
    %mul3A_266 = arith.muli %mul3A_263, %mul3A_265 : vector<16xi32>
    %shift_right_logical3A_267 = arith.constant 12 : i32
    %shift_right_logical3A_268 = vector.broadcast %shift_right_logical3A_267 : i32 to vector<16xi32>
    %shift_right_logical3A_269 = arith.shrui %mul3A_266, %shift_right_logical3A_268 : vector<16xi32>
    %sub3A_270 = arith.constant 35 : i32
    %sub3A_271 = vector.broadcast %sub3A_270 : i32 to vector<16xi32>
    %sub3A_272 = arith.subi %sub3A_271, %shift_right_logical3A_269 : vector<16xi32>
    %sub3A_273 = arith.subi %gather3A_248, %gather3A_244 : vector<16xi32>
    %sub3A_274 = arith.constant 1 : i32
    %sub3A_275 = vector.broadcast %sub3A_274 : i32 to vector<16xi32>
    %sub3A_276 = arith.subi %sub3A_273, %sub3A_275 : vector<16xi32>
    %sub3A_277 = arith.constant 12 : i32
    %sub3A_278 = vector.broadcast %sub3A_277 : i32 to vector<16xi32>
    %sub3A_279 = arith.subi %sub3A_278, %gather3A_244 : vector<16xi32>
    %sub3A_280 = arith.subi %sub3A_279, %gather3A_248 : vector<16xi32>
    %mul3A_281 = arith.muli %sub3A_276, %sub3A_280 : vector<16xi32>
    %shift_right_logical3A_282 = arith.constant 1 : i32
    %shift_right_logical3A_283 = vector.broadcast %shift_right_logical3A_282 : i32 to vector<16xi32>
    %shift_right_logical3A_284 = arith.shrui %mul3A_281, %shift_right_logical3A_283 : vector<16xi32>
    %sub3A_285 = arith.subi %gather3A_252, %gather3A_248 : vector<16xi32>
    %sub3A_286 = arith.constant 1 : i32
    %sub3A_287 = vector.broadcast %sub3A_286 : i32 to vector<16xi32>
    %sub3A_288 = arith.subi %sub3A_285, %sub3A_287 : vector<16xi32>
    %add3A_289 = arith.addi %sub3A_272, %shift_right_logical3A_284 : vector<16xi32>
    %add3A_290 = arith.addi %add3A_289, %sub3A_288 : vector<16xi32>
    %mul3A_291 = arith.constant 16 : i32
    %mul3A_292 = vector.broadcast %mul3A_291 : i32 to vector<16xi32>
    %mul3A_293 = arith.muli %add3A_290, %mul3A_292 : vector<16xi32>
    %add3A_294 = arith.constant 0 : i32
    %add3A_295 = vector.broadcast %add3A_294 : i32 to vector<16xi32>
    %add3A_296 = arith.addi %iota3A, %add3A_295 : vector<16xi32>
    %min3A_297 = arith.constant 69 : i32
    %min3A_298 = vector.broadcast %min3A_297 : i32 to vector<16xi32>
    %min3A_299 = arith.minsi %add3A_296, %min3A_298 : vector<16xi32>
    %mul3A_300 = arith.constant 3 : i32
    %mul3A_301 = vector.broadcast %mul3A_300 : i32 to vector<16xi32>
    %mul3A_302 = arith.muli %min3A_299, %mul3A_301 : vector<16xi32>
    %gather3A_303 = tpu.vector_load_idx %arg8[%mul3A_302] : memref<210xi32, #tpu.memory_space<vmem>>[vector<16xi32>], vector<16xi32>,
    %add3A_304 = arith.constant 1 : i32
    %add3A_305 = vector.broadcast %add3A_304 : i32 to vector<16xi32>
    %add3A_306 = arith.addi %mul3A_302, %add3A_305 : vector<16xi32>
    %gather3A_307 = tpu.vector_load_idx %arg8[%add3A_306] : memref<210xi32, #tpu.memory_space<vmem>>[vector<16xi32>], vector<16xi32>,
    %add3A_308 = arith.constant 2 : i32
    %add3A_309 = vector.broadcast %add3A_308 : i32 to vector<16xi32>
    %add3A_310 = arith.addi %mul3A_302, %add3A_309 : vector<16xi32>
    %gather3A_311 = tpu.vector_load_idx %arg8[%add3A_310] : memref<210xi32, #tpu.memory_space<vmem>>[vector<16xi32>], vector<16xi32>,
    %sub3A_312 = arith.constant 7 : i32
    %sub3A_313 = vector.broadcast %sub3A_312 : i32 to vector<16xi32>
    %sub3A_314 = arith.subi %sub3A_313, %gather3A_303 : vector<16xi32>
    %sub3A_315 = arith.constant 6 : i32
    %sub3A_316 = vector.broadcast %sub3A_315 : i32 to vector<16xi32>
    %sub3A_317 = arith.subi %sub3A_316, %gather3A_303 : vector<16xi32>
    %mul3A_318 = arith.muli %sub3A_314, %sub3A_317 : vector<16xi32>
    %sub3A_319 = arith.constant 5 : i32
    %sub3A_320 = vector.broadcast %sub3A_319 : i32 to vector<16xi32>
    %sub3A_321 = arith.subi %sub3A_320, %gather3A_303 : vector<16xi32>
    %mul3A_322 = arith.muli %mul3A_318, %sub3A_321 : vector<16xi32>
    %mul3A_323 = arith.constant 683 : i32
    %mul3A_324 = vector.broadcast %mul3A_323 : i32 to vector<16xi32>
    %mul3A_325 = arith.muli %mul3A_322, %mul3A_324 : vector<16xi32>
    %shift_right_logical3A_326 = arith.constant 12 : i32
    %shift_right_logical3A_327 = vector.broadcast %shift_right_logical3A_326 : i32 to vector<16xi32>
    %shift_right_logical3A_328 = arith.shrui %mul3A_325, %shift_right_logical3A_327 : vector<16xi32>
    %sub3A_329 = arith.constant 35 : i32
    %sub3A_330 = vector.broadcast %sub3A_329 : i32 to vector<16xi32>
    %sub3A_331 = arith.subi %sub3A_330, %shift_right_logical3A_328 : vector<16xi32>
    %sub3A_332 = arith.subi %gather3A_307, %gather3A_303 : vector<16xi32>
    %sub3A_333 = arith.constant 1 : i32
    %sub3A_334 = vector.broadcast %sub3A_333 : i32 to vector<16xi32>
    %sub3A_335 = arith.subi %sub3A_332, %sub3A_334 : vector<16xi32>
    %sub3A_336 = arith.constant 12 : i32
    %sub3A_337 = vector.broadcast %sub3A_336 : i32 to vector<16xi32>
    %sub3A_338 = arith.subi %sub3A_337, %gather3A_303 : vector<16xi32>
    %sub3A_339 = arith.subi %sub3A_338, %gather3A_307 : vector<16xi32>
    %mul3A_340 = arith.muli %sub3A_335, %sub3A_339 : vector<16xi32>
    %shift_right_logical3A_341 = arith.constant 1 : i32
    %shift_right_logical3A_342 = vector.broadcast %shift_right_logical3A_341 : i32 to vector<16xi32>
    %shift_right_logical3A_343 = arith.shrui %mul3A_340, %shift_right_logical3A_342 : vector<16xi32>
    %sub3A_344 = arith.subi %gather3A_311, %gather3A_307 : vector<16xi32>
    %sub3A_345 = arith.constant 1 : i32
    %sub3A_346 = vector.broadcast %sub3A_345 : i32 to vector<16xi32>
    %sub3A_347 = arith.subi %sub3A_344, %sub3A_346 : vector<16xi32>
    %add3A_348 = arith.addi %sub3A_331, %shift_right_logical3A_343 : vector<16xi32>
    %add3A_349 = arith.addi %add3A_348, %sub3A_347 : vector<16xi32>
    %mul3A_350 = arith.constant 16 : i32
    %mul3A_351 = vector.broadcast %mul3A_350 : i32 to vector<16xi32>
    %mul3A_352 = arith.muli %add3A_349, %mul3A_351 : vector<16xi32>
    %add3A_353 = arith.constant 16 : i32
    %add3A_354 = vector.broadcast %add3A_353 : i32 to vector<16xi32>
    %add3A_355 = arith.addi %iota3A, %add3A_354 : vector<16xi32>
    %min3A_356 = arith.constant 69 : i32
    %min3A_357 = vector.broadcast %min3A_356 : i32 to vector<16xi32>
    %min3A_358 = arith.minsi %add3A_355, %min3A_357 : vector<16xi32>
    %mul3A_359 = arith.constant 3 : i32
    %mul3A_360 = vector.broadcast %mul3A_359 : i32 to vector<16xi32>
    %mul3A_361 = arith.muli %min3A_358, %mul3A_360 : vector<16xi32>
    %gather3A_362 = tpu.vector_load_idx %arg8[%mul3A_361] : memref<210xi32, #tpu.memory_space<vmem>>[vector<16xi32>], vector<16xi32>,
    %add3A_363 = arith.constant 1 : i32
    %add3A_364 = vector.broadcast %add3A_363 : i32 to vector<16xi32>
    %add3A_365 = arith.addi %mul3A_361, %add3A_364 : vector<16xi32>
    %gather3A_366 = tpu.vector_load_idx %arg8[%add3A_365] : memref<210xi32, #tpu.memory_space<vmem>>[vector<16xi32>], vector<16xi32>,
    %add3A_367 = arith.constant 2 : i32
    %add3A_368 = vector.broadcast %add3A_367 : i32 to vector<16xi32>
    %add3A_369 = arith.addi %mul3A_361, %add3A_368 : vector<16xi32>
    %gather3A_370 = tpu.vector_load_idx %arg8[%add3A_369] : memref<210xi32, #tpu.memory_space<vmem>>[vector<16xi32>], vector<16xi32>,
    %sub3A_371 = arith.constant 7 : i32
    %sub3A_372 = vector.broadcast %sub3A_371 : i32 to vector<16xi32>
    %sub3A_373 = arith.subi %sub3A_372, %gather3A_362 : vector<16xi32>
    %sub3A_374 = arith.constant 6 : i32
    %sub3A_375 = vector.broadcast %sub3A_374 : i32 to vector<16xi32>
    %sub3A_376 = arith.subi %sub3A_375, %gather3A_362 : vector<16xi32>
    %mul3A_377 = arith.muli %sub3A_373, %sub3A_376 : vector<16xi32>
    %sub3A_378 = arith.constant 5 : i32
    %sub3A_379 = vector.broadcast %sub3A_378 : i32 to vector<16xi32>
    %sub3A_380 = arith.subi %sub3A_379, %gather3A_362 : vector<16xi32>
    %mul3A_381 = arith.muli %mul3A_377, %sub3A_380 : vector<16xi32>
    %mul3A_382 = arith.constant 683 : i32
    %mul3A_383 = vector.broadcast %mul3A_382 : i32 to vector<16xi32>
    %mul3A_384 = arith.muli %mul3A_381, %mul3A_383 : vector<16xi32>
    %shift_right_logical3A_385 = arith.constant 12 : i32
    %shift_right_logical3A_386 = vector.broadcast %shift_right_logical3A_385 : i32 to vector<16xi32>
    %shift_right_logical3A_387 = arith.shrui %mul3A_384, %shift_right_logical3A_386 : vector<16xi32>
    %sub3A_388 = arith.constant 35 : i32
    %sub3A_389 = vector.broadcast %sub3A_388 : i32 to vector<16xi32>
    %sub3A_390 = arith.subi %sub3A_389, %shift_right_logical3A_387 : vector<16xi32>
    %sub3A_391 = arith.subi %gather3A_366, %gather3A_362 : vector<16xi32>
    %sub3A_392 = arith.constant 1 : i32
    %sub3A_393 = vector.broadcast %sub3A_392 : i32 to vector<16xi32>
    %sub3A_394 = arith.subi %sub3A_391, %sub3A_393 : vector<16xi32>
    %sub3A_395 = arith.constant 12 : i32
    %sub3A_396 = vector.broadcast %sub3A_395 : i32 to vector<16xi32>
    %sub3A_397 = arith.subi %sub3A_396, %gather3A_362 : vector<16xi32>
    %sub3A_398 = arith.subi %sub3A_397, %gather3A_366 : vector<16xi32>
    %mul3A_399 = arith.muli %sub3A_394, %sub3A_398 : vector<16xi32>
    %shift_right_logical3A_400 = arith.constant 1 : i32
    %shift_right_logical3A_401 = vector.broadcast %shift_right_logical3A_400 : i32 to vector<16xi32>
    %shift_right_logical3A_402 = arith.shrui %mul3A_399, %shift_right_logical3A_401 : vector<16xi32>
    %sub3A_403 = arith.subi %gather3A_370, %gather3A_366 : vector<16xi32>
    %sub3A_404 = arith.constant 1 : i32
    %sub3A_405 = vector.broadcast %sub3A_404 : i32 to vector<16xi32>
    %sub3A_406 = arith.subi %sub3A_403, %sub3A_405 : vector<16xi32>
    %add3A_407 = arith.addi %sub3A_390, %shift_right_logical3A_402 : vector<16xi32>
    %add3A_408 = arith.addi %add3A_407, %sub3A_406 : vector<16xi32>
    %mul3A_409 = arith.constant 16 : i32
    %mul3A_410 = vector.broadcast %mul3A_409 : i32 to vector<16xi32>
    %mul3A_411 = arith.muli %add3A_408, %mul3A_410 : vector<16xi32>
    %add3A_412 = arith.constant 32 : i32
    %add3A_413 = vector.broadcast %add3A_412 : i32 to vector<16xi32>
    %add3A_414 = arith.addi %iota3A, %add3A_413 : vector<16xi32>
    %min3A_415 = arith.constant 69 : i32
    %min3A_416 = vector.broadcast %min3A_415 : i32 to vector<16xi32>
    %min3A_417 = arith.minsi %add3A_414, %min3A_416 : vector<16xi32>
    %mul3A_418 = arith.constant 3 : i32
    %mul3A_419 = vector.broadcast %mul3A_418 : i32 to vector<16xi32>
    %mul3A_420 = arith.muli %min3A_417, %mul3A_419 : vector<16xi32>
    %gather3A_421 = tpu.vector_load_idx %arg8[%mul3A_420] : memref<210xi32, #tpu.memory_space<vmem>>[vector<16xi32>], vector<16xi32>,
    %add3A_422 = arith.constant 1 : i32
    %add3A_423 = vector.broadcast %add3A_422 : i32 to vector<16xi32>
    %add3A_424 = arith.addi %mul3A_420, %add3A_423 : vector<16xi32>
    %gather3A_425 = tpu.vector_load_idx %arg8[%add3A_424] : memref<210xi32, #tpu.memory_space<vmem>>[vector<16xi32>], vector<16xi32>,
    %add3A_426 = arith.constant 2 : i32
    %add3A_427 = vector.broadcast %add3A_426 : i32 to vector<16xi32>
    %add3A_428 = arith.addi %mul3A_420, %add3A_427 : vector<16xi32>
    %gather3A_429 = tpu.vector_load_idx %arg8[%add3A_428] : memref<210xi32, #tpu.memory_space<vmem>>[vector<16xi32>], vector<16xi32>,
    %sub3A_430 = arith.constant 7 : i32
    %sub3A_431 = vector.broadcast %sub3A_430 : i32 to vector<16xi32>
    %sub3A_432 = arith.subi %sub3A_431, %gather3A_421 : vector<16xi32>
    %sub3A_433 = arith.constant 6 : i32
    %sub3A_434 = vector.broadcast %sub3A_433 : i32 to vector<16xi32>
    %sub3A_435 = arith.subi %sub3A_434, %gather3A_421 : vector<16xi32>
    %mul3A_436 = arith.muli %sub3A_432, %sub3A_435 : vector<16xi32>
    %sub3A_437 = arith.constant 5 : i32
    %sub3A_438 = vector.broadcast %sub3A_437 : i32 to vector<16xi32>
    %sub3A_439 = arith.subi %sub3A_438, %gather3A_421 : vector<16xi32>
    %mul3A_440 = arith.muli %mul3A_436, %sub3A_439 : vector<16xi32>
    %mul3A_441 = arith.constant 683 : i32
    %mul3A_442 = vector.broadcast %mul3A_441 : i32 to vector<16xi32>
    %mul3A_443 = arith.muli %mul3A_440, %mul3A_442 : vector<16xi32>
    %shift_right_logical3A_444 = arith.constant 12 : i32
    %shift_right_logical3A_445 = vector.broadcast %shift_right_logical3A_444 : i32 to vector<16xi32>
    %shift_right_logical3A_446 = arith.shrui %mul3A_443, %shift_right_logical3A_445 : vector<16xi32>
    %sub3A_447 = arith.constant 35 : i32
    %sub3A_448 = vector.broadcast %sub3A_447 : i32 to vector<16xi32>
    %sub3A_449 = arith.subi %sub3A_448, %shift_right_logical3A_446 : vector<16xi32>
    %sub3A_450 = arith.subi %gather3A_425, %gather3A_421 : vector<16xi32>
    %sub3A_451 = arith.constant 1 : i32
    %sub3A_452 = vector.broadcast %sub3A_451 : i32 to vector<16xi32>
    %sub3A_453 = arith.subi %sub3A_450, %sub3A_452 : vector<16xi32>
    %sub3A_454 = arith.constant 12 : i32
    %sub3A_455 = vector.broadcast %sub3A_454 : i32 to vector<16xi32>
    %sub3A_456 = arith.subi %sub3A_455, %gather3A_421 : vector<16xi32>
    %sub3A_457 = arith.subi %sub3A_456, %gather3A_425 : vector<16xi32>
    %mul3A_458 = arith.muli %sub3A_453, %sub3A_457 : vector<16xi32>
    %shift_right_logical3A_459 = arith.constant 1 : i32
    %shift_right_logical3A_460 = vector.broadcast %shift_right_logical3A_459 : i32 to vector<16xi32>
    %shift_right_logical3A_461 = arith.shrui %mul3A_458, %shift_right_logical3A_460 : vector<16xi32>
    %sub3A_462 = arith.subi %gather3A_429, %gather3A_425 : vector<16xi32>
    %sub3A_463 = arith.constant 1 : i32
    %sub3A_464 = vector.broadcast %sub3A_463 : i32 to vector<16xi32>
    %sub3A_465 = arith.subi %sub3A_462, %sub3A_464 : vector<16xi32>
    %add3A_466 = arith.addi %sub3A_449, %shift_right_logical3A_461 : vector<16xi32>
    %add3A_467 = arith.addi %add3A_466, %sub3A_465 : vector<16xi32>
    %mul3A_468 = arith.constant 16 : i32
    %mul3A_469 = vector.broadcast %mul3A_468 : i32 to vector<16xi32>
    %mul3A_470 = arith.muli %add3A_467, %mul3A_469 : vector<16xi32>
    %add3A_471 = arith.constant 48 : i32
    %add3A_472 = vector.broadcast %add3A_471 : i32 to vector<16xi32>
    %add3A_473 = arith.addi %iota3A, %add3A_472 : vector<16xi32>
    %min3A_474 = arith.constant 69 : i32
    %min3A_475 = vector.broadcast %min3A_474 : i32 to vector<16xi32>
    %min3A_476 = arith.minsi %add3A_473, %min3A_475 : vector<16xi32>
    %mul3A_477 = arith.constant 3 : i32
    %mul3A_478 = vector.broadcast %mul3A_477 : i32 to vector<16xi32>
    %mul3A_479 = arith.muli %min3A_476, %mul3A_478 : vector<16xi32>
    %gather3A_480 = tpu.vector_load_idx %arg8[%mul3A_479] : memref<210xi32, #tpu.memory_space<vmem>>[vector<16xi32>], vector<16xi32>,
    %add3A_481 = arith.constant 1 : i32
    %add3A_482 = vector.broadcast %add3A_481 : i32 to vector<16xi32>
    %add3A_483 = arith.addi %mul3A_479, %add3A_482 : vector<16xi32>
    %gather3A_484 = tpu.vector_load_idx %arg8[%add3A_483] : memref<210xi32, #tpu.memory_space<vmem>>[vector<16xi32>], vector<16xi32>,
    %add3A_485 = arith.constant 2 : i32
    %add3A_486 = vector.broadcast %add3A_485 : i32 to vector<16xi32>
    %add3A_487 = arith.addi %mul3A_479, %add3A_486 : vector<16xi32>
    %gather3A_488 = tpu.vector_load_idx %arg8[%add3A_487] : memref<210xi32, #tpu.memory_space<vmem>>[vector<16xi32>], vector<16xi32>,
    %sub3A_489 = arith.constant 7 : i32
    %sub3A_490 = vector.broadcast %sub3A_489 : i32 to vector<16xi32>
    %sub3A_491 = arith.subi %sub3A_490, %gather3A_480 : vector<16xi32>
    %sub3A_492 = arith.constant 6 : i32
    %sub3A_493 = vector.broadcast %sub3A_492 : i32 to vector<16xi32>
    %sub3A_494 = arith.subi %sub3A_493, %gather3A_480 : vector<16xi32>
    %mul3A_495 = arith.muli %sub3A_491, %sub3A_494 : vector<16xi32>
    %sub3A_496 = arith.constant 5 : i32
    %sub3A_497 = vector.broadcast %sub3A_496 : i32 to vector<16xi32>
    %sub3A_498 = arith.subi %sub3A_497, %gather3A_480 : vector<16xi32>
    %mul3A_499 = arith.muli %mul3A_495, %sub3A_498 : vector<16xi32>
    %mul3A_500 = arith.constant 683 : i32
    %mul3A_501 = vector.broadcast %mul3A_500 : i32 to vector<16xi32>
    %mul3A_502 = arith.muli %mul3A_499, %mul3A_501 : vector<16xi32>
    %shift_right_logical3A_503 = arith.constant 12 : i32
    %shift_right_logical3A_504 = vector.broadcast %shift_right_logical3A_503 : i32 to vector<16xi32>
    %shift_right_logical3A_505 = arith.shrui %mul3A_502, %shift_right_logical3A_504 : vector<16xi32>
    %sub3A_506 = arith.constant 35 : i32
    %sub3A_507 = vector.broadcast %sub3A_506 : i32 to vector<16xi32>
    %sub3A_508 = arith.subi %sub3A_507, %shift_right_logical3A_505 : vector<16xi32>
    %sub3A_509 = arith.subi %gather3A_484, %gather3A_480 : vector<16xi32>
    %sub3A_510 = arith.constant 1 : i32
    %sub3A_511 = vector.broadcast %sub3A_510 : i32 to vector<16xi32>
    %sub3A_512 = arith.subi %sub3A_509, %sub3A_511 : vector<16xi32>
    %sub3A_513 = arith.constant 12 : i32
    %sub3A_514 = vector.broadcast %sub3A_513 : i32 to vector<16xi32>
    %sub3A_515 = arith.subi %sub3A_514, %gather3A_480 : vector<16xi32>
    %sub3A_516 = arith.subi %sub3A_515, %gather3A_484 : vector<16xi32>
    %mul3A_517 = arith.muli %sub3A_512, %sub3A_516 : vector<16xi32>
    %shift_right_logical3A_518 = arith.constant 1 : i32
    %shift_right_logical3A_519 = vector.broadcast %shift_right_logical3A_518 : i32 to vector<16xi32>
    %shift_right_logical3A_520 = arith.shrui %mul3A_517, %shift_right_logical3A_519 : vector<16xi32>
    %sub3A_521 = arith.subi %gather3A_488, %gather3A_484 : vector<16xi32>
    %sub3A_522 = arith.constant 1 : i32
    %sub3A_523 = vector.broadcast %sub3A_522 : i32 to vector<16xi32>
    %sub3A_524 = arith.subi %sub3A_521, %sub3A_523 : vector<16xi32>
    %add3A_525 = arith.addi %sub3A_508, %shift_right_logical3A_520 : vector<16xi32>
    %add3A_526 = arith.addi %add3A_525, %sub3A_524 : vector<16xi32>
    %mul3A_527 = arith.constant 16 : i32
    %mul3A_528 = vector.broadcast %mul3A_527 : i32 to vector<16xi32>
    %mul3A_529 = arith.muli %add3A_526, %mul3A_528 : vector<16xi32>
    %add3A_530 = arith.constant 64 : i32
    %add3A_531 = vector.broadcast %add3A_530 : i32 to vector<16xi32>
    %add3A_532 = arith.addi %iota3A, %add3A_531 : vector<16xi32>
    %min3A_533 = arith.constant 69 : i32
    %min3A_534 = vector.broadcast %min3A_533 : i32 to vector<16xi32>
    %min3A_535 = arith.minsi %add3A_532, %min3A_534 : vector<16xi32>
    %mul3A_536 = arith.constant 3 : i32
    %mul3A_537 = vector.broadcast %mul3A_536 : i32 to vector<16xi32>
    %mul3A_538 = arith.muli %min3A_535, %mul3A_537 : vector<16xi32>
    %gather3A_539 = tpu.vector_load_idx %arg8[%mul3A_538] : memref<210xi32, #tpu.memory_space<vmem>>[vector<16xi32>], vector<16xi32>,
    %add3A_540 = arith.constant 1 : i32
    %add3A_541 = vector.broadcast %add3A_540 : i32 to vector<16xi32>
    %add3A_542 = arith.addi %mul3A_538, %add3A_541 : vector<16xi32>
    %gather3A_543 = tpu.vector_load_idx %arg8[%add3A_542] : memref<210xi32, #tpu.memory_space<vmem>>[vector<16xi32>], vector<16xi32>,
    %add3A_544 = arith.constant 2 : i32
    %add3A_545 = vector.broadcast %add3A_544 : i32 to vector<16xi32>
    %add3A_546 = arith.addi %mul3A_538, %add3A_545 : vector<16xi32>
    %gather3A_547 = tpu.vector_load_idx %arg8[%add3A_546] : memref<210xi32, #tpu.memory_space<vmem>>[vector<16xi32>], vector<16xi32>,
    %sub3A_548 = arith.constant 7 : i32
    %sub3A_549 = vector.broadcast %sub3A_548 : i32 to vector<16xi32>
    %sub3A_550 = arith.subi %sub3A_549, %gather3A_539 : vector<16xi32>
    %sub3A_551 = arith.constant 6 : i32
    %sub3A_552 = vector.broadcast %sub3A_551 : i32 to vector<16xi32>
    %sub3A_553 = arith.subi %sub3A_552, %gather3A_539 : vector<16xi32>
    %mul3A_554 = arith.muli %sub3A_550, %sub3A_553 : vector<16xi32>
    %sub3A_555 = arith.constant 5 : i32
    %sub3A_556 = vector.broadcast %sub3A_555 : i32 to vector<16xi32>
    %sub3A_557 = arith.subi %sub3A_556, %gather3A_539 : vector<16xi32>
    %mul3A_558 = arith.muli %mul3A_554, %sub3A_557 : vector<16xi32>
    %mul3A_559 = arith.constant 683 : i32
    %mul3A_560 = vector.broadcast %mul3A_559 : i32 to vector<16xi32>
    %mul3A_561 = arith.muli %mul3A_558, %mul3A_560 : vector<16xi32>
    %shift_right_logical3A_562 = arith.constant 12 : i32
    %shift_right_logical3A_563 = vector.broadcast %shift_right_logical3A_562 : i32 to vector<16xi32>
    %shift_right_logical3A_564 = arith.shrui %mul3A_561, %shift_right_logical3A_563 : vector<16xi32>
    %sub3A_565 = arith.constant 35 : i32
    %sub3A_566 = vector.broadcast %sub3A_565 : i32 to vector<16xi32>
    %sub3A_567 = arith.subi %sub3A_566, %shift_right_logical3A_564 : vector<16xi32>
    %sub3A_568 = arith.subi %gather3A_543, %gather3A_539 : vector<16xi32>
    %sub3A_569 = arith.constant 1 : i32
    %sub3A_570 = vector.broadcast %sub3A_569 : i32 to vector<16xi32>
    %sub3A_571 = arith.subi %sub3A_568, %sub3A_570 : vector<16xi32>
    %sub3A_572 = arith.constant 12 : i32
    %sub3A_573 = vector.broadcast %sub3A_572 : i32 to vector<16xi32>
    %sub3A_574 = arith.subi %sub3A_573, %gather3A_539 : vector<16xi32>
    %sub3A_575 = arith.subi %sub3A_574, %gather3A_543 : vector<16xi32>
    %mul3A_576 = arith.muli %sub3A_571, %sub3A_575 : vector<16xi32>
    %shift_right_logical3A_577 = arith.constant 1 : i32
    %shift_right_logical3A_578 = vector.broadcast %shift_right_logical3A_577 : i32 to vector<16xi32>
    %shift_right_logical3A_579 = arith.shrui %mul3A_576, %shift_right_logical3A_578 : vector<16xi32>
    %sub3A_580 = arith.subi %gather3A_547, %gather3A_543 : vector<16xi32>
    %sub3A_581 = arith.constant 1 : i32
    %sub3A_582 = vector.broadcast %sub3A_581 : i32 to vector<16xi32>
    %sub3A_583 = arith.subi %sub3A_580, %sub3A_582 : vector<16xi32>
    %add3A_584 = arith.addi %sub3A_567, %shift_right_logical3A_579 : vector<16xi32>
    %add3A_585 = arith.addi %add3A_584, %sub3A_583 : vector<16xi32>
    %mul3A_586 = arith.constant 16 : i32
    %mul3A_587 = vector.broadcast %mul3A_586 : i32 to vector<16xi32>
    %mul3A_588 = arith.muli %add3A_585, %mul3A_587 : vector<16xi32>
    %slice3A = vector.extract_strided_slice %mul3A_57 {offsets = [0], sizes = [1], strides = [1]} : vector<16xi32> to vector<1xi32>
    %squeeze3A = vector.extract %slice3A[0] : i32 from vector<1xi32>
    %slice3A_589 = vector.extract_strided_slice %mul3A_57 {offsets = [1], sizes = [1], strides = [1]} : vector<16xi32> to vector<1xi32>
    %squeeze3A_590 = vector.extract %slice3A_589[0] : i32 from vector<1xi32>
    %slice3A_591 = vector.extract_strided_slice %mul3A_57 {offsets = [2], sizes = [1], strides = [1]} : vector<16xi32> to vector<1xi32>
    %squeeze3A_592 = vector.extract %slice3A_591[0] : i32 from vector<1xi32>
    %slice3A_593 = vector.extract_strided_slice %mul3A_57 {offsets = [3], sizes = [1], strides = [1]} : vector<16xi32> to vector<1xi32>
    %squeeze3A_594 = vector.extract %slice3A_593[0] : i32 from vector<1xi32>
    %slice3A_595 = vector.extract_strided_slice %mul3A_57 {offsets = [4], sizes = [1], strides = [1]} : vector<16xi32> to vector<1xi32>
    %squeeze3A_596 = vector.extract %slice3A_595[0] : i32 from vector<1xi32>
    %slice3A_597 = vector.extract_strided_slice %mul3A_57 {offsets = [5], sizes = [1], strides = [1]} : vector<16xi32> to vector<1xi32>
    %squeeze3A_598 = vector.extract %slice3A_597[0] : i32 from vector<1xi32>
    %slice3A_599 = vector.extract_strided_slice %mul3A_57 {offsets = [6], sizes = [1], strides = [1]} : vector<16xi32> to vector<1xi32>
    %squeeze3A_600 = vector.extract %slice3A_599[0] : i32 from vector<1xi32>
    %slice3A_601 = vector.extract_strided_slice %mul3A_57 {offsets = [7], sizes = [1], strides = [1]} : vector<16xi32> to vector<1xi32>
    %squeeze3A_602 = vector.extract %slice3A_601[0] : i32 from vector<1xi32>
    %slice3A_603 = vector.extract_strided_slice %mul3A_57 {offsets = [8], sizes = [1], strides = [1]} : vector<16xi32> to vector<1xi32>
    %squeeze3A_604 = vector.extract %slice3A_603[0] : i32 from vector<1xi32>
    %slice3A_605 = vector.extract_strided_slice %mul3A_57 {offsets = [9], sizes = [1], strides = [1]} : vector<16xi32> to vector<1xi32>
    %squeeze3A_606 = vector.extract %slice3A_605[0] : i32 from vector<1xi32>
    %slice3A_607 = vector.extract_strided_slice %mul3A_57 {offsets = [10], sizes = [1], strides = [1]} : vector<16xi32> to vector<1xi32>
    %squeeze3A_608 = vector.extract %slice3A_607[0] : i32 from vector<1xi32>
    %slice3A_609 = vector.extract_strided_slice %mul3A_57 {offsets = [11], sizes = [1], strides = [1]} : vector<16xi32> to vector<1xi32>
    %squeeze3A_610 = vector.extract %slice3A_609[0] : i32 from vector<1xi32>
    %slice3A_611 = vector.extract_strided_slice %mul3A_57 {offsets = [12], sizes = [1], strides = [1]} : vector<16xi32> to vector<1xi32>
    %squeeze3A_612 = vector.extract %slice3A_611[0] : i32 from vector<1xi32>
    %slice3A_613 = vector.extract_strided_slice %mul3A_57 {offsets = [13], sizes = [1], strides = [1]} : vector<16xi32> to vector<1xi32>
    %squeeze3A_614 = vector.extract %slice3A_613[0] : i32 from vector<1xi32>
    %slice3A_615 = vector.extract_strided_slice %mul3A_57 {offsets = [14], sizes = [1], strides = [1]} : vector<16xi32> to vector<1xi32>
    %squeeze3A_616 = vector.extract %slice3A_615[0] : i32 from vector<1xi32>
    %slice3A_617 = vector.extract_strided_slice %mul3A_57 {offsets = [15], sizes = [1], strides = [1]} : vector<16xi32> to vector<1xi32>
    %squeeze3A_618 = vector.extract %slice3A_617[0] : i32 from vector<1xi32>
    %slice3A_619 = vector.extract_strided_slice %mul3A_116 {offsets = [0], sizes = [1], strides = [1]} : vector<16xi32> to vector<1xi32>
    %squeeze3A_620 = vector.extract %slice3A_619[0] : i32 from vector<1xi32>
    %slice3A_621 = vector.extract_strided_slice %mul3A_116 {offsets = [1], sizes = [1], strides = [1]} : vector<16xi32> to vector<1xi32>
    %squeeze3A_622 = vector.extract %slice3A_621[0] : i32 from vector<1xi32>
    %slice3A_623 = vector.extract_strided_slice %mul3A_116 {offsets = [2], sizes = [1], strides = [1]} : vector<16xi32> to vector<1xi32>
    %squeeze3A_624 = vector.extract %slice3A_623[0] : i32 from vector<1xi32>
    %slice3A_625 = vector.extract_strided_slice %mul3A_116 {offsets = [3], sizes = [1], strides = [1]} : vector<16xi32> to vector<1xi32>
    %squeeze3A_626 = vector.extract %slice3A_625[0] : i32 from vector<1xi32>
    %slice3A_627 = vector.extract_strided_slice %mul3A_116 {offsets = [4], sizes = [1], strides = [1]} : vector<16xi32> to vector<1xi32>
    %squeeze3A_628 = vector.extract %slice3A_627[0] : i32 from vector<1xi32>
    %slice3A_629 = vector.extract_strided_slice %mul3A_116 {offsets = [5], sizes = [1], strides = [1]} : vector<16xi32> to vector<1xi32>
    %squeeze3A_630 = vector.extract %slice3A_629[0] : i32 from vector<1xi32>
    %slice3A_631 = vector.extract_strided_slice %mul3A_116 {offsets = [6], sizes = [1], strides = [1]} : vector<16xi32> to vector<1xi32>
    %squeeze3A_632 = vector.extract %slice3A_631[0] : i32 from vector<1xi32>
    %slice3A_633 = vector.extract_strided_slice %mul3A_116 {offsets = [7], sizes = [1], strides = [1]} : vector<16xi32> to vector<1xi32>
    %squeeze3A_634 = vector.extract %slice3A_633[0] : i32 from vector<1xi32>
    %slice3A_635 = vector.extract_strided_slice %mul3A_116 {offsets = [8], sizes = [1], strides = [1]} : vector<16xi32> to vector<1xi32>
    %squeeze3A_636 = vector.extract %slice3A_635[0] : i32 from vector<1xi32>
    %slice3A_637 = vector.extract_strided_slice %mul3A_116 {offsets = [9], sizes = [1], strides = [1]} : vector<16xi32> to vector<1xi32>
    %squeeze3A_638 = vector.extract %slice3A_637[0] : i32 from vector<1xi32>
    %slice3A_639 = vector.extract_strided_slice %mul3A_116 {offsets = [10], sizes = [1], strides = [1]} : vector<16xi32> to vector<1xi32>
    %squeeze3A_640 = vector.extract %slice3A_639[0] : i32 from vector<1xi32>
    %slice3A_641 = vector.extract_strided_slice %mul3A_116 {offsets = [11], sizes = [1], strides = [1]} : vector<16xi32> to vector<1xi32>
    %squeeze3A_642 = vector.extract %slice3A_641[0] : i32 from vector<1xi32>
    %slice3A_643 = vector.extract_strided_slice %mul3A_116 {offsets = [12], sizes = [1], strides = [1]} : vector<16xi32> to vector<1xi32>
    %squeeze3A_644 = vector.extract %slice3A_643[0] : i32 from vector<1xi32>
    %slice3A_645 = vector.extract_strided_slice %mul3A_116 {offsets = [13], sizes = [1], strides = [1]} : vector<16xi32> to vector<1xi32>
    %squeeze3A_646 = vector.extract %slice3A_645[0] : i32 from vector<1xi32>
    %slice3A_647 = vector.extract_strided_slice %mul3A_116 {offsets = [14], sizes = [1], strides = [1]} : vector<16xi32> to vector<1xi32>
    %squeeze3A_648 = vector.extract %slice3A_647[0] : i32 from vector<1xi32>
    %slice3A_649 = vector.extract_strided_slice %mul3A_116 {offsets = [15], sizes = [1], strides = [1]} : vector<16xi32> to vector<1xi32>
    %squeeze3A_650 = vector.extract %slice3A_649[0] : i32 from vector<1xi32>
    %slice3A_651 = vector.extract_strided_slice %mul3A_175 {offsets = [0], sizes = [1], strides = [1]} : vector<16xi32> to vector<1xi32>
    %squeeze3A_652 = vector.extract %slice3A_651[0] : i32 from vector<1xi32>
    %slice3A_653 = vector.extract_strided_slice %mul3A_175 {offsets = [1], sizes = [1], strides = [1]} : vector<16xi32> to vector<1xi32>
    %squeeze3A_654 = vector.extract %slice3A_653[0] : i32 from vector<1xi32>
    %slice3A_655 = vector.extract_strided_slice %mul3A_175 {offsets = [2], sizes = [1], strides = [1]} : vector<16xi32> to vector<1xi32>
    %squeeze3A_656 = vector.extract %slice3A_655[0] : i32 from vector<1xi32>
    %slice3A_657 = vector.extract_strided_slice %mul3A_175 {offsets = [3], sizes = [1], strides = [1]} : vector<16xi32> to vector<1xi32>
    %squeeze3A_658 = vector.extract %slice3A_657[0] : i32 from vector<1xi32>
    %slice3A_659 = vector.extract_strided_slice %mul3A_175 {offsets = [4], sizes = [1], strides = [1]} : vector<16xi32> to vector<1xi32>
    %squeeze3A_660 = vector.extract %slice3A_659[0] : i32 from vector<1xi32>
    %slice3A_661 = vector.extract_strided_slice %mul3A_175 {offsets = [5], sizes = [1], strides = [1]} : vector<16xi32> to vector<1xi32>
    %squeeze3A_662 = vector.extract %slice3A_661[0] : i32 from vector<1xi32>
    %slice3A_663 = vector.extract_strided_slice %mul3A_175 {offsets = [6], sizes = [1], strides = [1]} : vector<16xi32> to vector<1xi32>
    %squeeze3A_664 = vector.extract %slice3A_663[0] : i32 from vector<1xi32>
    %slice3A_665 = vector.extract_strided_slice %mul3A_175 {offsets = [7], sizes = [1], strides = [1]} : vector<16xi32> to vector<1xi32>
    %squeeze3A_666 = vector.extract %slice3A_665[0] : i32 from vector<1xi32>
    %slice3A_667 = vector.extract_strided_slice %mul3A_175 {offsets = [8], sizes = [1], strides = [1]} : vector<16xi32> to vector<1xi32>
    %squeeze3A_668 = vector.extract %slice3A_667[0] : i32 from vector<1xi32>
    %slice3A_669 = vector.extract_strided_slice %mul3A_175 {offsets = [9], sizes = [1], strides = [1]} : vector<16xi32> to vector<1xi32>
    %squeeze3A_670 = vector.extract %slice3A_669[0] : i32 from vector<1xi32>
    %slice3A_671 = vector.extract_strided_slice %mul3A_175 {offsets = [10], sizes = [1], strides = [1]} : vector<16xi32> to vector<1xi32>
    %squeeze3A_672 = vector.extract %slice3A_671[0] : i32 from vector<1xi32>
    %slice3A_673 = vector.extract_strided_slice %mul3A_175 {offsets = [11], sizes = [1], strides = [1]} : vector<16xi32> to vector<1xi32>
    %squeeze3A_674 = vector.extract %slice3A_673[0] : i32 from vector<1xi32>
    %slice3A_675 = vector.extract_strided_slice %mul3A_175 {offsets = [12], sizes = [1], strides = [1]} : vector<16xi32> to vector<1xi32>
    %squeeze3A_676 = vector.extract %slice3A_675[0] : i32 from vector<1xi32>
    %slice3A_677 = vector.extract_strided_slice %mul3A_175 {offsets = [13], sizes = [1], strides = [1]} : vector<16xi32> to vector<1xi32>
    %squeeze3A_678 = vector.extract %slice3A_677[0] : i32 from vector<1xi32>
    %slice3A_679 = vector.extract_strided_slice %mul3A_175 {offsets = [14], sizes = [1], strides = [1]} : vector<16xi32> to vector<1xi32>
    %squeeze3A_680 = vector.extract %slice3A_679[0] : i32 from vector<1xi32>
    %slice3A_681 = vector.extract_strided_slice %mul3A_175 {offsets = [15], sizes = [1], strides = [1]} : vector<16xi32> to vector<1xi32>
    %squeeze3A_682 = vector.extract %slice3A_681[0] : i32 from vector<1xi32>
    %slice3A_683 = vector.extract_strided_slice %mul3A_234 {offsets = [0], sizes = [1], strides = [1]} : vector<16xi32> to vector<1xi32>
    %squeeze3A_684 = vector.extract %slice3A_683[0] : i32 from vector<1xi32>
    %slice3A_685 = vector.extract_strided_slice %mul3A_234 {offsets = [1], sizes = [1], strides = [1]} : vector<16xi32> to vector<1xi32>
    %squeeze3A_686 = vector.extract %slice3A_685[0] : i32 from vector<1xi32>
    %slice3A_687 = vector.extract_strided_slice %mul3A_234 {offsets = [2], sizes = [1], strides = [1]} : vector<16xi32> to vector<1xi32>
    %squeeze3A_688 = vector.extract %slice3A_687[0] : i32 from vector<1xi32>
    %slice3A_689 = vector.extract_strided_slice %mul3A_234 {offsets = [3], sizes = [1], strides = [1]} : vector<16xi32> to vector<1xi32>
    %squeeze3A_690 = vector.extract %slice3A_689[0] : i32 from vector<1xi32>
    %slice3A_691 = vector.extract_strided_slice %mul3A_234 {offsets = [4], sizes = [1], strides = [1]} : vector<16xi32> to vector<1xi32>
    %squeeze3A_692 = vector.extract %slice3A_691[0] : i32 from vector<1xi32>
    %slice3A_693 = vector.extract_strided_slice %mul3A_234 {offsets = [5], sizes = [1], strides = [1]} : vector<16xi32> to vector<1xi32>
    %squeeze3A_694 = vector.extract %slice3A_693[0] : i32 from vector<1xi32>
    %slice3A_695 = vector.extract_strided_slice %mul3A_234 {offsets = [6], sizes = [1], strides = [1]} : vector<16xi32> to vector<1xi32>
    %squeeze3A_696 = vector.extract %slice3A_695[0] : i32 from vector<1xi32>
    %slice3A_697 = vector.extract_strided_slice %mul3A_234 {offsets = [7], sizes = [1], strides = [1]} : vector<16xi32> to vector<1xi32>
    %squeeze3A_698 = vector.extract %slice3A_697[0] : i32 from vector<1xi32>
    %slice3A_699 = vector.extract_strided_slice %mul3A_234 {offsets = [8], sizes = [1], strides = [1]} : vector<16xi32> to vector<1xi32>
    %squeeze3A_700 = vector.extract %slice3A_699[0] : i32 from vector<1xi32>
    %slice3A_701 = vector.extract_strided_slice %mul3A_234 {offsets = [9], sizes = [1], strides = [1]} : vector<16xi32> to vector<1xi32>
    %squeeze3A_702 = vector.extract %slice3A_701[0] : i32 from vector<1xi32>
    %slice3A_703 = vector.extract_strided_slice %mul3A_234 {offsets = [10], sizes = [1], strides = [1]} : vector<16xi32> to vector<1xi32>
    %squeeze3A_704 = vector.extract %slice3A_703[0] : i32 from vector<1xi32>
    %slice3A_705 = vector.extract_strided_slice %mul3A_234 {offsets = [11], sizes = [1], strides = [1]} : vector<16xi32> to vector<1xi32>
    %squeeze3A_706 = vector.extract %slice3A_705[0] : i32 from vector<1xi32>
    %slice3A_707 = vector.extract_strided_slice %mul3A_234 {offsets = [12], sizes = [1], strides = [1]} : vector<16xi32> to vector<1xi32>
    %squeeze3A_708 = vector.extract %slice3A_707[0] : i32 from vector<1xi32>
    %slice3A_709 = vector.extract_strided_slice %mul3A_234 {offsets = [13], sizes = [1], strides = [1]} : vector<16xi32> to vector<1xi32>
    %squeeze3A_710 = vector.extract %slice3A_709[0] : i32 from vector<1xi32>
    %slice3A_711 = vector.extract_strided_slice %mul3A_234 {offsets = [14], sizes = [1], strides = [1]} : vector<16xi32> to vector<1xi32>
    %squeeze3A_712 = vector.extract %slice3A_711[0] : i32 from vector<1xi32>
    %slice3A_713 = vector.extract_strided_slice %mul3A_234 {offsets = [15], sizes = [1], strides = [1]} : vector<16xi32> to vector<1xi32>
    %squeeze3A_714 = vector.extract %slice3A_713[0] : i32 from vector<1xi32>
    %slice3A_715 = vector.extract_strided_slice %mul3A_293 {offsets = [0], sizes = [1], strides = [1]} : vector<16xi32> to vector<1xi32>
    %squeeze3A_716 = vector.extract %slice3A_715[0] : i32 from vector<1xi32>
    %slice3A_717 = vector.extract_strided_slice %mul3A_293 {offsets = [1], sizes = [1], strides = [1]} : vector<16xi32> to vector<1xi32>
    %squeeze3A_718 = vector.extract %slice3A_717[0] : i32 from vector<1xi32>
    %slice3A_719 = vector.extract_strided_slice %mul3A_293 {offsets = [2], sizes = [1], strides = [1]} : vector<16xi32> to vector<1xi32>
    %squeeze3A_720 = vector.extract %slice3A_719[0] : i32 from vector<1xi32>
    %slice3A_721 = vector.extract_strided_slice %mul3A_293 {offsets = [3], sizes = [1], strides = [1]} : vector<16xi32> to vector<1xi32>
    %squeeze3A_722 = vector.extract %slice3A_721[0] : i32 from vector<1xi32>
    %slice3A_723 = vector.extract_strided_slice %mul3A_293 {offsets = [4], sizes = [1], strides = [1]} : vector<16xi32> to vector<1xi32>
    %squeeze3A_724 = vector.extract %slice3A_723[0] : i32 from vector<1xi32>
    %slice3A_725 = vector.extract_strided_slice %mul3A_293 {offsets = [5], sizes = [1], strides = [1]} : vector<16xi32> to vector<1xi32>
    %squeeze3A_726 = vector.extract %slice3A_725[0] : i32 from vector<1xi32>
    %slice3A_727 = vector.extract_strided_slice %mul3A_352 {offsets = [0], sizes = [1], strides = [1]} : vector<16xi32> to vector<1xi32>
    %squeeze3A_728 = vector.extract %slice3A_727[0] : i32 from vector<1xi32>
    %slice3A_729 = vector.extract_strided_slice %mul3A_352 {offsets = [1], sizes = [1], strides = [1]} : vector<16xi32> to vector<1xi32>
    %squeeze3A_730 = vector.extract %slice3A_729[0] : i32 from vector<1xi32>
    %slice3A_731 = vector.extract_strided_slice %mul3A_352 {offsets = [2], sizes = [1], strides = [1]} : vector<16xi32> to vector<1xi32>
    %squeeze3A_732 = vector.extract %slice3A_731[0] : i32 from vector<1xi32>
    %slice3A_733 = vector.extract_strided_slice %mul3A_352 {offsets = [3], sizes = [1], strides = [1]} : vector<16xi32> to vector<1xi32>
    %squeeze3A_734 = vector.extract %slice3A_733[0] : i32 from vector<1xi32>
    %slice3A_735 = vector.extract_strided_slice %mul3A_352 {offsets = [4], sizes = [1], strides = [1]} : vector<16xi32> to vector<1xi32>
    %squeeze3A_736 = vector.extract %slice3A_735[0] : i32 from vector<1xi32>
    %slice3A_737 = vector.extract_strided_slice %mul3A_352 {offsets = [5], sizes = [1], strides = [1]} : vector<16xi32> to vector<1xi32>
    %squeeze3A_738 = vector.extract %slice3A_737[0] : i32 from vector<1xi32>
    %slice3A_739 = vector.extract_strided_slice %mul3A_352 {offsets = [6], sizes = [1], strides = [1]} : vector<16xi32> to vector<1xi32>
    %squeeze3A_740 = vector.extract %slice3A_739[0] : i32 from vector<1xi32>
    %slice3A_741 = vector.extract_strided_slice %mul3A_352 {offsets = [7], sizes = [1], strides = [1]} : vector<16xi32> to vector<1xi32>
    %squeeze3A_742 = vector.extract %slice3A_741[0] : i32 from vector<1xi32>
    %slice3A_743 = vector.extract_strided_slice %mul3A_352 {offsets = [8], sizes = [1], strides = [1]} : vector<16xi32> to vector<1xi32>
    %squeeze3A_744 = vector.extract %slice3A_743[0] : i32 from vector<1xi32>
    %slice3A_745 = vector.extract_strided_slice %mul3A_352 {offsets = [9], sizes = [1], strides = [1]} : vector<16xi32> to vector<1xi32>
    %squeeze3A_746 = vector.extract %slice3A_745[0] : i32 from vector<1xi32>
    %slice3A_747 = vector.extract_strided_slice %mul3A_352 {offsets = [10], sizes = [1], strides = [1]} : vector<16xi32> to vector<1xi32>
    %squeeze3A_748 = vector.extract %slice3A_747[0] : i32 from vector<1xi32>
    %slice3A_749 = vector.extract_strided_slice %mul3A_352 {offsets = [11], sizes = [1], strides = [1]} : vector<16xi32> to vector<1xi32>
    %squeeze3A_750 = vector.extract %slice3A_749[0] : i32 from vector<1xi32>
    %slice3A_751 = vector.extract_strided_slice %mul3A_352 {offsets = [12], sizes = [1], strides = [1]} : vector<16xi32> to vector<1xi32>
    %squeeze3A_752 = vector.extract %slice3A_751[0] : i32 from vector<1xi32>
    %slice3A_753 = vector.extract_strided_slice %mul3A_352 {offsets = [13], sizes = [1], strides = [1]} : vector<16xi32> to vector<1xi32>
    %squeeze3A_754 = vector.extract %slice3A_753[0] : i32 from vector<1xi32>
    %slice3A_755 = vector.extract_strided_slice %mul3A_352 {offsets = [14], sizes = [1], strides = [1]} : vector<16xi32> to vector<1xi32>
    %squeeze3A_756 = vector.extract %slice3A_755[0] : i32 from vector<1xi32>
    %slice3A_757 = vector.extract_strided_slice %mul3A_352 {offsets = [15], sizes = [1], strides = [1]} : vector<16xi32> to vector<1xi32>
    %squeeze3A_758 = vector.extract %slice3A_757[0] : i32 from vector<1xi32>
    %slice3A_759 = vector.extract_strided_slice %mul3A_411 {offsets = [0], sizes = [1], strides = [1]} : vector<16xi32> to vector<1xi32>
    %squeeze3A_760 = vector.extract %slice3A_759[0] : i32 from vector<1xi32>
    %slice3A_761 = vector.extract_strided_slice %mul3A_411 {offsets = [1], sizes = [1], strides = [1]} : vector<16xi32> to vector<1xi32>
    %squeeze3A_762 = vector.extract %slice3A_761[0] : i32 from vector<1xi32>
    %slice3A_763 = vector.extract_strided_slice %mul3A_411 {offsets = [2], sizes = [1], strides = [1]} : vector<16xi32> to vector<1xi32>
    %squeeze3A_764 = vector.extract %slice3A_763[0] : i32 from vector<1xi32>
    %slice3A_765 = vector.extract_strided_slice %mul3A_411 {offsets = [3], sizes = [1], strides = [1]} : vector<16xi32> to vector<1xi32>
    %squeeze3A_766 = vector.extract %slice3A_765[0] : i32 from vector<1xi32>
    %slice3A_767 = vector.extract_strided_slice %mul3A_411 {offsets = [4], sizes = [1], strides = [1]} : vector<16xi32> to vector<1xi32>
    %squeeze3A_768 = vector.extract %slice3A_767[0] : i32 from vector<1xi32>
    %slice3A_769 = vector.extract_strided_slice %mul3A_411 {offsets = [5], sizes = [1], strides = [1]} : vector<16xi32> to vector<1xi32>
    %squeeze3A_770 = vector.extract %slice3A_769[0] : i32 from vector<1xi32>
    %slice3A_771 = vector.extract_strided_slice %mul3A_411 {offsets = [6], sizes = [1], strides = [1]} : vector<16xi32> to vector<1xi32>
    %squeeze3A_772 = vector.extract %slice3A_771[0] : i32 from vector<1xi32>
    %slice3A_773 = vector.extract_strided_slice %mul3A_411 {offsets = [7], sizes = [1], strides = [1]} : vector<16xi32> to vector<1xi32>
    %squeeze3A_774 = vector.extract %slice3A_773[0] : i32 from vector<1xi32>
    %slice3A_775 = vector.extract_strided_slice %mul3A_411 {offsets = [8], sizes = [1], strides = [1]} : vector<16xi32> to vector<1xi32>
    %squeeze3A_776 = vector.extract %slice3A_775[0] : i32 from vector<1xi32>
    %slice3A_777 = vector.extract_strided_slice %mul3A_411 {offsets = [9], sizes = [1], strides = [1]} : vector<16xi32> to vector<1xi32>
    %squeeze3A_778 = vector.extract %slice3A_777[0] : i32 from vector<1xi32>
    %slice3A_779 = vector.extract_strided_slice %mul3A_411 {offsets = [10], sizes = [1], strides = [1]} : vector<16xi32> to vector<1xi32>
    %squeeze3A_780 = vector.extract %slice3A_779[0] : i32 from vector<1xi32>
    %slice3A_781 = vector.extract_strided_slice %mul3A_411 {offsets = [11], sizes = [1], strides = [1]} : vector<16xi32> to vector<1xi32>
    %squeeze3A_782 = vector.extract %slice3A_781[0] : i32 from vector<1xi32>
    %slice3A_783 = vector.extract_strided_slice %mul3A_411 {offsets = [12], sizes = [1], strides = [1]} : vector<16xi32> to vector<1xi32>
    %squeeze3A_784 = vector.extract %slice3A_783[0] : i32 from vector<1xi32>
    %slice3A_785 = vector.extract_strided_slice %mul3A_411 {offsets = [13], sizes = [1], strides = [1]} : vector<16xi32> to vector<1xi32>
    %squeeze3A_786 = vector.extract %slice3A_785[0] : i32 from vector<1xi32>
    %slice3A_787 = vector.extract_strided_slice %mul3A_411 {offsets = [14], sizes = [1], strides = [1]} : vector<16xi32> to vector<1xi32>
    %squeeze3A_788 = vector.extract %slice3A_787[0] : i32 from vector<1xi32>
    %slice3A_789 = vector.extract_strided_slice %mul3A_411 {offsets = [15], sizes = [1], strides = [1]} : vector<16xi32> to vector<1xi32>
    %squeeze3A_790 = vector.extract %slice3A_789[0] : i32 from vector<1xi32>
    %slice3A_791 = vector.extract_strided_slice %mul3A_470 {offsets = [0], sizes = [1], strides = [1]} : vector<16xi32> to vector<1xi32>
    %squeeze3A_792 = vector.extract %slice3A_791[0] : i32 from vector<1xi32>
    %slice3A_793 = vector.extract_strided_slice %mul3A_470 {offsets = [1], sizes = [1], strides = [1]} : vector<16xi32> to vector<1xi32>
    %squeeze3A_794 = vector.extract %slice3A_793[0] : i32 from vector<1xi32>
    %slice3A_795 = vector.extract_strided_slice %mul3A_470 {offsets = [2], sizes = [1], strides = [1]} : vector<16xi32> to vector<1xi32>
    %squeeze3A_796 = vector.extract %slice3A_795[0] : i32 from vector<1xi32>
    %slice3A_797 = vector.extract_strided_slice %mul3A_470 {offsets = [3], sizes = [1], strides = [1]} : vector<16xi32> to vector<1xi32>
    %squeeze3A_798 = vector.extract %slice3A_797[0] : i32 from vector<1xi32>
    %slice3A_799 = vector.extract_strided_slice %mul3A_470 {offsets = [4], sizes = [1], strides = [1]} : vector<16xi32> to vector<1xi32>
    %squeeze3A_800 = vector.extract %slice3A_799[0] : i32 from vector<1xi32>
    %slice3A_801 = vector.extract_strided_slice %mul3A_470 {offsets = [5], sizes = [1], strides = [1]} : vector<16xi32> to vector<1xi32>
    %squeeze3A_802 = vector.extract %slice3A_801[0] : i32 from vector<1xi32>
    %slice3A_803 = vector.extract_strided_slice %mul3A_470 {offsets = [6], sizes = [1], strides = [1]} : vector<16xi32> to vector<1xi32>
    %squeeze3A_804 = vector.extract %slice3A_803[0] : i32 from vector<1xi32>
    %slice3A_805 = vector.extract_strided_slice %mul3A_470 {offsets = [7], sizes = [1], strides = [1]} : vector<16xi32> to vector<1xi32>
    %squeeze3A_806 = vector.extract %slice3A_805[0] : i32 from vector<1xi32>
    %slice3A_807 = vector.extract_strided_slice %mul3A_470 {offsets = [8], sizes = [1], strides = [1]} : vector<16xi32> to vector<1xi32>
    %squeeze3A_808 = vector.extract %slice3A_807[0] : i32 from vector<1xi32>
    %slice3A_809 = vector.extract_strided_slice %mul3A_470 {offsets = [9], sizes = [1], strides = [1]} : vector<16xi32> to vector<1xi32>
    %squeeze3A_810 = vector.extract %slice3A_809[0] : i32 from vector<1xi32>
    %slice3A_811 = vector.extract_strided_slice %mul3A_470 {offsets = [10], sizes = [1], strides = [1]} : vector<16xi32> to vector<1xi32>
    %squeeze3A_812 = vector.extract %slice3A_811[0] : i32 from vector<1xi32>
    %slice3A_813 = vector.extract_strided_slice %mul3A_470 {offsets = [11], sizes = [1], strides = [1]} : vector<16xi32> to vector<1xi32>
    %squeeze3A_814 = vector.extract %slice3A_813[0] : i32 from vector<1xi32>
    %slice3A_815 = vector.extract_strided_slice %mul3A_470 {offsets = [12], sizes = [1], strides = [1]} : vector<16xi32> to vector<1xi32>
    %squeeze3A_816 = vector.extract %slice3A_815[0] : i32 from vector<1xi32>
    %slice3A_817 = vector.extract_strided_slice %mul3A_470 {offsets = [13], sizes = [1], strides = [1]} : vector<16xi32> to vector<1xi32>
    %squeeze3A_818 = vector.extract %slice3A_817[0] : i32 from vector<1xi32>
    %slice3A_819 = vector.extract_strided_slice %mul3A_470 {offsets = [14], sizes = [1], strides = [1]} : vector<16xi32> to vector<1xi32>
    %squeeze3A_820 = vector.extract %slice3A_819[0] : i32 from vector<1xi32>
    %slice3A_821 = vector.extract_strided_slice %mul3A_470 {offsets = [15], sizes = [1], strides = [1]} : vector<16xi32> to vector<1xi32>
    %squeeze3A_822 = vector.extract %slice3A_821[0] : i32 from vector<1xi32>
    %slice3A_823 = vector.extract_strided_slice %mul3A_529 {offsets = [0], sizes = [1], strides = [1]} : vector<16xi32> to vector<1xi32>
    %squeeze3A_824 = vector.extract %slice3A_823[0] : i32 from vector<1xi32>
    %slice3A_825 = vector.extract_strided_slice %mul3A_529 {offsets = [1], sizes = [1], strides = [1]} : vector<16xi32> to vector<1xi32>
    %squeeze3A_826 = vector.extract %slice3A_825[0] : i32 from vector<1xi32>
    %slice3A_827 = vector.extract_strided_slice %mul3A_529 {offsets = [2], sizes = [1], strides = [1]} : vector<16xi32> to vector<1xi32>
    %squeeze3A_828 = vector.extract %slice3A_827[0] : i32 from vector<1xi32>
    %slice3A_829 = vector.extract_strided_slice %mul3A_529 {offsets = [3], sizes = [1], strides = [1]} : vector<16xi32> to vector<1xi32>
    %squeeze3A_830 = vector.extract %slice3A_829[0] : i32 from vector<1xi32>
    %slice3A_831 = vector.extract_strided_slice %mul3A_529 {offsets = [4], sizes = [1], strides = [1]} : vector<16xi32> to vector<1xi32>
    %squeeze3A_832 = vector.extract %slice3A_831[0] : i32 from vector<1xi32>
    %slice3A_833 = vector.extract_strided_slice %mul3A_529 {offsets = [5], sizes = [1], strides = [1]} : vector<16xi32> to vector<1xi32>
    %squeeze3A_834 = vector.extract %slice3A_833[0] : i32 from vector<1xi32>
    %slice3A_835 = vector.extract_strided_slice %mul3A_529 {offsets = [6], sizes = [1], strides = [1]} : vector<16xi32> to vector<1xi32>
    %squeeze3A_836 = vector.extract %slice3A_835[0] : i32 from vector<1xi32>
    %slice3A_837 = vector.extract_strided_slice %mul3A_529 {offsets = [7], sizes = [1], strides = [1]} : vector<16xi32> to vector<1xi32>
    %squeeze3A_838 = vector.extract %slice3A_837[0] : i32 from vector<1xi32>
    %slice3A_839 = vector.extract_strided_slice %mul3A_529 {offsets = [8], sizes = [1], strides = [1]} : vector<16xi32> to vector<1xi32>
    %squeeze3A_840 = vector.extract %slice3A_839[0] : i32 from vector<1xi32>
    %slice3A_841 = vector.extract_strided_slice %mul3A_529 {offsets = [9], sizes = [1], strides = [1]} : vector<16xi32> to vector<1xi32>
    %squeeze3A_842 = vector.extract %slice3A_841[0] : i32 from vector<1xi32>
    %slice3A_843 = vector.extract_strided_slice %mul3A_529 {offsets = [10], sizes = [1], strides = [1]} : vector<16xi32> to vector<1xi32>
    %squeeze3A_844 = vector.extract %slice3A_843[0] : i32 from vector<1xi32>
    %slice3A_845 = vector.extract_strided_slice %mul3A_529 {offsets = [11], sizes = [1], strides = [1]} : vector<16xi32> to vector<1xi32>
    %squeeze3A_846 = vector.extract %slice3A_845[0] : i32 from vector<1xi32>
    %slice3A_847 = vector.extract_strided_slice %mul3A_529 {offsets = [12], sizes = [1], strides = [1]} : vector<16xi32> to vector<1xi32>
    %squeeze3A_848 = vector.extract %slice3A_847[0] : i32 from vector<1xi32>
    %slice3A_849 = vector.extract_strided_slice %mul3A_529 {offsets = [13], sizes = [1], strides = [1]} : vector<16xi32> to vector<1xi32>
    %squeeze3A_850 = vector.extract %slice3A_849[0] : i32 from vector<1xi32>
    %slice3A_851 = vector.extract_strided_slice %mul3A_529 {offsets = [14], sizes = [1], strides = [1]} : vector<16xi32> to vector<1xi32>
    %squeeze3A_852 = vector.extract %slice3A_851[0] : i32 from vector<1xi32>
    %slice3A_853 = vector.extract_strided_slice %mul3A_529 {offsets = [15], sizes = [1], strides = [1]} : vector<16xi32> to vector<1xi32>
    %squeeze3A_854 = vector.extract %slice3A_853[0] : i32 from vector<1xi32>
    %slice3A_855 = vector.extract_strided_slice %mul3A_588 {offsets = [0], sizes = [1], strides = [1]} : vector<16xi32> to vector<1xi32>
    %squeeze3A_856 = vector.extract %slice3A_855[0] : i32 from vector<1xi32>
    %slice3A_857 = vector.extract_strided_slice %mul3A_588 {offsets = [1], sizes = [1], strides = [1]} : vector<16xi32> to vector<1xi32>
    %squeeze3A_858 = vector.extract %slice3A_857[0] : i32 from vector<1xi32>
    %slice3A_859 = vector.extract_strided_slice %mul3A_588 {offsets = [2], sizes = [1], strides = [1]} : vector<16xi32> to vector<1xi32>
    %squeeze3A_860 = vector.extract %slice3A_859[0] : i32 from vector<1xi32>
    %slice3A_861 = vector.extract_strided_slice %mul3A_588 {offsets = [3], sizes = [1], strides = [1]} : vector<16xi32> to vector<1xi32>
    %squeeze3A_862 = vector.extract %slice3A_861[0] : i32 from vector<1xi32>
    %slice3A_863 = vector.extract_strided_slice %mul3A_588 {offsets = [4], sizes = [1], strides = [1]} : vector<16xi32> to vector<1xi32>
    %squeeze3A_864 = vector.extract %slice3A_863[0] : i32 from vector<1xi32>
    %slice3A_865 = vector.extract_strided_slice %mul3A_588 {offsets = [5], sizes = [1], strides = [1]} : vector<16xi32> to vector<1xi32>
    %squeeze3A_866 = vector.extract %slice3A_865[0] : i32 from vector<1xi32>
    %mul3A_867 = arith.constant 28 : i32
    %mul3A_868 = vector.broadcast %mul3A_867 : i32 to vector<16xi32>
    %mul3A_869 = arith.muli %iota3A, %mul3A_868 : vector<16xi32>
    %mul3A_870 = arith.constant 70 : i32
    %mul3A_871 = vector.broadcast %mul3A_870 : i32 to vector<16xi32>
    %mul3A_872 = arith.muli %iota3A, %mul3A_871 : vector<16xi32>
    %scan3A = arith.constant 0 : i32
    %scan3A_873 = arith.constant 0 : i32
    %scan3A_874 = arith.constant 32 : i32
    %scan3A_875 = arith.addi %scan3A_873, %scan3A_874 : i32
    %scan3A_876 = arith.constant 1 : i32
    scf.for %scan3A_880 = %scan3A_873 to %scan3A_875 step %scan3A_876  : i32 {
      %mul3A_881 = arith.constant 448 : i32
      %mul3A_882 = arith.muli %scan3A_880, %mul3A_881 : i32
      %add3A_883 = vector.broadcast %mul3A_882 : i32 to vector<16xi32>
      %add3A_884 = arith.addi %mul3A_869, %add3A_883 : vector<16xi32>
      %add3A_885 = arith.constant 0 : i32
      %add3A_886 = vector.broadcast %add3A_885 : i32 to vector<16xi32>
      %add3A_887 = arith.addi %add3A_884, %add3A_886 : vector<16xi32>
      %gather3A_888 = tpu.vector_load_idx %arg6[%add3A_887] : memref<14336xf32, #tpu.memory_space<vmem>>[vector<16xi32>], vector<16xf32>,
      %add3A_889 = arith.constant 1 : i32
      %add3A_890 = vector.broadcast %add3A_889 : i32 to vector<16xi32>
      %add3A_891 = arith.addi %add3A_884, %add3A_890 : vector<16xi32>
      %gather3A_892 = tpu.vector_load_idx %arg6[%add3A_891] : memref<14336xf32, #tpu.memory_space<vmem>>[vector<16xi32>], vector<16xf32>,
      %add3A_893 = arith.constant 2 : i32
      %add3A_894 = vector.broadcast %add3A_893 : i32 to vector<16xi32>
      %add3A_895 = arith.addi %add3A_884, %add3A_894 : vector<16xi32>
      %gather3A_896 = tpu.vector_load_idx %arg6[%add3A_895] : memref<14336xf32, #tpu.memory_space<vmem>>[vector<16xi32>], vector<16xf32>,
      %add3A_897 = arith.constant 3 : i32
      %add3A_898 = vector.broadcast %add3A_897 : i32 to vector<16xi32>
      %add3A_899 = arith.addi %add3A_884, %add3A_898 : vector<16xi32>
      %gather3A_900 = tpu.vector_load_idx %arg6[%add3A_899] : memref<14336xf32, #tpu.memory_space<vmem>>[vector<16xi32>], vector<16xf32>,
      %add3A_901 = arith.constant 4 : i32
      %add3A_902 = vector.broadcast %add3A_901 : i32 to vector<16xi32>
      %add3A_903 = arith.addi %add3A_884, %add3A_902 : vector<16xi32>
      %gather3A_904 = tpu.vector_load_idx %arg6[%add3A_903] : memref<14336xf32, #tpu.memory_space<vmem>>[vector<16xi32>], vector<16xf32>,
      %add3A_905 = arith.constant 5 : i32
      %add3A_906 = vector.broadcast %add3A_905 : i32 to vector<16xi32>
      %add3A_907 = arith.addi %add3A_884, %add3A_906 : vector<16xi32>
      %gather3A_908 = tpu.vector_load_idx %arg6[%add3A_907] : memref<14336xf32, #tpu.memory_space<vmem>>[vector<16xi32>], vector<16xf32>,
      %add3A_909 = arith.constant 6 : i32
      %add3A_910 = vector.broadcast %add3A_909 : i32 to vector<16xi32>
      %add3A_911 = arith.addi %add3A_884, %add3A_910 : vector<16xi32>
      %gather3A_912 = tpu.vector_load_idx %arg6[%add3A_911] : memref<14336xf32, #tpu.memory_space<vmem>>[vector<16xi32>], vector<16xf32>,
      %add3A_913 = arith.constant 7 : i32
      %add3A_914 = vector.broadcast %add3A_913 : i32 to vector<16xi32>
      %add3A_915 = arith.addi %add3A_884, %add3A_914 : vector<16xi32>
      %gather3A_916 = tpu.vector_load_idx %arg6[%add3A_915] : memref<14336xf32, #tpu.memory_space<vmem>>[vector<16xi32>], vector<16xf32>,
      %add3A_917 = arith.constant 8 : i32
      %add3A_918 = vector.broadcast %add3A_917 : i32 to vector<16xi32>
      %add3A_919 = arith.addi %add3A_884, %add3A_918 : vector<16xi32>
      %gather3A_920 = tpu.vector_load_idx %arg6[%add3A_919] : memref<14336xf32, #tpu.memory_space<vmem>>[vector<16xi32>], vector<16xf32>,
      %add3A_921 = arith.constant 9 : i32
      %add3A_922 = vector.broadcast %add3A_921 : i32 to vector<16xi32>
      %add3A_923 = arith.addi %add3A_884, %add3A_922 : vector<16xi32>
      %gather3A_924 = tpu.vector_load_idx %arg6[%add3A_923] : memref<14336xf32, #tpu.memory_space<vmem>>[vector<16xi32>], vector<16xf32>,
      %add3A_925 = arith.constant 10 : i32
      %add3A_926 = vector.broadcast %add3A_925 : i32 to vector<16xi32>
      %add3A_927 = arith.addi %add3A_884, %add3A_926 : vector<16xi32>
      %gather3A_928 = tpu.vector_load_idx %arg6[%add3A_927] : memref<14336xf32, #tpu.memory_space<vmem>>[vector<16xi32>], vector<16xf32>,
      %add3A_929 = arith.constant 11 : i32
      %add3A_930 = vector.broadcast %add3A_929 : i32 to vector<16xi32>
      %add3A_931 = arith.addi %add3A_884, %add3A_930 : vector<16xi32>
      %gather3A_932 = tpu.vector_load_idx %arg6[%add3A_931] : memref<14336xf32, #tpu.memory_space<vmem>>[vector<16xi32>], vector<16xf32>,
      %add3A_933 = arith.constant 12 : i32
      %add3A_934 = vector.broadcast %add3A_933 : i32 to vector<16xi32>
      %add3A_935 = arith.addi %add3A_884, %add3A_934 : vector<16xi32>
      %gather3A_936 = tpu.vector_load_idx %arg6[%add3A_935] : memref<14336xf32, #tpu.memory_space<vmem>>[vector<16xi32>], vector<16xf32>,
      %add3A_937 = arith.constant 13 : i32
      %add3A_938 = vector.broadcast %add3A_937 : i32 to vector<16xi32>
      %add3A_939 = arith.addi %add3A_884, %add3A_938 : vector<16xi32>
      %gather3A_940 = tpu.vector_load_idx %arg6[%add3A_939] : memref<14336xf32, #tpu.memory_space<vmem>>[vector<16xi32>], vector<16xf32>,
      %add3A_941 = arith.constant 14 : i32
      %add3A_942 = vector.broadcast %add3A_941 : i32 to vector<16xi32>
      %add3A_943 = arith.addi %add3A_884, %add3A_942 : vector<16xi32>
      %gather3A_944 = tpu.vector_load_idx %arg6[%add3A_943] : memref<14336xf32, #tpu.memory_space<vmem>>[vector<16xi32>], vector<16xf32>,
      %add3A_945 = arith.constant 15 : i32
      %add3A_946 = vector.broadcast %add3A_945 : i32 to vector<16xi32>
      %add3A_947 = arith.addi %add3A_884, %add3A_946 : vector<16xi32>
      %gather3A_948 = tpu.vector_load_idx %arg6[%add3A_947] : memref<14336xf32, #tpu.memory_space<vmem>>[vector<16xi32>], vector<16xf32>,
      %add3A_949 = arith.constant 16 : i32
      %add3A_950 = vector.broadcast %add3A_949 : i32 to vector<16xi32>
      %add3A_951 = arith.addi %add3A_884, %add3A_950 : vector<16xi32>
      %gather3A_952 = tpu.vector_load_idx %arg6[%add3A_951] : memref<14336xf32, #tpu.memory_space<vmem>>[vector<16xi32>], vector<16xf32>,
      %add3A_953 = arith.constant 17 : i32
      %add3A_954 = vector.broadcast %add3A_953 : i32 to vector<16xi32>
      %add3A_955 = arith.addi %add3A_884, %add3A_954 : vector<16xi32>
      %gather3A_956 = tpu.vector_load_idx %arg6[%add3A_955] : memref<14336xf32, #tpu.memory_space<vmem>>[vector<16xi32>], vector<16xf32>,
      %add3A_957 = arith.constant 18 : i32
      %add3A_958 = vector.broadcast %add3A_957 : i32 to vector<16xi32>
      %add3A_959 = arith.addi %add3A_884, %add3A_958 : vector<16xi32>
      %gather3A_960 = tpu.vector_load_idx %arg6[%add3A_959] : memref<14336xf32, #tpu.memory_space<vmem>>[vector<16xi32>], vector<16xf32>,
      %add3A_961 = arith.constant 19 : i32
      %add3A_962 = vector.broadcast %add3A_961 : i32 to vector<16xi32>
      %add3A_963 = arith.addi %add3A_884, %add3A_962 : vector<16xi32>
      %gather3A_964 = tpu.vector_load_idx %arg6[%add3A_963] : memref<14336xf32, #tpu.memory_space<vmem>>[vector<16xi32>], vector<16xf32>,
      %add3A_965 = arith.constant 20 : i32
      %add3A_966 = vector.broadcast %add3A_965 : i32 to vector<16xi32>
      %add3A_967 = arith.addi %add3A_884, %add3A_966 : vector<16xi32>
      %gather3A_968 = tpu.vector_load_idx %arg6[%add3A_967] : memref<14336xf32, #tpu.memory_space<vmem>>[vector<16xi32>], vector<16xf32>,
      %add3A_969 = arith.constant 21 : i32
      %add3A_970 = vector.broadcast %add3A_969 : i32 to vector<16xi32>
      %add3A_971 = arith.addi %add3A_884, %add3A_970 : vector<16xi32>
      %gather3A_972 = tpu.vector_load_idx %arg6[%add3A_971] : memref<14336xf32, #tpu.memory_space<vmem>>[vector<16xi32>], vector<16xf32>,
      %add3A_973 = arith.constant 22 : i32
      %add3A_974 = vector.broadcast %add3A_973 : i32 to vector<16xi32>
      %add3A_975 = arith.addi %add3A_884, %add3A_974 : vector<16xi32>
      %gather3A_976 = tpu.vector_load_idx %arg6[%add3A_975] : memref<14336xf32, #tpu.memory_space<vmem>>[vector<16xi32>], vector<16xf32>,
      %add3A_977 = arith.constant 23 : i32
      %add3A_978 = vector.broadcast %add3A_977 : i32 to vector<16xi32>
      %add3A_979 = arith.addi %add3A_884, %add3A_978 : vector<16xi32>
      %gather3A_980 = tpu.vector_load_idx %arg6[%add3A_979] : memref<14336xf32, #tpu.memory_space<vmem>>[vector<16xi32>], vector<16xf32>,
      %add3A_981 = arith.constant 24 : i32
      %add3A_982 = vector.broadcast %add3A_981 : i32 to vector<16xi32>
      %add3A_983 = arith.addi %add3A_884, %add3A_982 : vector<16xi32>
      %gather3A_984 = tpu.vector_load_idx %arg6[%add3A_983] : memref<14336xf32, #tpu.memory_space<vmem>>[vector<16xi32>], vector<16xf32>,
      %add3A_985 = arith.constant 25 : i32
      %add3A_986 = vector.broadcast %add3A_985 : i32 to vector<16xi32>
      %add3A_987 = arith.addi %add3A_884, %add3A_986 : vector<16xi32>
      %gather3A_988 = tpu.vector_load_idx %arg6[%add3A_987] : memref<14336xf32, #tpu.memory_space<vmem>>[vector<16xi32>], vector<16xf32>,
      %add3A_989 = arith.constant 26 : i32
      %add3A_990 = vector.broadcast %add3A_989 : i32 to vector<16xi32>
      %add3A_991 = arith.addi %add3A_884, %add3A_990 : vector<16xi32>
      %gather3A_992 = tpu.vector_load_idx %arg6[%add3A_991] : memref<14336xf32, #tpu.memory_space<vmem>>[vector<16xi32>], vector<16xf32>,
      %add3A_993 = arith.constant 27 : i32
      %add3A_994 = vector.broadcast %add3A_993 : i32 to vector<16xi32>
      %add3A_995 = arith.addi %add3A_884, %add3A_994 : vector<16xi32>
      %gather3A_996 = tpu.vector_load_idx %arg6[%add3A_995] : memref<14336xf32, #tpu.memory_space<vmem>>[vector<16xi32>], vector<16xf32>,
      %add3A_997 = arith.addf %gather3A_888, %gather3A_904 : vector<16xf32>
      %add3A_998 = arith.addf %gather3A_892, %gather3A_908 : vector<16xf32>
      %add3A_999 = arith.addf %gather3A_896, %gather3A_912 : vector<16xf32>
      %add3A_1000 = arith.addf %gather3A_900, %gather3A_916 : vector<16xf32>
      %add3A_1001 = arith.addf %add3A_997, %gather3A_920 : vector<16xf32>
      %add3A_1002 = arith.addf %add3A_998, %gather3A_924 : vector<16xf32>
      %add3A_1003 = arith.addf %add3A_999, %gather3A_928 : vector<16xf32>
      %add3A_1004 = arith.addf %add3A_1000, %gather3A_932 : vector<16xf32>
      %mul3A_1005 = arith.mulf %add3A_1001, %add3A_1001 : vector<16xf32>
      %mul3A_1006 = arith.mulf %add3A_1002, %add3A_1002 : vector<16xf32>
      %sub3A_1007 = arith.subf %mul3A_1005, %mul3A_1006 : vector<16xf32>
      %mul3A_1008 = arith.mulf %add3A_1003, %add3A_1003 : vector<16xf32>
      %sub3A_1009 = arith.subf %sub3A_1007, %mul3A_1008 : vector<16xf32>
      %mul3A_1010 = arith.mulf %add3A_1004, %add3A_1004 : vector<16xf32>
      %sub3A_1011 = arith.subf %sub3A_1009, %mul3A_1010 : vector<16xf32>
      %max3A = arith.constant 9.99999996E-13 : f32
      %max3A_1012 = vector.broadcast %max3A : f32 to vector<16xf32>
      %max3A_1013 = arith.maximumf %sub3A_1011, %max3A_1012 : vector<16xf32>
      %bitcast3A = vector.bitcast %max3A_1013 : vector<16xf32> to vector<16xi32>
      %shift_right_arithmetic3A = arith.constant 1 : i32
      %shift_right_arithmetic3A_1014 = vector.broadcast %shift_right_arithmetic3A : i32 to vector<16xi32>
      %shift_right_arithmetic3A_1015 = arith.shrsi %bitcast3A, %shift_right_arithmetic3A_1014 : vector<16xi32>
      %sub3A_1016 = arith.constant 1597463007 : i32
      %sub3A_1017 = vector.broadcast %sub3A_1016 : i32 to vector<16xi32>
      %sub3A_1018 = arith.subi %sub3A_1017, %shift_right_arithmetic3A_1015 : vector<16xi32>
      %bitcast3A_1019 = vector.bitcast %sub3A_1018 : vector<16xi32> to vector<16xf32>
      %mul3A_1020 = arith.constant 5.000000e-01 : f32
      %mul3A_1021 = vector.broadcast %mul3A_1020 : f32 to vector<16xf32>
      %mul3A_1022 = arith.mulf %mul3A_1021, %max3A_1013 : vector<16xf32>
      %mul3A_1023 = arith.mulf %mul3A_1022, %bitcast3A_1019 : vector<16xf32>
      %mul3A_1024 = arith.mulf %mul3A_1023, %bitcast3A_1019 : vector<16xf32>
      %sub3A_1025 = arith.constant 1.500000e+00 : f32
      %sub3A_1026 = vector.broadcast %sub3A_1025 : f32 to vector<16xf32>
      %sub3A_1027 = arith.subf %sub3A_1026, %mul3A_1024 : vector<16xf32>
      %mul3A_1028 = arith.mulf %bitcast3A_1019, %sub3A_1027 : vector<16xf32>
      %mul3A_1029 = arith.mulf %mul3A_1022, %mul3A_1028 : vector<16xf32>
      %mul3A_1030 = arith.mulf %mul3A_1029, %mul3A_1028 : vector<16xf32>
      %sub3A_1031 = arith.constant 1.500000e+00 : f32
      %sub3A_1032 = vector.broadcast %sub3A_1031 : f32 to vector<16xf32>
      %sub3A_1033 = arith.subf %sub3A_1032, %mul3A_1030 : vector<16xf32>
      %mul3A_1034 = arith.mulf %mul3A_1028, %sub3A_1033 : vector<16xf32>
      %mul3A_1035 = arith.mulf %max3A_1013, %mul3A_1034 : vector<16xf32>
      %swap3A = arith.constant 0 : index
      %swap3A_1036 = tpu.vector_load %arg9[%swap3A] {strides = array<i32>} : memref<560xf32, #tpu.memory_space<vmem>>, vector<16xf32>,
      tpu.vector_store %arg9[%swap3A], %mul3A_1035 {strides = array<i32>} : memref<560xf32, #tpu.memory_space<vmem>>, vector<16xf32>,
      %add3A_1037 = arith.addf %add3A_997, %gather3A_936 : vector<16xf32>
      %add3A_1038 = arith.addf %add3A_998, %gather3A_940 : vector<16xf32>
      %add3A_1039 = arith.addf %add3A_999, %gather3A_944 : vector<16xf32>
      %add3A_1040 = arith.addf %add3A_1000, %gather3A_948 : vector<16xf32>
      %mul3A_1041 = arith.mulf %add3A_1037, %add3A_1037 : vector<16xf32>
      %mul3A_1042 = arith.mulf %add3A_1038, %add3A_1038 : vector<16xf32>
      %sub3A_1043 = arith.subf %mul3A_1041, %mul3A_1042 : vector<16xf32>
      %mul3A_1044 = arith.mulf %add3A_1039, %add3A_1039 : vector<16xf32>
      %sub3A_1045 = arith.subf %sub3A_1043, %mul3A_1044 : vector<16xf32>
      %mul3A_1046 = arith.mulf %add3A_1040, %add3A_1040 : vector<16xf32>
      %sub3A_1047 = arith.subf %sub3A_1045, %mul3A_1046 : vector<16xf32>
      %max3A_1048 = arith.constant 9.99999996E-13 : f32
      %max3A_1049 = vector.broadcast %max3A_1048 : f32 to vector<16xf32>
      %max3A_1050 = arith.maximumf %sub3A_1047, %max3A_1049 : vector<16xf32>
      %bitcast3A_1051 = vector.bitcast %max3A_1050 : vector<16xf32> to vector<16xi32>
      %shift_right_arithmetic3A_1052 = arith.constant 1 : i32
      %shift_right_arithmetic3A_1053 = vector.broadcast %shift_right_arithmetic3A_1052 : i32 to vector<16xi32>
      %shift_right_arithmetic3A_1054 = arith.shrsi %bitcast3A_1051, %shift_right_arithmetic3A_1053 : vector<16xi32>
      %sub3A_1055 = arith.constant 1597463007 : i32
      %sub3A_1056 = vector.broadcast %sub3A_1055 : i32 to vector<16xi32>
      %sub3A_1057 = arith.subi %sub3A_1056, %shift_right_arithmetic3A_1054 : vector<16xi32>
      %bitcast3A_1058 = vector.bitcast %sub3A_1057 : vector<16xi32> to vector<16xf32>
      %mul3A_1059 = arith.constant 5.000000e-01 : f32
      %mul3A_1060 = vector.broadcast %mul3A_1059 : f32 to vector<16xf32>
      %mul3A_1061 = arith.mulf %mul3A_1060, %max3A_1050 : vector<16xf32>
      %mul3A_1062 = arith.mulf %mul3A_1061, %bitcast3A_1058 : vector<16xf32>
      %mul3A_1063 = arith.mulf %mul3A_1062, %bitcast3A_1058 : vector<16xf32>
      %sub3A_1064 = arith.constant 1.500000e+00 : f32
      %sub3A_1065 = vector.broadcast %sub3A_1064 : f32 to vector<16xf32>
      %sub3A_1066 = arith.subf %sub3A_1065, %mul3A_1063 : vector<16xf32>
      %mul3A_1067 = arith.mulf %bitcast3A_1058, %sub3A_1066 : vector<16xf32>
      %mul3A_1068 = arith.mulf %mul3A_1061, %mul3A_1067 : vector<16xf32>
      %mul3A_1069 = arith.mulf %mul3A_1068, %mul3A_1067 : vector<16xf32>
      %sub3A_1070 = arith.constant 1.500000e+00 : f32
      %sub3A_1071 = vector.broadcast %sub3A_1070 : f32 to vector<16xf32>
      %sub3A_1072 = arith.subf %sub3A_1071, %mul3A_1069 : vector<16xf32>
      %mul3A_1073 = arith.mulf %mul3A_1067, %sub3A_1072 : vector<16xf32>
      %mul3A_1074 = arith.mulf %max3A_1050, %mul3A_1073 : vector<16xf32>
      %swap3A_1075 = arith.constant 16 : index
      %swap3A_1076 = tpu.vector_load %arg9[%swap3A_1075] {strides = array<i32>} : memref<560xf32, #tpu.memory_space<vmem>>, vector<16xf32>,
      tpu.vector_store %arg9[%swap3A_1075], %mul3A_1074 {strides = array<i32>} : memref<560xf32, #tpu.memory_space<vmem>>, vector<16xf32>,
      %add3A_1077 = arith.addf %add3A_997, %gather3A_952 : vector<16xf32>
      %add3A_1078 = arith.addf %add3A_998, %gather3A_956 : vector<16xf32>
      %add3A_1079 = arith.addf %add3A_999, %gather3A_960 : vector<16xf32>
      %add3A_1080 = arith.addf %add3A_1000, %gather3A_964 : vector<16xf32>
      %mul3A_1081 = arith.mulf %add3A_1077, %add3A_1077 : vector<16xf32>
      %mul3A_1082 = arith.mulf %add3A_1078, %add3A_1078 : vector<16xf32>
      %sub3A_1083 = arith.subf %mul3A_1081, %mul3A_1082 : vector<16xf32>
      %mul3A_1084 = arith.mulf %add3A_1079, %add3A_1079 : vector<16xf32>
      %sub3A_1085 = arith.subf %sub3A_1083, %mul3A_1084 : vector<16xf32>
      %mul3A_1086 = arith.mulf %add3A_1080, %add3A_1080 : vector<16xf32>
      %sub3A_1087 = arith.subf %sub3A_1085, %mul3A_1086 : vector<16xf32>
      %max3A_1088 = arith.constant 9.99999996E-13 : f32
      %max3A_1089 = vector.broadcast %max3A_1088 : f32 to vector<16xf32>
      %max3A_1090 = arith.maximumf %sub3A_1087, %max3A_1089 : vector<16xf32>
      %bitcast3A_1091 = vector.bitcast %max3A_1090 : vector<16xf32> to vector<16xi32>
      %shift_right_arithmetic3A_1092 = arith.constant 1 : i32
      %shift_right_arithmetic3A_1093 = vector.broadcast %shift_right_arithmetic3A_1092 : i32 to vector<16xi32>
      %shift_right_arithmetic3A_1094 = arith.shrsi %bitcast3A_1091, %shift_right_arithmetic3A_1093 : vector<16xi32>
      %sub3A_1095 = arith.constant 1597463007 : i32
      %sub3A_1096 = vector.broadcast %sub3A_1095 : i32 to vector<16xi32>
      %sub3A_1097 = arith.subi %sub3A_1096, %shift_right_arithmetic3A_1094 : vector<16xi32>
      %bitcast3A_1098 = vector.bitcast %sub3A_1097 : vector<16xi32> to vector<16xf32>
      %mul3A_1099 = arith.constant 5.000000e-01 : f32
      %mul3A_1100 = vector.broadcast %mul3A_1099 : f32 to vector<16xf32>
      %mul3A_1101 = arith.mulf %mul3A_1100, %max3A_1090 : vector<16xf32>
      %mul3A_1102 = arith.mulf %mul3A_1101, %bitcast3A_1098 : vector<16xf32>
      %mul3A_1103 = arith.mulf %mul3A_1102, %bitcast3A_1098 : vector<16xf32>
      %sub3A_1104 = arith.constant 1.500000e+00 : f32
      %sub3A_1105 = vector.broadcast %sub3A_1104 : f32 to vector<16xf32>
      %sub3A_1106 = arith.subf %sub3A_1105, %mul3A_1103 : vector<16xf32>
      %mul3A_1107 = arith.mulf %bitcast3A_1098, %sub3A_1106 : vector<16xf32>
      %mul3A_1108 = arith.mulf %mul3A_1101, %mul3A_1107 : vector<16xf32>
      %mul3A_1109 = arith.mulf %mul3A_1108, %mul3A_1107 : vector<16xf32>
      %sub3A_1110 = arith.constant 1.500000e+00 : f32
      %sub3A_1111 = vector.broadcast %sub3A_1110 : f32 to vector<16xf32>
      %sub3A_1112 = arith.subf %sub3A_1111, %mul3A_1109 : vector<16xf32>
      %mul3A_1113 = arith.mulf %mul3A_1107, %sub3A_1112 : vector<16xf32>
      %mul3A_1114 = arith.mulf %max3A_1090, %mul3A_1113 : vector<16xf32>
      %swap3A_1115 = arith.constant 32 : index
      %swap3A_1116 = tpu.vector_load %arg9[%swap3A_1115] {strides = array<i32>} : memref<560xf32, #tpu.memory_space<vmem>>, vector<16xf32>,
      tpu.vector_store %arg9[%swap3A_1115], %mul3A_1114 {strides = array<i32>} : memref<560xf32, #tpu.memory_space<vmem>>, vector<16xf32>,
      %add3A_1117 = arith.addf %add3A_997, %gather3A_968 : vector<16xf32>
      %add3A_1118 = arith.addf %add3A_998, %gather3A_972 : vector<16xf32>
      %add3A_1119 = arith.addf %add3A_999, %gather3A_976 : vector<16xf32>
      %add3A_1120 = arith.addf %add3A_1000, %gather3A_980 : vector<16xf32>
      %mul3A_1121 = arith.mulf %add3A_1117, %add3A_1117 : vector<16xf32>
      %mul3A_1122 = arith.mulf %add3A_1118, %add3A_1118 : vector<16xf32>
      %sub3A_1123 = arith.subf %mul3A_1121, %mul3A_1122 : vector<16xf32>
      %mul3A_1124 = arith.mulf %add3A_1119, %add3A_1119 : vector<16xf32>
      %sub3A_1125 = arith.subf %sub3A_1123, %mul3A_1124 : vector<16xf32>
      %mul3A_1126 = arith.mulf %add3A_1120, %add3A_1120 : vector<16xf32>
      %sub3A_1127 = arith.subf %sub3A_1125, %mul3A_1126 : vector<16xf32>
      %max3A_1128 = arith.constant 9.99999996E-13 : f32
      %max3A_1129 = vector.broadcast %max3A_1128 : f32 to vector<16xf32>
      %max3A_1130 = arith.maximumf %sub3A_1127, %max3A_1129 : vector<16xf32>
      %bitcast3A_1131 = vector.bitcast %max3A_1130 : vector<16xf32> to vector<16xi32>
      %shift_right_arithmetic3A_1132 = arith.constant 1 : i32
      %shift_right_arithmetic3A_1133 = vector.broadcast %shift_right_arithmetic3A_1132 : i32 to vector<16xi32>
      %shift_right_arithmetic3A_1134 = arith.shrsi %bitcast3A_1131, %shift_right_arithmetic3A_1133 : vector<16xi32>
      %sub3A_1135 = arith.constant 1597463007 : i32
      %sub3A_1136 = vector.broadcast %sub3A_1135 : i32 to vector<16xi32>
      %sub3A_1137 = arith.subi %sub3A_1136, %shift_right_arithmetic3A_1134 : vector<16xi32>
      %bitcast3A_1138 = vector.bitcast %sub3A_1137 : vector<16xi32> to vector<16xf32>
      %mul3A_1139 = arith.constant 5.000000e-01 : f32
      %mul3A_1140 = vector.broadcast %mul3A_1139 : f32 to vector<16xf32>
      %mul3A_1141 = arith.mulf %mul3A_1140, %max3A_1130 : vector<16xf32>
      %mul3A_1142 = arith.mulf %mul3A_1141, %bitcast3A_1138 : vector<16xf32>
      %mul3A_1143 = arith.mulf %mul3A_1142, %bitcast3A_1138 : vector<16xf32>
      %sub3A_1144 = arith.constant 1.500000e+00 : f32
      %sub3A_1145 = vector.broadcast %sub3A_1144 : f32 to vector<16xf32>
      %sub3A_1146 = arith.subf %sub3A_1145, %mul3A_1143 : vector<16xf32>
      %mul3A_1147 = arith.mulf %bitcast3A_1138, %sub3A_1146 : vector<16xf32>
      %mul3A_1148 = arith.mulf %mul3A_1141, %mul3A_1147 : vector<16xf32>
      %mul3A_1149 = arith.mulf %mul3A_1148, %mul3A_1147 : vector<16xf32>
      %sub3A_1150 = arith.constant 1.500000e+00 : f32
      %sub3A_1151 = vector.broadcast %sub3A_1150 : f32 to vector<16xf32>
      %sub3A_1152 = arith.subf %sub3A_1151, %mul3A_1149 : vector<16xf32>
      %mul3A_1153 = arith.mulf %mul3A_1147, %sub3A_1152 : vector<16xf32>
      %mul3A_1154 = arith.mulf %max3A_1130, %mul3A_1153 : vector<16xf32>
      %swap3A_1155 = arith.constant 48 : index
      %swap3A_1156 = tpu.vector_load %arg9[%swap3A_1155] {strides = array<i32>} : memref<560xf32, #tpu.memory_space<vmem>>, vector<16xf32>,
      tpu.vector_store %arg9[%swap3A_1155], %mul3A_1154 {strides = array<i32>} : memref<560xf32, #tpu.memory_space<vmem>>, vector<16xf32>,
      %add3A_1157 = arith.addf %add3A_997, %gather3A_984 : vector<16xf32>
      %add3A_1158 = arith.addf %add3A_998, %gather3A_988 : vector<16xf32>
      %add3A_1159 = arith.addf %add3A_999, %gather3A_992 : vector<16xf32>
      %add3A_1160 = arith.addf %add3A_1000, %gather3A_996 : vector<16xf32>
      %mul3A_1161 = arith.mulf %add3A_1157, %add3A_1157 : vector<16xf32>
      %mul3A_1162 = arith.mulf %add3A_1158, %add3A_1158 : vector<16xf32>
      %sub3A_1163 = arith.subf %mul3A_1161, %mul3A_1162 : vector<16xf32>
      %mul3A_1164 = arith.mulf %add3A_1159, %add3A_1159 : vector<16xf32>
      %sub3A_1165 = arith.subf %sub3A_1163, %mul3A_1164 : vector<16xf32>
      %mul3A_1166 = arith.mulf %add3A_1160, %add3A_1160 : vector<16xf32>
      %sub3A_1167 = arith.subf %sub3A_1165, %mul3A_1166 : vector<16xf32>
      %max3A_1168 = arith.constant 9.99999996E-13 : f32
      %max3A_1169 = vector.broadcast %max3A_1168 : f32 to vector<16xf32>
      %max3A_1170 = arith.maximumf %sub3A_1167, %max3A_1169 : vector<16xf32>
      %bitcast3A_1171 = vector.bitcast %max3A_1170 : vector<16xf32> to vector<16xi32>
      %shift_right_arithmetic3A_1172 = arith.constant 1 : i32
      %shift_right_arithmetic3A_1173 = vector.broadcast %shift_right_arithmetic3A_1172 : i32 to vector<16xi32>
      %shift_right_arithmetic3A_1174 = arith.shrsi %bitcast3A_1171, %shift_right_arithmetic3A_1173 : vector<16xi32>
      %sub3A_1175 = arith.constant 1597463007 : i32
      %sub3A_1176 = vector.broadcast %sub3A_1175 : i32 to vector<16xi32>
      %sub3A_1177 = arith.subi %sub3A_1176, %shift_right_arithmetic3A_1174 : vector<16xi32>
      %bitcast3A_1178 = vector.bitcast %sub3A_1177 : vector<16xi32> to vector<16xf32>
      %mul3A_1179 = arith.constant 5.000000e-01 : f32
      %mul3A_1180 = vector.broadcast %mul3A_1179 : f32 to vector<16xf32>
      %mul3A_1181 = arith.mulf %mul3A_1180, %max3A_1170 : vector<16xf32>
      %mul3A_1182 = arith.mulf %mul3A_1181, %bitcast3A_1178 : vector<16xf32>
      %mul3A_1183 = arith.mulf %mul3A_1182, %bitcast3A_1178 : vector<16xf32>
      %sub3A_1184 = arith.constant 1.500000e+00 : f32
      %sub3A_1185 = vector.broadcast %sub3A_1184 : f32 to vector<16xf32>
      %sub3A_1186 = arith.subf %sub3A_1185, %mul3A_1183 : vector<16xf32>
      %mul3A_1187 = arith.mulf %bitcast3A_1178, %sub3A_1186 : vector<16xf32>
      %mul3A_1188 = arith.mulf %mul3A_1181, %mul3A_1187 : vector<16xf32>
      %mul3A_1189 = arith.mulf %mul3A_1188, %mul3A_1187 : vector<16xf32>
      %sub3A_1190 = arith.constant 1.500000e+00 : f32
      %sub3A_1191 = vector.broadcast %sub3A_1190 : f32 to vector<16xf32>
      %sub3A_1192 = arith.subf %sub3A_1191, %mul3A_1189 : vector<16xf32>
      %mul3A_1193 = arith.mulf %mul3A_1187, %sub3A_1192 : vector<16xf32>
      %mul3A_1194 = arith.mulf %max3A_1170, %mul3A_1193 : vector<16xf32>
      %swap3A_1195 = arith.constant 64 : index
      %swap3A_1196 = tpu.vector_load %arg9[%swap3A_1195] {strides = array<i32>} : memref<560xf32, #tpu.memory_space<vmem>>, vector<16xf32>,
      tpu.vector_store %arg9[%swap3A_1195], %mul3A_1194 {strides = array<i32>} : memref<560xf32, #tpu.memory_space<vmem>>, vector<16xf32>,
      %add3A_1197 = arith.addf %gather3A_888, %gather3A_920 : vector<16xf32>
      %add3A_1198 = arith.addf %gather3A_892, %gather3A_924 : vector<16xf32>
      %add3A_1199 = arith.addf %gather3A_896, %gather3A_928 : vector<16xf32>
      %add3A_1200 = arith.addf %gather3A_900, %gather3A_932 : vector<16xf32>
      %add3A_1201 = arith.addf %add3A_1197, %gather3A_936 : vector<16xf32>
      %add3A_1202 = arith.addf %add3A_1198, %gather3A_940 : vector<16xf32>
      %add3A_1203 = arith.addf %add3A_1199, %gather3A_944 : vector<16xf32>
      %add3A_1204 = arith.addf %add3A_1200, %gather3A_948 : vector<16xf32>
      %mul3A_1205 = arith.mulf %add3A_1201, %add3A_1201 : vector<16xf32>
      %mul3A_1206 = arith.mulf %add3A_1202, %add3A_1202 : vector<16xf32>
      %sub3A_1207 = arith.subf %mul3A_1205, %mul3A_1206 : vector<16xf32>
      %mul3A_1208 = arith.mulf %add3A_1203, %add3A_1203 : vector<16xf32>
      %sub3A_1209 = arith.subf %sub3A_1207, %mul3A_1208 : vector<16xf32>
      %mul3A_1210 = arith.mulf %add3A_1204, %add3A_1204 : vector<16xf32>
      %sub3A_1211 = arith.subf %sub3A_1209, %mul3A_1210 : vector<16xf32>
      %max3A_1212 = arith.constant 9.99999996E-13 : f32
      %max3A_1213 = vector.broadcast %max3A_1212 : f32 to vector<16xf32>
      %max3A_1214 = arith.maximumf %sub3A_1211, %max3A_1213 : vector<16xf32>
      %bitcast3A_1215 = vector.bitcast %max3A_1214 : vector<16xf32> to vector<16xi32>
      %shift_right_arithmetic3A_1216 = arith.constant 1 : i32
      %shift_right_arithmetic3A_1217 = vector.broadcast %shift_right_arithmetic3A_1216 : i32 to vector<16xi32>
      %shift_right_arithmetic3A_1218 = arith.shrsi %bitcast3A_1215, %shift_right_arithmetic3A_1217 : vector<16xi32>
      %sub3A_1219 = arith.constant 1597463007 : i32
      %sub3A_1220 = vector.broadcast %sub3A_1219 : i32 to vector<16xi32>
      %sub3A_1221 = arith.subi %sub3A_1220, %shift_right_arithmetic3A_1218 : vector<16xi32>
      %bitcast3A_1222 = vector.bitcast %sub3A_1221 : vector<16xi32> to vector<16xf32>
      %mul3A_1223 = arith.constant 5.000000e-01 : f32
      %mul3A_1224 = vector.broadcast %mul3A_1223 : f32 to vector<16xf32>
      %mul3A_1225 = arith.mulf %mul3A_1224, %max3A_1214 : vector<16xf32>
      %mul3A_1226 = arith.mulf %mul3A_1225, %bitcast3A_1222 : vector<16xf32>
      %mul3A_1227 = arith.mulf %mul3A_1226, %bitcast3A_1222 : vector<16xf32>
      %sub3A_1228 = arith.constant 1.500000e+00 : f32
      %sub3A_1229 = vector.broadcast %sub3A_1228 : f32 to vector<16xf32>
      %sub3A_1230 = arith.subf %sub3A_1229, %mul3A_1227 : vector<16xf32>
      %mul3A_1231 = arith.mulf %bitcast3A_1222, %sub3A_1230 : vector<16xf32>
      %mul3A_1232 = arith.mulf %mul3A_1225, %mul3A_1231 : vector<16xf32>
      %mul3A_1233 = arith.mulf %mul3A_1232, %mul3A_1231 : vector<16xf32>
      %sub3A_1234 = arith.constant 1.500000e+00 : f32
      %sub3A_1235 = vector.broadcast %sub3A_1234 : f32 to vector<16xf32>
      %sub3A_1236 = arith.subf %sub3A_1235, %mul3A_1233 : vector<16xf32>
      %mul3A_1237 = arith.mulf %mul3A_1231, %sub3A_1236 : vector<16xf32>
      %mul3A_1238 = arith.mulf %max3A_1214, %mul3A_1237 : vector<16xf32>
      %swap3A_1239 = arith.constant 80 : index
      %swap3A_1240 = tpu.vector_load %arg9[%swap3A_1239] {strides = array<i32>} : memref<560xf32, #tpu.memory_space<vmem>>, vector<16xf32>,
      tpu.vector_store %arg9[%swap3A_1239], %mul3A_1238 {strides = array<i32>} : memref<560xf32, #tpu.memory_space<vmem>>, vector<16xf32>,
      %add3A_1241 = arith.addf %add3A_1197, %gather3A_952 : vector<16xf32>
      %add3A_1242 = arith.addf %add3A_1198, %gather3A_956 : vector<16xf32>
      %add3A_1243 = arith.addf %add3A_1199, %gather3A_960 : vector<16xf32>
      %add3A_1244 = arith.addf %add3A_1200, %gather3A_964 : vector<16xf32>
      %mul3A_1245 = arith.mulf %add3A_1241, %add3A_1241 : vector<16xf32>
      %mul3A_1246 = arith.mulf %add3A_1242, %add3A_1242 : vector<16xf32>
      %sub3A_1247 = arith.subf %mul3A_1245, %mul3A_1246 : vector<16xf32>
      %mul3A_1248 = arith.mulf %add3A_1243, %add3A_1243 : vector<16xf32>
      %sub3A_1249 = arith.subf %sub3A_1247, %mul3A_1248 : vector<16xf32>
      %mul3A_1250 = arith.mulf %add3A_1244, %add3A_1244 : vector<16xf32>
      %sub3A_1251 = arith.subf %sub3A_1249, %mul3A_1250 : vector<16xf32>
      %max3A_1252 = arith.constant 9.99999996E-13 : f32
      %max3A_1253 = vector.broadcast %max3A_1252 : f32 to vector<16xf32>
      %max3A_1254 = arith.maximumf %sub3A_1251, %max3A_1253 : vector<16xf32>
      %bitcast3A_1255 = vector.bitcast %max3A_1254 : vector<16xf32> to vector<16xi32>
      %shift_right_arithmetic3A_1256 = arith.constant 1 : i32
      %shift_right_arithmetic3A_1257 = vector.broadcast %shift_right_arithmetic3A_1256 : i32 to vector<16xi32>
      %shift_right_arithmetic3A_1258 = arith.shrsi %bitcast3A_1255, %shift_right_arithmetic3A_1257 : vector<16xi32>
      %sub3A_1259 = arith.constant 1597463007 : i32
      %sub3A_1260 = vector.broadcast %sub3A_1259 : i32 to vector<16xi32>
      %sub3A_1261 = arith.subi %sub3A_1260, %shift_right_arithmetic3A_1258 : vector<16xi32>
      %bitcast3A_1262 = vector.bitcast %sub3A_1261 : vector<16xi32> to vector<16xf32>
      %mul3A_1263 = arith.constant 5.000000e-01 : f32
      %mul3A_1264 = vector.broadcast %mul3A_1263 : f32 to vector<16xf32>
      %mul3A_1265 = arith.mulf %mul3A_1264, %max3A_1254 : vector<16xf32>
      %mul3A_1266 = arith.mulf %mul3A_1265, %bitcast3A_1262 : vector<16xf32>
      %mul3A_1267 = arith.mulf %mul3A_1266, %bitcast3A_1262 : vector<16xf32>
      %sub3A_1268 = arith.constant 1.500000e+00 : f32
      %sub3A_1269 = vector.broadcast %sub3A_1268 : f32 to vector<16xf32>
      %sub3A_1270 = arith.subf %sub3A_1269, %mul3A_1267 : vector<16xf32>
      %mul3A_1271 = arith.mulf %bitcast3A_1262, %sub3A_1270 : vector<16xf32>
      %mul3A_1272 = arith.mulf %mul3A_1265, %mul3A_1271 : vector<16xf32>
      %mul3A_1273 = arith.mulf %mul3A_1272, %mul3A_1271 : vector<16xf32>
      %sub3A_1274 = arith.constant 1.500000e+00 : f32
      %sub3A_1275 = vector.broadcast %sub3A_1274 : f32 to vector<16xf32>
      %sub3A_1276 = arith.subf %sub3A_1275, %mul3A_1273 : vector<16xf32>
      %mul3A_1277 = arith.mulf %mul3A_1271, %sub3A_1276 : vector<16xf32>
      %mul3A_1278 = arith.mulf %max3A_1254, %mul3A_1277 : vector<16xf32>
      %swap3A_1279 = arith.constant 96 : index
      %swap3A_1280 = tpu.vector_load %arg9[%swap3A_1279] {strides = array<i32>} : memref<560xf32, #tpu.memory_space<vmem>>, vector<16xf32>,
      tpu.vector_store %arg9[%swap3A_1279], %mul3A_1278 {strides = array<i32>} : memref<560xf32, #tpu.memory_space<vmem>>, vector<16xf32>,
      %add3A_1281 = arith.addf %add3A_1197, %gather3A_968 : vector<16xf32>
      %add3A_1282 = arith.addf %add3A_1198, %gather3A_972 : vector<16xf32>
      %add3A_1283 = arith.addf %add3A_1199, %gather3A_976 : vector<16xf32>
      %add3A_1284 = arith.addf %add3A_1200, %gather3A_980 : vector<16xf32>
      %mul3A_1285 = arith.mulf %add3A_1281, %add3A_1281 : vector<16xf32>
      %mul3A_1286 = arith.mulf %add3A_1282, %add3A_1282 : vector<16xf32>
      %sub3A_1287 = arith.subf %mul3A_1285, %mul3A_1286 : vector<16xf32>
      %mul3A_1288 = arith.mulf %add3A_1283, %add3A_1283 : vector<16xf32>
      %sub3A_1289 = arith.subf %sub3A_1287, %mul3A_1288 : vector<16xf32>
      %mul3A_1290 = arith.mulf %add3A_1284, %add3A_1284 : vector<16xf32>
      %sub3A_1291 = arith.subf %sub3A_1289, %mul3A_1290 : vector<16xf32>
      %max3A_1292 = arith.constant 9.99999996E-13 : f32
      %max3A_1293 = vector.broadcast %max3A_1292 : f32 to vector<16xf32>
      %max3A_1294 = arith.maximumf %sub3A_1291, %max3A_1293 : vector<16xf32>
      %bitcast3A_1295 = vector.bitcast %max3A_1294 : vector<16xf32> to vector<16xi32>
      %shift_right_arithmetic3A_1296 = arith.constant 1 : i32
      %shift_right_arithmetic3A_1297 = vector.broadcast %shift_right_arithmetic3A_1296 : i32 to vector<16xi32>
      %shift_right_arithmetic3A_1298 = arith.shrsi %bitcast3A_1295, %shift_right_arithmetic3A_1297 : vector<16xi32>
      %sub3A_1299 = arith.constant 1597463007 : i32
      %sub3A_1300 = vector.broadcast %sub3A_1299 : i32 to vector<16xi32>
      %sub3A_1301 = arith.subi %sub3A_1300, %shift_right_arithmetic3A_1298 : vector<16xi32>
      %bitcast3A_1302 = vector.bitcast %sub3A_1301 : vector<16xi32> to vector<16xf32>
      %mul3A_1303 = arith.constant 5.000000e-01 : f32
      %mul3A_1304 = vector.broadcast %mul3A_1303 : f32 to vector<16xf32>
      %mul3A_1305 = arith.mulf %mul3A_1304, %max3A_1294 : vector<16xf32>
      %mul3A_1306 = arith.mulf %mul3A_1305, %bitcast3A_1302 : vector<16xf32>
      %mul3A_1307 = arith.mulf %mul3A_1306, %bitcast3A_1302 : vector<16xf32>
      %sub3A_1308 = arith.constant 1.500000e+00 : f32
      %sub3A_1309 = vector.broadcast %sub3A_1308 : f32 to vector<16xf32>
      %sub3A_1310 = arith.subf %sub3A_1309, %mul3A_1307 : vector<16xf32>
      %mul3A_1311 = arith.mulf %bitcast3A_1302, %sub3A_1310 : vector<16xf32>
      %mul3A_1312 = arith.mulf %mul3A_1305, %mul3A_1311 : vector<16xf32>
      %mul3A_1313 = arith.mulf %mul3A_1312, %mul3A_1311 : vector<16xf32>
      %sub3A_1314 = arith.constant 1.500000e+00 : f32
      %sub3A_1315 = vector.broadcast %sub3A_1314 : f32 to vector<16xf32>
      %sub3A_1316 = arith.subf %sub3A_1315, %mul3A_1313 : vector<16xf32>
      %mul3A_1317 = arith.mulf %mul3A_1311, %sub3A_1316 : vector<16xf32>
      %mul3A_1318 = arith.mulf %max3A_1294, %mul3A_1317 : vector<16xf32>
      %swap3A_1319 = arith.constant 112 : index
      %swap3A_1320 = tpu.vector_load %arg9[%swap3A_1319] {strides = array<i32>} : memref<560xf32, #tpu.memory_space<vmem>>, vector<16xf32>,
      tpu.vector_store %arg9[%swap3A_1319], %mul3A_1318 {strides = array<i32>} : memref<560xf32, #tpu.memory_space<vmem>>, vector<16xf32>,
      %add3A_1321 = arith.addf %add3A_1197, %gather3A_984 : vector<16xf32>
      %add3A_1322 = arith.addf %add3A_1198, %gather3A_988 : vector<16xf32>
      %add3A_1323 = arith.addf %add3A_1199, %gather3A_992 : vector<16xf32>
      %add3A_1324 = arith.addf %add3A_1200, %gather3A_996 : vector<16xf32>
      %mul3A_1325 = arith.mulf %add3A_1321, %add3A_1321 : vector<16xf32>
      %mul3A_1326 = arith.mulf %add3A_1322, %add3A_1322 : vector<16xf32>
      %sub3A_1327 = arith.subf %mul3A_1325, %mul3A_1326 : vector<16xf32>
      %mul3A_1328 = arith.mulf %add3A_1323, %add3A_1323 : vector<16xf32>
      %sub3A_1329 = arith.subf %sub3A_1327, %mul3A_1328 : vector<16xf32>
      %mul3A_1330 = arith.mulf %add3A_1324, %add3A_1324 : vector<16xf32>
      %sub3A_1331 = arith.subf %sub3A_1329, %mul3A_1330 : vector<16xf32>
      %max3A_1332 = arith.constant 9.99999996E-13 : f32
      %max3A_1333 = vector.broadcast %max3A_1332 : f32 to vector<16xf32>
      %max3A_1334 = arith.maximumf %sub3A_1331, %max3A_1333 : vector<16xf32>
      %bitcast3A_1335 = vector.bitcast %max3A_1334 : vector<16xf32> to vector<16xi32>
      %shift_right_arithmetic3A_1336 = arith.constant 1 : i32
      %shift_right_arithmetic3A_1337 = vector.broadcast %shift_right_arithmetic3A_1336 : i32 to vector<16xi32>
      %shift_right_arithmetic3A_1338 = arith.shrsi %bitcast3A_1335, %shift_right_arithmetic3A_1337 : vector<16xi32>
      %sub3A_1339 = arith.constant 1597463007 : i32
      %sub3A_1340 = vector.broadcast %sub3A_1339 : i32 to vector<16xi32>
      %sub3A_1341 = arith.subi %sub3A_1340, %shift_right_arithmetic3A_1338 : vector<16xi32>
      %bitcast3A_1342 = vector.bitcast %sub3A_1341 : vector<16xi32> to vector<16xf32>
      %mul3A_1343 = arith.constant 5.000000e-01 : f32
      %mul3A_1344 = vector.broadcast %mul3A_1343 : f32 to vector<16xf32>
      %mul3A_1345 = arith.mulf %mul3A_1344, %max3A_1334 : vector<16xf32>
      %mul3A_1346 = arith.mulf %mul3A_1345, %bitcast3A_1342 : vector<16xf32>
      %mul3A_1347 = arith.mulf %mul3A_1346, %bitcast3A_1342 : vector<16xf32>
      %sub3A_1348 = arith.constant 1.500000e+00 : f32
      %sub3A_1349 = vector.broadcast %sub3A_1348 : f32 to vector<16xf32>
      %sub3A_1350 = arith.subf %sub3A_1349, %mul3A_1347 : vector<16xf32>
      %mul3A_1351 = arith.mulf %bitcast3A_1342, %sub3A_1350 : vector<16xf32>
      %mul3A_1352 = arith.mulf %mul3A_1345, %mul3A_1351 : vector<16xf32>
      %mul3A_1353 = arith.mulf %mul3A_1352, %mul3A_1351 : vector<16xf32>
      %sub3A_1354 = arith.constant 1.500000e+00 : f32
      %sub3A_1355 = vector.broadcast %sub3A_1354 : f32 to vector<16xf32>
      %sub3A_1356 = arith.subf %sub3A_1355, %mul3A_1353 : vector<16xf32>
      %mul3A_1357 = arith.mulf %mul3A_1351, %sub3A_1356 : vector<16xf32>
      %mul3A_1358 = arith.mulf %max3A_1334, %mul3A_1357 : vector<16xf32>
      %swap3A_1359 = arith.constant 128 : index
      %swap3A_1360 = tpu.vector_load %arg9[%swap3A_1359] {strides = array<i32>} : memref<560xf32, #tpu.memory_space<vmem>>, vector<16xf32>,
      tpu.vector_store %arg9[%swap3A_1359], %mul3A_1358 {strides = array<i32>} : memref<560xf32, #tpu.memory_space<vmem>>, vector<16xf32>,
      %add3A_1361 = arith.addf %gather3A_888, %gather3A_936 : vector<16xf32>
      %add3A_1362 = arith.addf %gather3A_892, %gather3A_940 : vector<16xf32>
      %add3A_1363 = arith.addf %gather3A_896, %gather3A_944 : vector<16xf32>
      %add3A_1364 = arith.addf %gather3A_900, %gather3A_948 : vector<16xf32>
      %add3A_1365 = arith.addf %add3A_1361, %gather3A_952 : vector<16xf32>
      %add3A_1366 = arith.addf %add3A_1362, %gather3A_956 : vector<16xf32>
      %add3A_1367 = arith.addf %add3A_1363, %gather3A_960 : vector<16xf32>
      %add3A_1368 = arith.addf %add3A_1364, %gather3A_964 : vector<16xf32>
      %mul3A_1369 = arith.mulf %add3A_1365, %add3A_1365 : vector<16xf32>
      %mul3A_1370 = arith.mulf %add3A_1366, %add3A_1366 : vector<16xf32>
      %sub3A_1371 = arith.subf %mul3A_1369, %mul3A_1370 : vector<16xf32>
      %mul3A_1372 = arith.mulf %add3A_1367, %add3A_1367 : vector<16xf32>
      %sub3A_1373 = arith.subf %sub3A_1371, %mul3A_1372 : vector<16xf32>
      %mul3A_1374 = arith.mulf %add3A_1368, %add3A_1368 : vector<16xf32>
      %sub3A_1375 = arith.subf %sub3A_1373, %mul3A_1374 : vector<16xf32>
      %max3A_1376 = arith.constant 9.99999996E-13 : f32
      %max3A_1377 = vector.broadcast %max3A_1376 : f32 to vector<16xf32>
      %max3A_1378 = arith.maximumf %sub3A_1375, %max3A_1377 : vector<16xf32>
      %bitcast3A_1379 = vector.bitcast %max3A_1378 : vector<16xf32> to vector<16xi32>
      %shift_right_arithmetic3A_1380 = arith.constant 1 : i32
      %shift_right_arithmetic3A_1381 = vector.broadcast %shift_right_arithmetic3A_1380 : i32 to vector<16xi32>
      %shift_right_arithmetic3A_1382 = arith.shrsi %bitcast3A_1379, %shift_right_arithmetic3A_1381 : vector<16xi32>
      %sub3A_1383 = arith.constant 1597463007 : i32
      %sub3A_1384 = vector.broadcast %sub3A_1383 : i32 to vector<16xi32>
      %sub3A_1385 = arith.subi %sub3A_1384, %shift_right_arithmetic3A_1382 : vector<16xi32>
      %bitcast3A_1386 = vector.bitcast %sub3A_1385 : vector<16xi32> to vector<16xf32>
      %mul3A_1387 = arith.constant 5.000000e-01 : f32
      %mul3A_1388 = vector.broadcast %mul3A_1387 : f32 to vector<16xf32>
      %mul3A_1389 = arith.mulf %mul3A_1388, %max3A_1378 : vector<16xf32>
      %mul3A_1390 = arith.mulf %mul3A_1389, %bitcast3A_1386 : vector<16xf32>
      %mul3A_1391 = arith.mulf %mul3A_1390, %bitcast3A_1386 : vector<16xf32>
      %sub3A_1392 = arith.constant 1.500000e+00 : f32
      %sub3A_1393 = vector.broadcast %sub3A_1392 : f32 to vector<16xf32>
      %sub3A_1394 = arith.subf %sub3A_1393, %mul3A_1391 : vector<16xf32>
      %mul3A_1395 = arith.mulf %bitcast3A_1386, %sub3A_1394 : vector<16xf32>
      %mul3A_1396 = arith.mulf %mul3A_1389, %mul3A_1395 : vector<16xf32>
      %mul3A_1397 = arith.mulf %mul3A_1396, %mul3A_1395 : vector<16xf32>
      %sub3A_1398 = arith.constant 1.500000e+00 : f32
      %sub3A_1399 = vector.broadcast %sub3A_1398 : f32 to vector<16xf32>
      %sub3A_1400 = arith.subf %sub3A_1399, %mul3A_1397 : vector<16xf32>
      %mul3A_1401 = arith.mulf %mul3A_1395, %sub3A_1400 : vector<16xf32>
      %mul3A_1402 = arith.mulf %max3A_1378, %mul3A_1401 : vector<16xf32>
      %swap3A_1403 = arith.constant 144 : index
      %swap3A_1404 = tpu.vector_load %arg9[%swap3A_1403] {strides = array<i32>} : memref<560xf32, #tpu.memory_space<vmem>>, vector<16xf32>,
      tpu.vector_store %arg9[%swap3A_1403], %mul3A_1402 {strides = array<i32>} : memref<560xf32, #tpu.memory_space<vmem>>, vector<16xf32>,
      %add3A_1405 = arith.addf %add3A_1361, %gather3A_968 : vector<16xf32>
      %add3A_1406 = arith.addf %add3A_1362, %gather3A_972 : vector<16xf32>
      %add3A_1407 = arith.addf %add3A_1363, %gather3A_976 : vector<16xf32>
      %add3A_1408 = arith.addf %add3A_1364, %gather3A_980 : vector<16xf32>
      %mul3A_1409 = arith.mulf %add3A_1405, %add3A_1405 : vector<16xf32>
      %mul3A_1410 = arith.mulf %add3A_1406, %add3A_1406 : vector<16xf32>
      %sub3A_1411 = arith.subf %mul3A_1409, %mul3A_1410 : vector<16xf32>
      %mul3A_1412 = arith.mulf %add3A_1407, %add3A_1407 : vector<16xf32>
      %sub3A_1413 = arith.subf %sub3A_1411, %mul3A_1412 : vector<16xf32>
      %mul3A_1414 = arith.mulf %add3A_1408, %add3A_1408 : vector<16xf32>
      %sub3A_1415 = arith.subf %sub3A_1413, %mul3A_1414 : vector<16xf32>
      %max3A_1416 = arith.constant 9.99999996E-13 : f32
      %max3A_1417 = vector.broadcast %max3A_1416 : f32 to vector<16xf32>
      %max3A_1418 = arith.maximumf %sub3A_1415, %max3A_1417 : vector<16xf32>
      %bitcast3A_1419 = vector.bitcast %max3A_1418 : vector<16xf32> to vector<16xi32>
      %shift_right_arithmetic3A_1420 = arith.constant 1 : i32
      %shift_right_arithmetic3A_1421 = vector.broadcast %shift_right_arithmetic3A_1420 : i32 to vector<16xi32>
      %shift_right_arithmetic3A_1422 = arith.shrsi %bitcast3A_1419, %shift_right_arithmetic3A_1421 : vector<16xi32>
      %sub3A_1423 = arith.constant 1597463007 : i32
      %sub3A_1424 = vector.broadcast %sub3A_1423 : i32 to vector<16xi32>
      %sub3A_1425 = arith.subi %sub3A_1424, %shift_right_arithmetic3A_1422 : vector<16xi32>
      %bitcast3A_1426 = vector.bitcast %sub3A_1425 : vector<16xi32> to vector<16xf32>
      %mul3A_1427 = arith.constant 5.000000e-01 : f32
      %mul3A_1428 = vector.broadcast %mul3A_1427 : f32 to vector<16xf32>
      %mul3A_1429 = arith.mulf %mul3A_1428, %max3A_1418 : vector<16xf32>
      %mul3A_1430 = arith.mulf %mul3A_1429, %bitcast3A_1426 : vector<16xf32>
      %mul3A_1431 = arith.mulf %mul3A_1430, %bitcast3A_1426 : vector<16xf32>
      %sub3A_1432 = arith.constant 1.500000e+00 : f32
      %sub3A_1433 = vector.broadcast %sub3A_1432 : f32 to vector<16xf32>
      %sub3A_1434 = arith.subf %sub3A_1433, %mul3A_1431 : vector<16xf32>
      %mul3A_1435 = arith.mulf %bitcast3A_1426, %sub3A_1434 : vector<16xf32>
      %mul3A_1436 = arith.mulf %mul3A_1429, %mul3A_1435 : vector<16xf32>
      %mul3A_1437 = arith.mulf %mul3A_1436, %mul3A_1435 : vector<16xf32>
      %sub3A_1438 = arith.constant 1.500000e+00 : f32
      %sub3A_1439 = vector.broadcast %sub3A_1438 : f32 to vector<16xf32>
      %sub3A_1440 = arith.subf %sub3A_1439, %mul3A_1437 : vector<16xf32>
      %mul3A_1441 = arith.mulf %mul3A_1435, %sub3A_1440 : vector<16xf32>
      %mul3A_1442 = arith.mulf %max3A_1418, %mul3A_1441 : vector<16xf32>
      %swap3A_1443 = arith.constant 160 : index
      %swap3A_1444 = tpu.vector_load %arg9[%swap3A_1443] {strides = array<i32>} : memref<560xf32, #tpu.memory_space<vmem>>, vector<16xf32>,
      tpu.vector_store %arg9[%swap3A_1443], %mul3A_1442 {strides = array<i32>} : memref<560xf32, #tpu.memory_space<vmem>>, vector<16xf32>,
      %add3A_1445 = arith.addf %add3A_1361, %gather3A_984 : vector<16xf32>
      %add3A_1446 = arith.addf %add3A_1362, %gather3A_988 : vector<16xf32>
      %add3A_1447 = arith.addf %add3A_1363, %gather3A_992 : vector<16xf32>
      %add3A_1448 = arith.addf %add3A_1364, %gather3A_996 : vector<16xf32>
      %mul3A_1449 = arith.mulf %add3A_1445, %add3A_1445 : vector<16xf32>
      %mul3A_1450 = arith.mulf %add3A_1446, %add3A_1446 : vector<16xf32>
      %sub3A_1451 = arith.subf %mul3A_1449, %mul3A_1450 : vector<16xf32>
      %mul3A_1452 = arith.mulf %add3A_1447, %add3A_1447 : vector<16xf32>
      %sub3A_1453 = arith.subf %sub3A_1451, %mul3A_1452 : vector<16xf32>
      %mul3A_1454 = arith.mulf %add3A_1448, %add3A_1448 : vector<16xf32>
      %sub3A_1455 = arith.subf %sub3A_1453, %mul3A_1454 : vector<16xf32>
      %max3A_1456 = arith.constant 9.99999996E-13 : f32
      %max3A_1457 = vector.broadcast %max3A_1456 : f32 to vector<16xf32>
      %max3A_1458 = arith.maximumf %sub3A_1455, %max3A_1457 : vector<16xf32>
      %bitcast3A_1459 = vector.bitcast %max3A_1458 : vector<16xf32> to vector<16xi32>
      %shift_right_arithmetic3A_1460 = arith.constant 1 : i32
      %shift_right_arithmetic3A_1461 = vector.broadcast %shift_right_arithmetic3A_1460 : i32 to vector<16xi32>
      %shift_right_arithmetic3A_1462 = arith.shrsi %bitcast3A_1459, %shift_right_arithmetic3A_1461 : vector<16xi32>
      %sub3A_1463 = arith.constant 1597463007 : i32
      %sub3A_1464 = vector.broadcast %sub3A_1463 : i32 to vector<16xi32>
      %sub3A_1465 = arith.subi %sub3A_1464, %shift_right_arithmetic3A_1462 : vector<16xi32>
      %bitcast3A_1466 = vector.bitcast %sub3A_1465 : vector<16xi32> to vector<16xf32>
      %mul3A_1467 = arith.constant 5.000000e-01 : f32
      %mul3A_1468 = vector.broadcast %mul3A_1467 : f32 to vector<16xf32>
      %mul3A_1469 = arith.mulf %mul3A_1468, %max3A_1458 : vector<16xf32>
      %mul3A_1470 = arith.mulf %mul3A_1469, %bitcast3A_1466 : vector<16xf32>
      %mul3A_1471 = arith.mulf %mul3A_1470, %bitcast3A_1466 : vector<16xf32>
      %sub3A_1472 = arith.constant 1.500000e+00 : f32
      %sub3A_1473 = vector.broadcast %sub3A_1472 : f32 to vector<16xf32>
      %sub3A_1474 = arith.subf %sub3A_1473, %mul3A_1471 : vector<16xf32>
      %mul3A_1475 = arith.mulf %bitcast3A_1466, %sub3A_1474 : vector<16xf32>
      %mul3A_1476 = arith.mulf %mul3A_1469, %mul3A_1475 : vector<16xf32>
      %mul3A_1477 = arith.mulf %mul3A_1476, %mul3A_1475 : vector<16xf32>
      %sub3A_1478 = arith.constant 1.500000e+00 : f32
      %sub3A_1479 = vector.broadcast %sub3A_1478 : f32 to vector<16xf32>
      %sub3A_1480 = arith.subf %sub3A_1479, %mul3A_1477 : vector<16xf32>
      %mul3A_1481 = arith.mulf %mul3A_1475, %sub3A_1480 : vector<16xf32>
      %mul3A_1482 = arith.mulf %max3A_1458, %mul3A_1481 : vector<16xf32>
      %swap3A_1483 = arith.constant 176 : index
      %swap3A_1484 = tpu.vector_load %arg9[%swap3A_1483] {strides = array<i32>} : memref<560xf32, #tpu.memory_space<vmem>>, vector<16xf32>,
      tpu.vector_store %arg9[%swap3A_1483], %mul3A_1482 {strides = array<i32>} : memref<560xf32, #tpu.memory_space<vmem>>, vector<16xf32>,
      %add3A_1485 = arith.addf %gather3A_888, %gather3A_952 : vector<16xf32>
      %add3A_1486 = arith.addf %gather3A_892, %gather3A_956 : vector<16xf32>
      %add3A_1487 = arith.addf %gather3A_896, %gather3A_960 : vector<16xf32>
      %add3A_1488 = arith.addf %gather3A_900, %gather3A_964 : vector<16xf32>
      %add3A_1489 = arith.addf %add3A_1485, %gather3A_968 : vector<16xf32>
      %add3A_1490 = arith.addf %add3A_1486, %gather3A_972 : vector<16xf32>
      %add3A_1491 = arith.addf %add3A_1487, %gather3A_976 : vector<16xf32>
      %add3A_1492 = arith.addf %add3A_1488, %gather3A_980 : vector<16xf32>
      %mul3A_1493 = arith.mulf %add3A_1489, %add3A_1489 : vector<16xf32>
      %mul3A_1494 = arith.mulf %add3A_1490, %add3A_1490 : vector<16xf32>
      %sub3A_1495 = arith.subf %mul3A_1493, %mul3A_1494 : vector<16xf32>
      %mul3A_1496 = arith.mulf %add3A_1491, %add3A_1491 : vector<16xf32>
      %sub3A_1497 = arith.subf %sub3A_1495, %mul3A_1496 : vector<16xf32>
      %mul3A_1498 = arith.mulf %add3A_1492, %add3A_1492 : vector<16xf32>
      %sub3A_1499 = arith.subf %sub3A_1497, %mul3A_1498 : vector<16xf32>
      %max3A_1500 = arith.constant 9.99999996E-13 : f32
      %max3A_1501 = vector.broadcast %max3A_1500 : f32 to vector<16xf32>
      %max3A_1502 = arith.maximumf %sub3A_1499, %max3A_1501 : vector<16xf32>
      %bitcast3A_1503 = vector.bitcast %max3A_1502 : vector<16xf32> to vector<16xi32>
      %shift_right_arithmetic3A_1504 = arith.constant 1 : i32
      %shift_right_arithmetic3A_1505 = vector.broadcast %shift_right_arithmetic3A_1504 : i32 to vector<16xi32>
      %shift_right_arithmetic3A_1506 = arith.shrsi %bitcast3A_1503, %shift_right_arithmetic3A_1505 : vector<16xi32>
      %sub3A_1507 = arith.constant 1597463007 : i32
      %sub3A_1508 = vector.broadcast %sub3A_1507 : i32 to vector<16xi32>
      %sub3A_1509 = arith.subi %sub3A_1508, %shift_right_arithmetic3A_1506 : vector<16xi32>
      %bitcast3A_1510 = vector.bitcast %sub3A_1509 : vector<16xi32> to vector<16xf32>
      %mul3A_1511 = arith.constant 5.000000e-01 : f32
      %mul3A_1512 = vector.broadcast %mul3A_1511 : f32 to vector<16xf32>
      %mul3A_1513 = arith.mulf %mul3A_1512, %max3A_1502 : vector<16xf32>
      %mul3A_1514 = arith.mulf %mul3A_1513, %bitcast3A_1510 : vector<16xf32>
      %mul3A_1515 = arith.mulf %mul3A_1514, %bitcast3A_1510 : vector<16xf32>
      %sub3A_1516 = arith.constant 1.500000e+00 : f32
      %sub3A_1517 = vector.broadcast %sub3A_1516 : f32 to vector<16xf32>
      %sub3A_1518 = arith.subf %sub3A_1517, %mul3A_1515 : vector<16xf32>
      %mul3A_1519 = arith.mulf %bitcast3A_1510, %sub3A_1518 : vector<16xf32>
      %mul3A_1520 = arith.mulf %mul3A_1513, %mul3A_1519 : vector<16xf32>
      %mul3A_1521 = arith.mulf %mul3A_1520, %mul3A_1519 : vector<16xf32>
      %sub3A_1522 = arith.constant 1.500000e+00 : f32
      %sub3A_1523 = vector.broadcast %sub3A_1522 : f32 to vector<16xf32>
      %sub3A_1524 = arith.subf %sub3A_1523, %mul3A_1521 : vector<16xf32>
      %mul3A_1525 = arith.mulf %mul3A_1519, %sub3A_1524 : vector<16xf32>
      %mul3A_1526 = arith.mulf %max3A_1502, %mul3A_1525 : vector<16xf32>
      %swap3A_1527 = arith.constant 192 : index
      %swap3A_1528 = tpu.vector_load %arg9[%swap3A_1527] {strides = array<i32>} : memref<560xf32, #tpu.memory_space<vmem>>, vector<16xf32>,
      tpu.vector_store %arg9[%swap3A_1527], %mul3A_1526 {strides = array<i32>} : memref<560xf32, #tpu.memory_space<vmem>>, vector<16xf32>,
      %add3A_1529 = arith.addf %add3A_1485, %gather3A_984 : vector<16xf32>
      %add3A_1530 = arith.addf %add3A_1486, %gather3A_988 : vector<16xf32>
      %add3A_1531 = arith.addf %add3A_1487, %gather3A_992 : vector<16xf32>
      %add3A_1532 = arith.addf %add3A_1488, %gather3A_996 : vector<16xf32>
      %mul3A_1533 = arith.mulf %add3A_1529, %add3A_1529 : vector<16xf32>
      %mul3A_1534 = arith.mulf %add3A_1530, %add3A_1530 : vector<16xf32>
      %sub3A_1535 = arith.subf %mul3A_1533, %mul3A_1534 : vector<16xf32>
      %mul3A_1536 = arith.mulf %add3A_1531, %add3A_1531 : vector<16xf32>
      %sub3A_1537 = arith.subf %sub3A_1535, %mul3A_1536 : vector<16xf32>
      %mul3A_1538 = arith.mulf %add3A_1532, %add3A_1532 : vector<16xf32>
      %sub3A_1539 = arith.subf %sub3A_1537, %mul3A_1538 : vector<16xf32>
      %max3A_1540 = arith.constant 9.99999996E-13 : f32
      %max3A_1541 = vector.broadcast %max3A_1540 : f32 to vector<16xf32>
      %max3A_1542 = arith.maximumf %sub3A_1539, %max3A_1541 : vector<16xf32>
      %bitcast3A_1543 = vector.bitcast %max3A_1542 : vector<16xf32> to vector<16xi32>
      %shift_right_arithmetic3A_1544 = arith.constant 1 : i32
      %shift_right_arithmetic3A_1545 = vector.broadcast %shift_right_arithmetic3A_1544 : i32 to vector<16xi32>
      %shift_right_arithmetic3A_1546 = arith.shrsi %bitcast3A_1543, %shift_right_arithmetic3A_1545 : vector<16xi32>
      %sub3A_1547 = arith.constant 1597463007 : i32
      %sub3A_1548 = vector.broadcast %sub3A_1547 : i32 to vector<16xi32>
      %sub3A_1549 = arith.subi %sub3A_1548, %shift_right_arithmetic3A_1546 : vector<16xi32>
      %bitcast3A_1550 = vector.bitcast %sub3A_1549 : vector<16xi32> to vector<16xf32>
      %mul3A_1551 = arith.constant 5.000000e-01 : f32
      %mul3A_1552 = vector.broadcast %mul3A_1551 : f32 to vector<16xf32>
      %mul3A_1553 = arith.mulf %mul3A_1552, %max3A_1542 : vector<16xf32>
      %mul3A_1554 = arith.mulf %mul3A_1553, %bitcast3A_1550 : vector<16xf32>
      %mul3A_1555 = arith.mulf %mul3A_1554, %bitcast3A_1550 : vector<16xf32>
      %sub3A_1556 = arith.constant 1.500000e+00 : f32
      %sub3A_1557 = vector.broadcast %sub3A_1556 : f32 to vector<16xf32>
      %sub3A_1558 = arith.subf %sub3A_1557, %mul3A_1555 : vector<16xf32>
      %mul3A_1559 = arith.mulf %bitcast3A_1550, %sub3A_1558 : vector<16xf32>
      %mul3A_1560 = arith.mulf %mul3A_1553, %mul3A_1559 : vector<16xf32>
      %mul3A_1561 = arith.mulf %mul3A_1560, %mul3A_1559 : vector<16xf32>
      %sub3A_1562 = arith.constant 1.500000e+00 : f32
      %sub3A_1563 = vector.broadcast %sub3A_1562 : f32 to vector<16xf32>
      %sub3A_1564 = arith.subf %sub3A_1563, %mul3A_1561 : vector<16xf32>
      %mul3A_1565 = arith.mulf %mul3A_1559, %sub3A_1564 : vector<16xf32>
      %mul3A_1566 = arith.mulf %max3A_1542, %mul3A_1565 : vector<16xf32>
      %swap3A_1567 = arith.constant 208 : index
      %swap3A_1568 = tpu.vector_load %arg9[%swap3A_1567] {strides = array<i32>} : memref<560xf32, #tpu.memory_space<vmem>>, vector<16xf32>,
      tpu.vector_store %arg9[%swap3A_1567], %mul3A_1566 {strides = array<i32>} : memref<560xf32, #tpu.memory_space<vmem>>, vector<16xf32>,
      %add3A_1569 = arith.addf %gather3A_888, %gather3A_968 : vector<16xf32>
      %add3A_1570 = arith.addf %gather3A_892, %gather3A_972 : vector<16xf32>
      %add3A_1571 = arith.addf %gather3A_896, %gather3A_976 : vector<16xf32>
      %add3A_1572 = arith.addf %gather3A_900, %gather3A_980 : vector<16xf32>
      %add3A_1573 = arith.addf %add3A_1569, %gather3A_984 : vector<16xf32>
      %add3A_1574 = arith.addf %add3A_1570, %gather3A_988 : vector<16xf32>
      %add3A_1575 = arith.addf %add3A_1571, %gather3A_992 : vector<16xf32>
      %add3A_1576 = arith.addf %add3A_1572, %gather3A_996 : vector<16xf32>
      %mul3A_1577 = arith.mulf %add3A_1573, %add3A_1573 : vector<16xf32>
      %mul3A_1578 = arith.mulf %add3A_1574, %add3A_1574 : vector<16xf32>
      %sub3A_1579 = arith.subf %mul3A_1577, %mul3A_1578 : vector<16xf32>
      %mul3A_1580 = arith.mulf %add3A_1575, %add3A_1575 : vector<16xf32>
      %sub3A_1581 = arith.subf %sub3A_1579, %mul3A_1580 : vector<16xf32>
      %mul3A_1582 = arith.mulf %add3A_1576, %add3A_1576 : vector<16xf32>
      %sub3A_1583 = arith.subf %sub3A_1581, %mul3A_1582 : vector<16xf32>
      %max3A_1584 = arith.constant 9.99999996E-13 : f32
      %max3A_1585 = vector.broadcast %max3A_1584 : f32 to vector<16xf32>
      %max3A_1586 = arith.maximumf %sub3A_1583, %max3A_1585 : vector<16xf32>
      %bitcast3A_1587 = vector.bitcast %max3A_1586 : vector<16xf32> to vector<16xi32>
      %shift_right_arithmetic3A_1588 = arith.constant 1 : i32
      %shift_right_arithmetic3A_1589 = vector.broadcast %shift_right_arithmetic3A_1588 : i32 to vector<16xi32>
      %shift_right_arithmetic3A_1590 = arith.shrsi %bitcast3A_1587, %shift_right_arithmetic3A_1589 : vector<16xi32>
      %sub3A_1591 = arith.constant 1597463007 : i32
      %sub3A_1592 = vector.broadcast %sub3A_1591 : i32 to vector<16xi32>
      %sub3A_1593 = arith.subi %sub3A_1592, %shift_right_arithmetic3A_1590 : vector<16xi32>
      %bitcast3A_1594 = vector.bitcast %sub3A_1593 : vector<16xi32> to vector<16xf32>
      %mul3A_1595 = arith.constant 5.000000e-01 : f32
      %mul3A_1596 = vector.broadcast %mul3A_1595 : f32 to vector<16xf32>
      %mul3A_1597 = arith.mulf %mul3A_1596, %max3A_1586 : vector<16xf32>
      %mul3A_1598 = arith.mulf %mul3A_1597, %bitcast3A_1594 : vector<16xf32>
      %mul3A_1599 = arith.mulf %mul3A_1598, %bitcast3A_1594 : vector<16xf32>
      %sub3A_1600 = arith.constant 1.500000e+00 : f32
      %sub3A_1601 = vector.broadcast %sub3A_1600 : f32 to vector<16xf32>
      %sub3A_1602 = arith.subf %sub3A_1601, %mul3A_1599 : vector<16xf32>
      %mul3A_1603 = arith.mulf %bitcast3A_1594, %sub3A_1602 : vector<16xf32>
      %mul3A_1604 = arith.mulf %mul3A_1597, %mul3A_1603 : vector<16xf32>
      %mul3A_1605 = arith.mulf %mul3A_1604, %mul3A_1603 : vector<16xf32>
      %sub3A_1606 = arith.constant 1.500000e+00 : f32
      %sub3A_1607 = vector.broadcast %sub3A_1606 : f32 to vector<16xf32>
      %sub3A_1608 = arith.subf %sub3A_1607, %mul3A_1605 : vector<16xf32>
      %mul3A_1609 = arith.mulf %mul3A_1603, %sub3A_1608 : vector<16xf32>
      %mul3A_1610 = arith.mulf %max3A_1586, %mul3A_1609 : vector<16xf32>
      %swap3A_1611 = arith.constant 224 : index
      %swap3A_1612 = tpu.vector_load %arg9[%swap3A_1611] {strides = array<i32>} : memref<560xf32, #tpu.memory_space<vmem>>, vector<16xf32>,
      tpu.vector_store %arg9[%swap3A_1611], %mul3A_1610 {strides = array<i32>} : memref<560xf32, #tpu.memory_space<vmem>>, vector<16xf32>,
      %add3A_1613 = arith.addf %gather3A_904, %gather3A_920 : vector<16xf32>
      %add3A_1614 = arith.addf %gather3A_908, %gather3A_924 : vector<16xf32>
      %add3A_1615 = arith.addf %gather3A_912, %gather3A_928 : vector<16xf32>
      %add3A_1616 = arith.addf %gather3A_916, %gather3A_932 : vector<16xf32>
      %add3A_1617 = arith.addf %add3A_1613, %gather3A_936 : vector<16xf32>
      %add3A_1618 = arith.addf %add3A_1614, %gather3A_940 : vector<16xf32>
      %add3A_1619 = arith.addf %add3A_1615, %gather3A_944 : vector<16xf32>
      %add3A_1620 = arith.addf %add3A_1616, %gather3A_948 : vector<16xf32>
      %mul3A_1621 = arith.mulf %add3A_1617, %add3A_1617 : vector<16xf32>
      %mul3A_1622 = arith.mulf %add3A_1618, %add3A_1618 : vector<16xf32>
      %sub3A_1623 = arith.subf %mul3A_1621, %mul3A_1622 : vector<16xf32>
      %mul3A_1624 = arith.mulf %add3A_1619, %add3A_1619 : vector<16xf32>
      %sub3A_1625 = arith.subf %sub3A_1623, %mul3A_1624 : vector<16xf32>
      %mul3A_1626 = arith.mulf %add3A_1620, %add3A_1620 : vector<16xf32>
      %sub3A_1627 = arith.subf %sub3A_1625, %mul3A_1626 : vector<16xf32>
      %max3A_1628 = arith.constant 9.99999996E-13 : f32
      %max3A_1629 = vector.broadcast %max3A_1628 : f32 to vector<16xf32>
      %max3A_1630 = arith.maximumf %sub3A_1627, %max3A_1629 : vector<16xf32>
      %bitcast3A_1631 = vector.bitcast %max3A_1630 : vector<16xf32> to vector<16xi32>
      %shift_right_arithmetic3A_1632 = arith.constant 1 : i32
      %shift_right_arithmetic3A_1633 = vector.broadcast %shift_right_arithmetic3A_1632 : i32 to vector<16xi32>
      %shift_right_arithmetic3A_1634 = arith.shrsi %bitcast3A_1631, %shift_right_arithmetic3A_1633 : vector<16xi32>
      %sub3A_1635 = arith.constant 1597463007 : i32
      %sub3A_1636 = vector.broadcast %sub3A_1635 : i32 to vector<16xi32>
      %sub3A_1637 = arith.subi %sub3A_1636, %shift_right_arithmetic3A_1634 : vector<16xi32>
      %bitcast3A_1638 = vector.bitcast %sub3A_1637 : vector<16xi32> to vector<16xf32>
      %mul3A_1639 = arith.constant 5.000000e-01 : f32
      %mul3A_1640 = vector.broadcast %mul3A_1639 : f32 to vector<16xf32>
      %mul3A_1641 = arith.mulf %mul3A_1640, %max3A_1630 : vector<16xf32>
      %mul3A_1642 = arith.mulf %mul3A_1641, %bitcast3A_1638 : vector<16xf32>
      %mul3A_1643 = arith.mulf %mul3A_1642, %bitcast3A_1638 : vector<16xf32>
      %sub3A_1644 = arith.constant 1.500000e+00 : f32
      %sub3A_1645 = vector.broadcast %sub3A_1644 : f32 to vector<16xf32>
      %sub3A_1646 = arith.subf %sub3A_1645, %mul3A_1643 : vector<16xf32>
      %mul3A_1647 = arith.mulf %bitcast3A_1638, %sub3A_1646 : vector<16xf32>
      %mul3A_1648 = arith.mulf %mul3A_1641, %mul3A_1647 : vector<16xf32>
      %mul3A_1649 = arith.mulf %mul3A_1648, %mul3A_1647 : vector<16xf32>
      %sub3A_1650 = arith.constant 1.500000e+00 : f32
      %sub3A_1651 = vector.broadcast %sub3A_1650 : f32 to vector<16xf32>
      %sub3A_1652 = arith.subf %sub3A_1651, %mul3A_1649 : vector<16xf32>
      %mul3A_1653 = arith.mulf %mul3A_1647, %sub3A_1652 : vector<16xf32>
      %mul3A_1654 = arith.mulf %max3A_1630, %mul3A_1653 : vector<16xf32>
      %swap3A_1655 = arith.constant 240 : index
      %swap3A_1656 = tpu.vector_load %arg9[%swap3A_1655] {strides = array<i32>} : memref<560xf32, #tpu.memory_space<vmem>>, vector<16xf32>,
      tpu.vector_store %arg9[%swap3A_1655], %mul3A_1654 {strides = array<i32>} : memref<560xf32, #tpu.memory_space<vmem>>, vector<16xf32>,
      %add3A_1657 = arith.addf %add3A_1613, %gather3A_952 : vector<16xf32>
      %add3A_1658 = arith.addf %add3A_1614, %gather3A_956 : vector<16xf32>
      %add3A_1659 = arith.addf %add3A_1615, %gather3A_960 : vector<16xf32>
      %add3A_1660 = arith.addf %add3A_1616, %gather3A_964 : vector<16xf32>
      %mul3A_1661 = arith.mulf %add3A_1657, %add3A_1657 : vector<16xf32>
      %mul3A_1662 = arith.mulf %add3A_1658, %add3A_1658 : vector<16xf32>
      %sub3A_1663 = arith.subf %mul3A_1661, %mul3A_1662 : vector<16xf32>
      %mul3A_1664 = arith.mulf %add3A_1659, %add3A_1659 : vector<16xf32>
      %sub3A_1665 = arith.subf %sub3A_1663, %mul3A_1664 : vector<16xf32>
      %mul3A_1666 = arith.mulf %add3A_1660, %add3A_1660 : vector<16xf32>
      %sub3A_1667 = arith.subf %sub3A_1665, %mul3A_1666 : vector<16xf32>
      %max3A_1668 = arith.constant 9.99999996E-13 : f32
      %max3A_1669 = vector.broadcast %max3A_1668 : f32 to vector<16xf32>
      %max3A_1670 = arith.maximumf %sub3A_1667, %max3A_1669 : vector<16xf32>
      %bitcast3A_1671 = vector.bitcast %max3A_1670 : vector<16xf32> to vector<16xi32>
      %shift_right_arithmetic3A_1672 = arith.constant 1 : i32
      %shift_right_arithmetic3A_1673 = vector.broadcast %shift_right_arithmetic3A_1672 : i32 to vector<16xi32>
      %shift_right_arithmetic3A_1674 = arith.shrsi %bitcast3A_1671, %shift_right_arithmetic3A_1673 : vector<16xi32>
      %sub3A_1675 = arith.constant 1597463007 : i32
      %sub3A_1676 = vector.broadcast %sub3A_1675 : i32 to vector<16xi32>
      %sub3A_1677 = arith.subi %sub3A_1676, %shift_right_arithmetic3A_1674 : vector<16xi32>
      %bitcast3A_1678 = vector.bitcast %sub3A_1677 : vector<16xi32> to vector<16xf32>
      %mul3A_1679 = arith.constant 5.000000e-01 : f32
      %mul3A_1680 = vector.broadcast %mul3A_1679 : f32 to vector<16xf32>
      %mul3A_1681 = arith.mulf %mul3A_1680, %max3A_1670 : vector<16xf32>
      %mul3A_1682 = arith.mulf %mul3A_1681, %bitcast3A_1678 : vector<16xf32>
      %mul3A_1683 = arith.mulf %mul3A_1682, %bitcast3A_1678 : vector<16xf32>
      %sub3A_1684 = arith.constant 1.500000e+00 : f32
      %sub3A_1685 = vector.broadcast %sub3A_1684 : f32 to vector<16xf32>
      %sub3A_1686 = arith.subf %sub3A_1685, %mul3A_1683 : vector<16xf32>
      %mul3A_1687 = arith.mulf %bitcast3A_1678, %sub3A_1686 : vector<16xf32>
      %mul3A_1688 = arith.mulf %mul3A_1681, %mul3A_1687 : vector<16xf32>
      %mul3A_1689 = arith.mulf %mul3A_1688, %mul3A_1687 : vector<16xf32>
      %sub3A_1690 = arith.constant 1.500000e+00 : f32
      %sub3A_1691 = vector.broadcast %sub3A_1690 : f32 to vector<16xf32>
      %sub3A_1692 = arith.subf %sub3A_1691, %mul3A_1689 : vector<16xf32>
      %mul3A_1693 = arith.mulf %mul3A_1687, %sub3A_1692 : vector<16xf32>
      %mul3A_1694 = arith.mulf %max3A_1670, %mul3A_1693 : vector<16xf32>
      %swap3A_1695 = arith.constant 256 : index
      %swap3A_1696 = tpu.vector_load %arg9[%swap3A_1695] {strides = array<i32>} : memref<560xf32, #tpu.memory_space<vmem>>, vector<16xf32>,
      tpu.vector_store %arg9[%swap3A_1695], %mul3A_1694 {strides = array<i32>} : memref<560xf32, #tpu.memory_space<vmem>>, vector<16xf32>,
      %add3A_1697 = arith.addf %add3A_1613, %gather3A_968 : vector<16xf32>
      %add3A_1698 = arith.addf %add3A_1614, %gather3A_972 : vector<16xf32>
      %add3A_1699 = arith.addf %add3A_1615, %gather3A_976 : vector<16xf32>
      %add3A_1700 = arith.addf %add3A_1616, %gather3A_980 : vector<16xf32>
      %mul3A_1701 = arith.mulf %add3A_1697, %add3A_1697 : vector<16xf32>
      %mul3A_1702 = arith.mulf %add3A_1698, %add3A_1698 : vector<16xf32>
      %sub3A_1703 = arith.subf %mul3A_1701, %mul3A_1702 : vector<16xf32>
      %mul3A_1704 = arith.mulf %add3A_1699, %add3A_1699 : vector<16xf32>
      %sub3A_1705 = arith.subf %sub3A_1703, %mul3A_1704 : vector<16xf32>
      %mul3A_1706 = arith.mulf %add3A_1700, %add3A_1700 : vector<16xf32>
      %sub3A_1707 = arith.subf %sub3A_1705, %mul3A_1706 : vector<16xf32>
      %max3A_1708 = arith.constant 9.99999996E-13 : f32
      %max3A_1709 = vector.broadcast %max3A_1708 : f32 to vector<16xf32>
      %max3A_1710 = arith.maximumf %sub3A_1707, %max3A_1709 : vector<16xf32>
      %bitcast3A_1711 = vector.bitcast %max3A_1710 : vector<16xf32> to vector<16xi32>
      %shift_right_arithmetic3A_1712 = arith.constant 1 : i32
      %shift_right_arithmetic3A_1713 = vector.broadcast %shift_right_arithmetic3A_1712 : i32 to vector<16xi32>
      %shift_right_arithmetic3A_1714 = arith.shrsi %bitcast3A_1711, %shift_right_arithmetic3A_1713 : vector<16xi32>
      %sub3A_1715 = arith.constant 1597463007 : i32
      %sub3A_1716 = vector.broadcast %sub3A_1715 : i32 to vector<16xi32>
      %sub3A_1717 = arith.subi %sub3A_1716, %shift_right_arithmetic3A_1714 : vector<16xi32>
      %bitcast3A_1718 = vector.bitcast %sub3A_1717 : vector<16xi32> to vector<16xf32>
      %mul3A_1719 = arith.constant 5.000000e-01 : f32
      %mul3A_1720 = vector.broadcast %mul3A_1719 : f32 to vector<16xf32>
      %mul3A_1721 = arith.mulf %mul3A_1720, %max3A_1710 : vector<16xf32>
      %mul3A_1722 = arith.mulf %mul3A_1721, %bitcast3A_1718 : vector<16xf32>
      %mul3A_1723 = arith.mulf %mul3A_1722, %bitcast3A_1718 : vector<16xf32>
      %sub3A_1724 = arith.constant 1.500000e+00 : f32
      %sub3A_1725 = vector.broadcast %sub3A_1724 : f32 to vector<16xf32>
      %sub3A_1726 = arith.subf %sub3A_1725, %mul3A_1723 : vector<16xf32>
      %mul3A_1727 = arith.mulf %bitcast3A_1718, %sub3A_1726 : vector<16xf32>
      %mul3A_1728 = arith.mulf %mul3A_1721, %mul3A_1727 : vector<16xf32>
      %mul3A_1729 = arith.mulf %mul3A_1728, %mul3A_1727 : vector<16xf32>
      %sub3A_1730 = arith.constant 1.500000e+00 : f32
      %sub3A_1731 = vector.broadcast %sub3A_1730 : f32 to vector<16xf32>
      %sub3A_1732 = arith.subf %sub3A_1731, %mul3A_1729 : vector<16xf32>
      %mul3A_1733 = arith.mulf %mul3A_1727, %sub3A_1732 : vector<16xf32>
      %mul3A_1734 = arith.mulf %max3A_1710, %mul3A_1733 : vector<16xf32>
      %swap3A_1735 = arith.constant 272 : index
      %swap3A_1736 = tpu.vector_load %arg9[%swap3A_1735] {strides = array<i32>} : memref<560xf32, #tpu.memory_space<vmem>>, vector<16xf32>,
      tpu.vector_store %arg9[%swap3A_1735], %mul3A_1734 {strides = array<i32>} : memref<560xf32, #tpu.memory_space<vmem>>, vector<16xf32>,
      %add3A_1737 = arith.addf %add3A_1613, %gather3A_984 : vector<16xf32>
      %add3A_1738 = arith.addf %add3A_1614, %gather3A_988 : vector<16xf32>
      %add3A_1739 = arith.addf %add3A_1615, %gather3A_992 : vector<16xf32>
      %add3A_1740 = arith.addf %add3A_1616, %gather3A_996 : vector<16xf32>
      %mul3A_1741 = arith.mulf %add3A_1737, %add3A_1737 : vector<16xf32>
      %mul3A_1742 = arith.mulf %add3A_1738, %add3A_1738 : vector<16xf32>
      %sub3A_1743 = arith.subf %mul3A_1741, %mul3A_1742 : vector<16xf32>
      %mul3A_1744 = arith.mulf %add3A_1739, %add3A_1739 : vector<16xf32>
      %sub3A_1745 = arith.subf %sub3A_1743, %mul3A_1744 : vector<16xf32>
      %mul3A_1746 = arith.mulf %add3A_1740, %add3A_1740 : vector<16xf32>
      %sub3A_1747 = arith.subf %sub3A_1745, %mul3A_1746 : vector<16xf32>
      %max3A_1748 = arith.constant 9.99999996E-13 : f32
      %max3A_1749 = vector.broadcast %max3A_1748 : f32 to vector<16xf32>
      %max3A_1750 = arith.maximumf %sub3A_1747, %max3A_1749 : vector<16xf32>
      %bitcast3A_1751 = vector.bitcast %max3A_1750 : vector<16xf32> to vector<16xi32>
      %shift_right_arithmetic3A_1752 = arith.constant 1 : i32
      %shift_right_arithmetic3A_1753 = vector.broadcast %shift_right_arithmetic3A_1752 : i32 to vector<16xi32>
      %shift_right_arithmetic3A_1754 = arith.shrsi %bitcast3A_1751, %shift_right_arithmetic3A_1753 : vector<16xi32>
      %sub3A_1755 = arith.constant 1597463007 : i32
      %sub3A_1756 = vector.broadcast %sub3A_1755 : i32 to vector<16xi32>
      %sub3A_1757 = arith.subi %sub3A_1756, %shift_right_arithmetic3A_1754 : vector<16xi32>
      %bitcast3A_1758 = vector.bitcast %sub3A_1757 : vector<16xi32> to vector<16xf32>
      %mul3A_1759 = arith.constant 5.000000e-01 : f32
      %mul3A_1760 = vector.broadcast %mul3A_1759 : f32 to vector<16xf32>
      %mul3A_1761 = arith.mulf %mul3A_1760, %max3A_1750 : vector<16xf32>
      %mul3A_1762 = arith.mulf %mul3A_1761, %bitcast3A_1758 : vector<16xf32>
      %mul3A_1763 = arith.mulf %mul3A_1762, %bitcast3A_1758 : vector<16xf32>
      %sub3A_1764 = arith.constant 1.500000e+00 : f32
      %sub3A_1765 = vector.broadcast %sub3A_1764 : f32 to vector<16xf32>
      %sub3A_1766 = arith.subf %sub3A_1765, %mul3A_1763 : vector<16xf32>
      %mul3A_1767 = arith.mulf %bitcast3A_1758, %sub3A_1766 : vector<16xf32>
      %mul3A_1768 = arith.mulf %mul3A_1761, %mul3A_1767 : vector<16xf32>
      %mul3A_1769 = arith.mulf %mul3A_1768, %mul3A_1767 : vector<16xf32>
      %sub3A_1770 = arith.constant 1.500000e+00 : f32
      %sub3A_1771 = vector.broadcast %sub3A_1770 : f32 to vector<16xf32>
      %sub3A_1772 = arith.subf %sub3A_1771, %mul3A_1769 : vector<16xf32>
      %mul3A_1773 = arith.mulf %mul3A_1767, %sub3A_1772 : vector<16xf32>
      %mul3A_1774 = arith.mulf %max3A_1750, %mul3A_1773 : vector<16xf32>
      %swap3A_1775 = arith.constant 288 : index
      %swap3A_1776 = tpu.vector_load %arg9[%swap3A_1775] {strides = array<i32>} : memref<560xf32, #tpu.memory_space<vmem>>, vector<16xf32>,
      tpu.vector_store %arg9[%swap3A_1775], %mul3A_1774 {strides = array<i32>} : memref<560xf32, #tpu.memory_space<vmem>>, vector<16xf32>,
      %add3A_1777 = arith.addf %gather3A_904, %gather3A_936 : vector<16xf32>
      %add3A_1778 = arith.addf %gather3A_908, %gather3A_940 : vector<16xf32>
      %add3A_1779 = arith.addf %gather3A_912, %gather3A_944 : vector<16xf32>
      %add3A_1780 = arith.addf %gather3A_916, %gather3A_948 : vector<16xf32>
      %add3A_1781 = arith.addf %add3A_1777, %gather3A_952 : vector<16xf32>
      %add3A_1782 = arith.addf %add3A_1778, %gather3A_956 : vector<16xf32>
      %add3A_1783 = arith.addf %add3A_1779, %gather3A_960 : vector<16xf32>
      %add3A_1784 = arith.addf %add3A_1780, %gather3A_964 : vector<16xf32>
      %mul3A_1785 = arith.mulf %add3A_1781, %add3A_1781 : vector<16xf32>
      %mul3A_1786 = arith.mulf %add3A_1782, %add3A_1782 : vector<16xf32>
      %sub3A_1787 = arith.subf %mul3A_1785, %mul3A_1786 : vector<16xf32>
      %mul3A_1788 = arith.mulf %add3A_1783, %add3A_1783 : vector<16xf32>
      %sub3A_1789 = arith.subf %sub3A_1787, %mul3A_1788 : vector<16xf32>
      %mul3A_1790 = arith.mulf %add3A_1784, %add3A_1784 : vector<16xf32>
      %sub3A_1791 = arith.subf %sub3A_1789, %mul3A_1790 : vector<16xf32>
      %max3A_1792 = arith.constant 9.99999996E-13 : f32
      %max3A_1793 = vector.broadcast %max3A_1792 : f32 to vector<16xf32>
      %max3A_1794 = arith.maximumf %sub3A_1791, %max3A_1793 : vector<16xf32>
      %bitcast3A_1795 = vector.bitcast %max3A_1794 : vector<16xf32> to vector<16xi32>
      %shift_right_arithmetic3A_1796 = arith.constant 1 : i32
      %shift_right_arithmetic3A_1797 = vector.broadcast %shift_right_arithmetic3A_1796 : i32 to vector<16xi32>
      %shift_right_arithmetic3A_1798 = arith.shrsi %bitcast3A_1795, %shift_right_arithmetic3A_1797 : vector<16xi32>
      %sub3A_1799 = arith.constant 1597463007 : i32
      %sub3A_1800 = vector.broadcast %sub3A_1799 : i32 to vector<16xi32>
      %sub3A_1801 = arith.subi %sub3A_1800, %shift_right_arithmetic3A_1798 : vector<16xi32>
      %bitcast3A_1802 = vector.bitcast %sub3A_1801 : vector<16xi32> to vector<16xf32>
      %mul3A_1803 = arith.constant 5.000000e-01 : f32
      %mul3A_1804 = vector.broadcast %mul3A_1803 : f32 to vector<16xf32>
      %mul3A_1805 = arith.mulf %mul3A_1804, %max3A_1794 : vector<16xf32>
      %mul3A_1806 = arith.mulf %mul3A_1805, %bitcast3A_1802 : vector<16xf32>
      %mul3A_1807 = arith.mulf %mul3A_1806, %bitcast3A_1802 : vector<16xf32>
      %sub3A_1808 = arith.constant 1.500000e+00 : f32
      %sub3A_1809 = vector.broadcast %sub3A_1808 : f32 to vector<16xf32>
      %sub3A_1810 = arith.subf %sub3A_1809, %mul3A_1807 : vector<16xf32>
      %mul3A_1811 = arith.mulf %bitcast3A_1802, %sub3A_1810 : vector<16xf32>
      %mul3A_1812 = arith.mulf %mul3A_1805, %mul3A_1811 : vector<16xf32>
      %mul3A_1813 = arith.mulf %mul3A_1812, %mul3A_1811 : vector<16xf32>
      %sub3A_1814 = arith.constant 1.500000e+00 : f32
      %sub3A_1815 = vector.broadcast %sub3A_1814 : f32 to vector<16xf32>
      %sub3A_1816 = arith.subf %sub3A_1815, %mul3A_1813 : vector<16xf32>
      %mul3A_1817 = arith.mulf %mul3A_1811, %sub3A_1816 : vector<16xf32>
      %mul3A_1818 = arith.mulf %max3A_1794, %mul3A_1817 : vector<16xf32>
      %swap3A_1819 = arith.constant 304 : index
      %swap3A_1820 = tpu.vector_load %arg9[%swap3A_1819] {strides = array<i32>} : memref<560xf32, #tpu.memory_space<vmem>>, vector<16xf32>,
      tpu.vector_store %arg9[%swap3A_1819], %mul3A_1818 {strides = array<i32>} : memref<560xf32, #tpu.memory_space<vmem>>, vector<16xf32>,
      %add3A_1821 = arith.addf %add3A_1777, %gather3A_968 : vector<16xf32>
      %add3A_1822 = arith.addf %add3A_1778, %gather3A_972 : vector<16xf32>
      %add3A_1823 = arith.addf %add3A_1779, %gather3A_976 : vector<16xf32>
      %add3A_1824 = arith.addf %add3A_1780, %gather3A_980 : vector<16xf32>
      %mul3A_1825 = arith.mulf %add3A_1821, %add3A_1821 : vector<16xf32>
      %mul3A_1826 = arith.mulf %add3A_1822, %add3A_1822 : vector<16xf32>
      %sub3A_1827 = arith.subf %mul3A_1825, %mul3A_1826 : vector<16xf32>
      %mul3A_1828 = arith.mulf %add3A_1823, %add3A_1823 : vector<16xf32>
      %sub3A_1829 = arith.subf %sub3A_1827, %mul3A_1828 : vector<16xf32>
      %mul3A_1830 = arith.mulf %add3A_1824, %add3A_1824 : vector<16xf32>
      %sub3A_1831 = arith.subf %sub3A_1829, %mul3A_1830 : vector<16xf32>
      %max3A_1832 = arith.constant 9.99999996E-13 : f32
      %max3A_1833 = vector.broadcast %max3A_1832 : f32 to vector<16xf32>
      %max3A_1834 = arith.maximumf %sub3A_1831, %max3A_1833 : vector<16xf32>
      %bitcast3A_1835 = vector.bitcast %max3A_1834 : vector<16xf32> to vector<16xi32>
      %shift_right_arithmetic3A_1836 = arith.constant 1 : i32
      %shift_right_arithmetic3A_1837 = vector.broadcast %shift_right_arithmetic3A_1836 : i32 to vector<16xi32>
      %shift_right_arithmetic3A_1838 = arith.shrsi %bitcast3A_1835, %shift_right_arithmetic3A_1837 : vector<16xi32>
      %sub3A_1839 = arith.constant 1597463007 : i32
      %sub3A_1840 = vector.broadcast %sub3A_1839 : i32 to vector<16xi32>
      %sub3A_1841 = arith.subi %sub3A_1840, %shift_right_arithmetic3A_1838 : vector<16xi32>
      %bitcast3A_1842 = vector.bitcast %sub3A_1841 : vector<16xi32> to vector<16xf32>
      %mul3A_1843 = arith.constant 5.000000e-01 : f32
      %mul3A_1844 = vector.broadcast %mul3A_1843 : f32 to vector<16xf32>
      %mul3A_1845 = arith.mulf %mul3A_1844, %max3A_1834 : vector<16xf32>
      %mul3A_1846 = arith.mulf %mul3A_1845, %bitcast3A_1842 : vector<16xf32>
      %mul3A_1847 = arith.mulf %mul3A_1846, %bitcast3A_1842 : vector<16xf32>
      %sub3A_1848 = arith.constant 1.500000e+00 : f32
      %sub3A_1849 = vector.broadcast %sub3A_1848 : f32 to vector<16xf32>
      %sub3A_1850 = arith.subf %sub3A_1849, %mul3A_1847 : vector<16xf32>
      %mul3A_1851 = arith.mulf %bitcast3A_1842, %sub3A_1850 : vector<16xf32>
      %mul3A_1852 = arith.mulf %mul3A_1845, %mul3A_1851 : vector<16xf32>
      %mul3A_1853 = arith.mulf %mul3A_1852, %mul3A_1851 : vector<16xf32>
      %sub3A_1854 = arith.constant 1.500000e+00 : f32
      %sub3A_1855 = vector.broadcast %sub3A_1854 : f32 to vector<16xf32>
      %sub3A_1856 = arith.subf %sub3A_1855, %mul3A_1853 : vector<16xf32>
      %mul3A_1857 = arith.mulf %mul3A_1851, %sub3A_1856 : vector<16xf32>
      %mul3A_1858 = arith.mulf %max3A_1834, %mul3A_1857 : vector<16xf32>
      %swap3A_1859 = arith.constant 320 : index
      %swap3A_1860 = tpu.vector_load %arg9[%swap3A_1859] {strides = array<i32>} : memref<560xf32, #tpu.memory_space<vmem>>, vector<16xf32>,
      tpu.vector_store %arg9[%swap3A_1859], %mul3A_1858 {strides = array<i32>} : memref<560xf32, #tpu.memory_space<vmem>>, vector<16xf32>,
      %add3A_1861 = arith.addf %add3A_1777, %gather3A_984 : vector<16xf32>
      %add3A_1862 = arith.addf %add3A_1778, %gather3A_988 : vector<16xf32>
      %add3A_1863 = arith.addf %add3A_1779, %gather3A_992 : vector<16xf32>
      %add3A_1864 = arith.addf %add3A_1780, %gather3A_996 : vector<16xf32>
      %mul3A_1865 = arith.mulf %add3A_1861, %add3A_1861 : vector<16xf32>
      %mul3A_1866 = arith.mulf %add3A_1862, %add3A_1862 : vector<16xf32>
      %sub3A_1867 = arith.subf %mul3A_1865, %mul3A_1866 : vector<16xf32>
      %mul3A_1868 = arith.mulf %add3A_1863, %add3A_1863 : vector<16xf32>
      %sub3A_1869 = arith.subf %sub3A_1867, %mul3A_1868 : vector<16xf32>
      %mul3A_1870 = arith.mulf %add3A_1864, %add3A_1864 : vector<16xf32>
      %sub3A_1871 = arith.subf %sub3A_1869, %mul3A_1870 : vector<16xf32>
      %max3A_1872 = arith.constant 9.99999996E-13 : f32
      %max3A_1873 = vector.broadcast %max3A_1872 : f32 to vector<16xf32>
      %max3A_1874 = arith.maximumf %sub3A_1871, %max3A_1873 : vector<16xf32>
      %bitcast3A_1875 = vector.bitcast %max3A_1874 : vector<16xf32> to vector<16xi32>
      %shift_right_arithmetic3A_1876 = arith.constant 1 : i32
      %shift_right_arithmetic3A_1877 = vector.broadcast %shift_right_arithmetic3A_1876 : i32 to vector<16xi32>
      %shift_right_arithmetic3A_1878 = arith.shrsi %bitcast3A_1875, %shift_right_arithmetic3A_1877 : vector<16xi32>
      %sub3A_1879 = arith.constant 1597463007 : i32
      %sub3A_1880 = vector.broadcast %sub3A_1879 : i32 to vector<16xi32>
      %sub3A_1881 = arith.subi %sub3A_1880, %shift_right_arithmetic3A_1878 : vector<16xi32>
      %bitcast3A_1882 = vector.bitcast %sub3A_1881 : vector<16xi32> to vector<16xf32>
      %mul3A_1883 = arith.constant 5.000000e-01 : f32
      %mul3A_1884 = vector.broadcast %mul3A_1883 : f32 to vector<16xf32>
      %mul3A_1885 = arith.mulf %mul3A_1884, %max3A_1874 : vector<16xf32>
      %mul3A_1886 = arith.mulf %mul3A_1885, %bitcast3A_1882 : vector<16xf32>
      %mul3A_1887 = arith.mulf %mul3A_1886, %bitcast3A_1882 : vector<16xf32>
      %sub3A_1888 = arith.constant 1.500000e+00 : f32
      %sub3A_1889 = vector.broadcast %sub3A_1888 : f32 to vector<16xf32>
      %sub3A_1890 = arith.subf %sub3A_1889, %mul3A_1887 : vector<16xf32>
      %mul3A_1891 = arith.mulf %bitcast3A_1882, %sub3A_1890 : vector<16xf32>
      %mul3A_1892 = arith.mulf %mul3A_1885, %mul3A_1891 : vector<16xf32>
      %mul3A_1893 = arith.mulf %mul3A_1892, %mul3A_1891 : vector<16xf32>
      %sub3A_1894 = arith.constant 1.500000e+00 : f32
      %sub3A_1895 = vector.broadcast %sub3A_1894 : f32 to vector<16xf32>
      %sub3A_1896 = arith.subf %sub3A_1895, %mul3A_1893 : vector<16xf32>
      %mul3A_1897 = arith.mulf %mul3A_1891, %sub3A_1896 : vector<16xf32>
      %mul3A_1898 = arith.mulf %max3A_1874, %mul3A_1897 : vector<16xf32>
      %swap3A_1899 = arith.constant 336 : index
      %swap3A_1900 = tpu.vector_load %arg9[%swap3A_1899] {strides = array<i32>} : memref<560xf32, #tpu.memory_space<vmem>>, vector<16xf32>,
      tpu.vector_store %arg9[%swap3A_1899], %mul3A_1898 {strides = array<i32>} : memref<560xf32, #tpu.memory_space<vmem>>, vector<16xf32>,
      %add3A_1901 = arith.addf %gather3A_904, %gather3A_952 : vector<16xf32>
      %add3A_1902 = arith.addf %gather3A_908, %gather3A_956 : vector<16xf32>
      %add3A_1903 = arith.addf %gather3A_912, %gather3A_960 : vector<16xf32>
      %add3A_1904 = arith.addf %gather3A_916, %gather3A_964 : vector<16xf32>
      %add3A_1905 = arith.addf %add3A_1901, %gather3A_968 : vector<16xf32>
      %add3A_1906 = arith.addf %add3A_1902, %gather3A_972 : vector<16xf32>
      %add3A_1907 = arith.addf %add3A_1903, %gather3A_976 : vector<16xf32>
      %add3A_1908 = arith.addf %add3A_1904, %gather3A_980 : vector<16xf32>
      %mul3A_1909 = arith.mulf %add3A_1905, %add3A_1905 : vector<16xf32>
      %mul3A_1910 = arith.mulf %add3A_1906, %add3A_1906 : vector<16xf32>
      %sub3A_1911 = arith.subf %mul3A_1909, %mul3A_1910 : vector<16xf32>
      %mul3A_1912 = arith.mulf %add3A_1907, %add3A_1907 : vector<16xf32>
      %sub3A_1913 = arith.subf %sub3A_1911, %mul3A_1912 : vector<16xf32>
      %mul3A_1914 = arith.mulf %add3A_1908, %add3A_1908 : vector<16xf32>
      %sub3A_1915 = arith.subf %sub3A_1913, %mul3A_1914 : vector<16xf32>
      %max3A_1916 = arith.constant 9.99999996E-13 : f32
      %max3A_1917 = vector.broadcast %max3A_1916 : f32 to vector<16xf32>
      %max3A_1918 = arith.maximumf %sub3A_1915, %max3A_1917 : vector<16xf32>
      %bitcast3A_1919 = vector.bitcast %max3A_1918 : vector<16xf32> to vector<16xi32>
      %shift_right_arithmetic3A_1920 = arith.constant 1 : i32
      %shift_right_arithmetic3A_1921 = vector.broadcast %shift_right_arithmetic3A_1920 : i32 to vector<16xi32>
      %shift_right_arithmetic3A_1922 = arith.shrsi %bitcast3A_1919, %shift_right_arithmetic3A_1921 : vector<16xi32>
      %sub3A_1923 = arith.constant 1597463007 : i32
      %sub3A_1924 = vector.broadcast %sub3A_1923 : i32 to vector<16xi32>
      %sub3A_1925 = arith.subi %sub3A_1924, %shift_right_arithmetic3A_1922 : vector<16xi32>
      %bitcast3A_1926 = vector.bitcast %sub3A_1925 : vector<16xi32> to vector<16xf32>
      %mul3A_1927 = arith.constant 5.000000e-01 : f32
      %mul3A_1928 = vector.broadcast %mul3A_1927 : f32 to vector<16xf32>
      %mul3A_1929 = arith.mulf %mul3A_1928, %max3A_1918 : vector<16xf32>
      %mul3A_1930 = arith.mulf %mul3A_1929, %bitcast3A_1926 : vector<16xf32>
      %mul3A_1931 = arith.mulf %mul3A_1930, %bitcast3A_1926 : vector<16xf32>
      %sub3A_1932 = arith.constant 1.500000e+00 : f32
      %sub3A_1933 = vector.broadcast %sub3A_1932 : f32 to vector<16xf32>
      %sub3A_1934 = arith.subf %sub3A_1933, %mul3A_1931 : vector<16xf32>
      %mul3A_1935 = arith.mulf %bitcast3A_1926, %sub3A_1934 : vector<16xf32>
      %mul3A_1936 = arith.mulf %mul3A_1929, %mul3A_1935 : vector<16xf32>
      %mul3A_1937 = arith.mulf %mul3A_1936, %mul3A_1935 : vector<16xf32>
      %sub3A_1938 = arith.constant 1.500000e+00 : f32
      %sub3A_1939 = vector.broadcast %sub3A_1938 : f32 to vector<16xf32>
      %sub3A_1940 = arith.subf %sub3A_1939, %mul3A_1937 : vector<16xf32>
      %mul3A_1941 = arith.mulf %mul3A_1935, %sub3A_1940 : vector<16xf32>
      %mul3A_1942 = arith.mulf %max3A_1918, %mul3A_1941 : vector<16xf32>
      %swap3A_1943 = arith.constant 352 : index
      %swap3A_1944 = tpu.vector_load %arg9[%swap3A_1943] {strides = array<i32>} : memref<560xf32, #tpu.memory_space<vmem>>, vector<16xf32>,
      tpu.vector_store %arg9[%swap3A_1943], %mul3A_1942 {strides = array<i32>} : memref<560xf32, #tpu.memory_space<vmem>>, vector<16xf32>,
      %add3A_1945 = arith.addf %add3A_1901, %gather3A_984 : vector<16xf32>
      %add3A_1946 = arith.addf %add3A_1902, %gather3A_988 : vector<16xf32>
      %add3A_1947 = arith.addf %add3A_1903, %gather3A_992 : vector<16xf32>
      %add3A_1948 = arith.addf %add3A_1904, %gather3A_996 : vector<16xf32>
      %mul3A_1949 = arith.mulf %add3A_1945, %add3A_1945 : vector<16xf32>
      %mul3A_1950 = arith.mulf %add3A_1946, %add3A_1946 : vector<16xf32>
      %sub3A_1951 = arith.subf %mul3A_1949, %mul3A_1950 : vector<16xf32>
      %mul3A_1952 = arith.mulf %add3A_1947, %add3A_1947 : vector<16xf32>
      %sub3A_1953 = arith.subf %sub3A_1951, %mul3A_1952 : vector<16xf32>
      %mul3A_1954 = arith.mulf %add3A_1948, %add3A_1948 : vector<16xf32>
      %sub3A_1955 = arith.subf %sub3A_1953, %mul3A_1954 : vector<16xf32>
      %max3A_1956 = arith.constant 9.99999996E-13 : f32
      %max3A_1957 = vector.broadcast %max3A_1956 : f32 to vector<16xf32>
      %max3A_1958 = arith.maximumf %sub3A_1955, %max3A_1957 : vector<16xf32>
      %bitcast3A_1959 = vector.bitcast %max3A_1958 : vector<16xf32> to vector<16xi32>
      %shift_right_arithmetic3A_1960 = arith.constant 1 : i32
      %shift_right_arithmetic3A_1961 = vector.broadcast %shift_right_arithmetic3A_1960 : i32 to vector<16xi32>
      %shift_right_arithmetic3A_1962 = arith.shrsi %bitcast3A_1959, %shift_right_arithmetic3A_1961 : vector<16xi32>
      %sub3A_1963 = arith.constant 1597463007 : i32
      %sub3A_1964 = vector.broadcast %sub3A_1963 : i32 to vector<16xi32>
      %sub3A_1965 = arith.subi %sub3A_1964, %shift_right_arithmetic3A_1962 : vector<16xi32>
      %bitcast3A_1966 = vector.bitcast %sub3A_1965 : vector<16xi32> to vector<16xf32>
      %mul3A_1967 = arith.constant 5.000000e-01 : f32
      %mul3A_1968 = vector.broadcast %mul3A_1967 : f32 to vector<16xf32>
      %mul3A_1969 = arith.mulf %mul3A_1968, %max3A_1958 : vector<16xf32>
      %mul3A_1970 = arith.mulf %mul3A_1969, %bitcast3A_1966 : vector<16xf32>
      %mul3A_1971 = arith.mulf %mul3A_1970, %bitcast3A_1966 : vector<16xf32>
      %sub3A_1972 = arith.constant 1.500000e+00 : f32
      %sub3A_1973 = vector.broadcast %sub3A_1972 : f32 to vector<16xf32>
      %sub3A_1974 = arith.subf %sub3A_1973, %mul3A_1971 : vector<16xf32>
      %mul3A_1975 = arith.mulf %bitcast3A_1966, %sub3A_1974 : vector<16xf32>
      %mul3A_1976 = arith.mulf %mul3A_1969, %mul3A_1975 : vector<16xf32>
      %mul3A_1977 = arith.mulf %mul3A_1976, %mul3A_1975 : vector<16xf32>
      %sub3A_1978 = arith.constant 1.500000e+00 : f32
      %sub3A_1979 = vector.broadcast %sub3A_1978 : f32 to vector<16xf32>
      %sub3A_1980 = arith.subf %sub3A_1979, %mul3A_1977 : vector<16xf32>
      %mul3A_1981 = arith.mulf %mul3A_1975, %sub3A_1980 : vector<16xf32>
      %mul3A_1982 = arith.mulf %max3A_1958, %mul3A_1981 : vector<16xf32>
      %swap3A_1983 = arith.constant 368 : index
      %swap3A_1984 = tpu.vector_load %arg9[%swap3A_1983] {strides = array<i32>} : memref<560xf32, #tpu.memory_space<vmem>>, vector<16xf32>,
      tpu.vector_store %arg9[%swap3A_1983], %mul3A_1982 {strides = array<i32>} : memref<560xf32, #tpu.memory_space<vmem>>, vector<16xf32>,
      %add3A_1985 = arith.addf %gather3A_904, %gather3A_968 : vector<16xf32>
      %add3A_1986 = arith.addf %gather3A_908, %gather3A_972 : vector<16xf32>
      %add3A_1987 = arith.addf %gather3A_912, %gather3A_976 : vector<16xf32>
      %add3A_1988 = arith.addf %gather3A_916, %gather3A_980 : vector<16xf32>
      %add3A_1989 = arith.addf %add3A_1985, %gather3A_984 : vector<16xf32>
      %add3A_1990 = arith.addf %add3A_1986, %gather3A_988 : vector<16xf32>
      %add3A_1991 = arith.addf %add3A_1987, %gather3A_992 : vector<16xf32>
      %add3A_1992 = arith.addf %add3A_1988, %gather3A_996 : vector<16xf32>
      %mul3A_1993 = arith.mulf %add3A_1989, %add3A_1989 : vector<16xf32>
      %mul3A_1994 = arith.mulf %add3A_1990, %add3A_1990 : vector<16xf32>
      %sub3A_1995 = arith.subf %mul3A_1993, %mul3A_1994 : vector<16xf32>
      %mul3A_1996 = arith.mulf %add3A_1991, %add3A_1991 : vector<16xf32>
      %sub3A_1997 = arith.subf %sub3A_1995, %mul3A_1996 : vector<16xf32>
      %mul3A_1998 = arith.mulf %add3A_1992, %add3A_1992 : vector<16xf32>
      %sub3A_1999 = arith.subf %sub3A_1997, %mul3A_1998 : vector<16xf32>
      %max3A_2000 = arith.constant 9.99999996E-13 : f32
      %max3A_2001 = vector.broadcast %max3A_2000 : f32 to vector<16xf32>
      %max3A_2002 = arith.maximumf %sub3A_1999, %max3A_2001 : vector<16xf32>
      %bitcast3A_2003 = vector.bitcast %max3A_2002 : vector<16xf32> to vector<16xi32>
      %shift_right_arithmetic3A_2004 = arith.constant 1 : i32
      %shift_right_arithmetic3A_2005 = vector.broadcast %shift_right_arithmetic3A_2004 : i32 to vector<16xi32>
      %shift_right_arithmetic3A_2006 = arith.shrsi %bitcast3A_2003, %shift_right_arithmetic3A_2005 : vector<16xi32>
      %sub3A_2007 = arith.constant 1597463007 : i32
      %sub3A_2008 = vector.broadcast %sub3A_2007 : i32 to vector<16xi32>
      %sub3A_2009 = arith.subi %sub3A_2008, %shift_right_arithmetic3A_2006 : vector<16xi32>
      %bitcast3A_2010 = vector.bitcast %sub3A_2009 : vector<16xi32> to vector<16xf32>
      %mul3A_2011 = arith.constant 5.000000e-01 : f32
      %mul3A_2012 = vector.broadcast %mul3A_2011 : f32 to vector<16xf32>
      %mul3A_2013 = arith.mulf %mul3A_2012, %max3A_2002 : vector<16xf32>
      %mul3A_2014 = arith.mulf %mul3A_2013, %bitcast3A_2010 : vector<16xf32>
      %mul3A_2015 = arith.mulf %mul3A_2014, %bitcast3A_2010 : vector<16xf32>
      %sub3A_2016 = arith.constant 1.500000e+00 : f32
      %sub3A_2017 = vector.broadcast %sub3A_2016 : f32 to vector<16xf32>
      %sub3A_2018 = arith.subf %sub3A_2017, %mul3A_2015 : vector<16xf32>
      %mul3A_2019 = arith.mulf %bitcast3A_2010, %sub3A_2018 : vector<16xf32>
      %mul3A_2020 = arith.mulf %mul3A_2013, %mul3A_2019 : vector<16xf32>
      %mul3A_2021 = arith.mulf %mul3A_2020, %mul3A_2019 : vector<16xf32>
      %sub3A_2022 = arith.constant 1.500000e+00 : f32
      %sub3A_2023 = vector.broadcast %sub3A_2022 : f32 to vector<16xf32>
      %sub3A_2024 = arith.subf %sub3A_2023, %mul3A_2021 : vector<16xf32>
      %mul3A_2025 = arith.mulf %mul3A_2019, %sub3A_2024 : vector<16xf32>
      %mul3A_2026 = arith.mulf %max3A_2002, %mul3A_2025 : vector<16xf32>
      %swap3A_2027 = arith.constant 384 : index
      %swap3A_2028 = tpu.vector_load %arg9[%swap3A_2027] {strides = array<i32>} : memref<560xf32, #tpu.memory_space<vmem>>, vector<16xf32>,
      tpu.vector_store %arg9[%swap3A_2027], %mul3A_2026 {strides = array<i32>} : memref<560xf32, #tpu.memory_space<vmem>>, vector<16xf32>,
      %add3A_2029 = arith.addf %gather3A_920, %gather3A_936 : vector<16xf32>
      %add3A_2030 = arith.addf %gather3A_924, %gather3A_940 : vector<16xf32>
      %add3A_2031 = arith.addf %gather3A_928, %gather3A_944 : vector<16xf32>
      %add3A_2032 = arith.addf %gather3A_932, %gather3A_948 : vector<16xf32>
      %add3A_2033 = arith.addf %add3A_2029, %gather3A_952 : vector<16xf32>
      %add3A_2034 = arith.addf %add3A_2030, %gather3A_956 : vector<16xf32>
      %add3A_2035 = arith.addf %add3A_2031, %gather3A_960 : vector<16xf32>
      %add3A_2036 = arith.addf %add3A_2032, %gather3A_964 : vector<16xf32>
      %mul3A_2037 = arith.mulf %add3A_2033, %add3A_2033 : vector<16xf32>
      %mul3A_2038 = arith.mulf %add3A_2034, %add3A_2034 : vector<16xf32>
      %sub3A_2039 = arith.subf %mul3A_2037, %mul3A_2038 : vector<16xf32>
      %mul3A_2040 = arith.mulf %add3A_2035, %add3A_2035 : vector<16xf32>
      %sub3A_2041 = arith.subf %sub3A_2039, %mul3A_2040 : vector<16xf32>
      %mul3A_2042 = arith.mulf %add3A_2036, %add3A_2036 : vector<16xf32>
      %sub3A_2043 = arith.subf %sub3A_2041, %mul3A_2042 : vector<16xf32>
      %max3A_2044 = arith.constant 9.99999996E-13 : f32
      %max3A_2045 = vector.broadcast %max3A_2044 : f32 to vector<16xf32>
      %max3A_2046 = arith.maximumf %sub3A_2043, %max3A_2045 : vector<16xf32>
      %bitcast3A_2047 = vector.bitcast %max3A_2046 : vector<16xf32> to vector<16xi32>
      %shift_right_arithmetic3A_2048 = arith.constant 1 : i32
      %shift_right_arithmetic3A_2049 = vector.broadcast %shift_right_arithmetic3A_2048 : i32 to vector<16xi32>
      %shift_right_arithmetic3A_2050 = arith.shrsi %bitcast3A_2047, %shift_right_arithmetic3A_2049 : vector<16xi32>
      %sub3A_2051 = arith.constant 1597463007 : i32
      %sub3A_2052 = vector.broadcast %sub3A_2051 : i32 to vector<16xi32>
      %sub3A_2053 = arith.subi %sub3A_2052, %shift_right_arithmetic3A_2050 : vector<16xi32>
      %bitcast3A_2054 = vector.bitcast %sub3A_2053 : vector<16xi32> to vector<16xf32>
      %mul3A_2055 = arith.constant 5.000000e-01 : f32
      %mul3A_2056 = vector.broadcast %mul3A_2055 : f32 to vector<16xf32>
      %mul3A_2057 = arith.mulf %mul3A_2056, %max3A_2046 : vector<16xf32>
      %mul3A_2058 = arith.mulf %mul3A_2057, %bitcast3A_2054 : vector<16xf32>
      %mul3A_2059 = arith.mulf %mul3A_2058, %bitcast3A_2054 : vector<16xf32>
      %sub3A_2060 = arith.constant 1.500000e+00 : f32
      %sub3A_2061 = vector.broadcast %sub3A_2060 : f32 to vector<16xf32>
      %sub3A_2062 = arith.subf %sub3A_2061, %mul3A_2059 : vector<16xf32>
      %mul3A_2063 = arith.mulf %bitcast3A_2054, %sub3A_2062 : vector<16xf32>
      %mul3A_2064 = arith.mulf %mul3A_2057, %mul3A_2063 : vector<16xf32>
      %mul3A_2065 = arith.mulf %mul3A_2064, %mul3A_2063 : vector<16xf32>
      %sub3A_2066 = arith.constant 1.500000e+00 : f32
      %sub3A_2067 = vector.broadcast %sub3A_2066 : f32 to vector<16xf32>
      %sub3A_2068 = arith.subf %sub3A_2067, %mul3A_2065 : vector<16xf32>
      %mul3A_2069 = arith.mulf %mul3A_2063, %sub3A_2068 : vector<16xf32>
      %mul3A_2070 = arith.mulf %max3A_2046, %mul3A_2069 : vector<16xf32>
      %swap3A_2071 = arith.constant 400 : index
      %swap3A_2072 = tpu.vector_load %arg9[%swap3A_2071] {strides = array<i32>} : memref<560xf32, #tpu.memory_space<vmem>>, vector<16xf32>,
      tpu.vector_store %arg9[%swap3A_2071], %mul3A_2070 {strides = array<i32>} : memref<560xf32, #tpu.memory_space<vmem>>, vector<16xf32>,
      %add3A_2073 = arith.addf %add3A_2029, %gather3A_968 : vector<16xf32>
      %add3A_2074 = arith.addf %add3A_2030, %gather3A_972 : vector<16xf32>
      %add3A_2075 = arith.addf %add3A_2031, %gather3A_976 : vector<16xf32>
      %add3A_2076 = arith.addf %add3A_2032, %gather3A_980 : vector<16xf32>
      %mul3A_2077 = arith.mulf %add3A_2073, %add3A_2073 : vector<16xf32>
      %mul3A_2078 = arith.mulf %add3A_2074, %add3A_2074 : vector<16xf32>
      %sub3A_2079 = arith.subf %mul3A_2077, %mul3A_2078 : vector<16xf32>
      %mul3A_2080 = arith.mulf %add3A_2075, %add3A_2075 : vector<16xf32>
      %sub3A_2081 = arith.subf %sub3A_2079, %mul3A_2080 : vector<16xf32>
      %mul3A_2082 = arith.mulf %add3A_2076, %add3A_2076 : vector<16xf32>
      %sub3A_2083 = arith.subf %sub3A_2081, %mul3A_2082 : vector<16xf32>
      %max3A_2084 = arith.constant 9.99999996E-13 : f32
      %max3A_2085 = vector.broadcast %max3A_2084 : f32 to vector<16xf32>
      %max3A_2086 = arith.maximumf %sub3A_2083, %max3A_2085 : vector<16xf32>
      %bitcast3A_2087 = vector.bitcast %max3A_2086 : vector<16xf32> to vector<16xi32>
      %shift_right_arithmetic3A_2088 = arith.constant 1 : i32
      %shift_right_arithmetic3A_2089 = vector.broadcast %shift_right_arithmetic3A_2088 : i32 to vector<16xi32>
      %shift_right_arithmetic3A_2090 = arith.shrsi %bitcast3A_2087, %shift_right_arithmetic3A_2089 : vector<16xi32>
      %sub3A_2091 = arith.constant 1597463007 : i32
      %sub3A_2092 = vector.broadcast %sub3A_2091 : i32 to vector<16xi32>
      %sub3A_2093 = arith.subi %sub3A_2092, %shift_right_arithmetic3A_2090 : vector<16xi32>
      %bitcast3A_2094 = vector.bitcast %sub3A_2093 : vector<16xi32> to vector<16xf32>
      %mul3A_2095 = arith.constant 5.000000e-01 : f32
      %mul3A_2096 = vector.broadcast %mul3A_2095 : f32 to vector<16xf32>
      %mul3A_2097 = arith.mulf %mul3A_2096, %max3A_2086 : vector<16xf32>
      %mul3A_2098 = arith.mulf %mul3A_2097, %bitcast3A_2094 : vector<16xf32>
      %mul3A_2099 = arith.mulf %mul3A_2098, %bitcast3A_2094 : vector<16xf32>
      %sub3A_2100 = arith.constant 1.500000e+00 : f32
      %sub3A_2101 = vector.broadcast %sub3A_2100 : f32 to vector<16xf32>
      %sub3A_2102 = arith.subf %sub3A_2101, %mul3A_2099 : vector<16xf32>
      %mul3A_2103 = arith.mulf %bitcast3A_2094, %sub3A_2102 : vector<16xf32>
      %mul3A_2104 = arith.mulf %mul3A_2097, %mul3A_2103 : vector<16xf32>
      %mul3A_2105 = arith.mulf %mul3A_2104, %mul3A_2103 : vector<16xf32>
      %sub3A_2106 = arith.constant 1.500000e+00 : f32
      %sub3A_2107 = vector.broadcast %sub3A_2106 : f32 to vector<16xf32>
      %sub3A_2108 = arith.subf %sub3A_2107, %mul3A_2105 : vector<16xf32>
      %mul3A_2109 = arith.mulf %mul3A_2103, %sub3A_2108 : vector<16xf32>
      %mul3A_2110 = arith.mulf %max3A_2086, %mul3A_2109 : vector<16xf32>
      %swap3A_2111 = arith.constant 416 : index
      %swap3A_2112 = tpu.vector_load %arg9[%swap3A_2111] {strides = array<i32>} : memref<560xf32, #tpu.memory_space<vmem>>, vector<16xf32>,
      tpu.vector_store %arg9[%swap3A_2111], %mul3A_2110 {strides = array<i32>} : memref<560xf32, #tpu.memory_space<vmem>>, vector<16xf32>,
      %add3A_2113 = arith.addf %add3A_2029, %gather3A_984 : vector<16xf32>
      %add3A_2114 = arith.addf %add3A_2030, %gather3A_988 : vector<16xf32>
      %add3A_2115 = arith.addf %add3A_2031, %gather3A_992 : vector<16xf32>
      %add3A_2116 = arith.addf %add3A_2032, %gather3A_996 : vector<16xf32>
      %mul3A_2117 = arith.mulf %add3A_2113, %add3A_2113 : vector<16xf32>
      %mul3A_2118 = arith.mulf %add3A_2114, %add3A_2114 : vector<16xf32>
      %sub3A_2119 = arith.subf %mul3A_2117, %mul3A_2118 : vector<16xf32>
      %mul3A_2120 = arith.mulf %add3A_2115, %add3A_2115 : vector<16xf32>
      %sub3A_2121 = arith.subf %sub3A_2119, %mul3A_2120 : vector<16xf32>
      %mul3A_2122 = arith.mulf %add3A_2116, %add3A_2116 : vector<16xf32>
      %sub3A_2123 = arith.subf %sub3A_2121, %mul3A_2122 : vector<16xf32>
      %max3A_2124 = arith.constant 9.99999996E-13 : f32
      %max3A_2125 = vector.broadcast %max3A_2124 : f32 to vector<16xf32>
      %max3A_2126 = arith.maximumf %sub3A_2123, %max3A_2125 : vector<16xf32>
      %bitcast3A_2127 = vector.bitcast %max3A_2126 : vector<16xf32> to vector<16xi32>
      %shift_right_arithmetic3A_2128 = arith.constant 1 : i32
      %shift_right_arithmetic3A_2129 = vector.broadcast %shift_right_arithmetic3A_2128 : i32 to vector<16xi32>
      %shift_right_arithmetic3A_2130 = arith.shrsi %bitcast3A_2127, %shift_right_arithmetic3A_2129 : vector<16xi32>
      %sub3A_2131 = arith.constant 1597463007 : i32
      %sub3A_2132 = vector.broadcast %sub3A_2131 : i32 to vector<16xi32>
      %sub3A_2133 = arith.subi %sub3A_2132, %shift_right_arithmetic3A_2130 : vector<16xi32>
      %bitcast3A_2134 = vector.bitcast %sub3A_2133 : vector<16xi32> to vector<16xf32>
      %mul3A_2135 = arith.constant 5.000000e-01 : f32
      %mul3A_2136 = vector.broadcast %mul3A_2135 : f32 to vector<16xf32>
      %mul3A_2137 = arith.mulf %mul3A_2136, %max3A_2126 : vector<16xf32>
      %mul3A_2138 = arith.mulf %mul3A_2137, %bitcast3A_2134 : vector<16xf32>
      %mul3A_2139 = arith.mulf %mul3A_2138, %bitcast3A_2134 : vector<16xf32>
      %sub3A_2140 = arith.constant 1.500000e+00 : f32
      %sub3A_2141 = vector.broadcast %sub3A_2140 : f32 to vector<16xf32>
      %sub3A_2142 = arith.subf %sub3A_2141, %mul3A_2139 : vector<16xf32>
      %mul3A_2143 = arith.mulf %bitcast3A_2134, %sub3A_2142 : vector<16xf32>
      %mul3A_2144 = arith.mulf %mul3A_2137, %mul3A_2143 : vector<16xf32>
      %mul3A_2145 = arith.mulf %mul3A_2144, %mul3A_2143 : vector<16xf32>
      %sub3A_2146 = arith.constant 1.500000e+00 : f32
      %sub3A_2147 = vector.broadcast %sub3A_2146 : f32 to vector<16xf32>
      %sub3A_2148 = arith.subf %sub3A_2147, %mul3A_2145 : vector<16xf32>
      %mul3A_2149 = arith.mulf %mul3A_2143, %sub3A_2148 : vector<16xf32>
      %mul3A_2150 = arith.mulf %max3A_2126, %mul3A_2149 : vector<16xf32>
      %swap3A_2151 = arith.constant 432 : index
      %swap3A_2152 = tpu.vector_load %arg9[%swap3A_2151] {strides = array<i32>} : memref<560xf32, #tpu.memory_space<vmem>>, vector<16xf32>,
      tpu.vector_store %arg9[%swap3A_2151], %mul3A_2150 {strides = array<i32>} : memref<560xf32, #tpu.memory_space<vmem>>, vector<16xf32>,
      %add3A_2153 = arith.addf %gather3A_920, %gather3A_952 : vector<16xf32>
      %add3A_2154 = arith.addf %gather3A_924, %gather3A_956 : vector<16xf32>
      %add3A_2155 = arith.addf %gather3A_928, %gather3A_960 : vector<16xf32>
      %add3A_2156 = arith.addf %gather3A_932, %gather3A_964 : vector<16xf32>
      %add3A_2157 = arith.addf %add3A_2153, %gather3A_968 : vector<16xf32>
      %add3A_2158 = arith.addf %add3A_2154, %gather3A_972 : vector<16xf32>
      %add3A_2159 = arith.addf %add3A_2155, %gather3A_976 : vector<16xf32>
      %add3A_2160 = arith.addf %add3A_2156, %gather3A_980 : vector<16xf32>
      %mul3A_2161 = arith.mulf %add3A_2157, %add3A_2157 : vector<16xf32>
      %mul3A_2162 = arith.mulf %add3A_2158, %add3A_2158 : vector<16xf32>
      %sub3A_2163 = arith.subf %mul3A_2161, %mul3A_2162 : vector<16xf32>
      %mul3A_2164 = arith.mulf %add3A_2159, %add3A_2159 : vector<16xf32>
      %sub3A_2165 = arith.subf %sub3A_2163, %mul3A_2164 : vector<16xf32>
      %mul3A_2166 = arith.mulf %add3A_2160, %add3A_2160 : vector<16xf32>
      %sub3A_2167 = arith.subf %sub3A_2165, %mul3A_2166 : vector<16xf32>
      %max3A_2168 = arith.constant 9.99999996E-13 : f32
      %max3A_2169 = vector.broadcast %max3A_2168 : f32 to vector<16xf32>
      %max3A_2170 = arith.maximumf %sub3A_2167, %max3A_2169 : vector<16xf32>
      %bitcast3A_2171 = vector.bitcast %max3A_2170 : vector<16xf32> to vector<16xi32>
      %shift_right_arithmetic3A_2172 = arith.constant 1 : i32
      %shift_right_arithmetic3A_2173 = vector.broadcast %shift_right_arithmetic3A_2172 : i32 to vector<16xi32>
      %shift_right_arithmetic3A_2174 = arith.shrsi %bitcast3A_2171, %shift_right_arithmetic3A_2173 : vector<16xi32>
      %sub3A_2175 = arith.constant 1597463007 : i32
      %sub3A_2176 = vector.broadcast %sub3A_2175 : i32 to vector<16xi32>
      %sub3A_2177 = arith.subi %sub3A_2176, %shift_right_arithmetic3A_2174 : vector<16xi32>
      %bitcast3A_2178 = vector.bitcast %sub3A_2177 : vector<16xi32> to vector<16xf32>
      %mul3A_2179 = arith.constant 5.000000e-01 : f32
      %mul3A_2180 = vector.broadcast %mul3A_2179 : f32 to vector<16xf32>
      %mul3A_2181 = arith.mulf %mul3A_2180, %max3A_2170 : vector<16xf32>
      %mul3A_2182 = arith.mulf %mul3A_2181, %bitcast3A_2178 : vector<16xf32>
      %mul3A_2183 = arith.mulf %mul3A_2182, %bitcast3A_2178 : vector<16xf32>
      %sub3A_2184 = arith.constant 1.500000e+00 : f32
      %sub3A_2185 = vector.broadcast %sub3A_2184 : f32 to vector<16xf32>
      %sub3A_2186 = arith.subf %sub3A_2185, %mul3A_2183 : vector<16xf32>
      %mul3A_2187 = arith.mulf %bitcast3A_2178, %sub3A_2186 : vector<16xf32>
      %mul3A_2188 = arith.mulf %mul3A_2181, %mul3A_2187 : vector<16xf32>
      %mul3A_2189 = arith.mulf %mul3A_2188, %mul3A_2187 : vector<16xf32>
      %sub3A_2190 = arith.constant 1.500000e+00 : f32
      %sub3A_2191 = vector.broadcast %sub3A_2190 : f32 to vector<16xf32>
      %sub3A_2192 = arith.subf %sub3A_2191, %mul3A_2189 : vector<16xf32>
      %mul3A_2193 = arith.mulf %mul3A_2187, %sub3A_2192 : vector<16xf32>
      %mul3A_2194 = arith.mulf %max3A_2170, %mul3A_2193 : vector<16xf32>
      %swap3A_2195 = arith.constant 448 : index
      %swap3A_2196 = tpu.vector_load %arg9[%swap3A_2195] {strides = array<i32>} : memref<560xf32, #tpu.memory_space<vmem>>, vector<16xf32>,
      tpu.vector_store %arg9[%swap3A_2195], %mul3A_2194 {strides = array<i32>} : memref<560xf32, #tpu.memory_space<vmem>>, vector<16xf32>,
      %add3A_2197 = arith.addf %add3A_2153, %gather3A_984 : vector<16xf32>
      %add3A_2198 = arith.addf %add3A_2154, %gather3A_988 : vector<16xf32>
      %add3A_2199 = arith.addf %add3A_2155, %gather3A_992 : vector<16xf32>
      %add3A_2200 = arith.addf %add3A_2156, %gather3A_996 : vector<16xf32>
      %mul3A_2201 = arith.mulf %add3A_2197, %add3A_2197 : vector<16xf32>
      %mul3A_2202 = arith.mulf %add3A_2198, %add3A_2198 : vector<16xf32>
      %sub3A_2203 = arith.subf %mul3A_2201, %mul3A_2202 : vector<16xf32>
      %mul3A_2204 = arith.mulf %add3A_2199, %add3A_2199 : vector<16xf32>
      %sub3A_2205 = arith.subf %sub3A_2203, %mul3A_2204 : vector<16xf32>
      %mul3A_2206 = arith.mulf %add3A_2200, %add3A_2200 : vector<16xf32>
      %sub3A_2207 = arith.subf %sub3A_2205, %mul3A_2206 : vector<16xf32>
      %max3A_2208 = arith.constant 9.99999996E-13 : f32
      %max3A_2209 = vector.broadcast %max3A_2208 : f32 to vector<16xf32>
      %max3A_2210 = arith.maximumf %sub3A_2207, %max3A_2209 : vector<16xf32>
      %bitcast3A_2211 = vector.bitcast %max3A_2210 : vector<16xf32> to vector<16xi32>
      %shift_right_arithmetic3A_2212 = arith.constant 1 : i32
      %shift_right_arithmetic3A_2213 = vector.broadcast %shift_right_arithmetic3A_2212 : i32 to vector<16xi32>
      %shift_right_arithmetic3A_2214 = arith.shrsi %bitcast3A_2211, %shift_right_arithmetic3A_2213 : vector<16xi32>
      %sub3A_2215 = arith.constant 1597463007 : i32
      %sub3A_2216 = vector.broadcast %sub3A_2215 : i32 to vector<16xi32>
      %sub3A_2217 = arith.subi %sub3A_2216, %shift_right_arithmetic3A_2214 : vector<16xi32>
      %bitcast3A_2218 = vector.bitcast %sub3A_2217 : vector<16xi32> to vector<16xf32>
      %mul3A_2219 = arith.constant 5.000000e-01 : f32
      %mul3A_2220 = vector.broadcast %mul3A_2219 : f32 to vector<16xf32>
      %mul3A_2221 = arith.mulf %mul3A_2220, %max3A_2210 : vector<16xf32>
      %mul3A_2222 = arith.mulf %mul3A_2221, %bitcast3A_2218 : vector<16xf32>
      %mul3A_2223 = arith.mulf %mul3A_2222, %bitcast3A_2218 : vector<16xf32>
      %sub3A_2224 = arith.constant 1.500000e+00 : f32
      %sub3A_2225 = vector.broadcast %sub3A_2224 : f32 to vector<16xf32>
      %sub3A_2226 = arith.subf %sub3A_2225, %mul3A_2223 : vector<16xf32>
      %mul3A_2227 = arith.mulf %bitcast3A_2218, %sub3A_2226 : vector<16xf32>
      %mul3A_2228 = arith.mulf %mul3A_2221, %mul3A_2227 : vector<16xf32>
      %mul3A_2229 = arith.mulf %mul3A_2228, %mul3A_2227 : vector<16xf32>
      %sub3A_2230 = arith.constant 1.500000e+00 : f32
      %sub3A_2231 = vector.broadcast %sub3A_2230 : f32 to vector<16xf32>
      %sub3A_2232 = arith.subf %sub3A_2231, %mul3A_2229 : vector<16xf32>
      %mul3A_2233 = arith.mulf %mul3A_2227, %sub3A_2232 : vector<16xf32>
      %mul3A_2234 = arith.mulf %max3A_2210, %mul3A_2233 : vector<16xf32>
      %swap3A_2235 = arith.constant 464 : index
      %swap3A_2236 = tpu.vector_load %arg9[%swap3A_2235] {strides = array<i32>} : memref<560xf32, #tpu.memory_space<vmem>>, vector<16xf32>,
      tpu.vector_store %arg9[%swap3A_2235], %mul3A_2234 {strides = array<i32>} : memref<560xf32, #tpu.memory_space<vmem>>, vector<16xf32>,
      %add3A_2237 = arith.addf %gather3A_920, %gather3A_968 : vector<16xf32>
      %add3A_2238 = arith.addf %gather3A_924, %gather3A_972 : vector<16xf32>
      %add3A_2239 = arith.addf %gather3A_928, %gather3A_976 : vector<16xf32>
      %add3A_2240 = arith.addf %gather3A_932, %gather3A_980 : vector<16xf32>
      %add3A_2241 = arith.addf %add3A_2237, %gather3A_984 : vector<16xf32>
      %add3A_2242 = arith.addf %add3A_2238, %gather3A_988 : vector<16xf32>
      %add3A_2243 = arith.addf %add3A_2239, %gather3A_992 : vector<16xf32>
      %add3A_2244 = arith.addf %add3A_2240, %gather3A_996 : vector<16xf32>
      %mul3A_2245 = arith.mulf %add3A_2241, %add3A_2241 : vector<16xf32>
      %mul3A_2246 = arith.mulf %add3A_2242, %add3A_2242 : vector<16xf32>
      %sub3A_2247 = arith.subf %mul3A_2245, %mul3A_2246 : vector<16xf32>
      %mul3A_2248 = arith.mulf %add3A_2243, %add3A_2243 : vector<16xf32>
      %sub3A_2249 = arith.subf %sub3A_2247, %mul3A_2248 : vector<16xf32>
      %mul3A_2250 = arith.mulf %add3A_2244, %add3A_2244 : vector<16xf32>
      %sub3A_2251 = arith.subf %sub3A_2249, %mul3A_2250 : vector<16xf32>
      %max3A_2252 = arith.constant 9.99999996E-13 : f32
      %max3A_2253 = vector.broadcast %max3A_2252 : f32 to vector<16xf32>
      %max3A_2254 = arith.maximumf %sub3A_2251, %max3A_2253 : vector<16xf32>
      %bitcast3A_2255 = vector.bitcast %max3A_2254 : vector<16xf32> to vector<16xi32>
      %shift_right_arithmetic3A_2256 = arith.constant 1 : i32
      %shift_right_arithmetic3A_2257 = vector.broadcast %shift_right_arithmetic3A_2256 : i32 to vector<16xi32>
      %shift_right_arithmetic3A_2258 = arith.shrsi %bitcast3A_2255, %shift_right_arithmetic3A_2257 : vector<16xi32>
      %sub3A_2259 = arith.constant 1597463007 : i32
      %sub3A_2260 = vector.broadcast %sub3A_2259 : i32 to vector<16xi32>
      %sub3A_2261 = arith.subi %sub3A_2260, %shift_right_arithmetic3A_2258 : vector<16xi32>
      %bitcast3A_2262 = vector.bitcast %sub3A_2261 : vector<16xi32> to vector<16xf32>
      %mul3A_2263 = arith.constant 5.000000e-01 : f32
      %mul3A_2264 = vector.broadcast %mul3A_2263 : f32 to vector<16xf32>
      %mul3A_2265 = arith.mulf %mul3A_2264, %max3A_2254 : vector<16xf32>
      %mul3A_2266 = arith.mulf %mul3A_2265, %bitcast3A_2262 : vector<16xf32>
      %mul3A_2267 = arith.mulf %mul3A_2266, %bitcast3A_2262 : vector<16xf32>
      %sub3A_2268 = arith.constant 1.500000e+00 : f32
      %sub3A_2269 = vector.broadcast %sub3A_2268 : f32 to vector<16xf32>
      %sub3A_2270 = arith.subf %sub3A_2269, %mul3A_2267 : vector<16xf32>
      %mul3A_2271 = arith.mulf %bitcast3A_2262, %sub3A_2270 : vector<16xf32>
      %mul3A_2272 = arith.mulf %mul3A_2265, %mul3A_2271 : vector<16xf32>
      %mul3A_2273 = arith.mulf %mul3A_2272, %mul3A_2271 : vector<16xf32>
      %sub3A_2274 = arith.constant 1.500000e+00 : f32
      %sub3A_2275 = vector.broadcast %sub3A_2274 : f32 to vector<16xf32>
      %sub3A_2276 = arith.subf %sub3A_2275, %mul3A_2273 : vector<16xf32>
      %mul3A_2277 = arith.mulf %mul3A_2271, %sub3A_2276 : vector<16xf32>
      %mul3A_2278 = arith.mulf %max3A_2254, %mul3A_2277 : vector<16xf32>
      %swap3A_2279 = arith.constant 480 : index
      %swap3A_2280 = tpu.vector_load %arg9[%swap3A_2279] {strides = array<i32>} : memref<560xf32, #tpu.memory_space<vmem>>, vector<16xf32>,
      tpu.vector_store %arg9[%swap3A_2279], %mul3A_2278 {strides = array<i32>} : memref<560xf32, #tpu.memory_space<vmem>>, vector<16xf32>,
      %add3A_2281 = arith.addf %gather3A_936, %gather3A_952 : vector<16xf32>
      %add3A_2282 = arith.addf %gather3A_940, %gather3A_956 : vector<16xf32>
      %add3A_2283 = arith.addf %gather3A_944, %gather3A_960 : vector<16xf32>
      %add3A_2284 = arith.addf %gather3A_948, %gather3A_964 : vector<16xf32>
      %add3A_2285 = arith.addf %add3A_2281, %gather3A_968 : vector<16xf32>
      %add3A_2286 = arith.addf %add3A_2282, %gather3A_972 : vector<16xf32>
      %add3A_2287 = arith.addf %add3A_2283, %gather3A_976 : vector<16xf32>
      %add3A_2288 = arith.addf %add3A_2284, %gather3A_980 : vector<16xf32>
      %mul3A_2289 = arith.mulf %add3A_2285, %add3A_2285 : vector<16xf32>
      %mul3A_2290 = arith.mulf %add3A_2286, %add3A_2286 : vector<16xf32>
      %sub3A_2291 = arith.subf %mul3A_2289, %mul3A_2290 : vector<16xf32>
      %mul3A_2292 = arith.mulf %add3A_2287, %add3A_2287 : vector<16xf32>
      %sub3A_2293 = arith.subf %sub3A_2291, %mul3A_2292 : vector<16xf32>
      %mul3A_2294 = arith.mulf %add3A_2288, %add3A_2288 : vector<16xf32>
      %sub3A_2295 = arith.subf %sub3A_2293, %mul3A_2294 : vector<16xf32>
      %max3A_2296 = arith.constant 9.99999996E-13 : f32
      %max3A_2297 = vector.broadcast %max3A_2296 : f32 to vector<16xf32>
      %max3A_2298 = arith.maximumf %sub3A_2295, %max3A_2297 : vector<16xf32>
      %bitcast3A_2299 = vector.bitcast %max3A_2298 : vector<16xf32> to vector<16xi32>
      %shift_right_arithmetic3A_2300 = arith.constant 1 : i32
      %shift_right_arithmetic3A_2301 = vector.broadcast %shift_right_arithmetic3A_2300 : i32 to vector<16xi32>
      %shift_right_arithmetic3A_2302 = arith.shrsi %bitcast3A_2299, %shift_right_arithmetic3A_2301 : vector<16xi32>
      %sub3A_2303 = arith.constant 1597463007 : i32
      %sub3A_2304 = vector.broadcast %sub3A_2303 : i32 to vector<16xi32>
      %sub3A_2305 = arith.subi %sub3A_2304, %shift_right_arithmetic3A_2302 : vector<16xi32>
      %bitcast3A_2306 = vector.bitcast %sub3A_2305 : vector<16xi32> to vector<16xf32>
      %mul3A_2307 = arith.constant 5.000000e-01 : f32
      %mul3A_2308 = vector.broadcast %mul3A_2307 : f32 to vector<16xf32>
      %mul3A_2309 = arith.mulf %mul3A_2308, %max3A_2298 : vector<16xf32>
      %mul3A_2310 = arith.mulf %mul3A_2309, %bitcast3A_2306 : vector<16xf32>
      %mul3A_2311 = arith.mulf %mul3A_2310, %bitcast3A_2306 : vector<16xf32>
      %sub3A_2312 = arith.constant 1.500000e+00 : f32
      %sub3A_2313 = vector.broadcast %sub3A_2312 : f32 to vector<16xf32>
      %sub3A_2314 = arith.subf %sub3A_2313, %mul3A_2311 : vector<16xf32>
      %mul3A_2315 = arith.mulf %bitcast3A_2306, %sub3A_2314 : vector<16xf32>
      %mul3A_2316 = arith.mulf %mul3A_2309, %mul3A_2315 : vector<16xf32>
      %mul3A_2317 = arith.mulf %mul3A_2316, %mul3A_2315 : vector<16xf32>
      %sub3A_2318 = arith.constant 1.500000e+00 : f32
      %sub3A_2319 = vector.broadcast %sub3A_2318 : f32 to vector<16xf32>
      %sub3A_2320 = arith.subf %sub3A_2319, %mul3A_2317 : vector<16xf32>
      %mul3A_2321 = arith.mulf %mul3A_2315, %sub3A_2320 : vector<16xf32>
      %mul3A_2322 = arith.mulf %max3A_2298, %mul3A_2321 : vector<16xf32>
      %swap3A_2323 = arith.constant 496 : index
      %swap3A_2324 = tpu.vector_load %arg9[%swap3A_2323] {strides = array<i32>} : memref<560xf32, #tpu.memory_space<vmem>>, vector<16xf32>,
      tpu.vector_store %arg9[%swap3A_2323], %mul3A_2322 {strides = array<i32>} : memref<560xf32, #tpu.memory_space<vmem>>, vector<16xf32>,
      %add3A_2325 = arith.addf %add3A_2281, %gather3A_984 : vector<16xf32>
      %add3A_2326 = arith.addf %add3A_2282, %gather3A_988 : vector<16xf32>
      %add3A_2327 = arith.addf %add3A_2283, %gather3A_992 : vector<16xf32>
      %add3A_2328 = arith.addf %add3A_2284, %gather3A_996 : vector<16xf32>
      %mul3A_2329 = arith.mulf %add3A_2325, %add3A_2325 : vector<16xf32>
      %mul3A_2330 = arith.mulf %add3A_2326, %add3A_2326 : vector<16xf32>
      %sub3A_2331 = arith.subf %mul3A_2329, %mul3A_2330 : vector<16xf32>
      %mul3A_2332 = arith.mulf %add3A_2327, %add3A_2327 : vector<16xf32>
      %sub3A_2333 = arith.subf %sub3A_2331, %mul3A_2332 : vector<16xf32>
      %mul3A_2334 = arith.mulf %add3A_2328, %add3A_2328 : vector<16xf32>
      %sub3A_2335 = arith.subf %sub3A_2333, %mul3A_2334 : vector<16xf32>
      %max3A_2336 = arith.constant 9.99999996E-13 : f32
      %max3A_2337 = vector.broadcast %max3A_2336 : f32 to vector<16xf32>
      %max3A_2338 = arith.maximumf %sub3A_2335, %max3A_2337 : vector<16xf32>
      %bitcast3A_2339 = vector.bitcast %max3A_2338 : vector<16xf32> to vector<16xi32>
      %shift_right_arithmetic3A_2340 = arith.constant 1 : i32
      %shift_right_arithmetic3A_2341 = vector.broadcast %shift_right_arithmetic3A_2340 : i32 to vector<16xi32>
      %shift_right_arithmetic3A_2342 = arith.shrsi %bitcast3A_2339, %shift_right_arithmetic3A_2341 : vector<16xi32>
      %sub3A_2343 = arith.constant 1597463007 : i32
      %sub3A_2344 = vector.broadcast %sub3A_2343 : i32 to vector<16xi32>
      %sub3A_2345 = arith.subi %sub3A_2344, %shift_right_arithmetic3A_2342 : vector<16xi32>
      %bitcast3A_2346 = vector.bitcast %sub3A_2345 : vector<16xi32> to vector<16xf32>
      %mul3A_2347 = arith.constant 5.000000e-01 : f32
      %mul3A_2348 = vector.broadcast %mul3A_2347 : f32 to vector<16xf32>
      %mul3A_2349 = arith.mulf %mul3A_2348, %max3A_2338 : vector<16xf32>
      %mul3A_2350 = arith.mulf %mul3A_2349, %bitcast3A_2346 : vector<16xf32>
      %mul3A_2351 = arith.mulf %mul3A_2350, %bitcast3A_2346 : vector<16xf32>
      %sub3A_2352 = arith.constant 1.500000e+00 : f32
      %sub3A_2353 = vector.broadcast %sub3A_2352 : f32 to vector<16xf32>
      %sub3A_2354 = arith.subf %sub3A_2353, %mul3A_2351 : vector<16xf32>
      %mul3A_2355 = arith.mulf %bitcast3A_2346, %sub3A_2354 : vector<16xf32>
      %mul3A_2356 = arith.mulf %mul3A_2349, %mul3A_2355 : vector<16xf32>
      %mul3A_2357 = arith.mulf %mul3A_2356, %mul3A_2355 : vector<16xf32>
      %sub3A_2358 = arith.constant 1.500000e+00 : f32
      %sub3A_2359 = vector.broadcast %sub3A_2358 : f32 to vector<16xf32>
      %sub3A_2360 = arith.subf %sub3A_2359, %mul3A_2357 : vector<16xf32>
      %mul3A_2361 = arith.mulf %mul3A_2355, %sub3A_2360 : vector<16xf32>
      %mul3A_2362 = arith.mulf %max3A_2338, %mul3A_2361 : vector<16xf32>
      %swap3A_2363 = arith.constant 512 : index
      %swap3A_2364 = tpu.vector_load %arg9[%swap3A_2363] {strides = array<i32>} : memref<560xf32, #tpu.memory_space<vmem>>, vector<16xf32>,
      tpu.vector_store %arg9[%swap3A_2363], %mul3A_2362 {strides = array<i32>} : memref<560xf32, #tpu.memory_space<vmem>>, vector<16xf32>,
      %add3A_2365 = arith.addf %gather3A_936, %gather3A_968 : vector<16xf32>
      %add3A_2366 = arith.addf %gather3A_940, %gather3A_972 : vector<16xf32>
      %add3A_2367 = arith.addf %gather3A_944, %gather3A_976 : vector<16xf32>
      %add3A_2368 = arith.addf %gather3A_948, %gather3A_980 : vector<16xf32>
      %add3A_2369 = arith.addf %add3A_2365, %gather3A_984 : vector<16xf32>
      %add3A_2370 = arith.addf %add3A_2366, %gather3A_988 : vector<16xf32>
      %add3A_2371 = arith.addf %add3A_2367, %gather3A_992 : vector<16xf32>
      %add3A_2372 = arith.addf %add3A_2368, %gather3A_996 : vector<16xf32>
      %mul3A_2373 = arith.mulf %add3A_2369, %add3A_2369 : vector<16xf32>
      %mul3A_2374 = arith.mulf %add3A_2370, %add3A_2370 : vector<16xf32>
      %sub3A_2375 = arith.subf %mul3A_2373, %mul3A_2374 : vector<16xf32>
      %mul3A_2376 = arith.mulf %add3A_2371, %add3A_2371 : vector<16xf32>
      %sub3A_2377 = arith.subf %sub3A_2375, %mul3A_2376 : vector<16xf32>
      %mul3A_2378 = arith.mulf %add3A_2372, %add3A_2372 : vector<16xf32>
      %sub3A_2379 = arith.subf %sub3A_2377, %mul3A_2378 : vector<16xf32>
      %max3A_2380 = arith.constant 9.99999996E-13 : f32
      %max3A_2381 = vector.broadcast %max3A_2380 : f32 to vector<16xf32>
      %max3A_2382 = arith.maximumf %sub3A_2379, %max3A_2381 : vector<16xf32>
      %bitcast3A_2383 = vector.bitcast %max3A_2382 : vector<16xf32> to vector<16xi32>
      %shift_right_arithmetic3A_2384 = arith.constant 1 : i32
      %shift_right_arithmetic3A_2385 = vector.broadcast %shift_right_arithmetic3A_2384 : i32 to vector<16xi32>
      %shift_right_arithmetic3A_2386 = arith.shrsi %bitcast3A_2383, %shift_right_arithmetic3A_2385 : vector<16xi32>
      %sub3A_2387 = arith.constant 1597463007 : i32
      %sub3A_2388 = vector.broadcast %sub3A_2387 : i32 to vector<16xi32>
      %sub3A_2389 = arith.subi %sub3A_2388, %shift_right_arithmetic3A_2386 : vector<16xi32>
      %bitcast3A_2390 = vector.bitcast %sub3A_2389 : vector<16xi32> to vector<16xf32>
      %mul3A_2391 = arith.constant 5.000000e-01 : f32
      %mul3A_2392 = vector.broadcast %mul3A_2391 : f32 to vector<16xf32>
      %mul3A_2393 = arith.mulf %mul3A_2392, %max3A_2382 : vector<16xf32>
      %mul3A_2394 = arith.mulf %mul3A_2393, %bitcast3A_2390 : vector<16xf32>
      %mul3A_2395 = arith.mulf %mul3A_2394, %bitcast3A_2390 : vector<16xf32>
      %sub3A_2396 = arith.constant 1.500000e+00 : f32
      %sub3A_2397 = vector.broadcast %sub3A_2396 : f32 to vector<16xf32>
      %sub3A_2398 = arith.subf %sub3A_2397, %mul3A_2395 : vector<16xf32>
      %mul3A_2399 = arith.mulf %bitcast3A_2390, %sub3A_2398 : vector<16xf32>
      %mul3A_2400 = arith.mulf %mul3A_2393, %mul3A_2399 : vector<16xf32>
      %mul3A_2401 = arith.mulf %mul3A_2400, %mul3A_2399 : vector<16xf32>
      %sub3A_2402 = arith.constant 1.500000e+00 : f32
      %sub3A_2403 = vector.broadcast %sub3A_2402 : f32 to vector<16xf32>
      %sub3A_2404 = arith.subf %sub3A_2403, %mul3A_2401 : vector<16xf32>
      %mul3A_2405 = arith.mulf %mul3A_2399, %sub3A_2404 : vector<16xf32>
      %mul3A_2406 = arith.mulf %max3A_2382, %mul3A_2405 : vector<16xf32>
      %swap3A_2407 = arith.constant 528 : index
      %swap3A_2408 = tpu.vector_load %arg9[%swap3A_2407] {strides = array<i32>} : memref<560xf32, #tpu.memory_space<vmem>>, vector<16xf32>,
      tpu.vector_store %arg9[%swap3A_2407], %mul3A_2406 {strides = array<i32>} : memref<560xf32, #tpu.memory_space<vmem>>, vector<16xf32>,
      %add3A_2409 = arith.addf %gather3A_952, %gather3A_968 : vector<16xf32>
      %add3A_2410 = arith.addf %gather3A_956, %gather3A_972 : vector<16xf32>
      %add3A_2411 = arith.addf %gather3A_960, %gather3A_976 : vector<16xf32>
      %add3A_2412 = arith.addf %gather3A_964, %gather3A_980 : vector<16xf32>
      %add3A_2413 = arith.addf %add3A_2409, %gather3A_984 : vector<16xf32>
      %add3A_2414 = arith.addf %add3A_2410, %gather3A_988 : vector<16xf32>
      %add3A_2415 = arith.addf %add3A_2411, %gather3A_992 : vector<16xf32>
      %add3A_2416 = arith.addf %add3A_2412, %gather3A_996 : vector<16xf32>
      %mul3A_2417 = arith.mulf %add3A_2413, %add3A_2413 : vector<16xf32>
      %mul3A_2418 = arith.mulf %add3A_2414, %add3A_2414 : vector<16xf32>
      %sub3A_2419 = arith.subf %mul3A_2417, %mul3A_2418 : vector<16xf32>
      %mul3A_2420 = arith.mulf %add3A_2415, %add3A_2415 : vector<16xf32>
      %sub3A_2421 = arith.subf %sub3A_2419, %mul3A_2420 : vector<16xf32>
      %mul3A_2422 = arith.mulf %add3A_2416, %add3A_2416 : vector<16xf32>
      %sub3A_2423 = arith.subf %sub3A_2421, %mul3A_2422 : vector<16xf32>
      %max3A_2424 = arith.constant 9.99999996E-13 : f32
      %max3A_2425 = vector.broadcast %max3A_2424 : f32 to vector<16xf32>
      %max3A_2426 = arith.maximumf %sub3A_2423, %max3A_2425 : vector<16xf32>
      %bitcast3A_2427 = vector.bitcast %max3A_2426 : vector<16xf32> to vector<16xi32>
      %shift_right_arithmetic3A_2428 = arith.constant 1 : i32
      %shift_right_arithmetic3A_2429 = vector.broadcast %shift_right_arithmetic3A_2428 : i32 to vector<16xi32>
      %shift_right_arithmetic3A_2430 = arith.shrsi %bitcast3A_2427, %shift_right_arithmetic3A_2429 : vector<16xi32>
      %sub3A_2431 = arith.constant 1597463007 : i32
      %sub3A_2432 = vector.broadcast %sub3A_2431 : i32 to vector<16xi32>
      %sub3A_2433 = arith.subi %sub3A_2432, %shift_right_arithmetic3A_2430 : vector<16xi32>
      %bitcast3A_2434 = vector.bitcast %sub3A_2433 : vector<16xi32> to vector<16xf32>
      %mul3A_2435 = arith.constant 5.000000e-01 : f32
      %mul3A_2436 = vector.broadcast %mul3A_2435 : f32 to vector<16xf32>
      %mul3A_2437 = arith.mulf %mul3A_2436, %max3A_2426 : vector<16xf32>
      %mul3A_2438 = arith.mulf %mul3A_2437, %bitcast3A_2434 : vector<16xf32>
      %mul3A_2439 = arith.mulf %mul3A_2438, %bitcast3A_2434 : vector<16xf32>
      %sub3A_2440 = arith.constant 1.500000e+00 : f32
      %sub3A_2441 = vector.broadcast %sub3A_2440 : f32 to vector<16xf32>
      %sub3A_2442 = arith.subf %sub3A_2441, %mul3A_2439 : vector<16xf32>
      %mul3A_2443 = arith.mulf %bitcast3A_2434, %sub3A_2442 : vector<16xf32>
      %mul3A_2444 = arith.mulf %mul3A_2437, %mul3A_2443 : vector<16xf32>
      %mul3A_2445 = arith.mulf %mul3A_2444, %mul3A_2443 : vector<16xf32>
      %sub3A_2446 = arith.constant 1.500000e+00 : f32
      %sub3A_2447 = vector.broadcast %sub3A_2446 : f32 to vector<16xf32>
      %sub3A_2448 = arith.subf %sub3A_2447, %mul3A_2445 : vector<16xf32>
      %mul3A_2449 = arith.mulf %mul3A_2443, %sub3A_2448 : vector<16xf32>
      %mul3A_2450 = arith.mulf %max3A_2426, %mul3A_2449 : vector<16xf32>
      %swap3A_2451 = arith.constant 544 : index
      %swap3A_2452 = tpu.vector_load %arg9[%swap3A_2451] {strides = array<i32>} : memref<560xf32, #tpu.memory_space<vmem>>, vector<16xf32>,
      tpu.vector_store %arg9[%swap3A_2451], %mul3A_2450 {strides = array<i32>} : memref<560xf32, #tpu.memory_space<vmem>>, vector<16xf32>,
      %mul3A_2453 = arith.constant 1120 : i32
      %mul3A_2454 = arith.muli %scan3A_880, %mul3A_2453 : i32
      %add3A_2455 = vector.broadcast %mul3A_2454 : i32 to vector<16xi32>
      %add3A_2456 = arith.addi %mul3A_872, %add3A_2455 : vector<16xi32>
      %get3A = arith.index_cast %squeeze3A : i32 to index
      %get3A_2457 = tpu.vector_load %arg9[%get3A] {strides = array<i32>} : memref<560xf32, #tpu.memory_space<vmem>>, vector<16xf32>,
      %get3A_2458 = arith.index_cast %squeeze3A_728 : i32 to index
      %get3A_2459 = tpu.vector_load %arg9[%get3A_2458] {strides = array<i32>} : memref<560xf32, #tpu.memory_space<vmem>>, vector<16xf32>,
      %sub3A_2460 = arith.subf %get3A_2457, %get3A_2459 : vector<16xf32>
      %abs3A = math.absf %sub3A_2460 : vector<16xf32>
      %add3A_2461 = arith.addf %get3A_2457, %get3A_2459 : vector<16xf32>
      %max3A_2462 = arith.constant 9.99999993E-9 : f32
      %max3A_2463 = vector.broadcast %max3A_2462 : f32 to vector<16xf32>
      %max3A_2464 = arith.maximumf %add3A_2461, %max3A_2463 : vector<16xf32>
      %add3A_2465 = arith.constant 0 : i32
      %add3A_2466 = vector.broadcast %add3A_2465 : i32 to vector<16xi32>
      %add3A_2467 = arith.addi %add3A_2456, %add3A_2466 : vector<16xi32>
      %div3A = arith.divf %abs3A, %max3A_2464 : vector<16xf32>
      %neg3A = arith.constant 0.000000e+00 : f32
      %neg3A_2468 = vector.broadcast %neg3A : f32 to vector<16xf32>
      %neg3A_2469 = arith.subf %neg3A_2468, %div3A : vector<16xf32>
      tpu.vector_store_idx %arg10[%add3A_2467], %neg3A_2469 : memref<35840xf32, #tpu.memory_space<vmem>>[vector<16xi32>], vector<16xf32>,
      %get3A_2470 = arith.index_cast %squeeze3A_590 : i32 to index
      %get3A_2471 = tpu.vector_load %arg9[%get3A_2470] {strides = array<i32>} : memref<560xf32, #tpu.memory_space<vmem>>, vector<16xf32>,
      %get3A_2472 = arith.index_cast %squeeze3A_730 : i32 to index
      %get3A_2473 = tpu.vector_load %arg9[%get3A_2472] {strides = array<i32>} : memref<560xf32, #tpu.memory_space<vmem>>, vector<16xf32>,
      %sub3A_2474 = arith.subf %get3A_2471, %get3A_2473 : vector<16xf32>
      %abs3A_2475 = math.absf %sub3A_2474 : vector<16xf32>
      %add3A_2476 = arith.addf %get3A_2471, %get3A_2473 : vector<16xf32>
      %max3A_2477 = arith.constant 9.99999993E-9 : f32
      %max3A_2478 = vector.broadcast %max3A_2477 : f32 to vector<16xf32>
      %max3A_2479 = arith.maximumf %add3A_2476, %max3A_2478 : vector<16xf32>
      %add3A_2480 = arith.constant 1 : i32
      %add3A_2481 = vector.broadcast %add3A_2480 : i32 to vector<16xi32>
      %add3A_2482 = arith.addi %add3A_2456, %add3A_2481 : vector<16xi32>
      %div3A_2483 = arith.divf %abs3A_2475, %max3A_2479 : vector<16xf32>
      %neg3A_2484 = arith.constant 0.000000e+00 : f32
      %neg3A_2485 = vector.broadcast %neg3A_2484 : f32 to vector<16xf32>
      %neg3A_2486 = arith.subf %neg3A_2485, %div3A_2483 : vector<16xf32>
      tpu.vector_store_idx %arg10[%add3A_2482], %neg3A_2486 : memref<35840xf32, #tpu.memory_space<vmem>>[vector<16xi32>], vector<16xf32>,
      %get3A_2487 = arith.index_cast %squeeze3A_592 : i32 to index
      %get3A_2488 = tpu.vector_load %arg9[%get3A_2487] {strides = array<i32>} : memref<560xf32, #tpu.memory_space<vmem>>, vector<16xf32>,
      %get3A_2489 = arith.index_cast %squeeze3A_732 : i32 to index
      %get3A_2490 = tpu.vector_load %arg9[%get3A_2489] {strides = array<i32>} : memref<560xf32, #tpu.memory_space<vmem>>, vector<16xf32>,
      %sub3A_2491 = arith.subf %get3A_2488, %get3A_2490 : vector<16xf32>
      %abs3A_2492 = math.absf %sub3A_2491 : vector<16xf32>
      %add3A_2493 = arith.addf %get3A_2488, %get3A_2490 : vector<16xf32>
      %max3A_2494 = arith.constant 9.99999993E-9 : f32
      %max3A_2495 = vector.broadcast %max3A_2494 : f32 to vector<16xf32>
      %max3A_2496 = arith.maximumf %add3A_2493, %max3A_2495 : vector<16xf32>
      %add3A_2497 = arith.constant 2 : i32
      %add3A_2498 = vector.broadcast %add3A_2497 : i32 to vector<16xi32>
      %add3A_2499 = arith.addi %add3A_2456, %add3A_2498 : vector<16xi32>
      %div3A_2500 = arith.divf %abs3A_2492, %max3A_2496 : vector<16xf32>
      %neg3A_2501 = arith.constant 0.000000e+00 : f32
      %neg3A_2502 = vector.broadcast %neg3A_2501 : f32 to vector<16xf32>
      %neg3A_2503 = arith.subf %neg3A_2502, %div3A_2500 : vector<16xf32>
      tpu.vector_store_idx %arg10[%add3A_2499], %neg3A_2503 : memref<35840xf32, #tpu.memory_space<vmem>>[vector<16xi32>], vector<16xf32>,
      %get3A_2504 = arith.index_cast %squeeze3A_594 : i32 to index
      %get3A_2505 = tpu.vector_load %arg9[%get3A_2504] {strides = array<i32>} : memref<560xf32, #tpu.memory_space<vmem>>, vector<16xf32>,
      %get3A_2506 = arith.index_cast %squeeze3A_734 : i32 to index
      %get3A_2507 = tpu.vector_load %arg9[%get3A_2506] {strides = array<i32>} : memref<560xf32, #tpu.memory_space<vmem>>, vector<16xf32>,
      %sub3A_2508 = arith.subf %get3A_2505, %get3A_2507 : vector<16xf32>
      %abs3A_2509 = math.absf %sub3A_2508 : vector<16xf32>
      %add3A_2510 = arith.addf %get3A_2505, %get3A_2507 : vector<16xf32>
      %max3A_2511 = arith.constant 9.99999993E-9 : f32
      %max3A_2512 = vector.broadcast %max3A_2511 : f32 to vector<16xf32>
      %max3A_2513 = arith.maximumf %add3A_2510, %max3A_2512 : vector<16xf32>
      %add3A_2514 = arith.constant 3 : i32
      %add3A_2515 = vector.broadcast %add3A_2514 : i32 to vector<16xi32>
      %add3A_2516 = arith.addi %add3A_2456, %add3A_2515 : vector<16xi32>
      %div3A_2517 = arith.divf %abs3A_2509, %max3A_2513 : vector<16xf32>
      %neg3A_2518 = arith.constant 0.000000e+00 : f32
      %neg3A_2519 = vector.broadcast %neg3A_2518 : f32 to vector<16xf32>
      %neg3A_2520 = arith.subf %neg3A_2519, %div3A_2517 : vector<16xf32>
      tpu.vector_store_idx %arg10[%add3A_2516], %neg3A_2520 : memref<35840xf32, #tpu.memory_space<vmem>>[vector<16xi32>], vector<16xf32>,
      %get3A_2521 = arith.index_cast %squeeze3A_596 : i32 to index
      %get3A_2522 = tpu.vector_load %arg9[%get3A_2521] {strides = array<i32>} : memref<560xf32, #tpu.memory_space<vmem>>, vector<16xf32>,
      %get3A_2523 = arith.index_cast %squeeze3A_736 : i32 to index
      %get3A_2524 = tpu.vector_load %arg9[%get3A_2523] {strides = array<i32>} : memref<560xf32, #tpu.memory_space<vmem>>, vector<16xf32>,
      %sub3A_2525 = arith.subf %get3A_2522, %get3A_2524 : vector<16xf32>
      %abs3A_2526 = math.absf %sub3A_2525 : vector<16xf32>
      %add3A_2527 = arith.addf %get3A_2522, %get3A_2524 : vector<16xf32>
      %max3A_2528 = arith.constant 9.99999993E-9 : f32
      %max3A_2529 = vector.broadcast %max3A_2528 : f32 to vector<16xf32>
      %max3A_2530 = arith.maximumf %add3A_2527, %max3A_2529 : vector<16xf32>
      %add3A_2531 = arith.constant 4 : i32
      %add3A_2532 = vector.broadcast %add3A_2531 : i32 to vector<16xi32>
      %add3A_2533 = arith.addi %add3A_2456, %add3A_2532 : vector<16xi32>
      %div3A_2534 = arith.divf %abs3A_2526, %max3A_2530 : vector<16xf32>
      %neg3A_2535 = arith.constant 0.000000e+00 : f32
      %neg3A_2536 = vector.broadcast %neg3A_2535 : f32 to vector<16xf32>
      %neg3A_2537 = arith.subf %neg3A_2536, %div3A_2534 : vector<16xf32>
      tpu.vector_store_idx %arg10[%add3A_2533], %neg3A_2537 : memref<35840xf32, #tpu.memory_space<vmem>>[vector<16xi32>], vector<16xf32>,
      %get3A_2538 = arith.index_cast %squeeze3A_598 : i32 to index
      %get3A_2539 = tpu.vector_load %arg9[%get3A_2538] {strides = array<i32>} : memref<560xf32, #tpu.memory_space<vmem>>, vector<16xf32>,
      %get3A_2540 = arith.index_cast %squeeze3A_738 : i32 to index
      %get3A_2541 = tpu.vector_load %arg9[%get3A_2540] {strides = array<i32>} : memref<560xf32, #tpu.memory_space<vmem>>, vector<16xf32>,
      %sub3A_2542 = arith.subf %get3A_2539, %get3A_2541 : vector<16xf32>
      %abs3A_2543 = math.absf %sub3A_2542 : vector<16xf32>
      %add3A_2544 = arith.addf %get3A_2539, %get3A_2541 : vector<16xf32>
      %max3A_2545 = arith.constant 9.99999993E-9 : f32
      %max3A_2546 = vector.broadcast %max3A_2545 : f32 to vector<16xf32>
      %max3A_2547 = arith.maximumf %add3A_2544, %max3A_2546 : vector<16xf32>
      %add3A_2548 = arith.constant 5 : i32
      %add3A_2549 = vector.broadcast %add3A_2548 : i32 to vector<16xi32>
      %add3A_2550 = arith.addi %add3A_2456, %add3A_2549 : vector<16xi32>
      %div3A_2551 = arith.divf %abs3A_2543, %max3A_2547 : vector<16xf32>
      %neg3A_2552 = arith.constant 0.000000e+00 : f32
      %neg3A_2553 = vector.broadcast %neg3A_2552 : f32 to vector<16xf32>
      %neg3A_2554 = arith.subf %neg3A_2553, %div3A_2551 : vector<16xf32>
      tpu.vector_store_idx %arg10[%add3A_2550], %neg3A_2554 : memref<35840xf32, #tpu.memory_space<vmem>>[vector<16xi32>], vector<16xf32>,
      %get3A_2555 = arith.index_cast %squeeze3A_600 : i32 to index
      %get3A_2556 = tpu.vector_load %arg9[%get3A_2555] {strides = array<i32>} : memref<560xf32, #tpu.memory_space<vmem>>, vector<16xf32>,
      %get3A_2557 = arith.index_cast %squeeze3A_740 : i32 to index
      %get3A_2558 = tpu.vector_load %arg9[%get3A_2557] {strides = array<i32>} : memref<560xf32, #tpu.memory_space<vmem>>, vector<16xf32>,
      %sub3A_2559 = arith.subf %get3A_2556, %get3A_2558 : vector<16xf32>
      %abs3A_2560 = math.absf %sub3A_2559 : vector<16xf32>
      %add3A_2561 = arith.addf %get3A_2556, %get3A_2558 : vector<16xf32>
      %max3A_2562 = arith.constant 9.99999993E-9 : f32
      %max3A_2563 = vector.broadcast %max3A_2562 : f32 to vector<16xf32>
      %max3A_2564 = arith.maximumf %add3A_2561, %max3A_2563 : vector<16xf32>
      %add3A_2565 = arith.constant 6 : i32
      %add3A_2566 = vector.broadcast %add3A_2565 : i32 to vector<16xi32>
      %add3A_2567 = arith.addi %add3A_2456, %add3A_2566 : vector<16xi32>
      %div3A_2568 = arith.divf %abs3A_2560, %max3A_2564 : vector<16xf32>
      %neg3A_2569 = arith.constant 0.000000e+00 : f32
      %neg3A_2570 = vector.broadcast %neg3A_2569 : f32 to vector<16xf32>
      %neg3A_2571 = arith.subf %neg3A_2570, %div3A_2568 : vector<16xf32>
      tpu.vector_store_idx %arg10[%add3A_2567], %neg3A_2571 : memref<35840xf32, #tpu.memory_space<vmem>>[vector<16xi32>], vector<16xf32>,
      %get3A_2572 = arith.index_cast %squeeze3A_602 : i32 to index
      %get3A_2573 = tpu.vector_load %arg9[%get3A_2572] {strides = array<i32>} : memref<560xf32, #tpu.memory_space<vmem>>, vector<16xf32>,
      %get3A_2574 = arith.index_cast %squeeze3A_742 : i32 to index
      %get3A_2575 = tpu.vector_load %arg9[%get3A_2574] {strides = array<i32>} : memref<560xf32, #tpu.memory_space<vmem>>, vector<16xf32>,
      %sub3A_2576 = arith.subf %get3A_2573, %get3A_2575 : vector<16xf32>
      %abs3A_2577 = math.absf %sub3A_2576 : vector<16xf32>
      %add3A_2578 = arith.addf %get3A_2573, %get3A_2575 : vector<16xf32>
      %max3A_2579 = arith.constant 9.99999993E-9 : f32
      %max3A_2580 = vector.broadcast %max3A_2579 : f32 to vector<16xf32>
      %max3A_2581 = arith.maximumf %add3A_2578, %max3A_2580 : vector<16xf32>
      %add3A_2582 = arith.constant 7 : i32
      %add3A_2583 = vector.broadcast %add3A_2582 : i32 to vector<16xi32>
      %add3A_2584 = arith.addi %add3A_2456, %add3A_2583 : vector<16xi32>
      %div3A_2585 = arith.divf %abs3A_2577, %max3A_2581 : vector<16xf32>
      %neg3A_2586 = arith.constant 0.000000e+00 : f32
      %neg3A_2587 = vector.broadcast %neg3A_2586 : f32 to vector<16xf32>
      %neg3A_2588 = arith.subf %neg3A_2587, %div3A_2585 : vector<16xf32>
      tpu.vector_store_idx %arg10[%add3A_2584], %neg3A_2588 : memref<35840xf32, #tpu.memory_space<vmem>>[vector<16xi32>], vector<16xf32>,
      %get3A_2589 = arith.index_cast %squeeze3A_604 : i32 to index
      %get3A_2590 = tpu.vector_load %arg9[%get3A_2589] {strides = array<i32>} : memref<560xf32, #tpu.memory_space<vmem>>, vector<16xf32>,
      %get3A_2591 = arith.index_cast %squeeze3A_744 : i32 to index
      %get3A_2592 = tpu.vector_load %arg9[%get3A_2591] {strides = array<i32>} : memref<560xf32, #tpu.memory_space<vmem>>, vector<16xf32>,
      %sub3A_2593 = arith.subf %get3A_2590, %get3A_2592 : vector<16xf32>
      %abs3A_2594 = math.absf %sub3A_2593 : vector<16xf32>
      %add3A_2595 = arith.addf %get3A_2590, %get3A_2592 : vector<16xf32>
      %max3A_2596 = arith.constant 9.99999993E-9 : f32
      %max3A_2597 = vector.broadcast %max3A_2596 : f32 to vector<16xf32>
      %max3A_2598 = arith.maximumf %add3A_2595, %max3A_2597 : vector<16xf32>
      %add3A_2599 = arith.constant 8 : i32
      %add3A_2600 = vector.broadcast %add3A_2599 : i32 to vector<16xi32>
      %add3A_2601 = arith.addi %add3A_2456, %add3A_2600 : vector<16xi32>
      %div3A_2602 = arith.divf %abs3A_2594, %max3A_2598 : vector<16xf32>
      %neg3A_2603 = arith.constant 0.000000e+00 : f32
      %neg3A_2604 = vector.broadcast %neg3A_2603 : f32 to vector<16xf32>
      %neg3A_2605 = arith.subf %neg3A_2604, %div3A_2602 : vector<16xf32>
      tpu.vector_store_idx %arg10[%add3A_2601], %neg3A_2605 : memref<35840xf32, #tpu.memory_space<vmem>>[vector<16xi32>], vector<16xf32>,
      %get3A_2606 = arith.index_cast %squeeze3A_606 : i32 to index
      %get3A_2607 = tpu.vector_load %arg9[%get3A_2606] {strides = array<i32>} : memref<560xf32, #tpu.memory_space<vmem>>, vector<16xf32>,
      %get3A_2608 = arith.index_cast %squeeze3A_746 : i32 to index
      %get3A_2609 = tpu.vector_load %arg9[%get3A_2608] {strides = array<i32>} : memref<560xf32, #tpu.memory_space<vmem>>, vector<16xf32>,
      %sub3A_2610 = arith.subf %get3A_2607, %get3A_2609 : vector<16xf32>
      %abs3A_2611 = math.absf %sub3A_2610 : vector<16xf32>
      %add3A_2612 = arith.addf %get3A_2607, %get3A_2609 : vector<16xf32>
      %max3A_2613 = arith.constant 9.99999993E-9 : f32
      %max3A_2614 = vector.broadcast %max3A_2613 : f32 to vector<16xf32>
      %max3A_2615 = arith.maximumf %add3A_2612, %max3A_2614 : vector<16xf32>
      %add3A_2616 = arith.constant 9 : i32
      %add3A_2617 = vector.broadcast %add3A_2616 : i32 to vector<16xi32>
      %add3A_2618 = arith.addi %add3A_2456, %add3A_2617 : vector<16xi32>
      %div3A_2619 = arith.divf %abs3A_2611, %max3A_2615 : vector<16xf32>
      %neg3A_2620 = arith.constant 0.000000e+00 : f32
      %neg3A_2621 = vector.broadcast %neg3A_2620 : f32 to vector<16xf32>
      %neg3A_2622 = arith.subf %neg3A_2621, %div3A_2619 : vector<16xf32>
      tpu.vector_store_idx %arg10[%add3A_2618], %neg3A_2622 : memref<35840xf32, #tpu.memory_space<vmem>>[vector<16xi32>], vector<16xf32>,
      %get3A_2623 = arith.index_cast %squeeze3A_608 : i32 to index
      %get3A_2624 = tpu.vector_load %arg9[%get3A_2623] {strides = array<i32>} : memref<560xf32, #tpu.memory_space<vmem>>, vector<16xf32>,
      %get3A_2625 = arith.index_cast %squeeze3A_748 : i32 to index
      %get3A_2626 = tpu.vector_load %arg9[%get3A_2625] {strides = array<i32>} : memref<560xf32, #tpu.memory_space<vmem>>, vector<16xf32>,
      %sub3A_2627 = arith.subf %get3A_2624, %get3A_2626 : vector<16xf32>
      %abs3A_2628 = math.absf %sub3A_2627 : vector<16xf32>
      %add3A_2629 = arith.addf %get3A_2624, %get3A_2626 : vector<16xf32>
      %max3A_2630 = arith.constant 9.99999993E-9 : f32
      %max3A_2631 = vector.broadcast %max3A_2630 : f32 to vector<16xf32>
      %max3A_2632 = arith.maximumf %add3A_2629, %max3A_2631 : vector<16xf32>
      %add3A_2633 = arith.constant 10 : i32
      %add3A_2634 = vector.broadcast %add3A_2633 : i32 to vector<16xi32>
      %add3A_2635 = arith.addi %add3A_2456, %add3A_2634 : vector<16xi32>
      %div3A_2636 = arith.divf %abs3A_2628, %max3A_2632 : vector<16xf32>
      %neg3A_2637 = arith.constant 0.000000e+00 : f32
      %neg3A_2638 = vector.broadcast %neg3A_2637 : f32 to vector<16xf32>
      %neg3A_2639 = arith.subf %neg3A_2638, %div3A_2636 : vector<16xf32>
      tpu.vector_store_idx %arg10[%add3A_2635], %neg3A_2639 : memref<35840xf32, #tpu.memory_space<vmem>>[vector<16xi32>], vector<16xf32>,
      %get3A_2640 = arith.index_cast %squeeze3A_610 : i32 to index
      %get3A_2641 = tpu.vector_load %arg9[%get3A_2640] {strides = array<i32>} : memref<560xf32, #tpu.memory_space<vmem>>, vector<16xf32>,
      %get3A_2642 = arith.index_cast %squeeze3A_750 : i32 to index
      %get3A_2643 = tpu.vector_load %arg9[%get3A_2642] {strides = array<i32>} : memref<560xf32, #tpu.memory_space<vmem>>, vector<16xf32>,
      %sub3A_2644 = arith.subf %get3A_2641, %get3A_2643 : vector<16xf32>
      %abs3A_2645 = math.absf %sub3A_2644 : vector<16xf32>
      %add3A_2646 = arith.addf %get3A_2641, %get3A_2643 : vector<16xf32>
      %max3A_2647 = arith.constant 9.99999993E-9 : f32
      %max3A_2648 = vector.broadcast %max3A_2647 : f32 to vector<16xf32>
      %max3A_2649 = arith.maximumf %add3A_2646, %max3A_2648 : vector<16xf32>
      %add3A_2650 = arith.constant 11 : i32
      %add3A_2651 = vector.broadcast %add3A_2650 : i32 to vector<16xi32>
      %add3A_2652 = arith.addi %add3A_2456, %add3A_2651 : vector<16xi32>
      %div3A_2653 = arith.divf %abs3A_2645, %max3A_2649 : vector<16xf32>
      %neg3A_2654 = arith.constant 0.000000e+00 : f32
      %neg3A_2655 = vector.broadcast %neg3A_2654 : f32 to vector<16xf32>
      %neg3A_2656 = arith.subf %neg3A_2655, %div3A_2653 : vector<16xf32>
      tpu.vector_store_idx %arg10[%add3A_2652], %neg3A_2656 : memref<35840xf32, #tpu.memory_space<vmem>>[vector<16xi32>], vector<16xf32>,
      %get3A_2657 = arith.index_cast %squeeze3A_612 : i32 to index
      %get3A_2658 = tpu.vector_load %arg9[%get3A_2657] {strides = array<i32>} : memref<560xf32, #tpu.memory_space<vmem>>, vector<16xf32>,
      %get3A_2659 = arith.index_cast %squeeze3A_752 : i32 to index
      %get3A_2660 = tpu.vector_load %arg9[%get3A_2659] {strides = array<i32>} : memref<560xf32, #tpu.memory_space<vmem>>, vector<16xf32>,
      %sub3A_2661 = arith.subf %get3A_2658, %get3A_2660 : vector<16xf32>
      %abs3A_2662 = math.absf %sub3A_2661 : vector<16xf32>
      %add3A_2663 = arith.addf %get3A_2658, %get3A_2660 : vector<16xf32>
      %max3A_2664 = arith.constant 9.99999993E-9 : f32
      %max3A_2665 = vector.broadcast %max3A_2664 : f32 to vector<16xf32>
      %max3A_2666 = arith.maximumf %add3A_2663, %max3A_2665 : vector<16xf32>
      %add3A_2667 = arith.constant 12 : i32
      %add3A_2668 = vector.broadcast %add3A_2667 : i32 to vector<16xi32>
      %add3A_2669 = arith.addi %add3A_2456, %add3A_2668 : vector<16xi32>
      %div3A_2670 = arith.divf %abs3A_2662, %max3A_2666 : vector<16xf32>
      %neg3A_2671 = arith.constant 0.000000e+00 : f32
      %neg3A_2672 = vector.broadcast %neg3A_2671 : f32 to vector<16xf32>
      %neg3A_2673 = arith.subf %neg3A_2672, %div3A_2670 : vector<16xf32>
      tpu.vector_store_idx %arg10[%add3A_2669], %neg3A_2673 : memref<35840xf32, #tpu.memory_space<vmem>>[vector<16xi32>], vector<16xf32>,
      %get3A_2674 = arith.index_cast %squeeze3A_614 : i32 to index
      %get3A_2675 = tpu.vector_load %arg9[%get3A_2674] {strides = array<i32>} : memref<560xf32, #tpu.memory_space<vmem>>, vector<16xf32>,
      %get3A_2676 = arith.index_cast %squeeze3A_754 : i32 to index
      %get3A_2677 = tpu.vector_load %arg9[%get3A_2676] {strides = array<i32>} : memref<560xf32, #tpu.memory_space<vmem>>, vector<16xf32>,
      %sub3A_2678 = arith.subf %get3A_2675, %get3A_2677 : vector<16xf32>
      %abs3A_2679 = math.absf %sub3A_2678 : vector<16xf32>
      %add3A_2680 = arith.addf %get3A_2675, %get3A_2677 : vector<16xf32>
      %max3A_2681 = arith.constant 9.99999993E-9 : f32
      %max3A_2682 = vector.broadcast %max3A_2681 : f32 to vector<16xf32>
      %max3A_2683 = arith.maximumf %add3A_2680, %max3A_2682 : vector<16xf32>
      %add3A_2684 = arith.constant 13 : i32
      %add3A_2685 = vector.broadcast %add3A_2684 : i32 to vector<16xi32>
      %add3A_2686 = arith.addi %add3A_2456, %add3A_2685 : vector<16xi32>
      %div3A_2687 = arith.divf %abs3A_2679, %max3A_2683 : vector<16xf32>
      %neg3A_2688 = arith.constant 0.000000e+00 : f32
      %neg3A_2689 = vector.broadcast %neg3A_2688 : f32 to vector<16xf32>
      %neg3A_2690 = arith.subf %neg3A_2689, %div3A_2687 : vector<16xf32>
      tpu.vector_store_idx %arg10[%add3A_2686], %neg3A_2690 : memref<35840xf32, #tpu.memory_space<vmem>>[vector<16xi32>], vector<16xf32>,
      %get3A_2691 = arith.index_cast %squeeze3A_616 : i32 to index
      %get3A_2692 = tpu.vector_load %arg9[%get3A_2691] {strides = array<i32>} : memref<560xf32, #tpu.memory_space<vmem>>, vector<16xf32>,
      %get3A_2693 = arith.index_cast %squeeze3A_756 : i32 to index
      %get3A_2694 = tpu.vector_load %arg9[%get3A_2693] {strides = array<i32>} : memref<560xf32, #tpu.memory_space<vmem>>, vector<16xf32>,
      %sub3A_2695 = arith.subf %get3A_2692, %get3A_2694 : vector<16xf32>
      %abs3A_2696 = math.absf %sub3A_2695 : vector<16xf32>
      %add3A_2697 = arith.addf %get3A_2692, %get3A_2694 : vector<16xf32>
      %max3A_2698 = arith.constant 9.99999993E-9 : f32
      %max3A_2699 = vector.broadcast %max3A_2698 : f32 to vector<16xf32>
      %max3A_2700 = arith.maximumf %add3A_2697, %max3A_2699 : vector<16xf32>
      %add3A_2701 = arith.constant 14 : i32
      %add3A_2702 = vector.broadcast %add3A_2701 : i32 to vector<16xi32>
      %add3A_2703 = arith.addi %add3A_2456, %add3A_2702 : vector<16xi32>
      %div3A_2704 = arith.divf %abs3A_2696, %max3A_2700 : vector<16xf32>
      %neg3A_2705 = arith.constant 0.000000e+00 : f32
      %neg3A_2706 = vector.broadcast %neg3A_2705 : f32 to vector<16xf32>
      %neg3A_2707 = arith.subf %neg3A_2706, %div3A_2704 : vector<16xf32>
      tpu.vector_store_idx %arg10[%add3A_2703], %neg3A_2707 : memref<35840xf32, #tpu.memory_space<vmem>>[vector<16xi32>], vector<16xf32>,
      %get3A_2708 = arith.index_cast %squeeze3A_618 : i32 to index
      %get3A_2709 = tpu.vector_load %arg9[%get3A_2708] {strides = array<i32>} : memref<560xf32, #tpu.memory_space<vmem>>, vector<16xf32>,
      %get3A_2710 = arith.index_cast %squeeze3A_758 : i32 to index
      %get3A_2711 = tpu.vector_load %arg9[%get3A_2710] {strides = array<i32>} : memref<560xf32, #tpu.memory_space<vmem>>, vector<16xf32>,
      %sub3A_2712 = arith.subf %get3A_2709, %get3A_2711 : vector<16xf32>
      %abs3A_2713 = math.absf %sub3A_2712 : vector<16xf32>
      %add3A_2714 = arith.addf %get3A_2709, %get3A_2711 : vector<16xf32>
      %max3A_2715 = arith.constant 9.99999993E-9 : f32
      %max3A_2716 = vector.broadcast %max3A_2715 : f32 to vector<16xf32>
      %max3A_2717 = arith.maximumf %add3A_2714, %max3A_2716 : vector<16xf32>
      %add3A_2718 = arith.constant 15 : i32
      %add3A_2719 = vector.broadcast %add3A_2718 : i32 to vector<16xi32>
      %add3A_2720 = arith.addi %add3A_2456, %add3A_2719 : vector<16xi32>
      %div3A_2721 = arith.divf %abs3A_2713, %max3A_2717 : vector<16xf32>
      %neg3A_2722 = arith.constant 0.000000e+00 : f32
      %neg3A_2723 = vector.broadcast %neg3A_2722 : f32 to vector<16xf32>
      %neg3A_2724 = arith.subf %neg3A_2723, %div3A_2721 : vector<16xf32>
      tpu.vector_store_idx %arg10[%add3A_2720], %neg3A_2724 : memref<35840xf32, #tpu.memory_space<vmem>>[vector<16xi32>], vector<16xf32>,
      %get3A_2725 = arith.index_cast %squeeze3A_620 : i32 to index
      %get3A_2726 = tpu.vector_load %arg9[%get3A_2725] {strides = array<i32>} : memref<560xf32, #tpu.memory_space<vmem>>, vector<16xf32>,
      %get3A_2727 = arith.index_cast %squeeze3A_760 : i32 to index
      %get3A_2728 = tpu.vector_load %arg9[%get3A_2727] {strides = array<i32>} : memref<560xf32, #tpu.memory_space<vmem>>, vector<16xf32>,
      %sub3A_2729 = arith.subf %get3A_2726, %get3A_2728 : vector<16xf32>
      %abs3A_2730 = math.absf %sub3A_2729 : vector<16xf32>
      %add3A_2731 = arith.addf %get3A_2726, %get3A_2728 : vector<16xf32>
      %max3A_2732 = arith.constant 9.99999993E-9 : f32
      %max3A_2733 = vector.broadcast %max3A_2732 : f32 to vector<16xf32>
      %max3A_2734 = arith.maximumf %add3A_2731, %max3A_2733 : vector<16xf32>
      %add3A_2735 = arith.constant 16 : i32
      %add3A_2736 = vector.broadcast %add3A_2735 : i32 to vector<16xi32>
      %add3A_2737 = arith.addi %add3A_2456, %add3A_2736 : vector<16xi32>
      %div3A_2738 = arith.divf %abs3A_2730, %max3A_2734 : vector<16xf32>
      %neg3A_2739 = arith.constant 0.000000e+00 : f32
      %neg3A_2740 = vector.broadcast %neg3A_2739 : f32 to vector<16xf32>
      %neg3A_2741 = arith.subf %neg3A_2740, %div3A_2738 : vector<16xf32>
      tpu.vector_store_idx %arg10[%add3A_2737], %neg3A_2741 : memref<35840xf32, #tpu.memory_space<vmem>>[vector<16xi32>], vector<16xf32>,
      %get3A_2742 = arith.index_cast %squeeze3A_622 : i32 to index
      %get3A_2743 = tpu.vector_load %arg9[%get3A_2742] {strides = array<i32>} : memref<560xf32, #tpu.memory_space<vmem>>, vector<16xf32>,
      %get3A_2744 = arith.index_cast %squeeze3A_762 : i32 to index
      %get3A_2745 = tpu.vector_load %arg9[%get3A_2744] {strides = array<i32>} : memref<560xf32, #tpu.memory_space<vmem>>, vector<16xf32>,
      %sub3A_2746 = arith.subf %get3A_2743, %get3A_2745 : vector<16xf32>
      %abs3A_2747 = math.absf %sub3A_2746 : vector<16xf32>
      %add3A_2748 = arith.addf %get3A_2743, %get3A_2745 : vector<16xf32>
      %max3A_2749 = arith.constant 9.99999993E-9 : f32
      %max3A_2750 = vector.broadcast %max3A_2749 : f32 to vector<16xf32>
      %max3A_2751 = arith.maximumf %add3A_2748, %max3A_2750 : vector<16xf32>
      %add3A_2752 = arith.constant 17 : i32
      %add3A_2753 = vector.broadcast %add3A_2752 : i32 to vector<16xi32>
      %add3A_2754 = arith.addi %add3A_2456, %add3A_2753 : vector<16xi32>
      %div3A_2755 = arith.divf %abs3A_2747, %max3A_2751 : vector<16xf32>
      %neg3A_2756 = arith.constant 0.000000e+00 : f32
      %neg3A_2757 = vector.broadcast %neg3A_2756 : f32 to vector<16xf32>
      %neg3A_2758 = arith.subf %neg3A_2757, %div3A_2755 : vector<16xf32>
      tpu.vector_store_idx %arg10[%add3A_2754], %neg3A_2758 : memref<35840xf32, #tpu.memory_space<vmem>>[vector<16xi32>], vector<16xf32>,
      %get3A_2759 = arith.index_cast %squeeze3A_624 : i32 to index
      %get3A_2760 = tpu.vector_load %arg9[%get3A_2759] {strides = array<i32>} : memref<560xf32, #tpu.memory_space<vmem>>, vector<16xf32>,
      %get3A_2761 = arith.index_cast %squeeze3A_764 : i32 to index
      %get3A_2762 = tpu.vector_load %arg9[%get3A_2761] {strides = array<i32>} : memref<560xf32, #tpu.memory_space<vmem>>, vector<16xf32>,
      %sub3A_2763 = arith.subf %get3A_2760, %get3A_2762 : vector<16xf32>
      %abs3A_2764 = math.absf %sub3A_2763 : vector<16xf32>
      %add3A_2765 = arith.addf %get3A_2760, %get3A_2762 : vector<16xf32>
      %max3A_2766 = arith.constant 9.99999993E-9 : f32
      %max3A_2767 = vector.broadcast %max3A_2766 : f32 to vector<16xf32>
      %max3A_2768 = arith.maximumf %add3A_2765, %max3A_2767 : vector<16xf32>
      %add3A_2769 = arith.constant 18 : i32
      %add3A_2770 = vector.broadcast %add3A_2769 : i32 to vector<16xi32>
      %add3A_2771 = arith.addi %add3A_2456, %add3A_2770 : vector<16xi32>
      %div3A_2772 = arith.divf %abs3A_2764, %max3A_2768 : vector<16xf32>
      %neg3A_2773 = arith.constant 0.000000e+00 : f32
      %neg3A_2774 = vector.broadcast %neg3A_2773 : f32 to vector<16xf32>
      %neg3A_2775 = arith.subf %neg3A_2774, %div3A_2772 : vector<16xf32>
      tpu.vector_store_idx %arg10[%add3A_2771], %neg3A_2775 : memref<35840xf32, #tpu.memory_space<vmem>>[vector<16xi32>], vector<16xf32>,
      %get3A_2776 = arith.index_cast %squeeze3A_626 : i32 to index
      %get3A_2777 = tpu.vector_load %arg9[%get3A_2776] {strides = array<i32>} : memref<560xf32, #tpu.memory_space<vmem>>, vector<16xf32>,
      %get3A_2778 = arith.index_cast %squeeze3A_766 : i32 to index
      %get3A_2779 = tpu.vector_load %arg9[%get3A_2778] {strides = array<i32>} : memref<560xf32, #tpu.memory_space<vmem>>, vector<16xf32>,
      %sub3A_2780 = arith.subf %get3A_2777, %get3A_2779 : vector<16xf32>
      %abs3A_2781 = math.absf %sub3A_2780 : vector<16xf32>
      %add3A_2782 = arith.addf %get3A_2777, %get3A_2779 : vector<16xf32>
      %max3A_2783 = arith.constant 9.99999993E-9 : f32
      %max3A_2784 = vector.broadcast %max3A_2783 : f32 to vector<16xf32>
      %max3A_2785 = arith.maximumf %add3A_2782, %max3A_2784 : vector<16xf32>
      %add3A_2786 = arith.constant 19 : i32
      %add3A_2787 = vector.broadcast %add3A_2786 : i32 to vector<16xi32>
      %add3A_2788 = arith.addi %add3A_2456, %add3A_2787 : vector<16xi32>
      %div3A_2789 = arith.divf %abs3A_2781, %max3A_2785 : vector<16xf32>
      %neg3A_2790 = arith.constant 0.000000e+00 : f32
      %neg3A_2791 = vector.broadcast %neg3A_2790 : f32 to vector<16xf32>
      %neg3A_2792 = arith.subf %neg3A_2791, %div3A_2789 : vector<16xf32>
      tpu.vector_store_idx %arg10[%add3A_2788], %neg3A_2792 : memref<35840xf32, #tpu.memory_space<vmem>>[vector<16xi32>], vector<16xf32>,
      %get3A_2793 = arith.index_cast %squeeze3A_628 : i32 to index
      %get3A_2794 = tpu.vector_load %arg9[%get3A_2793] {strides = array<i32>} : memref<560xf32, #tpu.memory_space<vmem>>, vector<16xf32>,
      %get3A_2795 = arith.index_cast %squeeze3A_768 : i32 to index
      %get3A_2796 = tpu.vector_load %arg9[%get3A_2795] {strides = array<i32>} : memref<560xf32, #tpu.memory_space<vmem>>, vector<16xf32>,
      %sub3A_2797 = arith.subf %get3A_2794, %get3A_2796 : vector<16xf32>
      %abs3A_2798 = math.absf %sub3A_2797 : vector<16xf32>
      %add3A_2799 = arith.addf %get3A_2794, %get3A_2796 : vector<16xf32>
      %max3A_2800 = arith.constant 9.99999993E-9 : f32
      %max3A_2801 = vector.broadcast %max3A_2800 : f32 to vector<16xf32>
      %max3A_2802 = arith.maximumf %add3A_2799, %max3A_2801 : vector<16xf32>
      %add3A_2803 = arith.constant 20 : i32
      %add3A_2804 = vector.broadcast %add3A_2803 : i32 to vector<16xi32>
      %add3A_2805 = arith.addi %add3A_2456, %add3A_2804 : vector<16xi32>
      %div3A_2806 = arith.divf %abs3A_2798, %max3A_2802 : vector<16xf32>
      %neg3A_2807 = arith.constant 0.000000e+00 : f32
      %neg3A_2808 = vector.broadcast %neg3A_2807 : f32 to vector<16xf32>
      %neg3A_2809 = arith.subf %neg3A_2808, %div3A_2806 : vector<16xf32>
      tpu.vector_store_idx %arg10[%add3A_2805], %neg3A_2809 : memref<35840xf32, #tpu.memory_space<vmem>>[vector<16xi32>], vector<16xf32>,
      %get3A_2810 = arith.index_cast %squeeze3A_630 : i32 to index
      %get3A_2811 = tpu.vector_load %arg9[%get3A_2810] {strides = array<i32>} : memref<560xf32, #tpu.memory_space<vmem>>, vector<16xf32>,
      %get3A_2812 = arith.index_cast %squeeze3A_770 : i32 to index
      %get3A_2813 = tpu.vector_load %arg9[%get3A_2812] {strides = array<i32>} : memref<560xf32, #tpu.memory_space<vmem>>, vector<16xf32>,
      %sub3A_2814 = arith.subf %get3A_2811, %get3A_2813 : vector<16xf32>
      %abs3A_2815 = math.absf %sub3A_2814 : vector<16xf32>
      %add3A_2816 = arith.addf %get3A_2811, %get3A_2813 : vector<16xf32>
      %max3A_2817 = arith.constant 9.99999993E-9 : f32
      %max3A_2818 = vector.broadcast %max3A_2817 : f32 to vector<16xf32>
      %max3A_2819 = arith.maximumf %add3A_2816, %max3A_2818 : vector<16xf32>
      %add3A_2820 = arith.constant 21 : i32
      %add3A_2821 = vector.broadcast %add3A_2820 : i32 to vector<16xi32>
      %add3A_2822 = arith.addi %add3A_2456, %add3A_2821 : vector<16xi32>
      %div3A_2823 = arith.divf %abs3A_2815, %max3A_2819 : vector<16xf32>
      %neg3A_2824 = arith.constant 0.000000e+00 : f32
      %neg3A_2825 = vector.broadcast %neg3A_2824 : f32 to vector<16xf32>
      %neg3A_2826 = arith.subf %neg3A_2825, %div3A_2823 : vector<16xf32>
      tpu.vector_store_idx %arg10[%add3A_2822], %neg3A_2826 : memref<35840xf32, #tpu.memory_space<vmem>>[vector<16xi32>], vector<16xf32>,
      %get3A_2827 = arith.index_cast %squeeze3A_632 : i32 to index
      %get3A_2828 = tpu.vector_load %arg9[%get3A_2827] {strides = array<i32>} : memref<560xf32, #tpu.memory_space<vmem>>, vector<16xf32>,
      %get3A_2829 = arith.index_cast %squeeze3A_772 : i32 to index
      %get3A_2830 = tpu.vector_load %arg9[%get3A_2829] {strides = array<i32>} : memref<560xf32, #tpu.memory_space<vmem>>, vector<16xf32>,
      %sub3A_2831 = arith.subf %get3A_2828, %get3A_2830 : vector<16xf32>
      %abs3A_2832 = math.absf %sub3A_2831 : vector<16xf32>
      %add3A_2833 = arith.addf %get3A_2828, %get3A_2830 : vector<16xf32>
      %max3A_2834 = arith.constant 9.99999993E-9 : f32
      %max3A_2835 = vector.broadcast %max3A_2834 : f32 to vector<16xf32>
      %max3A_2836 = arith.maximumf %add3A_2833, %max3A_2835 : vector<16xf32>
      %add3A_2837 = arith.constant 22 : i32
      %add3A_2838 = vector.broadcast %add3A_2837 : i32 to vector<16xi32>
      %add3A_2839 = arith.addi %add3A_2456, %add3A_2838 : vector<16xi32>
      %div3A_2840 = arith.divf %abs3A_2832, %max3A_2836 : vector<16xf32>
      %neg3A_2841 = arith.constant 0.000000e+00 : f32
      %neg3A_2842 = vector.broadcast %neg3A_2841 : f32 to vector<16xf32>
      %neg3A_2843 = arith.subf %neg3A_2842, %div3A_2840 : vector<16xf32>
      tpu.vector_store_idx %arg10[%add3A_2839], %neg3A_2843 : memref<35840xf32, #tpu.memory_space<vmem>>[vector<16xi32>], vector<16xf32>,
      %get3A_2844 = arith.index_cast %squeeze3A_634 : i32 to index
      %get3A_2845 = tpu.vector_load %arg9[%get3A_2844] {strides = array<i32>} : memref<560xf32, #tpu.memory_space<vmem>>, vector<16xf32>,
      %get3A_2846 = arith.index_cast %squeeze3A_774 : i32 to index
      %get3A_2847 = tpu.vector_load %arg9[%get3A_2846] {strides = array<i32>} : memref<560xf32, #tpu.memory_space<vmem>>, vector<16xf32>,
      %sub3A_2848 = arith.subf %get3A_2845, %get3A_2847 : vector<16xf32>
      %abs3A_2849 = math.absf %sub3A_2848 : vector<16xf32>
      %add3A_2850 = arith.addf %get3A_2845, %get3A_2847 : vector<16xf32>
      %max3A_2851 = arith.constant 9.99999993E-9 : f32
      %max3A_2852 = vector.broadcast %max3A_2851 : f32 to vector<16xf32>
      %max3A_2853 = arith.maximumf %add3A_2850, %max3A_2852 : vector<16xf32>
      %add3A_2854 = arith.constant 23 : i32
      %add3A_2855 = vector.broadcast %add3A_2854 : i32 to vector<16xi32>
      %add3A_2856 = arith.addi %add3A_2456, %add3A_2855 : vector<16xi32>
      %div3A_2857 = arith.divf %abs3A_2849, %max3A_2853 : vector<16xf32>
      %neg3A_2858 = arith.constant 0.000000e+00 : f32
      %neg3A_2859 = vector.broadcast %neg3A_2858 : f32 to vector<16xf32>
      %neg3A_2860 = arith.subf %neg3A_2859, %div3A_2857 : vector<16xf32>
      tpu.vector_store_idx %arg10[%add3A_2856], %neg3A_2860 : memref<35840xf32, #tpu.memory_space<vmem>>[vector<16xi32>], vector<16xf32>,
      %get3A_2861 = arith.index_cast %squeeze3A_636 : i32 to index
      %get3A_2862 = tpu.vector_load %arg9[%get3A_2861] {strides = array<i32>} : memref<560xf32, #tpu.memory_space<vmem>>, vector<16xf32>,
      %get3A_2863 = arith.index_cast %squeeze3A_776 : i32 to index
      %get3A_2864 = tpu.vector_load %arg9[%get3A_2863] {strides = array<i32>} : memref<560xf32, #tpu.memory_space<vmem>>, vector<16xf32>,
      %sub3A_2865 = arith.subf %get3A_2862, %get3A_2864 : vector<16xf32>
      %abs3A_2866 = math.absf %sub3A_2865 : vector<16xf32>
      %add3A_2867 = arith.addf %get3A_2862, %get3A_2864 : vector<16xf32>
      %max3A_2868 = arith.constant 9.99999993E-9 : f32
      %max3A_2869 = vector.broadcast %max3A_2868 : f32 to vector<16xf32>
      %max3A_2870 = arith.maximumf %add3A_2867, %max3A_2869 : vector<16xf32>
      %add3A_2871 = arith.constant 24 : i32
      %add3A_2872 = vector.broadcast %add3A_2871 : i32 to vector<16xi32>
      %add3A_2873 = arith.addi %add3A_2456, %add3A_2872 : vector<16xi32>
      %div3A_2874 = arith.divf %abs3A_2866, %max3A_2870 : vector<16xf32>
      %neg3A_2875 = arith.constant 0.000000e+00 : f32
      %neg3A_2876 = vector.broadcast %neg3A_2875 : f32 to vector<16xf32>
      %neg3A_2877 = arith.subf %neg3A_2876, %div3A_2874 : vector<16xf32>
      tpu.vector_store_idx %arg10[%add3A_2873], %neg3A_2877 : memref<35840xf32, #tpu.memory_space<vmem>>[vector<16xi32>], vector<16xf32>,
      %get3A_2878 = arith.index_cast %squeeze3A_638 : i32 to index
      %get3A_2879 = tpu.vector_load %arg9[%get3A_2878] {strides = array<i32>} : memref<560xf32, #tpu.memory_space<vmem>>, vector<16xf32>,
      %get3A_2880 = arith.index_cast %squeeze3A_778 : i32 to index
      %get3A_2881 = tpu.vector_load %arg9[%get3A_2880] {strides = array<i32>} : memref<560xf32, #tpu.memory_space<vmem>>, vector<16xf32>,
      %sub3A_2882 = arith.subf %get3A_2879, %get3A_2881 : vector<16xf32>
      %abs3A_2883 = math.absf %sub3A_2882 : vector<16xf32>
      %add3A_2884 = arith.addf %get3A_2879, %get3A_2881 : vector<16xf32>
      %max3A_2885 = arith.constant 9.99999993E-9 : f32
      %max3A_2886 = vector.broadcast %max3A_2885 : f32 to vector<16xf32>
      %max3A_2887 = arith.maximumf %add3A_2884, %max3A_2886 : vector<16xf32>
      %add3A_2888 = arith.constant 25 : i32
      %add3A_2889 = vector.broadcast %add3A_2888 : i32 to vector<16xi32>
      %add3A_2890 = arith.addi %add3A_2456, %add3A_2889 : vector<16xi32>
      %div3A_2891 = arith.divf %abs3A_2883, %max3A_2887 : vector<16xf32>
      %neg3A_2892 = arith.constant 0.000000e+00 : f32
      %neg3A_2893 = vector.broadcast %neg3A_2892 : f32 to vector<16xf32>
      %neg3A_2894 = arith.subf %neg3A_2893, %div3A_2891 : vector<16xf32>
      tpu.vector_store_idx %arg10[%add3A_2890], %neg3A_2894 : memref<35840xf32, #tpu.memory_space<vmem>>[vector<16xi32>], vector<16xf32>,
      %get3A_2895 = arith.index_cast %squeeze3A_640 : i32 to index
      %get3A_2896 = tpu.vector_load %arg9[%get3A_2895] {strides = array<i32>} : memref<560xf32, #tpu.memory_space<vmem>>, vector<16xf32>,
      %get3A_2897 = arith.index_cast %squeeze3A_780 : i32 to index
      %get3A_2898 = tpu.vector_load %arg9[%get3A_2897] {strides = array<i32>} : memref<560xf32, #tpu.memory_space<vmem>>, vector<16xf32>,
      %sub3A_2899 = arith.subf %get3A_2896, %get3A_2898 : vector<16xf32>
      %abs3A_2900 = math.absf %sub3A_2899 : vector<16xf32>
      %add3A_2901 = arith.addf %get3A_2896, %get3A_2898 : vector<16xf32>
      %max3A_2902 = arith.constant 9.99999993E-9 : f32
      %max3A_2903 = vector.broadcast %max3A_2902 : f32 to vector<16xf32>
      %max3A_2904 = arith.maximumf %add3A_2901, %max3A_2903 : vector<16xf32>
      %add3A_2905 = arith.constant 26 : i32
      %add3A_2906 = vector.broadcast %add3A_2905 : i32 to vector<16xi32>
      %add3A_2907 = arith.addi %add3A_2456, %add3A_2906 : vector<16xi32>
      %div3A_2908 = arith.divf %abs3A_2900, %max3A_2904 : vector<16xf32>
      %neg3A_2909 = arith.constant 0.000000e+00 : f32
      %neg3A_2910 = vector.broadcast %neg3A_2909 : f32 to vector<16xf32>
      %neg3A_2911 = arith.subf %neg3A_2910, %div3A_2908 : vector<16xf32>
      tpu.vector_store_idx %arg10[%add3A_2907], %neg3A_2911 : memref<35840xf32, #tpu.memory_space<vmem>>[vector<16xi32>], vector<16xf32>,
      %get3A_2912 = arith.index_cast %squeeze3A_642 : i32 to index
      %get3A_2913 = tpu.vector_load %arg9[%get3A_2912] {strides = array<i32>} : memref<560xf32, #tpu.memory_space<vmem>>, vector<16xf32>,
      %get3A_2914 = arith.index_cast %squeeze3A_782 : i32 to index
      %get3A_2915 = tpu.vector_load %arg9[%get3A_2914] {strides = array<i32>} : memref<560xf32, #tpu.memory_space<vmem>>, vector<16xf32>,
      %sub3A_2916 = arith.subf %get3A_2913, %get3A_2915 : vector<16xf32>
      %abs3A_2917 = math.absf %sub3A_2916 : vector<16xf32>
      %add3A_2918 = arith.addf %get3A_2913, %get3A_2915 : vector<16xf32>
      %max3A_2919 = arith.constant 9.99999993E-9 : f32
      %max3A_2920 = vector.broadcast %max3A_2919 : f32 to vector<16xf32>
      %max3A_2921 = arith.maximumf %add3A_2918, %max3A_2920 : vector<16xf32>
      %add3A_2922 = arith.constant 27 : i32
      %add3A_2923 = vector.broadcast %add3A_2922 : i32 to vector<16xi32>
      %add3A_2924 = arith.addi %add3A_2456, %add3A_2923 : vector<16xi32>
      %div3A_2925 = arith.divf %abs3A_2917, %max3A_2921 : vector<16xf32>
      %neg3A_2926 = arith.constant 0.000000e+00 : f32
      %neg3A_2927 = vector.broadcast %neg3A_2926 : f32 to vector<16xf32>
      %neg3A_2928 = arith.subf %neg3A_2927, %div3A_2925 : vector<16xf32>
      tpu.vector_store_idx %arg10[%add3A_2924], %neg3A_2928 : memref<35840xf32, #tpu.memory_space<vmem>>[vector<16xi32>], vector<16xf32>,
      %get3A_2929 = arith.index_cast %squeeze3A_644 : i32 to index
      %get3A_2930 = tpu.vector_load %arg9[%get3A_2929] {strides = array<i32>} : memref<560xf32, #tpu.memory_space<vmem>>, vector<16xf32>,
      %get3A_2931 = arith.index_cast %squeeze3A_784 : i32 to index
      %get3A_2932 = tpu.vector_load %arg9[%get3A_2931] {strides = array<i32>} : memref<560xf32, #tpu.memory_space<vmem>>, vector<16xf32>,
      %sub3A_2933 = arith.subf %get3A_2930, %get3A_2932 : vector<16xf32>
      %abs3A_2934 = math.absf %sub3A_2933 : vector<16xf32>
      %add3A_2935 = arith.addf %get3A_2930, %get3A_2932 : vector<16xf32>
      %max3A_2936 = arith.constant 9.99999993E-9 : f32
      %max3A_2937 = vector.broadcast %max3A_2936 : f32 to vector<16xf32>
      %max3A_2938 = arith.maximumf %add3A_2935, %max3A_2937 : vector<16xf32>
      %add3A_2939 = arith.constant 28 : i32
      %add3A_2940 = vector.broadcast %add3A_2939 : i32 to vector<16xi32>
      %add3A_2941 = arith.addi %add3A_2456, %add3A_2940 : vector<16xi32>
      %div3A_2942 = arith.divf %abs3A_2934, %max3A_2938 : vector<16xf32>
      %neg3A_2943 = arith.constant 0.000000e+00 : f32
      %neg3A_2944 = vector.broadcast %neg3A_2943 : f32 to vector<16xf32>
      %neg3A_2945 = arith.subf %neg3A_2944, %div3A_2942 : vector<16xf32>
      tpu.vector_store_idx %arg10[%add3A_2941], %neg3A_2945 : memref<35840xf32, #tpu.memory_space<vmem>>[vector<16xi32>], vector<16xf32>,
      %get3A_2946 = arith.index_cast %squeeze3A_646 : i32 to index
      %get3A_2947 = tpu.vector_load %arg9[%get3A_2946] {strides = array<i32>} : memref<560xf32, #tpu.memory_space<vmem>>, vector<16xf32>,
      %get3A_2948 = arith.index_cast %squeeze3A_786 : i32 to index
      %get3A_2949 = tpu.vector_load %arg9[%get3A_2948] {strides = array<i32>} : memref<560xf32, #tpu.memory_space<vmem>>, vector<16xf32>,
      %sub3A_2950 = arith.subf %get3A_2947, %get3A_2949 : vector<16xf32>
      %abs3A_2951 = math.absf %sub3A_2950 : vector<16xf32>
      %add3A_2952 = arith.addf %get3A_2947, %get3A_2949 : vector<16xf32>
      %max3A_2953 = arith.constant 9.99999993E-9 : f32
      %max3A_2954 = vector.broadcast %max3A_2953 : f32 to vector<16xf32>
      %max3A_2955 = arith.maximumf %add3A_2952, %max3A_2954 : vector<16xf32>
      %add3A_2956 = arith.constant 29 : i32
      %add3A_2957 = vector.broadcast %add3A_2956 : i32 to vector<16xi32>
      %add3A_2958 = arith.addi %add3A_2456, %add3A_2957 : vector<16xi32>
      %div3A_2959 = arith.divf %abs3A_2951, %max3A_2955 : vector<16xf32>
      %neg3A_2960 = arith.constant 0.000000e+00 : f32
      %neg3A_2961 = vector.broadcast %neg3A_2960 : f32 to vector<16xf32>
      %neg3A_2962 = arith.subf %neg3A_2961, %div3A_2959 : vector<16xf32>
      tpu.vector_store_idx %arg10[%add3A_2958], %neg3A_2962 : memref<35840xf32, #tpu.memory_space<vmem>>[vector<16xi32>], vector<16xf32>,
      %get3A_2963 = arith.index_cast %squeeze3A_648 : i32 to index
      %get3A_2964 = tpu.vector_load %arg9[%get3A_2963] {strides = array<i32>} : memref<560xf32, #tpu.memory_space<vmem>>, vector<16xf32>,
      %get3A_2965 = arith.index_cast %squeeze3A_788 : i32 to index
      %get3A_2966 = tpu.vector_load %arg9[%get3A_2965] {strides = array<i32>} : memref<560xf32, #tpu.memory_space<vmem>>, vector<16xf32>,
      %sub3A_2967 = arith.subf %get3A_2964, %get3A_2966 : vector<16xf32>
      %abs3A_2968 = math.absf %sub3A_2967 : vector<16xf32>
      %add3A_2969 = arith.addf %get3A_2964, %get3A_2966 : vector<16xf32>
      %max3A_2970 = arith.constant 9.99999993E-9 : f32
      %max3A_2971 = vector.broadcast %max3A_2970 : f32 to vector<16xf32>
      %max3A_2972 = arith.maximumf %add3A_2969, %max3A_2971 : vector<16xf32>
      %add3A_2973 = arith.constant 30 : i32
      %add3A_2974 = vector.broadcast %add3A_2973 : i32 to vector<16xi32>
      %add3A_2975 = arith.addi %add3A_2456, %add3A_2974 : vector<16xi32>
      %div3A_2976 = arith.divf %abs3A_2968, %max3A_2972 : vector<16xf32>
      %neg3A_2977 = arith.constant 0.000000e+00 : f32
      %neg3A_2978 = vector.broadcast %neg3A_2977 : f32 to vector<16xf32>
      %neg3A_2979 = arith.subf %neg3A_2978, %div3A_2976 : vector<16xf32>
      tpu.vector_store_idx %arg10[%add3A_2975], %neg3A_2979 : memref<35840xf32, #tpu.memory_space<vmem>>[vector<16xi32>], vector<16xf32>,
      %get3A_2980 = arith.index_cast %squeeze3A_650 : i32 to index
      %get3A_2981 = tpu.vector_load %arg9[%get3A_2980] {strides = array<i32>} : memref<560xf32, #tpu.memory_space<vmem>>, vector<16xf32>,
      %get3A_2982 = arith.index_cast %squeeze3A_790 : i32 to index
      %get3A_2983 = tpu.vector_load %arg9[%get3A_2982] {strides = array<i32>} : memref<560xf32, #tpu.memory_space<vmem>>, vector<16xf32>,
      %sub3A_2984 = arith.subf %get3A_2981, %get3A_2983 : vector<16xf32>
      %abs3A_2985 = math.absf %sub3A_2984 : vector<16xf32>
      %add3A_2986 = arith.addf %get3A_2981, %get3A_2983 : vector<16xf32>
      %max3A_2987 = arith.constant 9.99999993E-9 : f32
      %max3A_2988 = vector.broadcast %max3A_2987 : f32 to vector<16xf32>
      %max3A_2989 = arith.maximumf %add3A_2986, %max3A_2988 : vector<16xf32>
      %add3A_2990 = arith.constant 31 : i32
      %add3A_2991 = vector.broadcast %add3A_2990 : i32 to vector<16xi32>
      %add3A_2992 = arith.addi %add3A_2456, %add3A_2991 : vector<16xi32>
      %div3A_2993 = arith.divf %abs3A_2985, %max3A_2989 : vector<16xf32>
      %neg3A_2994 = arith.constant 0.000000e+00 : f32
      %neg3A_2995 = vector.broadcast %neg3A_2994 : f32 to vector<16xf32>
      %neg3A_2996 = arith.subf %neg3A_2995, %div3A_2993 : vector<16xf32>
      tpu.vector_store_idx %arg10[%add3A_2992], %neg3A_2996 : memref<35840xf32, #tpu.memory_space<vmem>>[vector<16xi32>], vector<16xf32>,
      %get3A_2997 = arith.index_cast %squeeze3A_652 : i32 to index
      %get3A_2998 = tpu.vector_load %arg9[%get3A_2997] {strides = array<i32>} : memref<560xf32, #tpu.memory_space<vmem>>, vector<16xf32>,
      %get3A_2999 = arith.index_cast %squeeze3A_792 : i32 to index
      %get3A_3000 = tpu.vector_load %arg9[%get3A_2999] {strides = array<i32>} : memref<560xf32, #tpu.memory_space<vmem>>, vector<16xf32>,
      %sub3A_3001 = arith.subf %get3A_2998, %get3A_3000 : vector<16xf32>
      %abs3A_3002 = math.absf %sub3A_3001 : vector<16xf32>
      %add3A_3003 = arith.addf %get3A_2998, %get3A_3000 : vector<16xf32>
      %max3A_3004 = arith.constant 9.99999993E-9 : f32
      %max3A_3005 = vector.broadcast %max3A_3004 : f32 to vector<16xf32>
      %max3A_3006 = arith.maximumf %add3A_3003, %max3A_3005 : vector<16xf32>
      %add3A_3007 = arith.constant 32 : i32
      %add3A_3008 = vector.broadcast %add3A_3007 : i32 to vector<16xi32>
      %add3A_3009 = arith.addi %add3A_2456, %add3A_3008 : vector<16xi32>
      %div3A_3010 = arith.divf %abs3A_3002, %max3A_3006 : vector<16xf32>
      %neg3A_3011 = arith.constant 0.000000e+00 : f32
      %neg3A_3012 = vector.broadcast %neg3A_3011 : f32 to vector<16xf32>
      %neg3A_3013 = arith.subf %neg3A_3012, %div3A_3010 : vector<16xf32>
      tpu.vector_store_idx %arg10[%add3A_3009], %neg3A_3013 : memref<35840xf32, #tpu.memory_space<vmem>>[vector<16xi32>], vector<16xf32>,
      %get3A_3014 = arith.index_cast %squeeze3A_654 : i32 to index
      %get3A_3015 = tpu.vector_load %arg9[%get3A_3014] {strides = array<i32>} : memref<560xf32, #tpu.memory_space<vmem>>, vector<16xf32>,
      %get3A_3016 = arith.index_cast %squeeze3A_794 : i32 to index
      %get3A_3017 = tpu.vector_load %arg9[%get3A_3016] {strides = array<i32>} : memref<560xf32, #tpu.memory_space<vmem>>, vector<16xf32>,
      %sub3A_3018 = arith.subf %get3A_3015, %get3A_3017 : vector<16xf32>
      %abs3A_3019 = math.absf %sub3A_3018 : vector<16xf32>
      %add3A_3020 = arith.addf %get3A_3015, %get3A_3017 : vector<16xf32>
      %max3A_3021 = arith.constant 9.99999993E-9 : f32
      %max3A_3022 = vector.broadcast %max3A_3021 : f32 to vector<16xf32>
      %max3A_3023 = arith.maximumf %add3A_3020, %max3A_3022 : vector<16xf32>
      %add3A_3024 = arith.constant 33 : i32
      %add3A_3025 = vector.broadcast %add3A_3024 : i32 to vector<16xi32>
      %add3A_3026 = arith.addi %add3A_2456, %add3A_3025 : vector<16xi32>
      %div3A_3027 = arith.divf %abs3A_3019, %max3A_3023 : vector<16xf32>
      %neg3A_3028 = arith.constant 0.000000e+00 : f32
      %neg3A_3029 = vector.broadcast %neg3A_3028 : f32 to vector<16xf32>
      %neg3A_3030 = arith.subf %neg3A_3029, %div3A_3027 : vector<16xf32>
      tpu.vector_store_idx %arg10[%add3A_3026], %neg3A_3030 : memref<35840xf32, #tpu.memory_space<vmem>>[vector<16xi32>], vector<16xf32>,
      %get3A_3031 = arith.index_cast %squeeze3A_656 : i32 to index
      %get3A_3032 = tpu.vector_load %arg9[%get3A_3031] {strides = array<i32>} : memref<560xf32, #tpu.memory_space<vmem>>, vector<16xf32>,
      %get3A_3033 = arith.index_cast %squeeze3A_796 : i32 to index
      %get3A_3034 = tpu.vector_load %arg9[%get3A_3033] {strides = array<i32>} : memref<560xf32, #tpu.memory_space<vmem>>, vector<16xf32>,
      %sub3A_3035 = arith.subf %get3A_3032, %get3A_3034 : vector<16xf32>
      %abs3A_3036 = math.absf %sub3A_3035 : vector<16xf32>
      %add3A_3037 = arith.addf %get3A_3032, %get3A_3034 : vector<16xf32>
      %max3A_3038 = arith.constant 9.99999993E-9 : f32
      %max3A_3039 = vector.broadcast %max3A_3038 : f32 to vector<16xf32>
      %max3A_3040 = arith.maximumf %add3A_3037, %max3A_3039 : vector<16xf32>
      %add3A_3041 = arith.constant 34 : i32
      %add3A_3042 = vector.broadcast %add3A_3041 : i32 to vector<16xi32>
      %add3A_3043 = arith.addi %add3A_2456, %add3A_3042 : vector<16xi32>
      %div3A_3044 = arith.divf %abs3A_3036, %max3A_3040 : vector<16xf32>
      %neg3A_3045 = arith.constant 0.000000e+00 : f32
      %neg3A_3046 = vector.broadcast %neg3A_3045 : f32 to vector<16xf32>
      %neg3A_3047 = arith.subf %neg3A_3046, %div3A_3044 : vector<16xf32>
      tpu.vector_store_idx %arg10[%add3A_3043], %neg3A_3047 : memref<35840xf32, #tpu.memory_space<vmem>>[vector<16xi32>], vector<16xf32>,
      %get3A_3048 = arith.index_cast %squeeze3A_658 : i32 to index
      %get3A_3049 = tpu.vector_load %arg9[%get3A_3048] {strides = array<i32>} : memref<560xf32, #tpu.memory_space<vmem>>, vector<16xf32>,
      %get3A_3050 = arith.index_cast %squeeze3A_798 : i32 to index
      %get3A_3051 = tpu.vector_load %arg9[%get3A_3050] {strides = array<i32>} : memref<560xf32, #tpu.memory_space<vmem>>, vector<16xf32>,
      %sub3A_3052 = arith.subf %get3A_3049, %get3A_3051 : vector<16xf32>
      %abs3A_3053 = math.absf %sub3A_3052 : vector<16xf32>
      %add3A_3054 = arith.addf %get3A_3049, %get3A_3051 : vector<16xf32>
      %max3A_3055 = arith.constant 9.99999993E-9 : f32
      %max3A_3056 = vector.broadcast %max3A_3055 : f32 to vector<16xf32>
      %max3A_3057 = arith.maximumf %add3A_3054, %max3A_3056 : vector<16xf32>
      %add3A_3058 = arith.constant 35 : i32
      %add3A_3059 = vector.broadcast %add3A_3058 : i32 to vector<16xi32>
      %add3A_3060 = arith.addi %add3A_2456, %add3A_3059 : vector<16xi32>
      %div3A_3061 = arith.divf %abs3A_3053, %max3A_3057 : vector<16xf32>
      %neg3A_3062 = arith.constant 0.000000e+00 : f32
      %neg3A_3063 = vector.broadcast %neg3A_3062 : f32 to vector<16xf32>
      %neg3A_3064 = arith.subf %neg3A_3063, %div3A_3061 : vector<16xf32>
      tpu.vector_store_idx %arg10[%add3A_3060], %neg3A_3064 : memref<35840xf32, #tpu.memory_space<vmem>>[vector<16xi32>], vector<16xf32>,
      %get3A_3065 = arith.index_cast %squeeze3A_660 : i32 to index
      %get3A_3066 = tpu.vector_load %arg9[%get3A_3065] {strides = array<i32>} : memref<560xf32, #tpu.memory_space<vmem>>, vector<16xf32>,
      %get3A_3067 = arith.index_cast %squeeze3A_800 : i32 to index
      %get3A_3068 = tpu.vector_load %arg9[%get3A_3067] {strides = array<i32>} : memref<560xf32, #tpu.memory_space<vmem>>, vector<16xf32>,
      %sub3A_3069 = arith.subf %get3A_3066, %get3A_3068 : vector<16xf32>
      %abs3A_3070 = math.absf %sub3A_3069 : vector<16xf32>
      %add3A_3071 = arith.addf %get3A_3066, %get3A_3068 : vector<16xf32>
      %max3A_3072 = arith.constant 9.99999993E-9 : f32
      %max3A_3073 = vector.broadcast %max3A_3072 : f32 to vector<16xf32>
      %max3A_3074 = arith.maximumf %add3A_3071, %max3A_3073 : vector<16xf32>
      %add3A_3075 = arith.constant 36 : i32
      %add3A_3076 = vector.broadcast %add3A_3075 : i32 to vector<16xi32>
      %add3A_3077 = arith.addi %add3A_2456, %add3A_3076 : vector<16xi32>
      %div3A_3078 = arith.divf %abs3A_3070, %max3A_3074 : vector<16xf32>
      %neg3A_3079 = arith.constant 0.000000e+00 : f32
      %neg3A_3080 = vector.broadcast %neg3A_3079 : f32 to vector<16xf32>
      %neg3A_3081 = arith.subf %neg3A_3080, %div3A_3078 : vector<16xf32>
      tpu.vector_store_idx %arg10[%add3A_3077], %neg3A_3081 : memref<35840xf32, #tpu.memory_space<vmem>>[vector<16xi32>], vector<16xf32>,
      %get3A_3082 = arith.index_cast %squeeze3A_662 : i32 to index
      %get3A_3083 = tpu.vector_load %arg9[%get3A_3082] {strides = array<i32>} : memref<560xf32, #tpu.memory_space<vmem>>, vector<16xf32>,
      %get3A_3084 = arith.index_cast %squeeze3A_802 : i32 to index
      %get3A_3085 = tpu.vector_load %arg9[%get3A_3084] {strides = array<i32>} : memref<560xf32, #tpu.memory_space<vmem>>, vector<16xf32>,
      %sub3A_3086 = arith.subf %get3A_3083, %get3A_3085 : vector<16xf32>
      %abs3A_3087 = math.absf %sub3A_3086 : vector<16xf32>
      %add3A_3088 = arith.addf %get3A_3083, %get3A_3085 : vector<16xf32>
      %max3A_3089 = arith.constant 9.99999993E-9 : f32
      %max3A_3090 = vector.broadcast %max3A_3089 : f32 to vector<16xf32>
      %max3A_3091 = arith.maximumf %add3A_3088, %max3A_3090 : vector<16xf32>
      %add3A_3092 = arith.constant 37 : i32
      %add3A_3093 = vector.broadcast %add3A_3092 : i32 to vector<16xi32>
      %add3A_3094 = arith.addi %add3A_2456, %add3A_3093 : vector<16xi32>
      %div3A_3095 = arith.divf %abs3A_3087, %max3A_3091 : vector<16xf32>
      %neg3A_3096 = arith.constant 0.000000e+00 : f32
      %neg3A_3097 = vector.broadcast %neg3A_3096 : f32 to vector<16xf32>
      %neg3A_3098 = arith.subf %neg3A_3097, %div3A_3095 : vector<16xf32>
      tpu.vector_store_idx %arg10[%add3A_3094], %neg3A_3098 : memref<35840xf32, #tpu.memory_space<vmem>>[vector<16xi32>], vector<16xf32>,
      %get3A_3099 = arith.index_cast %squeeze3A_664 : i32 to index
      %get3A_3100 = tpu.vector_load %arg9[%get3A_3099] {strides = array<i32>} : memref<560xf32, #tpu.memory_space<vmem>>, vector<16xf32>,
      %get3A_3101 = arith.index_cast %squeeze3A_804 : i32 to index
      %get3A_3102 = tpu.vector_load %arg9[%get3A_3101] {strides = array<i32>} : memref<560xf32, #tpu.memory_space<vmem>>, vector<16xf32>,
      %sub3A_3103 = arith.subf %get3A_3100, %get3A_3102 : vector<16xf32>
      %abs3A_3104 = math.absf %sub3A_3103 : vector<16xf32>
      %add3A_3105 = arith.addf %get3A_3100, %get3A_3102 : vector<16xf32>
      %max3A_3106 = arith.constant 9.99999993E-9 : f32
      %max3A_3107 = vector.broadcast %max3A_3106 : f32 to vector<16xf32>
      %max3A_3108 = arith.maximumf %add3A_3105, %max3A_3107 : vector<16xf32>
      %add3A_3109 = arith.constant 38 : i32
      %add3A_3110 = vector.broadcast %add3A_3109 : i32 to vector<16xi32>
      %add3A_3111 = arith.addi %add3A_2456, %add3A_3110 : vector<16xi32>
      %div3A_3112 = arith.divf %abs3A_3104, %max3A_3108 : vector<16xf32>
      %neg3A_3113 = arith.constant 0.000000e+00 : f32
      %neg3A_3114 = vector.broadcast %neg3A_3113 : f32 to vector<16xf32>
      %neg3A_3115 = arith.subf %neg3A_3114, %div3A_3112 : vector<16xf32>
      tpu.vector_store_idx %arg10[%add3A_3111], %neg3A_3115 : memref<35840xf32, #tpu.memory_space<vmem>>[vector<16xi32>], vector<16xf32>,
      %get3A_3116 = arith.index_cast %squeeze3A_666 : i32 to index
      %get3A_3117 = tpu.vector_load %arg9[%get3A_3116] {strides = array<i32>} : memref<560xf32, #tpu.memory_space<vmem>>, vector<16xf32>,
      %get3A_3118 = arith.index_cast %squeeze3A_806 : i32 to index
      %get3A_3119 = tpu.vector_load %arg9[%get3A_3118] {strides = array<i32>} : memref<560xf32, #tpu.memory_space<vmem>>, vector<16xf32>,
      %sub3A_3120 = arith.subf %get3A_3117, %get3A_3119 : vector<16xf32>
      %abs3A_3121 = math.absf %sub3A_3120 : vector<16xf32>
      %add3A_3122 = arith.addf %get3A_3117, %get3A_3119 : vector<16xf32>
      %max3A_3123 = arith.constant 9.99999993E-9 : f32
      %max3A_3124 = vector.broadcast %max3A_3123 : f32 to vector<16xf32>
      %max3A_3125 = arith.maximumf %add3A_3122, %max3A_3124 : vector<16xf32>
      %add3A_3126 = arith.constant 39 : i32
      %add3A_3127 = vector.broadcast %add3A_3126 : i32 to vector<16xi32>
      %add3A_3128 = arith.addi %add3A_2456, %add3A_3127 : vector<16xi32>
      %div3A_3129 = arith.divf %abs3A_3121, %max3A_3125 : vector<16xf32>
      %neg3A_3130 = arith.constant 0.000000e+00 : f32
      %neg3A_3131 = vector.broadcast %neg3A_3130 : f32 to vector<16xf32>
      %neg3A_3132 = arith.subf %neg3A_3131, %div3A_3129 : vector<16xf32>
      tpu.vector_store_idx %arg10[%add3A_3128], %neg3A_3132 : memref<35840xf32, #tpu.memory_space<vmem>>[vector<16xi32>], vector<16xf32>,
      %get3A_3133 = arith.index_cast %squeeze3A_668 : i32 to index
      %get3A_3134 = tpu.vector_load %arg9[%get3A_3133] {strides = array<i32>} : memref<560xf32, #tpu.memory_space<vmem>>, vector<16xf32>,
      %get3A_3135 = arith.index_cast %squeeze3A_808 : i32 to index
      %get3A_3136 = tpu.vector_load %arg9[%get3A_3135] {strides = array<i32>} : memref<560xf32, #tpu.memory_space<vmem>>, vector<16xf32>,
      %sub3A_3137 = arith.subf %get3A_3134, %get3A_3136 : vector<16xf32>
      %abs3A_3138 = math.absf %sub3A_3137 : vector<16xf32>
      %add3A_3139 = arith.addf %get3A_3134, %get3A_3136 : vector<16xf32>
      %max3A_3140 = arith.constant 9.99999993E-9 : f32
      %max3A_3141 = vector.broadcast %max3A_3140 : f32 to vector<16xf32>
      %max3A_3142 = arith.maximumf %add3A_3139, %max3A_3141 : vector<16xf32>
      %add3A_3143 = arith.constant 40 : i32
      %add3A_3144 = vector.broadcast %add3A_3143 : i32 to vector<16xi32>
      %add3A_3145 = arith.addi %add3A_2456, %add3A_3144 : vector<16xi32>
      %div3A_3146 = arith.divf %abs3A_3138, %max3A_3142 : vector<16xf32>
      %neg3A_3147 = arith.constant 0.000000e+00 : f32
      %neg3A_3148 = vector.broadcast %neg3A_3147 : f32 to vector<16xf32>
      %neg3A_3149 = arith.subf %neg3A_3148, %div3A_3146 : vector<16xf32>
      tpu.vector_store_idx %arg10[%add3A_3145], %neg3A_3149 : memref<35840xf32, #tpu.memory_space<vmem>>[vector<16xi32>], vector<16xf32>,
      %get3A_3150 = arith.index_cast %squeeze3A_670 : i32 to index
      %get3A_3151 = tpu.vector_load %arg9[%get3A_3150] {strides = array<i32>} : memref<560xf32, #tpu.memory_space<vmem>>, vector<16xf32>,
      %get3A_3152 = arith.index_cast %squeeze3A_810 : i32 to index
      %get3A_3153 = tpu.vector_load %arg9[%get3A_3152] {strides = array<i32>} : memref<560xf32, #tpu.memory_space<vmem>>, vector<16xf32>,
      %sub3A_3154 = arith.subf %get3A_3151, %get3A_3153 : vector<16xf32>
      %abs3A_3155 = math.absf %sub3A_3154 : vector<16xf32>
      %add3A_3156 = arith.addf %get3A_3151, %get3A_3153 : vector<16xf32>
      %max3A_3157 = arith.constant 9.99999993E-9 : f32
      %max3A_3158 = vector.broadcast %max3A_3157 : f32 to vector<16xf32>
      %max3A_3159 = arith.maximumf %add3A_3156, %max3A_3158 : vector<16xf32>
      %add3A_3160 = arith.constant 41 : i32
      %add3A_3161 = vector.broadcast %add3A_3160 : i32 to vector<16xi32>
      %add3A_3162 = arith.addi %add3A_2456, %add3A_3161 : vector<16xi32>
      %div3A_3163 = arith.divf %abs3A_3155, %max3A_3159 : vector<16xf32>
      %neg3A_3164 = arith.constant 0.000000e+00 : f32
      %neg3A_3165 = vector.broadcast %neg3A_3164 : f32 to vector<16xf32>
      %neg3A_3166 = arith.subf %neg3A_3165, %div3A_3163 : vector<16xf32>
      tpu.vector_store_idx %arg10[%add3A_3162], %neg3A_3166 : memref<35840xf32, #tpu.memory_space<vmem>>[vector<16xi32>], vector<16xf32>,
      %get3A_3167 = arith.index_cast %squeeze3A_672 : i32 to index
      %get3A_3168 = tpu.vector_load %arg9[%get3A_3167] {strides = array<i32>} : memref<560xf32, #tpu.memory_space<vmem>>, vector<16xf32>,
      %get3A_3169 = arith.index_cast %squeeze3A_812 : i32 to index
      %get3A_3170 = tpu.vector_load %arg9[%get3A_3169] {strides = array<i32>} : memref<560xf32, #tpu.memory_space<vmem>>, vector<16xf32>,
      %sub3A_3171 = arith.subf %get3A_3168, %get3A_3170 : vector<16xf32>
      %abs3A_3172 = math.absf %sub3A_3171 : vector<16xf32>
      %add3A_3173 = arith.addf %get3A_3168, %get3A_3170 : vector<16xf32>
      %max3A_3174 = arith.constant 9.99999993E-9 : f32
      %max3A_3175 = vector.broadcast %max3A_3174 : f32 to vector<16xf32>
      %max3A_3176 = arith.maximumf %add3A_3173, %max3A_3175 : vector<16xf32>
      %add3A_3177 = arith.constant 42 : i32
      %add3A_3178 = vector.broadcast %add3A_3177 : i32 to vector<16xi32>
      %add3A_3179 = arith.addi %add3A_2456, %add3A_3178 : vector<16xi32>
      %div3A_3180 = arith.divf %abs3A_3172, %max3A_3176 : vector<16xf32>
      %neg3A_3181 = arith.constant 0.000000e+00 : f32
      %neg3A_3182 = vector.broadcast %neg3A_3181 : f32 to vector<16xf32>
      %neg3A_3183 = arith.subf %neg3A_3182, %div3A_3180 : vector<16xf32>
      tpu.vector_store_idx %arg10[%add3A_3179], %neg3A_3183 : memref<35840xf32, #tpu.memory_space<vmem>>[vector<16xi32>], vector<16xf32>,
      %get3A_3184 = arith.index_cast %squeeze3A_674 : i32 to index
      %get3A_3185 = tpu.vector_load %arg9[%get3A_3184] {strides = array<i32>} : memref<560xf32, #tpu.memory_space<vmem>>, vector<16xf32>,
      %get3A_3186 = arith.index_cast %squeeze3A_814 : i32 to index
      %get3A_3187 = tpu.vector_load %arg9[%get3A_3186] {strides = array<i32>} : memref<560xf32, #tpu.memory_space<vmem>>, vector<16xf32>,
      %sub3A_3188 = arith.subf %get3A_3185, %get3A_3187 : vector<16xf32>
      %abs3A_3189 = math.absf %sub3A_3188 : vector<16xf32>
      %add3A_3190 = arith.addf %get3A_3185, %get3A_3187 : vector<16xf32>
      %max3A_3191 = arith.constant 9.99999993E-9 : f32
      %max3A_3192 = vector.broadcast %max3A_3191 : f32 to vector<16xf32>
      %max3A_3193 = arith.maximumf %add3A_3190, %max3A_3192 : vector<16xf32>
      %add3A_3194 = arith.constant 43 : i32
      %add3A_3195 = vector.broadcast %add3A_3194 : i32 to vector<16xi32>
      %add3A_3196 = arith.addi %add3A_2456, %add3A_3195 : vector<16xi32>
      %div3A_3197 = arith.divf %abs3A_3189, %max3A_3193 : vector<16xf32>
      %neg3A_3198 = arith.constant 0.000000e+00 : f32
      %neg3A_3199 = vector.broadcast %neg3A_3198 : f32 to vector<16xf32>
      %neg3A_3200 = arith.subf %neg3A_3199, %div3A_3197 : vector<16xf32>
      tpu.vector_store_idx %arg10[%add3A_3196], %neg3A_3200 : memref<35840xf32, #tpu.memory_space<vmem>>[vector<16xi32>], vector<16xf32>,
      %get3A_3201 = arith.index_cast %squeeze3A_676 : i32 to index
      %get3A_3202 = tpu.vector_load %arg9[%get3A_3201] {strides = array<i32>} : memref<560xf32, #tpu.memory_space<vmem>>, vector<16xf32>,
      %get3A_3203 = arith.index_cast %squeeze3A_816 : i32 to index
      %get3A_3204 = tpu.vector_load %arg9[%get3A_3203] {strides = array<i32>} : memref<560xf32, #tpu.memory_space<vmem>>, vector<16xf32>,
      %sub3A_3205 = arith.subf %get3A_3202, %get3A_3204 : vector<16xf32>
      %abs3A_3206 = math.absf %sub3A_3205 : vector<16xf32>
      %add3A_3207 = arith.addf %get3A_3202, %get3A_3204 : vector<16xf32>
      %max3A_3208 = arith.constant 9.99999993E-9 : f32
      %max3A_3209 = vector.broadcast %max3A_3208 : f32 to vector<16xf32>
      %max3A_3210 = arith.maximumf %add3A_3207, %max3A_3209 : vector<16xf32>
      %add3A_3211 = arith.constant 44 : i32
      %add3A_3212 = vector.broadcast %add3A_3211 : i32 to vector<16xi32>
      %add3A_3213 = arith.addi %add3A_2456, %add3A_3212 : vector<16xi32>
      %div3A_3214 = arith.divf %abs3A_3206, %max3A_3210 : vector<16xf32>
      %neg3A_3215 = arith.constant 0.000000e+00 : f32
      %neg3A_3216 = vector.broadcast %neg3A_3215 : f32 to vector<16xf32>
      %neg3A_3217 = arith.subf %neg3A_3216, %div3A_3214 : vector<16xf32>
      tpu.vector_store_idx %arg10[%add3A_3213], %neg3A_3217 : memref<35840xf32, #tpu.memory_space<vmem>>[vector<16xi32>], vector<16xf32>,
      %get3A_3218 = arith.index_cast %squeeze3A_678 : i32 to index
      %get3A_3219 = tpu.vector_load %arg9[%get3A_3218] {strides = array<i32>} : memref<560xf32, #tpu.memory_space<vmem>>, vector<16xf32>,
      %get3A_3220 = arith.index_cast %squeeze3A_818 : i32 to index
      %get3A_3221 = tpu.vector_load %arg9[%get3A_3220] {strides = array<i32>} : memref<560xf32, #tpu.memory_space<vmem>>, vector<16xf32>,
      %sub3A_3222 = arith.subf %get3A_3219, %get3A_3221 : vector<16xf32>
      %abs3A_3223 = math.absf %sub3A_3222 : vector<16xf32>
      %add3A_3224 = arith.addf %get3A_3219, %get3A_3221 : vector<16xf32>
      %max3A_3225 = arith.constant 9.99999993E-9 : f32
      %max3A_3226 = vector.broadcast %max3A_3225 : f32 to vector<16xf32>
      %max3A_3227 = arith.maximumf %add3A_3224, %max3A_3226 : vector<16xf32>
      %add3A_3228 = arith.constant 45 : i32
      %add3A_3229 = vector.broadcast %add3A_3228 : i32 to vector<16xi32>
      %add3A_3230 = arith.addi %add3A_2456, %add3A_3229 : vector<16xi32>
      %div3A_3231 = arith.divf %abs3A_3223, %max3A_3227 : vector<16xf32>
      %neg3A_3232 = arith.constant 0.000000e+00 : f32
      %neg3A_3233 = vector.broadcast %neg3A_3232 : f32 to vector<16xf32>
      %neg3A_3234 = arith.subf %neg3A_3233, %div3A_3231 : vector<16xf32>
      tpu.vector_store_idx %arg10[%add3A_3230], %neg3A_3234 : memref<35840xf32, #tpu.memory_space<vmem>>[vector<16xi32>], vector<16xf32>,
      %get3A_3235 = arith.index_cast %squeeze3A_680 : i32 to index
      %get3A_3236 = tpu.vector_load %arg9[%get3A_3235] {strides = array<i32>} : memref<560xf32, #tpu.memory_space<vmem>>, vector<16xf32>,
      %get3A_3237 = arith.index_cast %squeeze3A_820 : i32 to index
      %get3A_3238 = tpu.vector_load %arg9[%get3A_3237] {strides = array<i32>} : memref<560xf32, #tpu.memory_space<vmem>>, vector<16xf32>,
      %sub3A_3239 = arith.subf %get3A_3236, %get3A_3238 : vector<16xf32>
      %abs3A_3240 = math.absf %sub3A_3239 : vector<16xf32>
      %add3A_3241 = arith.addf %get3A_3236, %get3A_3238 : vector<16xf32>
      %max3A_3242 = arith.constant 9.99999993E-9 : f32
      %max3A_3243 = vector.broadcast %max3A_3242 : f32 to vector<16xf32>
      %max3A_3244 = arith.maximumf %add3A_3241, %max3A_3243 : vector<16xf32>
      %add3A_3245 = arith.constant 46 : i32
      %add3A_3246 = vector.broadcast %add3A_3245 : i32 to vector<16xi32>
      %add3A_3247 = arith.addi %add3A_2456, %add3A_3246 : vector<16xi32>
      %div3A_3248 = arith.divf %abs3A_3240, %max3A_3244 : vector<16xf32>
      %neg3A_3249 = arith.constant 0.000000e+00 : f32
      %neg3A_3250 = vector.broadcast %neg3A_3249 : f32 to vector<16xf32>
      %neg3A_3251 = arith.subf %neg3A_3250, %div3A_3248 : vector<16xf32>
      tpu.vector_store_idx %arg10[%add3A_3247], %neg3A_3251 : memref<35840xf32, #tpu.memory_space<vmem>>[vector<16xi32>], vector<16xf32>,
      %get3A_3252 = arith.index_cast %squeeze3A_682 : i32 to index
      %get3A_3253 = tpu.vector_load %arg9[%get3A_3252] {strides = array<i32>} : memref<560xf32, #tpu.memory_space<vmem>>, vector<16xf32>,
      %get3A_3254 = arith.index_cast %squeeze3A_822 : i32 to index
      %get3A_3255 = tpu.vector_load %arg9[%get3A_3254] {strides = array<i32>} : memref<560xf32, #tpu.memory_space<vmem>>, vector<16xf32>,
      %sub3A_3256 = arith.subf %get3A_3253, %get3A_3255 : vector<16xf32>
      %abs3A_3257 = math.absf %sub3A_3256 : vector<16xf32>
      %add3A_3258 = arith.addf %get3A_3253, %get3A_3255 : vector<16xf32>
      %max3A_3259 = arith.constant 9.99999993E-9 : f32
      %max3A_3260 = vector.broadcast %max3A_3259 : f32 to vector<16xf32>
      %max3A_3261 = arith.maximumf %add3A_3258, %max3A_3260 : vector<16xf32>
      %add3A_3262 = arith.constant 47 : i32
      %add3A_3263 = vector.broadcast %add3A_3262 : i32 to vector<16xi32>
      %add3A_3264 = arith.addi %add3A_2456, %add3A_3263 : vector<16xi32>
      %div3A_3265 = arith.divf %abs3A_3257, %max3A_3261 : vector<16xf32>
      %neg3A_3266 = arith.constant 0.000000e+00 : f32
      %neg3A_3267 = vector.broadcast %neg3A_3266 : f32 to vector<16xf32>
      %neg3A_3268 = arith.subf %neg3A_3267, %div3A_3265 : vector<16xf32>
      tpu.vector_store_idx %arg10[%add3A_3264], %neg3A_3268 : memref<35840xf32, #tpu.memory_space<vmem>>[vector<16xi32>], vector<16xf32>,
      %get3A_3269 = arith.index_cast %squeeze3A_684 : i32 to index
      %get3A_3270 = tpu.vector_load %arg9[%get3A_3269] {strides = array<i32>} : memref<560xf32, #tpu.memory_space<vmem>>, vector<16xf32>,
      %get3A_3271 = arith.index_cast %squeeze3A_824 : i32 to index
      %get3A_3272 = tpu.vector_load %arg9[%get3A_3271] {strides = array<i32>} : memref<560xf32, #tpu.memory_space<vmem>>, vector<16xf32>,
      %sub3A_3273 = arith.subf %get3A_3270, %get3A_3272 : vector<16xf32>
      %abs3A_3274 = math.absf %sub3A_3273 : vector<16xf32>
      %add3A_3275 = arith.addf %get3A_3270, %get3A_3272 : vector<16xf32>
      %max3A_3276 = arith.constant 9.99999993E-9 : f32
      %max3A_3277 = vector.broadcast %max3A_3276 : f32 to vector<16xf32>
      %max3A_3278 = arith.maximumf %add3A_3275, %max3A_3277 : vector<16xf32>
      %add3A_3279 = arith.constant 48 : i32
      %add3A_3280 = vector.broadcast %add3A_3279 : i32 to vector<16xi32>
      %add3A_3281 = arith.addi %add3A_2456, %add3A_3280 : vector<16xi32>
      %div3A_3282 = arith.divf %abs3A_3274, %max3A_3278 : vector<16xf32>
      %neg3A_3283 = arith.constant 0.000000e+00 : f32
      %neg3A_3284 = vector.broadcast %neg3A_3283 : f32 to vector<16xf32>
      %neg3A_3285 = arith.subf %neg3A_3284, %div3A_3282 : vector<16xf32>
      tpu.vector_store_idx %arg10[%add3A_3281], %neg3A_3285 : memref<35840xf32, #tpu.memory_space<vmem>>[vector<16xi32>], vector<16xf32>,
      %get3A_3286 = arith.index_cast %squeeze3A_686 : i32 to index
      %get3A_3287 = tpu.vector_load %arg9[%get3A_3286] {strides = array<i32>} : memref<560xf32, #tpu.memory_space<vmem>>, vector<16xf32>,
      %get3A_3288 = arith.index_cast %squeeze3A_826 : i32 to index
      %get3A_3289 = tpu.vector_load %arg9[%get3A_3288] {strides = array<i32>} : memref<560xf32, #tpu.memory_space<vmem>>, vector<16xf32>,
      %sub3A_3290 = arith.subf %get3A_3287, %get3A_3289 : vector<16xf32>
      %abs3A_3291 = math.absf %sub3A_3290 : vector<16xf32>
      %add3A_3292 = arith.addf %get3A_3287, %get3A_3289 : vector<16xf32>
      %max3A_3293 = arith.constant 9.99999993E-9 : f32
      %max3A_3294 = vector.broadcast %max3A_3293 : f32 to vector<16xf32>
      %max3A_3295 = arith.maximumf %add3A_3292, %max3A_3294 : vector<16xf32>
      %add3A_3296 = arith.constant 49 : i32
      %add3A_3297 = vector.broadcast %add3A_3296 : i32 to vector<16xi32>
      %add3A_3298 = arith.addi %add3A_2456, %add3A_3297 : vector<16xi32>
      %div3A_3299 = arith.divf %abs3A_3291, %max3A_3295 : vector<16xf32>
      %neg3A_3300 = arith.constant 0.000000e+00 : f32
      %neg3A_3301 = vector.broadcast %neg3A_3300 : f32 to vector<16xf32>
      %neg3A_3302 = arith.subf %neg3A_3301, %div3A_3299 : vector<16xf32>
      tpu.vector_store_idx %arg10[%add3A_3298], %neg3A_3302 : memref<35840xf32, #tpu.memory_space<vmem>>[vector<16xi32>], vector<16xf32>,
      %get3A_3303 = arith.index_cast %squeeze3A_688 : i32 to index
      %get3A_3304 = tpu.vector_load %arg9[%get3A_3303] {strides = array<i32>} : memref<560xf32, #tpu.memory_space<vmem>>, vector<16xf32>,
      %get3A_3305 = arith.index_cast %squeeze3A_828 : i32 to index
      %get3A_3306 = tpu.vector_load %arg9[%get3A_3305] {strides = array<i32>} : memref<560xf32, #tpu.memory_space<vmem>>, vector<16xf32>,
      %sub3A_3307 = arith.subf %get3A_3304, %get3A_3306 : vector<16xf32>
      %abs3A_3308 = math.absf %sub3A_3307 : vector<16xf32>
      %add3A_3309 = arith.addf %get3A_3304, %get3A_3306 : vector<16xf32>
      %max3A_3310 = arith.constant 9.99999993E-9 : f32
      %max3A_3311 = vector.broadcast %max3A_3310 : f32 to vector<16xf32>
      %max3A_3312 = arith.maximumf %add3A_3309, %max3A_3311 : vector<16xf32>
      %add3A_3313 = arith.constant 50 : i32
      %add3A_3314 = vector.broadcast %add3A_3313 : i32 to vector<16xi32>
      %add3A_3315 = arith.addi %add3A_2456, %add3A_3314 : vector<16xi32>
      %div3A_3316 = arith.divf %abs3A_3308, %max3A_3312 : vector<16xf32>
      %neg3A_3317 = arith.constant 0.000000e+00 : f32
      %neg3A_3318 = vector.broadcast %neg3A_3317 : f32 to vector<16xf32>
      %neg3A_3319 = arith.subf %neg3A_3318, %div3A_3316 : vector<16xf32>
      tpu.vector_store_idx %arg10[%add3A_3315], %neg3A_3319 : memref<35840xf32, #tpu.memory_space<vmem>>[vector<16xi32>], vector<16xf32>,
      %get3A_3320 = arith.index_cast %squeeze3A_690 : i32 to index
      %get3A_3321 = tpu.vector_load %arg9[%get3A_3320] {strides = array<i32>} : memref<560xf32, #tpu.memory_space<vmem>>, vector<16xf32>,
      %get3A_3322 = arith.index_cast %squeeze3A_830 : i32 to index
      %get3A_3323 = tpu.vector_load %arg9[%get3A_3322] {strides = array<i32>} : memref<560xf32, #tpu.memory_space<vmem>>, vector<16xf32>,
      %sub3A_3324 = arith.subf %get3A_3321, %get3A_3323 : vector<16xf32>
      %abs3A_3325 = math.absf %sub3A_3324 : vector<16xf32>
      %add3A_3326 = arith.addf %get3A_3321, %get3A_3323 : vector<16xf32>
      %max3A_3327 = arith.constant 9.99999993E-9 : f32
      %max3A_3328 = vector.broadcast %max3A_3327 : f32 to vector<16xf32>
      %max3A_3329 = arith.maximumf %add3A_3326, %max3A_3328 : vector<16xf32>
      %add3A_3330 = arith.constant 51 : i32
      %add3A_3331 = vector.broadcast %add3A_3330 : i32 to vector<16xi32>
      %add3A_3332 = arith.addi %add3A_2456, %add3A_3331 : vector<16xi32>
      %div3A_3333 = arith.divf %abs3A_3325, %max3A_3329 : vector<16xf32>
      %neg3A_3334 = arith.constant 0.000000e+00 : f32
      %neg3A_3335 = vector.broadcast %neg3A_3334 : f32 to vector<16xf32>
      %neg3A_3336 = arith.subf %neg3A_3335, %div3A_3333 : vector<16xf32>
      tpu.vector_store_idx %arg10[%add3A_3332], %neg3A_3336 : memref<35840xf32, #tpu.memory_space<vmem>>[vector<16xi32>], vector<16xf32>,
      %get3A_3337 = arith.index_cast %squeeze3A_692 : i32 to index
      %get3A_3338 = tpu.vector_load %arg9[%get3A_3337] {strides = array<i32>} : memref<560xf32, #tpu.memory_space<vmem>>, vector<16xf32>,
      %get3A_3339 = arith.index_cast %squeeze3A_832 : i32 to index
      %get3A_3340 = tpu.vector_load %arg9[%get3A_3339] {strides = array<i32>} : memref<560xf32, #tpu.memory_space<vmem>>, vector<16xf32>,
      %sub3A_3341 = arith.subf %get3A_3338, %get3A_3340 : vector<16xf32>
      %abs3A_3342 = math.absf %sub3A_3341 : vector<16xf32>
      %add3A_3343 = arith.addf %get3A_3338, %get3A_3340 : vector<16xf32>
      %max3A_3344 = arith.constant 9.99999993E-9 : f32
      %max3A_3345 = vector.broadcast %max3A_3344 : f32 to vector<16xf32>
      %max3A_3346 = arith.maximumf %add3A_3343, %max3A_3345 : vector<16xf32>
      %add3A_3347 = arith.constant 52 : i32
      %add3A_3348 = vector.broadcast %add3A_3347 : i32 to vector<16xi32>
      %add3A_3349 = arith.addi %add3A_2456, %add3A_3348 : vector<16xi32>
      %div3A_3350 = arith.divf %abs3A_3342, %max3A_3346 : vector<16xf32>
      %neg3A_3351 = arith.constant 0.000000e+00 : f32
      %neg3A_3352 = vector.broadcast %neg3A_3351 : f32 to vector<16xf32>
      %neg3A_3353 = arith.subf %neg3A_3352, %div3A_3350 : vector<16xf32>
      tpu.vector_store_idx %arg10[%add3A_3349], %neg3A_3353 : memref<35840xf32, #tpu.memory_space<vmem>>[vector<16xi32>], vector<16xf32>,
      %get3A_3354 = arith.index_cast %squeeze3A_694 : i32 to index
      %get3A_3355 = tpu.vector_load %arg9[%get3A_3354] {strides = array<i32>} : memref<560xf32, #tpu.memory_space<vmem>>, vector<16xf32>,
      %get3A_3356 = arith.index_cast %squeeze3A_834 : i32 to index
      %get3A_3357 = tpu.vector_load %arg9[%get3A_3356] {strides = array<i32>} : memref<560xf32, #tpu.memory_space<vmem>>, vector<16xf32>,
      %sub3A_3358 = arith.subf %get3A_3355, %get3A_3357 : vector<16xf32>
      %abs3A_3359 = math.absf %sub3A_3358 : vector<16xf32>
      %add3A_3360 = arith.addf %get3A_3355, %get3A_3357 : vector<16xf32>
      %max3A_3361 = arith.constant 9.99999993E-9 : f32
      %max3A_3362 = vector.broadcast %max3A_3361 : f32 to vector<16xf32>
      %max3A_3363 = arith.maximumf %add3A_3360, %max3A_3362 : vector<16xf32>
      %add3A_3364 = arith.constant 53 : i32
      %add3A_3365 = vector.broadcast %add3A_3364 : i32 to vector<16xi32>
      %add3A_3366 = arith.addi %add3A_2456, %add3A_3365 : vector<16xi32>
      %div3A_3367 = arith.divf %abs3A_3359, %max3A_3363 : vector<16xf32>
      %neg3A_3368 = arith.constant 0.000000e+00 : f32
      %neg3A_3369 = vector.broadcast %neg3A_3368 : f32 to vector<16xf32>
      %neg3A_3370 = arith.subf %neg3A_3369, %div3A_3367 : vector<16xf32>
      tpu.vector_store_idx %arg10[%add3A_3366], %neg3A_3370 : memref<35840xf32, #tpu.memory_space<vmem>>[vector<16xi32>], vector<16xf32>,
      %get3A_3371 = arith.index_cast %squeeze3A_696 : i32 to index
      %get3A_3372 = tpu.vector_load %arg9[%get3A_3371] {strides = array<i32>} : memref<560xf32, #tpu.memory_space<vmem>>, vector<16xf32>,
      %get3A_3373 = arith.index_cast %squeeze3A_836 : i32 to index
      %get3A_3374 = tpu.vector_load %arg9[%get3A_3373] {strides = array<i32>} : memref<560xf32, #tpu.memory_space<vmem>>, vector<16xf32>,
      %sub3A_3375 = arith.subf %get3A_3372, %get3A_3374 : vector<16xf32>
      %abs3A_3376 = math.absf %sub3A_3375 : vector<16xf32>
      %add3A_3377 = arith.addf %get3A_3372, %get3A_3374 : vector<16xf32>
      %max3A_3378 = arith.constant 9.99999993E-9 : f32
      %max3A_3379 = vector.broadcast %max3A_3378 : f32 to vector<16xf32>
      %max3A_3380 = arith.maximumf %add3A_3377, %max3A_3379 : vector<16xf32>
      %add3A_3381 = arith.constant 54 : i32
      %add3A_3382 = vector.broadcast %add3A_3381 : i32 to vector<16xi32>
      %add3A_3383 = arith.addi %add3A_2456, %add3A_3382 : vector<16xi32>
      %div3A_3384 = arith.divf %abs3A_3376, %max3A_3380 : vector<16xf32>
      %neg3A_3385 = arith.constant 0.000000e+00 : f32
      %neg3A_3386 = vector.broadcast %neg3A_3385 : f32 to vector<16xf32>
      %neg3A_3387 = arith.subf %neg3A_3386, %div3A_3384 : vector<16xf32>
      tpu.vector_store_idx %arg10[%add3A_3383], %neg3A_3387 : memref<35840xf32, #tpu.memory_space<vmem>>[vector<16xi32>], vector<16xf32>,
      %get3A_3388 = arith.index_cast %squeeze3A_698 : i32 to index
      %get3A_3389 = tpu.vector_load %arg9[%get3A_3388] {strides = array<i32>} : memref<560xf32, #tpu.memory_space<vmem>>, vector<16xf32>,
      %get3A_3390 = arith.index_cast %squeeze3A_838 : i32 to index
      %get3A_3391 = tpu.vector_load %arg9[%get3A_3390] {strides = array<i32>} : memref<560xf32, #tpu.memory_space<vmem>>, vector<16xf32>,
      %sub3A_3392 = arith.subf %get3A_3389, %get3A_3391 : vector<16xf32>
      %abs3A_3393 = math.absf %sub3A_3392 : vector<16xf32>
      %add3A_3394 = arith.addf %get3A_3389, %get3A_3391 : vector<16xf32>
      %max3A_3395 = arith.constant 9.99999993E-9 : f32
      %max3A_3396 = vector.broadcast %max3A_3395 : f32 to vector<16xf32>
      %max3A_3397 = arith.maximumf %add3A_3394, %max3A_3396 : vector<16xf32>
      %add3A_3398 = arith.constant 55 : i32
      %add3A_3399 = vector.broadcast %add3A_3398 : i32 to vector<16xi32>
      %add3A_3400 = arith.addi %add3A_2456, %add3A_3399 : vector<16xi32>
      %div3A_3401 = arith.divf %abs3A_3393, %max3A_3397 : vector<16xf32>
      %neg3A_3402 = arith.constant 0.000000e+00 : f32
      %neg3A_3403 = vector.broadcast %neg3A_3402 : f32 to vector<16xf32>
      %neg3A_3404 = arith.subf %neg3A_3403, %div3A_3401 : vector<16xf32>
      tpu.vector_store_idx %arg10[%add3A_3400], %neg3A_3404 : memref<35840xf32, #tpu.memory_space<vmem>>[vector<16xi32>], vector<16xf32>,
      %get3A_3405 = arith.index_cast %squeeze3A_700 : i32 to index
      %get3A_3406 = tpu.vector_load %arg9[%get3A_3405] {strides = array<i32>} : memref<560xf32, #tpu.memory_space<vmem>>, vector<16xf32>,
      %get3A_3407 = arith.index_cast %squeeze3A_840 : i32 to index
      %get3A_3408 = tpu.vector_load %arg9[%get3A_3407] {strides = array<i32>} : memref<560xf32, #tpu.memory_space<vmem>>, vector<16xf32>,
      %sub3A_3409 = arith.subf %get3A_3406, %get3A_3408 : vector<16xf32>
      %abs3A_3410 = math.absf %sub3A_3409 : vector<16xf32>
      %add3A_3411 = arith.addf %get3A_3406, %get3A_3408 : vector<16xf32>
      %max3A_3412 = arith.constant 9.99999993E-9 : f32
      %max3A_3413 = vector.broadcast %max3A_3412 : f32 to vector<16xf32>
      %max3A_3414 = arith.maximumf %add3A_3411, %max3A_3413 : vector<16xf32>
      %add3A_3415 = arith.constant 56 : i32
      %add3A_3416 = vector.broadcast %add3A_3415 : i32 to vector<16xi32>
      %add3A_3417 = arith.addi %add3A_2456, %add3A_3416 : vector<16xi32>
      %div3A_3418 = arith.divf %abs3A_3410, %max3A_3414 : vector<16xf32>
      %neg3A_3419 = arith.constant 0.000000e+00 : f32
      %neg3A_3420 = vector.broadcast %neg3A_3419 : f32 to vector<16xf32>
      %neg3A_3421 = arith.subf %neg3A_3420, %div3A_3418 : vector<16xf32>
      tpu.vector_store_idx %arg10[%add3A_3417], %neg3A_3421 : memref<35840xf32, #tpu.memory_space<vmem>>[vector<16xi32>], vector<16xf32>,
      %get3A_3422 = arith.index_cast %squeeze3A_702 : i32 to index
      %get3A_3423 = tpu.vector_load %arg9[%get3A_3422] {strides = array<i32>} : memref<560xf32, #tpu.memory_space<vmem>>, vector<16xf32>,
      %get3A_3424 = arith.index_cast %squeeze3A_842 : i32 to index
      %get3A_3425 = tpu.vector_load %arg9[%get3A_3424] {strides = array<i32>} : memref<560xf32, #tpu.memory_space<vmem>>, vector<16xf32>,
      %sub3A_3426 = arith.subf %get3A_3423, %get3A_3425 : vector<16xf32>
      %abs3A_3427 = math.absf %sub3A_3426 : vector<16xf32>
      %add3A_3428 = arith.addf %get3A_3423, %get3A_3425 : vector<16xf32>
      %max3A_3429 = arith.constant 9.99999993E-9 : f32
      %max3A_3430 = vector.broadcast %max3A_3429 : f32 to vector<16xf32>
      %max3A_3431 = arith.maximumf %add3A_3428, %max3A_3430 : vector<16xf32>
      %add3A_3432 = arith.constant 57 : i32
      %add3A_3433 = vector.broadcast %add3A_3432 : i32 to vector<16xi32>
      %add3A_3434 = arith.addi %add3A_2456, %add3A_3433 : vector<16xi32>
      %div3A_3435 = arith.divf %abs3A_3427, %max3A_3431 : vector<16xf32>
      %neg3A_3436 = arith.constant 0.000000e+00 : f32
      %neg3A_3437 = vector.broadcast %neg3A_3436 : f32 to vector<16xf32>
      %neg3A_3438 = arith.subf %neg3A_3437, %div3A_3435 : vector<16xf32>
      tpu.vector_store_idx %arg10[%add3A_3434], %neg3A_3438 : memref<35840xf32, #tpu.memory_space<vmem>>[vector<16xi32>], vector<16xf32>,
      %get3A_3439 = arith.index_cast %squeeze3A_704 : i32 to index
      %get3A_3440 = tpu.vector_load %arg9[%get3A_3439] {strides = array<i32>} : memref<560xf32, #tpu.memory_space<vmem>>, vector<16xf32>,
      %get3A_3441 = arith.index_cast %squeeze3A_844 : i32 to index
      %get3A_3442 = tpu.vector_load %arg9[%get3A_3441] {strides = array<i32>} : memref<560xf32, #tpu.memory_space<vmem>>, vector<16xf32>,
      %sub3A_3443 = arith.subf %get3A_3440, %get3A_3442 : vector<16xf32>
      %abs3A_3444 = math.absf %sub3A_3443 : vector<16xf32>
      %add3A_3445 = arith.addf %get3A_3440, %get3A_3442 : vector<16xf32>
      %max3A_3446 = arith.constant 9.99999993E-9 : f32
      %max3A_3447 = vector.broadcast %max3A_3446 : f32 to vector<16xf32>
      %max3A_3448 = arith.maximumf %add3A_3445, %max3A_3447 : vector<16xf32>
      %add3A_3449 = arith.constant 58 : i32
      %add3A_3450 = vector.broadcast %add3A_3449 : i32 to vector<16xi32>
      %add3A_3451 = arith.addi %add3A_2456, %add3A_3450 : vector<16xi32>
      %div3A_3452 = arith.divf %abs3A_3444, %max3A_3448 : vector<16xf32>
      %neg3A_3453 = arith.constant 0.000000e+00 : f32
      %neg3A_3454 = vector.broadcast %neg3A_3453 : f32 to vector<16xf32>
      %neg3A_3455 = arith.subf %neg3A_3454, %div3A_3452 : vector<16xf32>
      tpu.vector_store_idx %arg10[%add3A_3451], %neg3A_3455 : memref<35840xf32, #tpu.memory_space<vmem>>[vector<16xi32>], vector<16xf32>,
      %get3A_3456 = arith.index_cast %squeeze3A_706 : i32 to index
      %get3A_3457 = tpu.vector_load %arg9[%get3A_3456] {strides = array<i32>} : memref<560xf32, #tpu.memory_space<vmem>>, vector<16xf32>,
      %get3A_3458 = arith.index_cast %squeeze3A_846 : i32 to index
      %get3A_3459 = tpu.vector_load %arg9[%get3A_3458] {strides = array<i32>} : memref<560xf32, #tpu.memory_space<vmem>>, vector<16xf32>,
      %sub3A_3460 = arith.subf %get3A_3457, %get3A_3459 : vector<16xf32>
      %abs3A_3461 = math.absf %sub3A_3460 : vector<16xf32>
      %add3A_3462 = arith.addf %get3A_3457, %get3A_3459 : vector<16xf32>
      %max3A_3463 = arith.constant 9.99999993E-9 : f32
      %max3A_3464 = vector.broadcast %max3A_3463 : f32 to vector<16xf32>
      %max3A_3465 = arith.maximumf %add3A_3462, %max3A_3464 : vector<16xf32>
      %add3A_3466 = arith.constant 59 : i32
      %add3A_3467 = vector.broadcast %add3A_3466 : i32 to vector<16xi32>
      %add3A_3468 = arith.addi %add3A_2456, %add3A_3467 : vector<16xi32>
      %div3A_3469 = arith.divf %abs3A_3461, %max3A_3465 : vector<16xf32>
      %neg3A_3470 = arith.constant 0.000000e+00 : f32
      %neg3A_3471 = vector.broadcast %neg3A_3470 : f32 to vector<16xf32>
      %neg3A_3472 = arith.subf %neg3A_3471, %div3A_3469 : vector<16xf32>
      tpu.vector_store_idx %arg10[%add3A_3468], %neg3A_3472 : memref<35840xf32, #tpu.memory_space<vmem>>[vector<16xi32>], vector<16xf32>,
      %get3A_3473 = arith.index_cast %squeeze3A_708 : i32 to index
      %get3A_3474 = tpu.vector_load %arg9[%get3A_3473] {strides = array<i32>} : memref<560xf32, #tpu.memory_space<vmem>>, vector<16xf32>,
      %get3A_3475 = arith.index_cast %squeeze3A_848 : i32 to index
      %get3A_3476 = tpu.vector_load %arg9[%get3A_3475] {strides = array<i32>} : memref<560xf32, #tpu.memory_space<vmem>>, vector<16xf32>,
      %sub3A_3477 = arith.subf %get3A_3474, %get3A_3476 : vector<16xf32>
      %abs3A_3478 = math.absf %sub3A_3477 : vector<16xf32>
      %add3A_3479 = arith.addf %get3A_3474, %get3A_3476 : vector<16xf32>
      %max3A_3480 = arith.constant 9.99999993E-9 : f32
      %max3A_3481 = vector.broadcast %max3A_3480 : f32 to vector<16xf32>
      %max3A_3482 = arith.maximumf %add3A_3479, %max3A_3481 : vector<16xf32>
      %add3A_3483 = arith.constant 60 : i32
      %add3A_3484 = vector.broadcast %add3A_3483 : i32 to vector<16xi32>
      %add3A_3485 = arith.addi %add3A_2456, %add3A_3484 : vector<16xi32>
      %div3A_3486 = arith.divf %abs3A_3478, %max3A_3482 : vector<16xf32>
      %neg3A_3487 = arith.constant 0.000000e+00 : f32
      %neg3A_3488 = vector.broadcast %neg3A_3487 : f32 to vector<16xf32>
      %neg3A_3489 = arith.subf %neg3A_3488, %div3A_3486 : vector<16xf32>
      tpu.vector_store_idx %arg10[%add3A_3485], %neg3A_3489 : memref<35840xf32, #tpu.memory_space<vmem>>[vector<16xi32>], vector<16xf32>,
      %get3A_3490 = arith.index_cast %squeeze3A_710 : i32 to index
      %get3A_3491 = tpu.vector_load %arg9[%get3A_3490] {strides = array<i32>} : memref<560xf32, #tpu.memory_space<vmem>>, vector<16xf32>,
      %get3A_3492 = arith.index_cast %squeeze3A_850 : i32 to index
      %get3A_3493 = tpu.vector_load %arg9[%get3A_3492] {strides = array<i32>} : memref<560xf32, #tpu.memory_space<vmem>>, vector<16xf32>,
      %sub3A_3494 = arith.subf %get3A_3491, %get3A_3493 : vector<16xf32>
      %abs3A_3495 = math.absf %sub3A_3494 : vector<16xf32>
      %add3A_3496 = arith.addf %get3A_3491, %get3A_3493 : vector<16xf32>
      %max3A_3497 = arith.constant 9.99999993E-9 : f32
      %max3A_3498 = vector.broadcast %max3A_3497 : f32 to vector<16xf32>
      %max3A_3499 = arith.maximumf %add3A_3496, %max3A_3498 : vector<16xf32>
      %add3A_3500 = arith.constant 61 : i32
      %add3A_3501 = vector.broadcast %add3A_3500 : i32 to vector<16xi32>
      %add3A_3502 = arith.addi %add3A_2456, %add3A_3501 : vector<16xi32>
      %div3A_3503 = arith.divf %abs3A_3495, %max3A_3499 : vector<16xf32>
      %neg3A_3504 = arith.constant 0.000000e+00 : f32
      %neg3A_3505 = vector.broadcast %neg3A_3504 : f32 to vector<16xf32>
      %neg3A_3506 = arith.subf %neg3A_3505, %div3A_3503 : vector<16xf32>
      tpu.vector_store_idx %arg10[%add3A_3502], %neg3A_3506 : memref<35840xf32, #tpu.memory_space<vmem>>[vector<16xi32>], vector<16xf32>,
      %get3A_3507 = arith.index_cast %squeeze3A_712 : i32 to index
      %get3A_3508 = tpu.vector_load %arg9[%get3A_3507] {strides = array<i32>} : memref<560xf32, #tpu.memory_space<vmem>>, vector<16xf32>,
      %get3A_3509 = arith.index_cast %squeeze3A_852 : i32 to index
      %get3A_3510 = tpu.vector_load %arg9[%get3A_3509] {strides = array<i32>} : memref<560xf32, #tpu.memory_space<vmem>>, vector<16xf32>,
      %sub3A_3511 = arith.subf %get3A_3508, %get3A_3510 : vector<16xf32>
      %abs3A_3512 = math.absf %sub3A_3511 : vector<16xf32>
      %add3A_3513 = arith.addf %get3A_3508, %get3A_3510 : vector<16xf32>
      %max3A_3514 = arith.constant 9.99999993E-9 : f32
      %max3A_3515 = vector.broadcast %max3A_3514 : f32 to vector<16xf32>
      %max3A_3516 = arith.maximumf %add3A_3513, %max3A_3515 : vector<16xf32>
      %add3A_3517 = arith.constant 62 : i32
      %add3A_3518 = vector.broadcast %add3A_3517 : i32 to vector<16xi32>
      %add3A_3519 = arith.addi %add3A_2456, %add3A_3518 : vector<16xi32>
      %div3A_3520 = arith.divf %abs3A_3512, %max3A_3516 : vector<16xf32>
      %neg3A_3521 = arith.constant 0.000000e+00 : f32
      %neg3A_3522 = vector.broadcast %neg3A_3521 : f32 to vector<16xf32>
      %neg3A_3523 = arith.subf %neg3A_3522, %div3A_3520 : vector<16xf32>
      tpu.vector_store_idx %arg10[%add3A_3519], %neg3A_3523 : memref<35840xf32, #tpu.memory_space<vmem>>[vector<16xi32>], vector<16xf32>,
      %get3A_3524 = arith.index_cast %squeeze3A_714 : i32 to index
      %get3A_3525 = tpu.vector_load %arg9[%get3A_3524] {strides = array<i32>} : memref<560xf32, #tpu.memory_space<vmem>>, vector<16xf32>,
      %get3A_3526 = arith.index_cast %squeeze3A_854 : i32 to index
      %get3A_3527 = tpu.vector_load %arg9[%get3A_3526] {strides = array<i32>} : memref<560xf32, #tpu.memory_space<vmem>>, vector<16xf32>,
      %sub3A_3528 = arith.subf %get3A_3525, %get3A_3527 : vector<16xf32>
      %abs3A_3529 = math.absf %sub3A_3528 : vector<16xf32>
      %add3A_3530 = arith.addf %get3A_3525, %get3A_3527 : vector<16xf32>
      %max3A_3531 = arith.constant 9.99999993E-9 : f32
      %max3A_3532 = vector.broadcast %max3A_3531 : f32 to vector<16xf32>
      %max3A_3533 = arith.maximumf %add3A_3530, %max3A_3532 : vector<16xf32>
      %add3A_3534 = arith.constant 63 : i32
      %add3A_3535 = vector.broadcast %add3A_3534 : i32 to vector<16xi32>
      %add3A_3536 = arith.addi %add3A_2456, %add3A_3535 : vector<16xi32>
      %div3A_3537 = arith.divf %abs3A_3529, %max3A_3533 : vector<16xf32>
      %neg3A_3538 = arith.constant 0.000000e+00 : f32
      %neg3A_3539 = vector.broadcast %neg3A_3538 : f32 to vector<16xf32>
      %neg3A_3540 = arith.subf %neg3A_3539, %div3A_3537 : vector<16xf32>
      tpu.vector_store_idx %arg10[%add3A_3536], %neg3A_3540 : memref<35840xf32, #tpu.memory_space<vmem>>[vector<16xi32>], vector<16xf32>,
      %get3A_3541 = arith.index_cast %squeeze3A_716 : i32 to index
      %get3A_3542 = tpu.vector_load %arg9[%get3A_3541] {strides = array<i32>} : memref<560xf32, #tpu.memory_space<vmem>>, vector<16xf32>,
      %get3A_3543 = arith.index_cast %squeeze3A_856 : i32 to index
      %get3A_3544 = tpu.vector_load %arg9[%get3A_3543] {strides = array<i32>} : memref<560xf32, #tpu.memory_space<vmem>>, vector<16xf32>,
      %sub3A_3545 = arith.subf %get3A_3542, %get3A_3544 : vector<16xf32>
      %abs3A_3546 = math.absf %sub3A_3545 : vector<16xf32>
      %add3A_3547 = arith.addf %get3A_3542, %get3A_3544 : vector<16xf32>
      %max3A_3548 = arith.constant 9.99999993E-9 : f32
      %max3A_3549 = vector.broadcast %max3A_3548 : f32 to vector<16xf32>
      %max3A_3550 = arith.maximumf %add3A_3547, %max3A_3549 : vector<16xf32>
      %add3A_3551 = arith.constant 64 : i32
      %add3A_3552 = vector.broadcast %add3A_3551 : i32 to vector<16xi32>
      %add3A_3553 = arith.addi %add3A_2456, %add3A_3552 : vector<16xi32>
      %div3A_3554 = arith.divf %abs3A_3546, %max3A_3550 : vector<16xf32>
      %neg3A_3555 = arith.constant 0.000000e+00 : f32
      %neg3A_3556 = vector.broadcast %neg3A_3555 : f32 to vector<16xf32>
      %neg3A_3557 = arith.subf %neg3A_3556, %div3A_3554 : vector<16xf32>
      tpu.vector_store_idx %arg10[%add3A_3553], %neg3A_3557 : memref<35840xf32, #tpu.memory_space<vmem>>[vector<16xi32>], vector<16xf32>,
      %get3A_3558 = arith.index_cast %squeeze3A_718 : i32 to index
      %get3A_3559 = tpu.vector_load %arg9[%get3A_3558] {strides = array<i32>} : memref<560xf32, #tpu.memory_space<vmem>>, vector<16xf32>,
      %get3A_3560 = arith.index_cast %squeeze3A_858 : i32 to index
      %get3A_3561 = tpu.vector_load %arg9[%get3A_3560] {strides = array<i32>} : memref<560xf32, #tpu.memory_space<vmem>>, vector<16xf32>,
      %sub3A_3562 = arith.subf %get3A_3559, %get3A_3561 : vector<16xf32>
      %abs3A_3563 = math.absf %sub3A_3562 : vector<16xf32>
      %add3A_3564 = arith.addf %get3A_3559, %get3A_3561 : vector<16xf32>
      %max3A_3565 = arith.constant 9.99999993E-9 : f32
      %max3A_3566 = vector.broadcast %max3A_3565 : f32 to vector<16xf32>
      %max3A_3567 = arith.maximumf %add3A_3564, %max3A_3566 : vector<16xf32>
      %add3A_3568 = arith.constant 65 : i32
      %add3A_3569 = vector.broadcast %add3A_3568 : i32 to vector<16xi32>
      %add3A_3570 = arith.addi %add3A_2456, %add3A_3569 : vector<16xi32>
      %div3A_3571 = arith.divf %abs3A_3563, %max3A_3567 : vector<16xf32>
      %neg3A_3572 = arith.constant 0.000000e+00 : f32
      %neg3A_3573 = vector.broadcast %neg3A_3572 : f32 to vector<16xf32>
      %neg3A_3574 = arith.subf %neg3A_3573, %div3A_3571 : vector<16xf32>
      tpu.vector_store_idx %arg10[%add3A_3570], %neg3A_3574 : memref<35840xf32, #tpu.memory_space<vmem>>[vector<16xi32>], vector<16xf32>,
      %get3A_3575 = arith.index_cast %squeeze3A_720 : i32 to index
      %get3A_3576 = tpu.vector_load %arg9[%get3A_3575] {strides = array<i32>} : memref<560xf32, #tpu.memory_space<vmem>>, vector<16xf32>,
      %get3A_3577 = arith.index_cast %squeeze3A_860 : i32 to index
      %get3A_3578 = tpu.vector_load %arg9[%get3A_3577] {strides = array<i32>} : memref<560xf32, #tpu.memory_space<vmem>>, vector<16xf32>,
      %sub3A_3579 = arith.subf %get3A_3576, %get3A_3578 : vector<16xf32>
      %abs3A_3580 = math.absf %sub3A_3579 : vector<16xf32>
      %add3A_3581 = arith.addf %get3A_3576, %get3A_3578 : vector<16xf32>
      %max3A_3582 = arith.constant 9.99999993E-9 : f32
      %max3A_3583 = vector.broadcast %max3A_3582 : f32 to vector<16xf32>
      %max3A_3584 = arith.maximumf %add3A_3581, %max3A_3583 : vector<16xf32>
      %add3A_3585 = arith.constant 66 : i32
      %add3A_3586 = vector.broadcast %add3A_3585 : i32 to vector<16xi32>
      %add3A_3587 = arith.addi %add3A_2456, %add3A_3586 : vector<16xi32>
      %div3A_3588 = arith.divf %abs3A_3580, %max3A_3584 : vector<16xf32>
      %neg3A_3589 = arith.constant 0.000000e+00 : f32
      %neg3A_3590 = vector.broadcast %neg3A_3589 : f32 to vector<16xf32>
      %neg3A_3591 = arith.subf %neg3A_3590, %div3A_3588 : vector<16xf32>
      tpu.vector_store_idx %arg10[%add3A_3587], %neg3A_3591 : memref<35840xf32, #tpu.memory_space<vmem>>[vector<16xi32>], vector<16xf32>,
      %get3A_3592 = arith.index_cast %squeeze3A_722 : i32 to index
      %get3A_3593 = tpu.vector_load %arg9[%get3A_3592] {strides = array<i32>} : memref<560xf32, #tpu.memory_space<vmem>>, vector<16xf32>,
      %get3A_3594 = arith.index_cast %squeeze3A_862 : i32 to index
      %get3A_3595 = tpu.vector_load %arg9[%get3A_3594] {strides = array<i32>} : memref<560xf32, #tpu.memory_space<vmem>>, vector<16xf32>,
      %sub3A_3596 = arith.subf %get3A_3593, %get3A_3595 : vector<16xf32>
      %abs3A_3597 = math.absf %sub3A_3596 : vector<16xf32>
      %add3A_3598 = arith.addf %get3A_3593, %get3A_3595 : vector<16xf32>
      %max3A_3599 = arith.constant 9.99999993E-9 : f32
      %max3A_3600 = vector.broadcast %max3A_3599 : f32 to vector<16xf32>
      %max3A_3601 = arith.maximumf %add3A_3598, %max3A_3600 : vector<16xf32>
      %add3A_3602 = arith.constant 67 : i32
      %add3A_3603 = vector.broadcast %add3A_3602 : i32 to vector<16xi32>
      %add3A_3604 = arith.addi %add3A_2456, %add3A_3603 : vector<16xi32>
      %div3A_3605 = arith.divf %abs3A_3597, %max3A_3601 : vector<16xf32>
      %neg3A_3606 = arith.constant 0.000000e+00 : f32
      %neg3A_3607 = vector.broadcast %neg3A_3606 : f32 to vector<16xf32>
      %neg3A_3608 = arith.subf %neg3A_3607, %div3A_3605 : vector<16xf32>
      tpu.vector_store_idx %arg10[%add3A_3604], %neg3A_3608 : memref<35840xf32, #tpu.memory_space<vmem>>[vector<16xi32>], vector<16xf32>,
      %get3A_3609 = arith.index_cast %squeeze3A_724 : i32 to index
      %get3A_3610 = tpu.vector_load %arg9[%get3A_3609] {strides = array<i32>} : memref<560xf32, #tpu.memory_space<vmem>>, vector<16xf32>,
      %get3A_3611 = arith.index_cast %squeeze3A_864 : i32 to index
      %get3A_3612 = tpu.vector_load %arg9[%get3A_3611] {strides = array<i32>} : memref<560xf32, #tpu.memory_space<vmem>>, vector<16xf32>,
      %sub3A_3613 = arith.subf %get3A_3610, %get3A_3612 : vector<16xf32>
      %abs3A_3614 = math.absf %sub3A_3613 : vector<16xf32>
      %add3A_3615 = arith.addf %get3A_3610, %get3A_3612 : vector<16xf32>
      %max3A_3616 = arith.constant 9.99999993E-9 : f32
      %max3A_3617 = vector.broadcast %max3A_3616 : f32 to vector<16xf32>
      %max3A_3618 = arith.maximumf %add3A_3615, %max3A_3617 : vector<16xf32>
      %add3A_3619 = arith.constant 68 : i32
      %add3A_3620 = vector.broadcast %add3A_3619 : i32 to vector<16xi32>
      %add3A_3621 = arith.addi %add3A_2456, %add3A_3620 : vector<16xi32>
      %div3A_3622 = arith.divf %abs3A_3614, %max3A_3618 : vector<16xf32>
      %neg3A_3623 = arith.constant 0.000000e+00 : f32
      %neg3A_3624 = vector.broadcast %neg3A_3623 : f32 to vector<16xf32>
      %neg3A_3625 = arith.subf %neg3A_3624, %div3A_3622 : vector<16xf32>
      tpu.vector_store_idx %arg10[%add3A_3621], %neg3A_3625 : memref<35840xf32, #tpu.memory_space<vmem>>[vector<16xi32>], vector<16xf32>,
      %get3A_3626 = arith.index_cast %squeeze3A_726 : i32 to index
      %get3A_3627 = tpu.vector_load %arg9[%get3A_3626] {strides = array<i32>} : memref<560xf32, #tpu.memory_space<vmem>>, vector<16xf32>,
      %get3A_3628 = arith.index_cast %squeeze3A_866 : i32 to index
      %get3A_3629 = tpu.vector_load %arg9[%get3A_3628] {strides = array<i32>} : memref<560xf32, #tpu.memory_space<vmem>>, vector<16xf32>,
      %sub3A_3630 = arith.subf %get3A_3627, %get3A_3629 : vector<16xf32>
      %abs3A_3631 = math.absf %sub3A_3630 : vector<16xf32>
      %add3A_3632 = arith.addf %get3A_3627, %get3A_3629 : vector<16xf32>
      %max3A_3633 = arith.constant 9.99999993E-9 : f32
      %max3A_3634 = vector.broadcast %max3A_3633 : f32 to vector<16xf32>
      %max3A_3635 = arith.maximumf %add3A_3632, %max3A_3634 : vector<16xf32>
      %add3A_3636 = arith.constant 69 : i32
      %add3A_3637 = vector.broadcast %add3A_3636 : i32 to vector<16xi32>
      %add3A_3638 = arith.addi %add3A_2456, %add3A_3637 : vector<16xi32>
      %div3A_3639 = arith.divf %abs3A_3631, %max3A_3635 : vector<16xf32>
      %neg3A_3640 = arith.constant 0.000000e+00 : f32
      %neg3A_3641 = vector.broadcast %neg3A_3640 : f32 to vector<16xf32>
      %neg3A_3642 = arith.subf %neg3A_3641, %div3A_3639 : vector<16xf32>
      tpu.vector_store_idx %arg10[%add3A_3638], %neg3A_3642 : memref<35840xf32, #tpu.memory_space<vmem>>[vector<16xi32>], vector<16xf32>,
    }
    %scan3A_877 = arith.constant 32 : i32
    %mul3A_878 = arith.constant 35840 : i32
    %mul3A_879 = arith.muli %add3A, %mul3A_878 : i32
    "tpu.region"() ({
      %run_scoped3A = tpu.sem_alloc : memref<!tpu.dma_semaphore, #tpu.memory_space<semaphore_mem>>
      %dma_start3A = tpu.memref_slice %arg5[%mul3A_879] : memref<1146880xf32, #tpu.memory_space<hbm>> -> memref<35840xf32, #tpu.memory_space<hbm>>
      %dma_start3A_880 = tpu.memref_slice %arg5[%mul3A_879] : memref<1146880xf32, #tpu.memory_space<hbm>> -> memref<35840xf32, #tpu.memory_space<hbm>>
      tpu.enqueue_dma source(%arg10 : memref<35840xf32, #tpu.memory_space<vmem>>) target(%dma_start3A_880 : memref<35840xf32, #tpu.memory_space<hbm>>) target_semaphore(%run_scoped3A : memref<!tpu.dma_semaphore, #tpu.memory_space<semaphore_mem>>)
      %dma_wait3A = tpu.memref_slice %arg5[%mul3A_879] : memref<1146880xf32, #tpu.memory_space<hbm>> -> memref<35840xf32, #tpu.memory_space<hbm>>
      %dma_wait3A_881 = tpu.memref_slice %arg5[%mul3A_879] : memref<1146880xf32, #tpu.memory_space<hbm>> -> memref<35840xf32, #tpu.memory_space<hbm>>
      tpu.wait_dma2 semaphore(%run_scoped3A : memref<!tpu.dma_semaphore, #tpu.memory_space<semaphore_mem>>) src(%arg10 : memref<35840xf32, #tpu.memory_space<vmem>>) dst(%dma_wait3A_881 : memref<35840xf32, #tpu.memory_space<hbm>>)
      tpu.yield
    }) : () -> ()
    return
  }
}

</mosaic_0001>

<sc_bundles>
// kernel: kernel.3.cloned.1.call-start
scs
__scs_entry_jumppad:
0x0: {  	(pc) =	sbr.rel $0x88, $3  }
0x1: {  	(tag) =	ssettag $0x0;
	lr =	simm.s32 $0x1  }
0x2: {  	[smem:$0x3F9E] =	sst lr;
	_ =	strace $0xD0000000  }
0x3: {  	_ = 	snop  }
0x4: {  	_ = 	snop  }
0x5: {  	_ = 	snop  }
0x6: {  	_ = 	snop  }
0x7: {  	_ = 	snop  }
__scs_overlays_trampoline_lowered:
0x8: {  	[smem:$0x3FAD] =	sst s0  }
0x9: {  	[smem:$0x3FAE] =	sst s1  }
0xa: {  	[smem:$0x3FAF] =	sst s2  }
0xb: {  	[smem:$0x3FB0] =	sst s3  }
0xc: {  	[smem:$0x3FB1] =	sst s4  }
0xd: {  	[smem:$0x3FB2] =	sst s5  }
0xe: {  	[smem:$0x3FB3] =	sst s6  }
0xf: {  	[smem:$0x3FB4] =	sst s7  }
0x10: {  	[smem:$0x3FB5] =	sst s8  }
0x11: {  	[smem:$0x3FB6] =	sst s9;
	s0 =	simm.s32 @!p0 $0x0  }
0x12: {  	s1 =	sld [smem:$0x3F9C];
	s0 =	simm.s32 @p0 $0x1  }
0x13: {  	[smem:$0x3FB7] =	sst s0;
	s0 =	simm.s32 @!p1 $0x0  }
0x14: {  	s2 =	sld [smem:$0x3F9B];
	s0 =	simm.s32 @p1 $0x1  }
0x15: {  	[smem:$0x3FB8] =	sst s0;
	s0 =	simm.s32 @!p2 $0x0  }
0x16: {  	s3 =	sld [smem:$0x3FDB];
	s0 =	simm.s32 @p2 $0x1  }
0x17: {  	s4 =	simm.s32 $0x1BF5;
	[smem:$0x3FBA] =	sst s0  }
0x18: {  	s0 =	sld [smem:$0x3F9D];
	_ =	swait.ge [sflag:s4], $0x0  }
0x19: {  	s7 =	sld [smem:$0x3F9E]  }
0x1a: {  	s8 =	sadd.s32 $0xFFFFE003, lr  }
0x1b: {  	s9 =	sadd.s32 $0xFFFFFEF7, lr;
	s5 =	simm.s32 $0xFFFFFFFF;
	p2 =	slt.u32 s8, $0xFFFFF086  }
0x1c: {  	p1 =	slt.u32 s9, $0xF7A;
	s5 =	simm.s32 @!p2 $0x0  }
0x1d: {  	s5 =	simm.s32 @p1 $0x1;
	p0 =	seq.s32 s7, s2  }
0x1e: {  	s7 =	smul.u32 @!p0 $0xF7A, s2;
	p2 =	seq.s32 @!p0 s5, $0x0  }
0x1f: {  	s9 =	smul.u32 $0xF7A, s1;
	s8 =	simm.s32 @!p0 $0x1BF5;
	p2 =	por !p2, p0  }
0x20: {  	[sflag:s8] =	ssyncset.s32 @!p0 $0xFFFFF086;
	s6 =	sadd.s32 @!p0 s3, s7;
	s7 =	simm.s32 @!p0 $0x108  }
0x21: {  	s3 =	sadd.s32 s3, s9;
	s6 =	sadd.s32 @!p0 $0x88, s6;
	s7 =	simm.s32 @p2 $0x1082  }
0x22: {  	[simem:s7], [sflag:s8] =	dma.local @!p0 [hbm:s6], $0xF7A  }
0x23: {  	s9 =	sor.u32 $0xD0000000, s2;
	s6 =	simm.s32 $0x108;
	_ =	swait.ge @!p0 [sflag:s8], $0x0  }
0x24: {  	s3 =	sadd.s32 $0x88, s3;
	s6 =	simm.s32 @!p1 $0x1082;
	[sflag:s4] =	ssyncset.s32 $0xFFFFF086  }
0x25: {  	[simem:s6], [sflag:s4] =	dma.local [hbm:s3], $0xF7A  }
0x26: {  	[smem:$0x3F9E] =	sst s1;
	(tag) =	ssettag s2;
	_ =	strace s9  }
0x27: {  	s1 =	sld [smem:$0x3FAE]  }
0x28: {  	s2 =	sld [smem:$0x3FAF]  }
0x29: {  	s4 =	sld [smem:$0x3FB1]  }
0x2a: {  	p0 =	seq.s32 s5, $0x0;
	s5 =	sld [smem:$0x3FB2]  }
0x2b: {  	s6 =	sld [smem:$0x3FB3]  }
0x2c: {  	s7 =	sld [smem:$0x3FB4]  }
0x2d: {  	s3 =	simm.s32 $0x108;
	s8 =	sld [smem:$0x3FB5]  }
0x2e: {  	s3 =	simm.s32 @!p0 $0x1082;
	s9 =	sld [smem:$0x3FB6]  }
0x2f: {  	lr =	sadd.s32 s0, s3;
	s0 =	sld [smem:$0x3FAD]  }
0x30: {  	s3 =	sld [smem:$0x3FB0]  }
0x31: {  	[smem:$0x3FB9] =	sst s10  }
0x32: {  	s10 =	sld [smem:$0x3FB7];
	_ =	sdelay $0x3  }
0x33: {  	p0 =	seq.s32 s10, $0x1;
	s10 =	sld [smem:$0x3FB9];
	_ =	sdelay $0x3  }
0x34: {  	[smem:$0x3FB9] =	sst s10  }
0x35: {  	s10 =	sld [smem:$0x3FB8];
	_ =	sdelay $0x3  }
0x36: {  	p1 =	seq.s32 s10, $0x1;
	s10 =	sld [smem:$0x3FB9];
	_ =	sdelay $0x3  }
0x37: {  	[smem:$0x3FB9] =	sst s10  }
0x38: {  	s10 =	sld [smem:$0x3FBA]  }
0x39: {  	_ = 	snop;
	(pc) =	sbr.ind lr, $3  }
0x3a: {  	_ = 	snop  }
0x3b: {  	_ = 	snop  }
0x3c: {  	p2 =	seq.s32 s10, $0x1;
	s10 =	sld [smem:$0x3FB9]  }
0x3d: {  	_ =	shalt  }
0x3e: {  	_ =	shalt  }
0x3f: {  	_ =	shalt  }
0x40: {  	_ =	shalt  }
0x41: {  	_ =	shalt  }
0x42: {  	_ =	shalt  }
0x43: {  	_ =	shalt  }
0x44: {  	_ =	shalt  }
0x45: {  	_ =	shalt  }
0x46: {  	_ =	shalt  }
0x47: {  	_ =	shalt  }
0x48: {  	_ =	shalt  }
0x49: {  	_ =	shalt  }
0x4a: {  	_ =	shalt  }
0x4b: {  	_ =	shalt  }
0x4c: {  	_ =	shalt  }
0x4d: {  	_ =	shalt  }
0x4e: {  	_ =	shalt  }
0x4f: {  	_ =	shalt  }
0x50: {  	_ =	shalt  }
0x51: {  	_ =	shalt  }
0x52: {  	_ =	shalt  }
0x53: {  	_ =	shalt  }
0x54: {  	_ =	shalt  }
0x55: {  	_ =	shalt  }
0x56: {  	_ =	shalt  }
0x57: {  	_ =	shalt  }
0x58: {  	_ =	shalt  }
0x59: {  	_ =	shalt  }
0x5a: {  	_ =	shalt  }
0x5b: {  	_ =	shalt  }
0x5c: {  	_ =	shalt  }
0x5d: {  	_ =	shalt  }
0x5e: {  	_ =	shalt  }
0x5f: {  	_ =	shalt  }
0x60: {  	_ =	shalt  }
0x61: {  	_ =	shalt  }
0x62: {  	_ =	shalt  }
0x63: {  	_ =	shalt  }
0x64: {  	_ =	shalt  }
0x65: {  	_ =	shalt  }
0x66: {  	_ =	shalt  }
0x67: {  	_ =	shalt  }
0x68: {  	_ =	shalt  }
0x69: {  	_ =	shalt  }
0x6a: {  	_ =	shalt  }
0x6b: {  	_ =	shalt  }
0x6c: {  	_ =	shalt  }
0x6d: {  	_ =	shalt  }
0x6e: {  	_ =	shalt  }
0x6f: {  	_ =	shalt  }
0x70: {  	_ =	shalt  }
0x71: {  	_ =	shalt  }
0x72: {  	_ =	shalt  }
0x73: {  	_ =	shalt  }
0x74: {  	_ =	shalt  }
0x75: {  	_ =	shalt  }
0x76: {  	_ =	shalt  }
0x77: {  	_ =	shalt  }
0x78: {  	_ =	shalt  }
0x79: {  	_ =	shalt  }
0x7a: {  	_ =	shalt  }
0x7b: {  	_ =	shalt  }
0x7c: {  	_ =	shalt  }
0x7d: {  	_ =	shalt  }
0x7e: {  	_ =	shalt  }
0x7f: {  	_ =	shalt  }
0x80: {  	_ =	shalt  }
0x81: {  	_ =	shalt  }
0x82: {  	_ =	shalt  }
0x83: {  	_ =	shalt  }
0x84: {  	_ =	shalt  }
0x85: {  	_ =	shalt  }
0x86: {  	_ =	shalt  }
0x87: {  	_ =	shalt  }
.Lfunc_end0:
.L_simem_size_0:
called_computation_lowered:
.L_overlay_start_0:
0x88: {  	s2 =	sld [smem:$0x3FD9]  }
0x89: {  	s3 =	sld [smem:$0x3FFE];
	_ =	sdelay $0x1  }
0x8a: {  	s1 =	srdreg.scid  }
0x8b: {  	s0 =	sand.u32 $0x1, s1  }
0x8c: {  	s17 =	sshll.u32 s0, $0xA;
	s2 =	sadd.s32 s3, s2  }
0x8d: {  	s2 =	sadd.s32 s2, s17  }
0x8e: {  	[smem:$0x3FC5] =	sst s2  }
0x8f: {  	_ = 	snop  }
0x90: {  	s2 =	sld [smem:$0x3FD0];
	(tm) =	ssettm $0x1  }
0x91: {  	s18 =	sld [smem:$0x3FFB];
	_ =	sdelay $0x3  }
0x92: {  	_ =	strace s18  }
0x93: {  	s3 =	sld [smem:$0x3FFC];
	_ =	sdelay $0x3  }
0x94: {  	_ =	strace s3  }
0x95: {  	s3 =	sld [smem:$0x3FFD];
	_ =	sdelay $0x3  }
0x96: {  	_ =	strace s3  }
0x97: {  	_ =	strace $0x8FFFFFFF  }
0x98: {  	s19 =	sld [smem:$0x3FDB];
	_ =	sdelay $0x1  }
0x99: {  	s4 =	simm.s32 $_scs_section_size  }
0x9a: {  	s5 =	simm.s32 $_size__tile_overlayer_lowered;
	s6 =	simm.s32 $_tile_overlayer_lowered  }
0x9b: {  	s22 =	simm.s32 $0x1BFF;
	s21 =	sshll.u32 s6, $0x1;
	s3 =	sadd.s32 s4, s19  }
0x9c: {  	s7 =	simm.s32 $0x0;
	s20 =	sshll.u32 s5, $0x1;
	s5 =	sadd.s32 s21, s3  }
0x9d: {  	[timem:s7], [sflag:s22] =	dma.local [hbm:s5], s20  }
0x9e: {  	_ =	swait.ge [sflag:s22], s20  }
0x9f: {  	s4 =	ssub.s32 $0x0, s20;
	[sflag:s22] =	ssyncset.done $0x0  }
0xa0: {  	[sflag:s22] =	ssyncadd.s32 s4;
	_ =	sdelay $0x1  }
0xa1: {  	s23 =	simm.s32 $0x1B8B  }
0xa2: {  	_ =	swait.ge [sflag:s23], $0x1  }
0xa3: {  	[sflag:s23] =	ssyncset.done $0x0  }
0xa4: {  	s25 =	simm.s32 $0x1B8E;
	s24 =	sld [smem:$0x3FFE];
	[sflag:s23] =	ssyncadd.s32 $0xFFFFFFFF  }
0xa5: {  	s26 =	simm.s32 $execute0_lowered;
	[smem:$0x3FD2] =	sst s25  }
0xa6: {  	s5 =	sshll.u32 s26, $0x1;
	_ =	strace $0x80000046;
	[dreg:$0x1] =	wrdreg $0xFFFFFFFF  }
0xa7: {  	s28 =	simm.s32 $_size_execute0_lowered;
	s3 =	sadd.s32 s3, s5;
	[dreg:$0x0] =	wrdreg $0x0  }
0xa8: {  	s5 =	sshll.u32 s28, $0x1;
	[dreg:$0x2] =	wrdreg s3  }
0xa9: {  	[dreg:$0x3] =	wrdreg s5  }
0xaa: {  	[dreg:$0x4] =	wrdreg $0xC0  }
0xab: {  	_ =	task [dreg:s7], $0x5FFFF  }
0xac: {  	[dreg:$0x1] =	wrdreg $0xFFFFFFFF  }
0xad: {  	[dreg:$0x0] =	wrdreg $0x60  }
0xae: {  	[dreg:$0x2] =	wrdreg s24  }
0xaf: {  	[dreg:$0x3] =	wrdreg s2  }
0xb0: {  	[dreg:$0x4] =	wrdreg $0x9  }
0xb1: {  	_ =	task.clear_ibuf [dreg:s7], $0x5FFFF;
	_ =	strace $0x90000046  }
0xb2: {  	s29 =	simm.s32 $0x9;
	_ =	strace $0x80000048  }
0xb3: {  	_ =	swait.ge [sflag:s29], $0x1  }
0xb4: {  	[sflag:s29] =	ssyncadd.s32 $0xFFFFFFFF  }
0xb5: {  	_ =	strace $0x90000048  }
0xb6: {  	_ =	sfence  }
0xb7: {  	s30 =	sld [smem:$0x0];
	_ =	sdelay $0x2  }
0xb8: {  	s31 =	sshll.u32 s1, $0xD;
	s1 =	sshrl.u32 s1, $0x2  }
0xb9: {  	s3 =	sand.u32 $0x4000, s31;
	s1 =	sadd.s32 s1, s30  }
0xba: {  	s0 =	sor.u32 s3, s0;
	s1 =	sshll.u32 s1, $0x11  }
0xbb: {  	s0 =	sor.u32 s1, s0  }
0xbc: {  	s0 =	sadd.s32 $0x8F2B, s0  }
0xbd: {  	[sflag:s0] =	ssyncadd.remote.s32 $0x1  }
0xbe: {  	_ =	sfence.sel $0xFFFF  }
0xbf: {  	[dreg:$0x0] =	wrdreg $0xFFFFFFFF;
	(pc) =	sbr.abs _section_cstart, $3  }
0xc0: {  	[dreg:$0x1] =	wrdreg $0xFFFFFFFF  }
0xc1: {  	_ =	task.clear_ibuf [dreg:s7], $0x2FFFF;
	_ =	strace $0x9FFFFFFF  }
0xc2: {  	(tm) =	ssettm $0x7FFFFFFF  }
0xc3: {  	_ =	shalt  }
tec
execute0_lowered:
.L_overlay_start_1:
0x0: {  	(tag) =	ssettag $0x1  }
0x1: {  	v3 =	vlaneseq.u32  }
0x2: {  	v4 =	vmul.u32 $0x3, v3;
	_ =	sdelay $0x1  }
0x3: {  	v0 =	vadd.s32 $0x1, v4;
	[tilespmem:$0x1FEB0] =	vst v4  }
0x4: {  	v53 =	vadd.s32 $0x2, v4;
	[tilespmem:$0x1FE10] =	vst v0  }
0x5: {  	v54 =	vadd.s32 $0x30, v4;
	[tilespmem:$0x1FE20] =	vst v53  }
0x6: {  	v55 =	vadd.s32 $0x31, v4;
	[tilespmem:$0x1FE30] =	vst v54  }
0x7: {  	v1 =	vadd.s32 $0x32, v4;
	[tilespmem:$0x1FE40] =	vst v55  }
0x8: {  	v56 =	vimm.s32 $0xC9C6C3C0;
	v57 =	vadd.s32 $0x60, v4;
	[tilespmem:$0x1FE50] =	vst v1  }
0x9: {  	v61 =	vimm.s32 $0xCAC7C4C1;
	v2 =	vimm.s32 $0xCBC8C5C2;
	v58 =	vadd.s32 $0x61, v4;
	[tilespmem:$0x1FE60] =	vst v57  }
0xa: {  	vm0 =	vcmask $0xF00;
	v2 =	vunpack.c.0.s8.s32 v2;
	v59 =	vadd.s32 $0x62, v4;
	[tilespmem:$0x1FE70] =	vst v58  }
0xb: {  	vm1 =	vcmask $0x1310;
	v60 =	vadd.s32 $0x90, v4;
	v0 =	vunpack.c.0.s8.s32 v56;
	[tilespmem:$0x1FE80] =	vst v59  }
0xc: {  	v5 =	vadd.s32 $0x91, v4;
	v2 =	vand.u32 $0xFF, v2;
	[tilespmem:$0x1FE90] =	vst v60;
	v1 =	vunpack.c.0.s8.s32 v61  }
0xd: {  	v4 =	vadd.s32 $0x92, v4;
	[tilespmem:$0x1FEA0] =	vst v5;
	v2 =	vnsel vm0, $0xD1, v2;
	v0 =	vand.u32 $0xFF, v0  }
0xe: {  	[tilespmem:$0x1FEC0] =	vst v4;
	v63 =	vsel vm1, $0xCE, v2;
	v1 =	vand.u32 $0xFF, v1;
	v0 =	vnsel vm0, $0xCF, v0  }
0xf: {  	s2 =	stileid.u32;
	v13 =	vmul.u32 $0x1C, v3;
	[tilespmem:$0x1FEF0] =	vst v63;
	v1 =	vnsel vm0, $0xD0, v1;
	v0 =	vsel vm1, $0xCC, v0  }
0x10: {  	s0 =	rddreg [dreg:$0x0];
	s4 =	sshll.u32 s2, $0x1;
	s2 =	simm.s32 $0x0;
	v62 =	vsel vm1, $0xCD, v1;
	[tilespmem:$0x1FED0] =	vst v0  }
0x11: {  	[smem:$0x7FF] =	sst s2;
	v11 =	vor.u32 $0x1, v13;
	[tilespmem:$0x1FEE0] =	vst v62  }
0x12: {  	s3 =	rddreg [dreg:$0x1];
	v12 =	vor.u32 $0x2, v13;
	_ =	strace $0x80000047;
	[tilespmem:$0x1FF00] =	vst v11  }
0x13: {  	v14 =	vor.u32 $0x3, v13;
	[tilespmem:$0x1FF10] =	vst v12  }
0x14: {  	v15 =	vadd.s32 $0x4, v13;
	[tilespmem:$0x1FF20] =	vst v14  }
0x15: {  	v16 =	vadd.s32 $0x5, v13;
	[tilespmem:$0x1FF30] =	vst v15  }
0x16: {  	v17 =	vadd.s32 $0x6, v13;
	[tilespmem:$0x1FF40] =	vst v16  }
0x17: {  	v18 =	vadd.s32 $0x7, v13;
	[tilespmem:$0x1FF50] =	vst v17  }
0x18: {  	s1 =	srdreg.scid;
	v19 =	vadd.s32 $0x8, v13;
	[tilespmem:$0x1FF60] =	vst v18  }
0x19: {  	s1 =	sand.u32 $0x1, s1;
	v20 =	vadd.s32 $0x9, v13;
	[tilespmem:$0x1FF70] =	vst v19  }
0x1a: {  	s4 =	sor.u32 s1, s4;
	v21 =	vadd.s32 $0xA, v13;
	[tilespmem:$0x1FF80] =	vst v20  }
0x1b: {  	s5 =	smul.u32 $0x700, s4;
	v22 =	vadd.s32 $0xB, v13;
	[tilespmem:$0x1FF90] =	vst v21  }
0x1c: {  	s6 =	sadd.s32 $0x800, s0;
	s1 =	ssub.s32 $0x2, s1;
	s4 =	smul.u32 $0x1180, s4;
	v23 =	vadd.s32 $0xC, v13;
	[tilespmem:$0x1FFA0] =	vst v22  }
0x1d: {  	v24 =	vadd.s32 $0xD, v13;
	s5 =	sadd.s32 s5, s0;
	s0 =	sadd.s32 $0xA00, s0;
	[smem:$0x7F9] =	sst s6;
	[tilespmem:$0x1FFB0] =	vst v23  }
0x1e: {  	s29 =	sshrl.u32 s1, $0x1;
	v25 =	vadd.s32 $0xE, v13;
	s30 =	sadd.s32 $0x200800, s5;
	[smem:$0x7FA] =	sst s0;
	[tilespmem:$0x1FFC0] =	vst v24  }
0x1f: {  	v26 =	vadd.s32 $0xF, v13;
	s31 =	sadd.s32 s3, s4;
	s0 =	ssub.s32 s1, s29;
	[smem:$0x7FB] =	sst s30;
	[tilespmem:$0x1FFD0] =	vst v25  }
0x20: {  	s11 =	simm.s32 $0x3C80;
	v27 =	vadd.s32 $0x10, v13;
	[smem:$0x7FC] =	sst s31;
	[tilespmem:$0x1FFE0] =	vst v26;
	s0 =	smax.u32 s0, $0x1  }
0x21: {  	v28 =	vadd.s32 $0x11, v13;
	v29 =	vadd.s32 $0x12, v13;
	s3 =	simm.s32 $0x0;
	s1 =	simm.s32 $0x1;
	[tilespmem:$0x1FFF0] =	vst v27;
	[smem:$0x7FD] =	sst s0  }
.LBB2_1:
0x22: {  	s0 =	sld [smem:$0x7FB];
	_ =	sdelay $0x1  }
0x23: {  	[smem:$0x796] =	sst s3  }
0x24: {  	[tilespmem:s2], [sflag:$0x1] =	stream.linear.gather [hbm4b:s0+s2], $0x3800, $0x38;
	[tilespmem:$0xC880] =	vst v63  }
0x25: {  	_ =	swait.ge [sflag:s1], $0x3800  }
0x26: {  	s6 =	sld [smem:$0x7F9]  }
0x27: {  	[sflag:s1] =	ssyncset.done $0x0  }
0x28: {  	s5 =	simm.s32 $0x3800;
	[sflag:s1] =	ssyncadd.s32 $0xFFFFC800  }
0x29: {  	[tilespmem:s5], [sflag:$0x1] =	stream.linear.gather [hbm4b:s6+s2], $0x100, $0x38;
	[tilespmem:$0xC880] =	vst v63  }
0x2a: {  	_ =	swait.ge [sflag:s1], $0x100  }
0x2b: {  	s7 =	sld [smem:$0x7FA]  }
0x2c: {  	[sflag:s1] =	ssyncset.done $0x0  }
0x2d: {  	s6 =	simm.s32 $0x3900;
	[sflag:s1] =	ssyncadd.s32 $0xFFFFFF00  }
0x2e: {  	[tilespmem:s6], [sflag:$0x1] =	stream.linear.gather [hbm4b:s7+s2], $0x100, $0x38;
	[tilespmem:$0xC880] =	vst v63  }
0x2f: {  	_ =	swait.ge [sflag:s1], $0x100  }
0x30: {  	v2 =	vld [tilespmem:$0x1FEB0]  }
0x31: {  	v5 =	vld [tilespmem:$0x1FE10];
	_ =	sdelay $0x4  }
0x32: {  	[sflag:s1] =	ssyncset.done $0x0  }
0x33: {  	v9 =	vld [tilespmem:$0x1FE20];
	[sflag:s1] =	ssyncadd.s32 $0xFFFFFF00  }
0x34: {  	v0 =	vld.idx.msk [tilespmem:v2+s5+$0x0], $0xffff  }
0x35: {  	v1 =	vld.idx.msk [tilespmem:v5+s5+$0x0], $0xffff  }
0x36: {  	v2 =	vld.idx.msk [tilespmem:v2+s6+$0x0], $0xffff;
	_ =	sdelay $0x2  }
0x37: {  	v51 =	vld.idx.msk [tilespmem:v5+s6+$0x0], $0xffff  }
0x38: {  	v3 =	vsub.s32 $0x7, v0;
	v4 =	vsub.s32 $0x6, v0;
	v52 =	vsub.s32 $0x5, v0  }
0x39: {  	v7 =	vld.idx.msk [tilespmem:v9+s5+$0x0], $0xffff;
	v6 =	vxor.u32 $0xFFFFFFFF, v0;
	v0 =	vadd.s32 v1, v0;
	v54 =	vsub.s32 $0x7, v2  }
0x3a: {  	v55 =	vld.idx.msk [tilespmem:v9+s6+$0x0], $0xffff;
	v8 =	vsub.s32 $0x6, v2;
	v9 =	vxor.u32 $0xFFFFFFFF, v2;
	v3 =	vmul.u32 v3, v4  }
0x3b: {  	v53 =	vadd.s32 v6, v1;
	v0 =	vsub.s32 $0xC, v0;
	v6 =	vmul.u32 v54, v8  }
0x3c: {  	v8 =	vsub.s32 $0x5, v2;
	v2 =	vadd.s32 v51, v2;
	v3 =	vmul.u32 v52, v3  }
0x3d: {  	v0 =	vmul.u32 v0, v53;
	v2 =	vsub.s32 $0xC, v2  }
0x3e: {  	v6 =	vmul.u32 v8, v6;
	v8 =	vadd.s32 v9, v51;
	v3 =	vmul.u32 $0x2AB, v3  }
0x3f: {  	v1 =	vsub.s32 v7, v1;
	v0 =	vshrl.u32 v0, $0x1;
	v2 =	vmul.u32 v2, v8  }
0x40: {  	v0 =	vadd.s32 v0, v1;
	v56 =	vmul.u32 $0x2AB, v6;
	v3 =	vshrl.u32 v3, $0xC  }
0x41: {  	v57 =	vsub.s32 v55, v51;
	v2 =	vshrl.u32 v2, $0x1;
	v0 =	vsub.s32 v0, v3  }
0x42: {  	v1 =	vshrl.u32 v56, $0xC;
	v2 =	vadd.s32 v2, v57;
	v0 =	vadd.s32 $0x22, v0  }
0x43: {  	v1 =	vsub.s32 v2, v1;
	v0 =	vshll.u32 v0, $0x4  }
0x44: {  	v1 =	vshll.u32 v1, $0x4;
	v0 =	vadd.s32 $0x3A00, v0  }
0x45: {  	v1 =	vadd.s32 $0x220, v1;
	(v2sf) =	vpush v0, $0x0  }
0x46: {  	v1 =	vadd.s32 $0x3A00, v1;
	(v2sf) =	vpush v0, $0x1  }
0x47: {  	v58 =	vld [tilespmem:$0x1FE30];
	(v2sf) =	vpush v1, $0x0  }
0x48: {  	(v2sf) =	vpush v1, $0x1  }
0x49: {  	(v2sf) =	vpush v0, $0x2  }
0x4a: {  	(v2sf) =	vpush v0, $0x3  }
0x4b: {  	(v2sf) =	vpush v1, $0x2  }
0x4c: {  	(v2sf) =	vpush v1, $0x3  }
0x4d: {  	(v2sf) =	vpush v0, $0x4  }
0x4e: {  	(v2sf) =	vpush v0, $0x5  }
0x4f: {  	v59 =	vld.idx.msk [tilespmem:v58+s5+$0x0], $0xffff;
	(v2sf) =	vpush v1, $0x4  }
0x50: {  	v8 =	vld [tilespmem:$0x1FE40];
	(v2sf) =	vpush v1, $0x5  }
0x51: {  	(v2sf) =	vpush v0, $0x6  }
0x52: {  	(v2sf) =	vpush v0, $0x7  }
0x53: {  	v32 =	vld.idx.msk [tilespmem:v58+s6+$0x0], $0xffff;
	(v2sf) =	vpush v1, $0x6  }
0x54: {  	v10 =	vld [tilespmem:$0x1FE50];
	v60 =	vsub.s32 $0x7, v59;
	v61 =	vsub.s32 $0x6, v59;
	s4 =	spop (v2sf);
	(v2sf) =	vpush v1, $0x7  }
0x55: {  	v3 =	vmul.u32 v60, v61;
	s7 =	spop (v2sf);
	(v2sf) =	vpush v0, $0x8;
	[dreg:$0x3] =	wrdreg s4  }
0x56: {  	v63 =	vsub.s32 $0x5, v59;
	s8 =	spop (v2sf);
	(v2sf) =	vpush v0, $0x9;
	[dreg:$0x5] =	wrdreg s7  }
0x57: {  	v3 =	vmul.u32 v63, v3;
	s24 =	spop (v2sf);
	(v2sf) =	vpush v1, $0x8;
	[dreg:$0x4] =	wrdreg s8  }
0x58: {  	v9 =	vsub.s32 $0x6, v32;
	v62 =	vld.idx.msk [tilespmem:v8+s5+$0x0], $0xffff;
	s25 =	spop (v2sf);
	(v2sf) =	vpush v1, $0x9;
	[dreg:$0x6] =	wrdreg s24  }
0x59: {  	v3 =	vmul.u32 $0x2AB, v3;
	v35 =	vld.idx.msk [tilespmem:v8+s6+$0x0], $0xffff;
	v8 =	vsub.s32 $0x7, v32;
	s14 =	spop (v2sf);
	(v2sf) =	vpush v0, $0xA;
	[dreg:$0x7] =	wrdreg s25  }
0x5a: {  	v34 =	vxor.u32 $0xFFFFFFFF, v59;
	v8 =	vmul.u32 v8, v9;
	s12 =	spop (v2sf);
	(v2sf) =	vpush v0, $0xB;
	[dreg:$0x9] =	wrdreg s14  }
0x5b: {  	v36 =	vsub.s32 $0x5, v32;
	v3 =	vshrl.u32 v3, $0xC;
	s15 =	spop (v2sf);
	(v2sf) =	vpush v1, $0xA;
	[dreg:$0x8] =	wrdreg s12  }
0x5c: {  	v33 =	vld.idx.msk [tilespmem:v10+s5+$0x0], $0xffff;
	v6 =	vmul.u32 v36, v8;
	v8 =	vxor.u32 $0xFFFFFFFF, v32;
	s26 =	spop (v2sf);
	(v2sf) =	vpush v1, $0xB;
	[dreg:$0xa] =	wrdreg s15  }
0x5d: {  	v2 =	vadd.s32 v62, v59;
	v7 =	vadd.s32 v34, v62;
	s29 =	spop (v2sf);
	(v2sf) =	vpush v0, $0xC;
	[dreg:$0xb] =	wrdreg s26  }
0x5e: {  	v37 =	vld.idx.msk [tilespmem:v10+s6+$0x0], $0xffff;
	v4 =	vadd.s32 v35, v32;
	v2 =	vsub.s32 $0xC, v2;
	s18 =	spop (v2sf);
	(v2sf) =	vpush v0, $0xD;
	[dreg:$0xd] =	wrdreg s29  }
0x5f: {  	v8 =	vadd.s32 v8, v35;
	v2 =	vmul.u32 v2, v7;
	s20 =	spop (v2sf);
	(v2sf) =	vpush v1, $0xC;
	[dreg:$0xc] =	wrdreg s18  }
0x60: {  	v39 =	vmul.u32 $0x2AB, v6;
	v4 =	vsub.s32 $0xC, v4;
	s22 =	spop (v2sf);
	(v2sf) =	vpush v1, $0xD;
	[dreg:$0xe] =	wrdreg s20  }
0x61: {  	v5 =	vsub.s32 v33, v62;
	v38 =	vmul.u32 v4, v8;
	v2 =	vshrl.u32 v2, $0x1;
	s23 =	spop (v2sf);
	[dreg:$0xf] =	wrdreg s22  }
0x62: {  	v4 =	vshrl.u32 v39, $0xC;
	v2 =	vadd.s32 v2, v5;
	(v2sf) =	vpush v0, $0xE;
	s10 =	spop (v2sf);
	[dreg:$0x11] =	wrdreg s23  }
0x63: {  	v5 =	vsub.s32 v37, v35;
	v2 =	vsub.s32 v2, v3;
	v3 =	vshrl.u32 v38, $0x1;
	s3 =	spop (v2sf);
	[dreg:$0x10] =	wrdreg s10  }
0x64: {  	v2 =	vshll.u32 v2, $0x4;
	v3 =	vadd.s32 v3, v5;
	(v2sf) =	vpush v0, $0xF;
	s1 =	spop (v2sf);
	[dreg:$0x12] =	wrdreg s3  }
0x65: {  	v40 =	vadd.s32 $0x220, v2;
	v41 =	vsub.s32 v3, v4;
	(v2sf) =	vpush v1, $0xE;
	s0 =	spop (v2sf);
	[dreg:$0x13] =	wrdreg s1  }
0x66: {  	v2 =	vshll.u32 v41, $0x4;
	v0 =	vadd.s32 $0x3A00, v40;
	(v2sf) =	vpush v1, $0xF;
	s9 =	spop (v2sf);
	[dreg:$0x15] =	wrdreg s0  }
0x67: {  	v43 =	vld [tilespmem:$0x1FE60];
	v42 =	vadd.s32 $0x220, v2;
	(v2sf) =	vpush v0, $0x0;
	s19 =	spop (v2sf);
	[dreg:$0x14] =	wrdreg s9  }
0x68: {  	v1 =	vadd.s32 $0x3A00, v42;
	(v2sf) =	vpush v0, $0x1;
	s17 =	spop (v2sf);
	[dreg:$0x16] =	wrdreg s19  }
0x69: {  	(v2sf) =	vpush v1, $0x0;
	s16 =	spop (v2sf);
	[dreg:$0x17] =	wrdreg s17  }
0x6a: {  	(v2sf) =	vpush v1, $0x1;
	s13 =	spop (v2sf);
	[dreg:$0x19] =	wrdreg s16  }
0x6b: {  	(v2sf) =	vpush v0, $0x2;
	s21 =	spop (v2sf);
	[dreg:$0x18] =	wrdreg s13  }
0x6c: {  	(v2sf) =	vpush v0, $0x3;
	s4 =	spop (v2sf);
	[dreg:$0x1a] =	wrdreg s21  }
0x6d: {  	(v2sf) =	vpush v1, $0x2;
	s28 =	spop (v2sf);
	[dreg:$0x1b] =	wrdreg s4  }
0x6e: {  	v8 =	vld [tilespmem:$0x1FE70];
	(v2sf) =	vpush v1, $0x3;
	s8 =	spop (v2sf);
	[dreg:$0x1d] =	wrdreg s28  }
0x6f: {  	v44 =	vld.idx.msk [tilespmem:v43+s5+$0x0], $0xffff;
	(v2sf) =	vpush v0, $0x4;
	[smem:$0x797] =	sst s8;
	s24 =	spop (v2sf)  }
0x70: {  	(v2sf) =	vpush v0, $0x5;
	[smem:$0x798] =	sst s24  }
0x71: {  	v49 =	vld.idx.msk [tilespmem:v43+s6+$0x0], $0xffff;
	(v2sf) =	vpush v1, $0x4;
	s8 =	spop (v2sf);
	s13 =	sld [smem:$0x797]  }
0x72: {  	(v2sf) =	vpush v1, $0x5;
	[smem:$0x799] =	sst s8  }
0x73: {  	v10 =	vld [tilespmem:$0x1FE80];
	s7 =	spop (v2sf);
	(v2sf) =	vpush v0, $0x6;
	s16 =	sld [smem:$0x798]  }
0x74: {  	v45 =	vsub.s32 $0x7, v44;
	v46 =	vsub.s32 $0x6, v44;
	s8 =	spop (v2sf);
	(v2sf) =	vpush v0, $0x7;
	s17 =	sld [smem:$0x799]  }
0x75: {  	v3 =	vmul.u32 v45, v46;
	[smem:$0x79A] =	sst s7;
	s12 =	spop (v2sf);
	(v2sf) =	vpush v1, $0x6  }
0x76: {  	v48 =	vsub.s32 $0x5, v44;
	v9 =	vsub.s32 $0x6, v49;
	v47 =	vld.idx.msk [tilespmem:v8+s5+$0x0], $0xffff;
	[dreg:$0x1c] =	wrdreg s13;
	s14 =	spop (v2sf);
	(v2sf) =	vpush v1, $0x7  }
0x77: {  	v3 =	vmul.u32 v48, v3;
	v52 =	vld.idx.msk [tilespmem:v8+s6+$0x0], $0xffff;
	v8 =	vsub.s32 $0x7, v49;
	[smem:$0x79B] =	sst s8;
	s15 =	spop (v2sf);
	(v2sf) =	vpush v0, $0x8  }
0x78: {  	v8 =	vmul.u32 v8, v9;
	[dreg:$0x1e] =	wrdreg s16;
	s18 =	spop (v2sf);
	(v2sf) =	vpush v0, $0x9  }
0x79: {  	v53 =	vsub.s32 $0x5, v49;
	v3 =	vmul.u32 $0x2AB, v3;
	[smem:$0x79C] =	sst s12;
	s20 =	spop (v2sf);
	(v2sf) =	vpush v1, $0x8  }
0x7a: {  	v51 =	vxor.u32 $0xFFFFFFFF, v44;
	v6 =	vmul.u32 v53, v8;
	[dreg:$0x1f] =	wrdreg s17;
	s22 =	spop (v2sf);
	(v2sf) =	vpush v1, $0x9  }
0x7b: {  	v50 =	vld.idx.msk [tilespmem:v10+s5+$0x0], $0xffff;
	v8 =	vxor.u32 $0xFFFFFFFF, v49;
	v3 =	vshrl.u32 v3, $0xC;
	[smem:$0x79D] =	sst s14;
	s23 =	spop (v2sf);
	(v2sf) =	vpush v0, $0xA  }
0x7c: {  	v2 =	vadd.s32 v47, v44;
	v7 =	vadd.s32 v51, v47;
	[smem:$0x79E] =	sst s15;
	s24 =	spop (v2sf);
	(v2sf) =	vpush v0, $0xB  }
0x7d: {  	v54 =	vld.idx.msk [tilespmem:v10+s6+$0x0], $0xffff;
	v4 =	vadd.s32 v52, v49;
	v8 =	vadd.s32 v8, v52;
	[smem:$0x79F] =	sst s18;
	s25 =	spop (v2sf);
	(v2sf) =	vpush v1, $0xA  }
0x7e: {  	v56 =	vmul.u32 $0x2AB, v6;
	v2 =	vsub.s32 $0xC, v2;
	[smem:$0x7A0] =	sst s20;
	s10 =	spop (v2sf);
	(v2sf) =	vpush v1, $0xB  }
0x7f: {  	v4 =	vsub.s32 $0xC, v4;
	v2 =	vmul.u32 v2, v7;
	[smem:$0x7A1] =	sst s22;
	s3 =	spop (v2sf);
	(v2sf) =	vpush v0, $0xC  }
0x80: {  	v5 =	vsub.s32 v50, v47;
	v55 =	vmul.u32 v4, v8;
	[smem:$0x7A2] =	sst s23;
	s0 =	spop (v2sf);
	(v2sf) =	vpush v0, $0xD  }
0x81: {  	v4 =	vshrl.u32 v56, $0xC;
	v2 =	vshrl.u32 v2, $0x1;
	[smem:$0x7A3] =	sst s24;
	s1 =	spop (v2sf);
	(v2sf) =	vpush v1, $0xC  }
0x82: {  	v2 =	vadd.s32 v2, v5;
	v5 =	vsub.s32 v54, v52;
	[smem:$0x7A4] =	sst s25;
	s29 =	spop (v2sf);
	(v2sf) =	vpush v1, $0xD  }
0x83: {  	v2 =	vsub.s32 v2, v3;
	v3 =	vshrl.u32 v55, $0x1;
	[smem:$0x7A5] =	sst s10;
	s31 =	spop (v2sf);
	(v2sf) =	vpush v0, $0xE  }
0x84: {  	v2 =	vshll.u32 v2, $0x4;
	v3 =	vadd.s32 v3, v5;
	[smem:$0x7A6] =	sst s3;
	s30 =	spop (v2sf);
	(v2sf) =	vpush v0, $0xF  }
0x85: {  	v57 =	vadd.s32 $0x220, v2;
	v58 =	vsub.s32 v3, v4;
	[smem:$0x7A7] =	sst s0;
	s9 =	spop (v2sf);
	(v2sf) =	vpush v1, $0xE  }
0x86: {  	v2 =	vshll.u32 v58, $0x4;
	v59 =	vadd.s32 $0x3A00, v57;
	[smem:$0x7A8] =	sst s1;
	s26 =	spop (v2sf);
	(v2sf) =	vpush v1, $0xF  }
0x87: {  	v61 =	vld [tilespmem:$0x1FE90];
	v60 =	vadd.s32 $0x220, v2;
	[smem:$0x7A9] =	sst s29;
	s28 =	spop (v2sf);
	(v2sf) =	vpush v59, $0x0  }
0x88: {  	v0 =	vadd.s32 $0x3A00, v60;
	[smem:$0x7AA] =	sst s31;
	s21 =	spop (v2sf);
	(v2sf) =	vpush v59, $0x1  }
0x89: {  	[smem:$0x7AB] =	sst s30;
	s19 =	spop (v2sf);
	(v2sf) =	vpush v0, $0x0  }
0x8a: {  	[smem:$0x7AC] =	sst s9;
	s17 =	spop (v2sf);
	(v2sf) =	vpush v0, $0x1  }
0x8b: {  	[smem:$0x7AD] =	sst s26;
	s16 =	spop (v2sf);
	(v2sf) =	vpush v59, $0x2  }
0x8c: {  	[smem:$0x7AE] =	sst s28;
	s8 =	spop (v2sf);
	(v2sf) =	vpush v59, $0x3  }
0x8d: {  	[smem:$0x7AF] =	sst s21;
	s4 =	spop (v2sf);
	(v2sf) =	vpush v0, $0x2  }
0x8e: {  	v8 =	vld [tilespmem:$0x1FEA0];
	[smem:$0x7B0] =	sst s19;
	s12 =	spop (v2sf);
	(v2sf) =	vpush v0, $0x3  }
0x8f: {  	v62 =	vld.idx.msk [tilespmem:v61+s5+$0x0], $0xffff;
	[smem:$0x7B1] =	sst s17;
	s13 =	spop (v2sf);
	(v2sf) =	vpush v59, $0x4  }
0x90: {  	[smem:$0x7B2] =	sst s16;
	s14 =	spop (v2sf);
	(v2sf) =	vpush v59, $0x5  }
0x91: {  	v35 =	vld.idx.msk [tilespmem:v61+s6+$0x0], $0xffff;
	[smem:$0x7B3] =	sst s8;
	s15 =	spop (v2sf);
	(v2sf) =	vpush v0, $0x4  }
0x92: {  	[smem:$0x7B4] =	sst s4;
	s20 =	spop (v2sf);
	(v2sf) =	vpush v0, $0x5  }
0x93: {  	v10 =	vld [tilespmem:$0x1FEC0];
	[smem:$0x7B5] =	sst s12;
	s7 =	spop (v2sf);
	(v2sf) =	vpush v59, $0x6  }
0x94: {  	v63 =	vsub.s32 $0x7, v62;
	v32 =	vsub.s32 $0x6, v62;
	[smem:$0x7B7] =	sst s13;
	s12 =	spop (v2sf);
	(v2sf) =	vpush v59, $0x7  }
0x95: {  	v3 =	vmul.u32 v63, v32;
	s17 =	sld [smem:$0x7B5];
	s13 =	spop (v2sf);
	(v2sf) =	vpush v0, $0x6  }
0x96: {  	v34 =	vsub.s32 $0x5, v62;
	v9 =	vsub.s32 $0x6, v35;
	v33 =	vld.idx.msk [tilespmem:v8+s5+$0x0], $0xffff;
	[smem:$0x7B9] =	sst s14;
	s14 =	spop (v2sf);
	(v2sf) =	vpush v0, $0x7  }
0x97: {  	v3 =	vmul.u32 v34, v3;
	v38 =	vld.idx.msk [tilespmem:v8+s6+$0x0], $0xffff;
	v8 =	vsub.s32 $0x7, v35;
	[smem:$0x7BB] =	sst s15;
	s15 =	spop (v2sf);
	(v2sf) =	vpush v59, $0x8  }
0x98: {  	v8 =	vmul.u32 v8, v9;
	s21 =	sld [smem:$0x7B7];
	s18 =	spop (v2sf);
	(v2sf) =	vpush v59, $0x9  }
0x99: {  	v39 =	vsub.s32 $0x5, v35;
	v3 =	vmul.u32 $0x2AB, v3;
	s23 =	sld [smem:$0x7B9];
	s22 =	spop (v2sf);
	(v2sf) =	vpush v0, $0x8  }
0x9a: {  	v37 =	vxor.u32 $0xFFFFFFFF, v62;
	v6 =	vmul.u32 v39, v8;
	[smem:$0x7B6] =	sst s17;
	s24 =	spop (v2sf);
	(v2sf) =	vpush v0, $0x9  }
0x9b: {  	v36 =	vld.idx.msk [tilespmem:v10+s5+$0x0], $0xffff;
	v8 =	vxor.u32 $0xFFFFFFFF, v35;
	v3 =	vshrl.u32 v3, $0xC;
	s16 =	sld [smem:$0x7BB];
	s25 =	spop (v2sf);
	(v2sf) =	vpush v59, $0xA  }
0x9c: {  	v2 =	vadd.s32 v33, v62;
	v7 =	vadd.s32 v37, v33;
	[smem:$0x7BD] =	sst s20;
	s29 =	spop (v2sf);
	(v2sf) =	vpush v59, $0xB  }
0x9d: {  	v40 =	vld.idx.msk [tilespmem:v10+s6+$0x0], $0xffff;
	v4 =	vadd.s32 v38, v35;
	v8 =	vadd.s32 v8, v38;
	[smem:$0x7B8] =	sst s21;
	s30 =	spop (v2sf);
	(v2sf) =	vpush v0, $0xA  }
0x9e: {  	v42 =	vmul.u32 $0x2AB, v6;
	v2 =	vsub.s32 $0xC, v2;
	[smem:$0x7BE] =	sst s7;
	s1 =	spop (v2sf);
	(v2sf) =	vpush v0, $0xB  }
0x9f: {  	v4 =	vsub.s32 $0xC, v4;
	v2 =	vmul.u32 v2, v7;
	[smem:$0x7BA] =	sst s23;
	s0 =	spop (v2sf);
	(v2sf) =	vpush v59, $0xC  }
0xa0: {  	v5 =	vsub.s32 v36, v33;
	v41 =	vmul.u32 v4, v8;
	[smem:$0x7BF] =	sst s12;
	s3 =	spop (v2sf);
	(v2sf) =	vpush v59, $0xD  }
0xa1: {  	v4 =	vshrl.u32 v42, $0xC;
	v2 =	vshrl.u32 v2, $0x1;
	[smem:$0x7BC] =	sst s16;
	s19 =	spop (v2sf);
	(v2sf) =	vpush v0, $0xC  }
0xa2: {  	v2 =	vadd.s32 v2, v5;
	v5 =	vsub.s32 v40, v38;
	[smem:$0x7C0] =	sst s13;
	s9 =	spop (v2sf);
	(v2sf) =	vpush v0, $0xD  }
0xa3: {  	v2 =	vsub.s32 v2, v3;
	v3 =	vshrl.u32 v41, $0x1;
	[smem:$0x7C1] =	sst s14;
	s10 =	spop (v2sf);
	(v2sf) =	vpush v59, $0xE  }
0xa4: {  	v2 =	vshll.u32 v2, $0x4;
	v3 =	vadd.s32 v3, v5;
	[smem:$0x7C2] =	sst s15;
	s31 =	spop (v2sf);
	(v2sf) =	vpush v59, $0xF  }
0xa5: {  	v43 =	vadd.s32 $0x220, v2;
	v44 =	vsub.s32 v3, v4;
	[smem:$0x7C3] =	sst s18;
	s4 =	spop (v2sf);
	(v2sf) =	vpush v0, $0xE  }
0xa6: {  	v2 =	vshll.u32 v44, $0x4;
	v1 =	vadd.s32 $0x3A00, v43;
	[smem:$0x7C4] =	sst s22;
	s26 =	spop (v2sf);
	(v2sf) =	vpush v0, $0xF  }
0xa7: {  	v46 =	vld [tilespmem:$0x1FED0];
	v45 =	vadd.s32 $0x220, v2;
	[smem:$0x7C5] =	sst s24;
	s28 =	spop (v2sf);
	(v2sf) =	vpush v1, $0x0  }
0xa8: {  	[smem:$0x7C6] =	sst s25;
	v0 =	vadd.s32 $0x3A00, v45;
	s23 =	spop (v2sf);
	(v2sf) =	vpush v1, $0x1  }
0xa9: {  	[smem:$0x7C7] =	sst s29;
	s21 =	spop (v2sf);
	(v2sf) =	vpush v0, $0x0  }
0xaa: {  	[smem:$0x7C8] =	sst s30;
	s20 =	spop (v2sf);
	(v2sf) =	vpush v0, $0x1  }
0xab: {  	[smem:$0x7C9] =	sst s1;
	s16 =	spop (v2sf);
	(v2sf) =	vpush v1, $0x2  }
0xac: {  	[smem:$0x7CA] =	sst s0;
	s8 =	spop (v2sf);
	(v2sf) =	vpush v1, $0x3  }
0xad: {  	[smem:$0x7CB] =	sst s3;
	s13 =	spop (v2sf);
	(v2sf) =	vpush v0, $0x2  }
0xae: {  	v8 =	vld [tilespmem:$0x1FEE0];
	[smem:$0x7CC] =	sst s19;
	s14 =	spop (v2sf);
	(v2sf) =	vpush v0, $0x3  }
0xaf: {  	v47 =	vld.idx.msk [tilespmem:v46+s5+$0x0], $0xffff;
	[smem:$0x7CD] =	sst s9;
	s17 =	spop (v2sf);
	(v2sf) =	vpush v1, $0x4  }
0xb0: {  	v10 =	vld [tilespmem:$0x1FEF0];
	[smem:$0x7CE] =	sst s10;
	s12 =	spop (v2sf);
	(v2sf) =	vpush v1, $0x5  }
0xb1: {  	v52 =	vld.idx.msk [tilespmem:v46+s6+$0x0], $0xffff;
	[smem:$0x7CF] =	sst s31;
	s15 =	spop (v2sf);
	(v2sf) =	vpush v0, $0x4  }
0xb2: {  	[smem:$0x7DA] =	sst s17;
	s17 =	spop (v2sf);
	(v2sf) =	vpush v0, $0x5  }
0xb3: {  	[smem:$0x7DE] =	sst s15;
	s15 =	spop (v2sf);
	(v2sf) =	vpush v1, $0x6  }
0xb4: {  	v48 =	vsub.s32 $0x7, v47;
	v49 =	vsub.s32 $0x6, v47;
	[smem:$0x7DC] =	sst s12;
	s12 =	spop (v2sf);
	(v2sf) =	vpush v1, $0x7  }
0xb5: {  	v3 =	vmul.u32 v48, v49;
	[smem:$0x7D0] =	sst s4;
	s18 =	spop (v2sf);
	(v2sf) =	vpush v0, $0x6  }
0xb6: {  	v51 =	vsub.s32 $0x5, v47;
	v9 =	vsub.s32 $0x6, v52;
	v50 =	vld.idx.msk [tilespmem:v8+s5+$0x0], $0xffff;
	[smem:$0x7D1] =	sst s26;
	s1 =	spop (v2sf);
	(v2sf) =	vpush v0, $0x7  }
0xb7: {  	v3 =	vmul.u32 v51, v3;
	v55 =	vld.idx.msk [tilespmem:v8+s6+$0x0], $0xffff;
	v8 =	vsub.s32 $0x7, v52;
	[smem:$0x7E4] =	sst s18;
	s18 =	spop (v2sf);
	(v2sf) =	vpush v1, $0x8  }
0xb8: {  	v53 =	vld.idx.msk [tilespmem:v10+s5+$0x0], $0xffff;
	v8 =	vmul.u32 v8, v9;
	[smem:$0x7D2] =	sst s28;
	s25 =	spop (v2sf);
	(v2sf) =	vpush v1, $0x9  }
0xb9: {  	v56 =	vsub.s32 $0x5, v52;
	v3 =	vmul.u32 $0x2AB, v3;
	[smem:$0x7D3] =	sst s23;
	s22 =	spop (v2sf);
	(v2sf) =	vpush v0, $0x8  }
0xba: {  	v54 =	vxor.u32 $0xFFFFFFFF, v47;
	v6 =	vmul.u32 v56, v8;
	[smem:$0x7D4] =	sst s21;
	s9 =	spop (v2sf);
	(v2sf) =	vpush v0, $0x9  }
0xbb: {  	v8 =	vxor.u32 $0xFFFFFFFF, v52;
	v3 =	vshrl.u32 v3, $0xC;
	[smem:$0x7E0] =	sst s17;
	s17 =	spop (v2sf);
	(v2sf) =	vpush v1, $0xA  }
0xbc: {  	v57 =	vld.idx.msk [tilespmem:v10+s6+$0x0], $0xffff;
	v2 =	vadd.s32 v50, v47;
	v7 =	vadd.s32 v54, v50;
	[smem:$0x7D5] =	sst s20;
	s3 =	spop (v2sf);
	(v2sf) =	vpush v1, $0xB  }
0xbd: {  	v5 =	vsub.s32 v53, v50;
	v2 =	vsub.s32 $0xC, v2;
	[smem:$0x7D6] =	sst s16;
	s4 =	spop (v2sf);
	(v2sf) =	vpush v0, $0xA  }
0xbe: {  	v4 =	vadd.s32 v55, v52;
	v2 =	vmul.u32 v2, v7;
	[smem:$0x7D7] =	sst s8;
	s10 =	spop (v2sf);
	(v2sf) =	vpush v0, $0xB  }
0xbf: {  	v8 =	vadd.s32 v8, v55;
	v4 =	vsub.s32 $0xC, v4;
	[smem:$0x7D8] =	sst s13;
	s29 =	spop (v2sf);
	(v2sf) =	vpush v1, $0xC  }
0xc0: {  	v58 =	vmul.u32 v4, v8;
	v2 =	vshrl.u32 v2, $0x1;
	[smem:$0x7D9] =	sst s14;
	s30 =	spop (v2sf);
	(v2sf) =	vpush v1, $0xD  }
0xc1: {  	v2 =	vadd.s32 v2, v5;
	v5 =	vsub.s32 v57, v55;
	s19 =	sld [smem:$0x7DA];
	s31 =	spop (v2sf);
	(v2sf) =	vpush v0, $0xC  }
0xc2: {  	v2 =	vsub.s32 v2, v3;
	v59 =	vmul.u32 $0x2AB, v6;
	s20 =	sld [smem:$0x7DC];
	s7 =	spop (v2sf);
	(v2sf) =	vpush v0, $0xD  }
0xc3: {  	v3 =	vshrl.u32 v58, $0x1;
	v2 =	vshll.u32 v2, $0x4;
	s21 =	sld [smem:$0x7DE];
	s16 =	spop (v2sf);
	(v2sf) =	vpush v1, $0xE  }
0xc4: {  	v3 =	vadd.s32 v3, v5;
	v4 =	vshrl.u32 v59, $0xC;
	[smem:$0x7DB] =	sst s19;
	s8 =	spop (v2sf);
	(v2sf) =	vpush v1, $0xF  }
0xc5: {  	v60 =	vadd.s32 $0x220, v2;
	v61 =	vsub.s32 v3, v4;
	s23 =	sld [smem:$0x7E0];
	s6 =	spop (v2sf);
	(v2sf) =	vpush v0, $0xE  }
0xc6: {  	v62 =	vadd.s32 $0x3A00, v60;
	v2 =	vshll.u32 v61, $0x4;
	[smem:$0x7E2] =	sst s15;
	s5 =	spop (v2sf);
	(v2sf) =	vpush v0, $0xF  }
0xc7: {  	v63 =	vadd.s32 $0x220, v2;
	[smem:$0x7DD] =	sst s20;
	s24 =	spop (v2sf);
	(v2sf) =	vpush v62, $0x0  }
0xc8: {  	[smem:$0x7E3] =	sst s12;
	v1 =	vadd.s32 $0x3A00, v63;
	s0 =	spop (v2sf);
	(v2sf) =	vpush v62, $0x1  }
0xc9: {  	[smem:$0x7DF] =	sst s21;
	s13 =	spop (v2sf);
	(v2sf) =	vpush v1, $0x0  }
0xca: {  	[smem:$0x7E1] =	sst s23;
	s14 =	spop (v2sf);
	(v2sf) =	vpush v1, $0x1  }
0xcb: {  	s26 =	sld [smem:$0x7E4];
	s15 =	spop (v2sf);
	(v2sf) =	vpush v62, $0x2  }
0xcc: {  	[smem:$0x7E6] =	sst s1;
	s12 =	spop (v2sf);
	(v2sf) =	vpush v62, $0x3  }
0xcd: {  	[smem:$0x7E7] =	sst s18;
	s19 =	spop (v2sf);
	(v2sf) =	vpush v1, $0x2  }
0xce: {  	[smem:$0x7E8] =	sst s25;
	s20 =	spop (v2sf);
	(v2sf) =	vpush v1, $0x3  }
0xcf: {  	[smem:$0x7E5] =	sst s26;
	s21 =	spop (v2sf);
	(v2sf) =	vpush v62, $0x4  }
0xd0: {  	[smem:$0x7E9] =	sst s22;
	s23 =	spop (v2sf);
	(v2sf) =	vpush v62, $0x5  }
0xd1: {  	[smem:$0x7EA] =	sst s9;
	s26 =	spop (v2sf);
	(v2sf) =	vpush v1, $0x4  }
0xd2: {  	[smem:$0x7EB] =	sst s17;
	s9 =	spop (v2sf);
	(v2sf) =	vpush v1, $0x5  }
0xd3: {  	[smem:$0x7EC] =	sst s3;
	s28 =	spop (v2sf)  }
0xd4: {  	[smem:$0x7ED] =	sst s4;
	s1 =	spop (v2sf)  }
0xd5: {  	[smem:$0x7EE] =	sst s10;
	s25 =	spop (v2sf)  }
0xd6: {  	[smem:$0x7EF] =	sst s29;
	s22 =	spop (v2sf)  }
0xd7: {  	[smem:$0x7F0] =	sst s30;
	s10 =	spop (v2sf)  }
0xd8: {  	[smem:$0x7F1] =	sst s31;
	s29 =	spop (v2sf)  }
0xd9: {  	[smem:$0x7F2] =	sst s7;
	s30 =	spop (v2sf)  }
0xda: {  	[smem:$0x7F3] =	sst s16;
	s31 =	spop (v2sf)  }
0xdb: {  	[smem:$0x7F4] =	sst s8;
	s17 =	spop (v2sf)  }
0xdc: {  	[smem:$0x7F5] =	sst s6;
	s18 =	spop (v2sf)  }
0xdd: {  	[smem:$0x7F6] =	sst s5;
	s3 =	spop (v2sf)  }
0xde: {  	[smem:$0x7F7] =	sst s24;
	s4 =	spop (v2sf)  }
0xdf: {  	s8 =	simm.s32 $0x0;
	[smem:$0x7F8] =	sst s0;
	s5 =	spop (v2sf)  }
0xe0: {  	s16 =	smov.u32 s12;
	s12 =	simm.s32 $0x0;
	s6 =	spop (v2sf)  }
0xe1: {  	s0 =	smov.u32 s9;
	s24 =	smov.u32 s10;
	s7 =	spop (v2sf)  }
.LBB2_2:
0xe2: {  	_ =	sdelay $0x2  }
0xe3: {  	v0 =	vadd.s32 s12, v13  }
0xe4: {  	v1 =	vadd.s32 s12, v11  }
0xe5: {  	v2 =	vadd.s32 s12, v12  }
0xe6: {  	v3 =	vadd.s32 s12, v14  }
0xe7: {  	v4 =	vadd.s32 s12, v15  }
0xe8: {  	v46 =	vadd.s32 s12, v16;
	v9 =	vld.idx.msk [tilespmem:v0+s2+$0x0], $0xffff  }
0xe9: {  	v47 =	vadd.s32 s12, v17;
	v11 =	vld.idx.msk [tilespmem:v1+s2+$0x0], $0xffff  }
0xea: {  	v48 =	vadd.s32 s12, v19;
	v10 =	vld.idx.msk [tilespmem:v2+s2+$0x0], $0xffff  }
0xeb: {  	v49 =	vadd.s32 s12, v20;
	v8 =	vld.idx.msk [tilespmem:v3+s2+$0x0], $0xffff  }
0xec: {  	v50 =	vadd.s32 s12, v18;
	v61 =	vld.idx.msk [tilespmem:v4+s2+$0x0], $0xffff  }
0xed: {  	v51 =	vadd.s32 s12, v21;
	v63 =	vld.idx.msk [tilespmem:v46+s2+$0x0], $0xffff  }
0xee: {  	v62 =	vld.idx.msk [tilespmem:v47+s2+$0x0], $0xffff  }
0xef: {  	v52 =	vadd.s32 s12, v22;
	v43 =	vld.idx.msk [tilespmem:v48+s2+$0x0], $0xffff  }
0xf0: {  	v44 =	vld.idx.msk [tilespmem:v49+s2+$0x0], $0xffff  }
0xf1: {  	v60 =	vld.idx.msk [tilespmem:v50+s2+$0x0], $0xffff  }
0xf2: {  	v45 =	vld.idx.msk [tilespmem:v51+s2+$0x0], $0xffff  }
0xf3: {  	v5 =	vadd.s32 s12, v23;
	v0 =	vadd.f32 v61, v9;
	v2 =	vadd.f32 v63, v11  }
0xf4: {  	v6 =	vadd.s32 s12, v24;
	v46 =	vld.idx.msk [tilespmem:v52+s2+$0x0], $0xffff;
	v1 =	vadd.f32 v62, v10  }
0xf5: {  	v53 =	vadd.f32 v43, v0;
	v54 =	vadd.f32 v44, v2  }
0xf6: {  	v14 =	vadd.s32 s12, v25;
	v7 =	vadd.f32 v60, v8  }
0xf7: {  	v12 =	vadd.f32 v45, v1;
	v3 =	vmul.f32 v53, v53;
	v4 =	vmul.f32 v54, v54  }
0xf8: {  	v56 =	vadd.s32 s12, v26;
	v37 =	vld.idx.msk [tilespmem:v5+s2+$0x0], $0xffff  }
0xf9: {  	v38 =	vld.idx.msk [tilespmem:v6+s2+$0x0], $0xffff;
	v15 =	vadd.f32 v46, v7;
	v55 =	vmul.f32 v12, v12;
	v3 =	vsub.f32 v3, v4  }
0xfa: {  	v58 =	vadd.s32 s12, v27  }
0xfb: {  	v57 =	vmul.f32 v15, v15;
	v12 =	vadd.s32 s12, v28;
	v3 =	vsub.f32 v3, v55  }
0xfc: {  	v59 =	vadd.s32 s12, v29;
	v32 =	vadd.s32 $0x16, v13;
	v16 =	vadd.s32 $0x15, v13;
	v35 =	vld.idx.msk [tilespmem:v14+s2+$0x0], $0xffff  }
0xfd: {  	v36 =	vld.idx.msk [tilespmem:v56+s2+$0x0], $0xffff;
	v33 =	vadd.s32 s12, v16;
	v56 =	vadd.s32 $0x19, v13;
	v3 =	vsub.f32 v3, v57  }
0xfe: {  	v5 =	vadd.s32 s12, v32;
	v41 =	vadd.f32 v37, v0;
	v42 =	vadd.f32 v38, v2  }
0xff: {  	v50 =	vadd.s32 $0x17, v13;
	v15 =	vadd.s32 $0x13, v13;
	v3 =	vmax.f32 v3, $9.999999960e-13  }
0x100: {  	v41 =	vmul.f32 v41, v41;
	v49 =	vmul.f32 v42, v42;
	v40 =	vld.idx.msk [tilespmem:v12+s2+$0x0], $0xffff;
	v39 =	vshra.s32 v3, $0x1  }
0x101: {  	v12 =	vadd.f32 v35, v1;
	v48 =	vmul.f32 $5.000000000e-01, v3;
	v47 =	vsub.s32 $0x5F3759DF, v39;
	v39 =	vld.idx.msk [tilespmem:v58+s2+$0x0], $0xffff  }
0x102: {  	v34 =	vadd.f32 v36, v7;
	v14 =	vadd.s32 s12, v15;
	v15 =	vadd.s32 $0x14, v13  }
0x103: {  	v42 =	vld.idx.msk [tilespmem:v59+s2+$0x0], $0xffff;
	v49 =	vsub.f32 v41, v49;
	v12 =	vmul.f32 v12, v12;
	v16 =	vmul.f32 v47, v48  }
0x104: {  	v51 =	vadd.s32 $0x18, v13;
	v52 =	vadd.s32 $0x1A, v13;
	v15 =	vadd.s32 s12, v15  }
0x105: {  	v4 =	vmul.f32 v34, v34;
	v12 =	vsub.f32 v49, v12;
	v16 =	vmul.f32 v47, v16  }
0x106: {  	v51 =	vadd.s32 s12, v51;
	v58 =	vadd.f32 v40, v2;
	v57 =	vadd.f32 v39, v0  }
0x107: {  	v53 =	vadd.s32 s12, v50;
	v41 =	vld.idx.msk [tilespmem:v14+s2+$0x0], $0xffff;
	v4 =	vsub.f32 v12, v4;
	v14 =	vsub.f32 $1.500000000e+00, v16  }
0x108: {  	v50 =	vld.idx.msk [tilespmem:v33+s2+$0x0], $0xffff;
	v12 =	vadd.f32 v42, v1;
	v54 =	vmul.f32 v58, v58;
	v49 =	vmul.f32 v57, v57  }
0x109: {  	v32 =	vadd.s32 $0x1B, v13;
	v16 =	vadd.s32 s12, v56;
	v14 =	vmul.f32 v47, v14;
	v47 =	vld.idx.msk [tilespmem:v15+s2+$0x0], $0xffff  }
0x10a: {  	v12 =	vmul.f32 v12, v12;
	v15 =	vadd.s32 s12, v52;
	v52 =	vld.idx.msk [tilespmem:v5+s2+$0x0], $0xffff;
	v49 =	vsub.f32 v49, v54  }
0x10b: {  	v17 =	vadd.f32 v45, v10;
	v20 =	vadd.f32 v46, v8;
	v48 =	vmul.f32 v14, v48  }
0x10c: {  	v59 =	vadd.f32 v41, v7;
	v4 =	vmax.f32 v4, $9.999999960e-13;
	v12 =	vsub.f32 v49, v12;
	v49 =	vld.idx.msk [tilespmem:v53+s2+$0x0], $0xffff  }
0x10d: {  	v33 =	vshra.s32 v4, $0x1;
	v34 =	vmul.f32 $5.000000000e-01, v4;
	v55 =	vmul.f32 v48, v14;
	v48 =	vld.idx.msk [tilespmem:v51+s2+$0x0], $0xffff  }
0x10e: {  	v6 =	vmul.f32 v59, v59;
	v56 =	vsub.s32 $0x5F3759DF, v33;
	v54 =	vadd.s32 s12, v32;
	v51 =	vld.idx.msk [tilespmem:v16+s2+$0x0], $0xffff  }
0x10f: {  	v32 =	vmul.f32 v56, v34;
	v16 =	vadd.f32 v50, v2;
	v53 =	vld.idx.msk [tilespmem:v15+s2+$0x0], $0xffff;
	v15 =	vadd.f32 v52, v1  }
0x110: {  	v59 =	vsub.f32 $1.500000000e+00, v55;
	v6 =	vsub.f32 v12, v6  }
0x111: {  	v12 =	vadd.f32 v47, v0;
	v55 =	vmul.f32 v56, v32;
	v16 =	vmul.f32 v16, v16  }
0x112: {  	v21 =	vadd.f32 v35, v17;
	v15 =	vmul.f32 v15, v15;
	v14 =	vmul.f32 v59, v14  }
0x113: {  	v54 =	vld.idx.msk [tilespmem:v54+s2+$0x0], $0xffff;
	v6 =	vmax.f32 v6, $9.999999960e-13;
	v12 =	vmul.f32 v12, v12;
	v55 =	vsub.f32 $1.500000000e+00, v55  }
0x114: {  	v57 =	vshra.s32 v6, $0x1;
	v58 =	vmul.f32 $5.000000000e-01, v6;
	v0 =	vadd.f32 v48, v0  }
0x115: {  	v2 =	vadd.f32 v51, v2;
	v12 =	vsub.f32 v12, v16;
	v16 =	vsub.s32 $0x5F3759DF, v57  }
0x116: {  	v59 =	vadd.f32 v49, v7;
	v56 =	vmul.f32 v56, v55;
	v57 =	vmul.f32 v16, v58  }
0x117: {  	v1 =	vadd.f32 v53, v1;
	v0 =	vmul.f32 v0, v0;
	v2 =	vmul.f32 v2, v2  }
0x118: {  	v12 =	vsub.f32 v12, v15;
	v15 =	vmul.f32 v59, v59;
	v7 =	vadd.f32 v54, v7  }
0x119: {  	v1 =	vmul.f32 v1, v1;
	v57 =	vmul.f32 v16, v57;
	v0 =	vsub.f32 v0, v2  }
0x11a: {  	v33 =	vmul.f32 v14, v3;
	v34 =	vmul.f32 v56, v34;
	v12 =	vsub.f32 v12, v15  }
0x11b: {  	v55 =	vsub.f32 $1.500000000e+00, v57;
	v0 =	vsub.f32 v0, v1;
	v57 =	vmul.f32 v7, v7  }
0x11c: {  	v2 =	vmul.f32 v34, v56;
	v15 =	vadd.f32 v43, v9;
	v5 =	vmax.f32 v12, $9.999999960e-13  }
0x11d: {  	v3 =	vmul.f32 v16, v55;
	v59 =	vshra.s32 v5, $0x1;
	v0 =	vsub.f32 v0, v57  }
0x11e: {  	v12 =	vmul.f32 $5.000000000e-01, v5;
	v16 =	vadd.f32 v44, v11;
	v55 =	vadd.f32 v37, v15  }
0x11f: {  	v7 =	vsub.s32 $0x5F3759DF, v59;
	v32 =	vmul.f32 v3, v58;
	v0 =	vmax.f32 v0, $9.999999960e-13  }
0x120: {  	[tilespmem:$0x1FD90] =	vst v33;
	v14 =	vmul.f32 v7, v12;
	v33 =	vshra.s32 v0, $0x1;
	v34 =	vmul.f32 $5.000000000e-01, v0  }
0x121: {  	v18 =	vadd.f32 v38, v16;
	v59 =	vmul.f32 v55, v55;
	v57 =	vsub.s32 $0x5F3759DF, v33  }
0x122: {  	v22 =	vadd.f32 v36, v20;
	v14 =	vmul.f32 v7, v14;
	v19 =	vmul.f32 v57, v34  }
0x123: {  	v2 =	vsub.f32 $1.500000000e+00, v2;
	v18 =	vmul.f32 v18, v18;
	v1 =	vmul.f32 v32, v3  }
0x124: {  	v21 =	vmul.f32 v21, v21;
	v14 =	vsub.f32 $1.500000000e+00, v14;
	v19 =	vmul.f32 v57, v19  }
0x125: {  	v2 =	vmul.f32 v2, v56;
	v18 =	vsub.f32 v59, v18;
	v1 =	vsub.f32 $1.500000000e+00, v1  }
0x126: {  	v55 =	vadd.f32 v47, v15;
	v7 =	vmul.f32 v7, v14;
	v14 =	vsub.f32 $1.500000000e+00, v19  }
0x127: {  	v18 =	vsub.f32 v18, v21;
	v1 =	vmul.f32 v1, v3;
	v19 =	vmul.f32 v22, v22  }
0x128: {  	v58 =	vadd.f32 v49, v20;
	v56 =	vmul.f32 v7, v12;
	v12 =	vmul.f32 v57, v14  }
0x129: {  	v2 =	vmul.f32 v2, v4;
	v1 =	vmul.f32 v1, v6;
	v14 =	vsub.f32 v18, v19  }
0x12a: {  	v19 =	vadd.f32 v42, v17;
	v59 =	vmul.f32 v56, v7;
	v32 =	vmul.f32 v12, v34  }
0x12b: {  	v3 =	vmax.f32 v14, $9.999999960e-13;
	v34 =	vadd.f32 v39, v15;
	v14 =	vadd.f32 v40, v16  }
0x12c: {  	[tilespmem:$0x1FDB0] =	vst v1;
	v33 =	vshra.s32 v3, $0x1;
	v18 =	vmul.f32 $5.000000000e-01, v3;
	v1 =	vsub.f32 $1.500000000e+00, v59  }
0x12d: {  	v4 =	vsub.s32 $0x5F3759DF, v33;
	v6 =	vmul.f32 v34, v34;
	v14 =	vmul.f32 v14, v14  }
0x12e: {  	[tilespmem:$0x1FDA0] =	vst v2;
	v22 =	vadd.f32 v41, v20;
	v2 =	vmul.f32 v32, v12;
	v21 =	vmul.f32 v4, v18  }
0x12f: {  	v1 =	vmul.f32 v1, v7;
	v6 =	vsub.f32 v6, v14;
	v14 =	vmul.f32 v19, v19  }
0x130: {  	v7 =	vmul.f32 v55, v55;
	v2 =	vsub.f32 $1.500000000e+00, v2;
	v19 =	vadd.f32 v50, v16  }
0x131: {  	v21 =	vmul.f32 v4, v21;
	v6 =	vsub.f32 v6, v14;
	v14 =	vmul.f32 v22, v22  }
0x132: {  	v1 =	vmul.f32 v1, v5;
	v22 =	vadd.f32 v52, v17;
	v19 =	vmul.f32 v19, v19  }
0x133: {  	v2 =	vmul.f32 v2, v12;
	v56 =	vsub.f32 $1.500000000e+00, v21;
	v57 =	vsub.f32 v6, v14  }
0x134: {  	v7 =	vsub.f32 v7, v19;
	v14 =	vmul.f32 v22, v22;
	v6 =	vmul.f32 v58, v58  }
0x135: {  	[tilespmem:$0x1FDC0] =	vst v1;
	v0 =	vmul.f32 v2, v0;
	v19 =	vadd.f32 v37, v9;
	v1 =	vmul.f32 v4, v56  }
0x136: {  	v4 =	vmax.f32 v57, $9.999999960e-13;
	v59 =	vsub.f32 v7, v14;
	v57 =	vadd.f32 v48, v15  }
0x137: {  	v58 =	vadd.f32 v39, v19;
	v32 =	vmul.f32 v1, v18;
	v12 =	vshra.s32 v4, $0x1  }
0x138: {  	v14 =	vmul.f32 $5.000000000e-01, v4;
	v18 =	vadd.f32 v54, v20;
	v20 =	vadd.f32 v38, v11  }
0x139: {  	v33 =	vsub.s32 $0x5F3759DF, v12;
	v34 =	vsub.f32 v59, v6;
	v12 =	vadd.f32 v51, v16  }
0x13a: {  	v16 =	vadd.f32 v53, v17;
	v2 =	vmul.f32 v57, v57;
	v55 =	vmul.f32 v32, v1  }
0x13b: {  	v56 =	vmul.f32 v33, v14;
	v21 =	vadd.f32 v40, v20;
	v7 =	vmax.f32 v34, $9.999999960e-13  }
0x13c: {  	v12 =	vmul.f32 v12, v12;
	v34 =	vadd.f32 v50, v20;
	v5 =	vsub.f32 $1.500000000e+00, v55  }
0x13d: {  	v6 =	vmul.f32 v33, v56;
	v15 =	vshra.s32 v7, $0x1;
	v17 =	vmul.f32 $5.000000000e-01, v7  }
0x13e: {  	v15 =	vsub.s32 $0x5F3759DF, v15;
	v2 =	vsub.f32 v2, v12;
	v12 =	vmul.f32 v16, v16  }
0x13f: {  	v21 =	vmul.f32 v21, v21;
	v6 =	vsub.f32 $1.500000000e+00, v6;
	v16 =	vmul.f32 v15, v17  }
0x140: {  	v1 =	vmul.f32 v5, v1;
	v2 =	vsub.f32 v2, v12;
	v12 =	vmul.f32 v18, v18  }
0x141: {  	[tilespmem:$0x1FDD0] =	vst v0;
	v18 =	vadd.f32 v35, v10;
	v0 =	vmul.f32 v33, v6;
	v16 =	vmul.f32 v15, v16  }
0x142: {  	v6 =	vmul.f32 v58, v58;
	v1 =	vmul.f32 v1, v3;
	v33 =	vadd.f32 v47, v19  }
0x143: {  	v3 =	vmul.f32 v34, v34;
	v2 =	vsub.f32 v2, v12;
	v12 =	vadd.f32 v36, v8  }
0x144: {  	v22 =	vadd.f32 v42, v18;
	v14 =	vmul.f32 v0, v14;
	v16 =	vsub.f32 $1.500000000e+00, v16  }
0x145: {  	v6 =	vsub.f32 v6, v21;
	[tilespmem:$0x1FDE0] =	vst v1;
	v1 =	vmul.f32 v33, v33;
	v23 =	vmax.f32 v2, $9.999999960e-13  }
0x146: {  	v59 =	vadd.f32 v41, v12;
	v21 =	vmul.f32 v22, v22;
	v26 =	vadd.f32 v49, v12  }
0x147: {  	v12 =	vadd.f32 v54, v12;
	v14 =	vmul.f32 v14, v0;
	v15 =	vmul.f32 v15, v16  }
0x148: {  	v16 =	vshra.s32 v23, $0x1;
	v22 =	vmul.f32 $5.000000000e-01, v23;
	v6 =	vsub.f32 v6, v21  }
0x149: {  	v2 =	vmul.f32 v59, v59;
	v21 =	vadd.f32 v52, v18;
	v56 =	vmul.f32 v26, v26  }
0x14a: {  	v32 =	vsub.f32 $1.500000000e+00, v14;
	v14 =	vsub.s32 $0x5F3759DF, v16;
	v16 =	vmul.f32 v15, v17  }
0x14b: {  	v1 =	vsub.f32 v1, v3;
	v17 =	vmul.f32 v14, v22;
	v55 =	vmul.f32 v21, v21  }
0x14c: {  	v18 =	vadd.f32 v53, v18;
	v6 =	vsub.f32 v6, v2;
	v16 =	vmul.f32 v16, v15  }
0x14d: {  	v12 =	vmul.f32 v12, v12;
	v17 =	vmul.f32 v14, v17;
	v1 =	vsub.f32 v1, v55  }
0x14e: {  	v0 =	vmul.f32 v32, v0;
	v6 =	vmax.f32 v6, $9.999999960e-13;
	v16 =	vsub.f32 $1.500000000e+00, v16  }
0x14f: {  	v25 =	vmul.f32 $5.000000000e-01, v6;
	v17 =	vsub.f32 $1.500000000e+00, v17;
	v1 =	vsub.f32 v1, v56  }
0x150: {  	v24 =	vshra.s32 v6, $0x1;
	v0 =	vmul.f32 v0, v4;
	v57 =	vmul.f32 v16, v15  }
0x151: {  	v14 =	vmul.f32 v14, v17;
	v17 =	vsub.s32 $0x5F3759DF, v24;
	v1 =	vmax.f32 v1, $9.999999960e-13  }
0x152: {  	v21 =	vmul.f32 v17, v25;
	v58 =	vmul.f32 v57, v7;
	v33 =	vshra.s32 v1, $0x1  }
0x153: {  	v15 =	vmul.f32 v14, v22;
	v22 =	vadd.f32 v40, v11;
	v11 =	vadd.f32 v50, v11  }
0x154: {  	v16 =	vmul.f32 v17, v21;
	v21 =	vadd.f32 v39, v9;
	v9 =	vadd.f32 v47, v9  }
0x155: {  	v59 =	vmul.f32 v15, v14;
	v15 =	vadd.f32 v48, v19;
	v26 =	vadd.f32 v50, v22  }
0x156: {  	v19 =	vmul.f32 $5.000000000e-01, v1;
	v11 =	vadd.f32 v51, v11;
	v32 =	vsub.f32 $1.500000000e+00, v16  }
0x157: {  	v7 =	vsub.s32 $0x5F3759DF, v33;
	v16 =	vadd.f32 v51, v20;
	v24 =	vadd.f32 v47, v21  }
0x158: {  	v33 =	vadd.f32 v48, v21;
	v15 =	vmul.f32 v15, v15;
	v20 =	vmul.f32 v7, v19  }
0x159: {  	v9 =	vadd.f32 v48, v9;
	v26 =	vmul.f32 v26, v26;
	v16 =	vmul.f32 v16, v16  }
0x15a: {  	[tilespmem:$0x1FDF0] =	vst v0;
	v0 =	vsub.f32 $1.500000000e+00, v59;
	v11 =	vmul.f32 v11, v11;
	v24 =	vmul.f32 v24, v24  }
0x15b: {  	v9 =	vmul.f32 v9, v9;
	v20 =	vmul.f32 v7, v20;
	v15 =	vsub.f32 v15, v16  }
0x15c: {  	v16 =	vmul.f32 v18, v18;
	v18 =	vadd.f32 v42, v10;
	v10 =	vadd.f32 v52, v10  }
0x15d: {  	v5 =	vmul.f32 v17, v32;
	v9 =	vsub.f32 v9, v11;
	v17 =	vsub.f32 $1.500000000e+00, v20  }
0x15e: {  	v0 =	vmul.f32 v0, v14;
	v20 =	vsub.f32 v24, v26;
	v15 =	vsub.f32 v15, v16  }
0x15f: {  	v25 =	vmul.f32 v5, v25;
	v16 =	vadd.f32 v41, v8;
	v27 =	vadd.f32 v52, v18  }
0x160: {  	v57 =	vmul.f32 v0, v23;
	v17 =	vmul.f32 v7, v17;
	v12 =	vsub.f32 v15, v12  }
0x161: {  	v23 =	vadd.f32 v46, v60;
	v15 =	vadd.f32 v49, v16;
	v24 =	vmul.f32 v27, v27  }
0x162: {  	v18 =	vadd.f32 v53, v18;
	v19 =	vmul.f32 v17, v19;
	v12 =	vmax.f32 v12, $9.999999960e-13  }
0x163: {  	v34 =	vsub.f32 v20, v24;
	v15 =	vmul.f32 v15, v15;
	v20 =	vmul.f32 v25, v5  }
0x164: {  	v24 =	vshra.s32 v12, $0x1;
	v25 =	vmul.f32 $5.000000000e-01, v12;
	v19 =	vmul.f32 v19, v17  }
0x165: {  	v24 =	vsub.s32 $0x5F3759DF, v24;
	v7 =	vsub.f32 v34, v15;
	v15 =	vsub.f32 $1.500000000e+00, v20  }
0x166: {  	v8 =	vadd.f32 v49, v8;
	v10 =	vadd.f32 v53, v10;
	v14 =	vmul.f32 v24, v25  }
0x167: {  	v20 =	vmax.f32 v7, $9.999999960e-13;
	v5 =	vmul.f32 v15, v5;
	v15 =	vsub.f32 $1.500000000e+00, v19  }
0x168: {  	v14 =	vmul.f32 v24, v14;
	v7 =	vshra.s32 v20, $0x1;
	v26 =	vmul.f32 $5.000000000e-01, v20  }
0x169: {  	v10 =	vmul.f32 v10, v10;
	v19 =	vsub.s32 $0x5F3759DF, v7;
	v32 =	vmul.f32 v15, v17  }
0x16a: {  	v15 =	vadd.f32 v51, v22;
	v55 =	vsub.f32 $1.500000000e+00, v14;
	v14 =	vmul.f32 v19, v26  }
0x16b: {  	[tilespmem:$0x1FE00] =	vst v58;
	v8 =	vadd.f32 v54, v8;
	v58 =	vmul.f32 v32, v1;
	v1 =	vmul.f32 v33, v33  }
0x16c: {  	v16 =	vadd.f32 v54, v16;
	v15 =	vmul.f32 v15, v15;
	v0 =	vmul.f32 v24, v55  }
0x16d: {  	v9 =	vsub.f32 v9, v10;
	v8 =	vmul.f32 v8, v8;
	v14 =	vmul.f32 v19, v14  }
0x16e: {  	v1 =	vsub.f32 v1, v15;
	v15 =	vmul.f32 v18, v18;
	v17 =	vmul.f32 v0, v25  }
0x16f: {  	v8 =	vsub.f32 v9, v8;
	v14 =	vsub.f32 $1.500000000e+00, v14  }
0x170: {  	v1 =	vsub.f32 v1, v15;
	v15 =	vmul.f32 v16, v16;
	v17 =	vmul.f32 v17, v0  }
0x171: {  	v7 =	vmov v28;
	v28 =	vadd.f32 v49, v23;
	v14 =	vmul.f32 v19, v14  }
0x172: {  	v22 =	vmax.f32 v8, $9.999999960e-13;
	v1 =	vsub.f32 v1, v15;
	v16 =	vsub.f32 $1.500000000e+00, v17  }
0x173: {  	v18 =	vadd.f32 v45, v62;
	v15 =	vadd.f32 v43, v61;
	v17 =	vmul.f32 v14, v26  }
0x174: {  	v1 =	vmax.f32 v1, $9.999999960e-13;
	v0 =	vmul.f32 v16, v0;
	v16 =	vadd.f32 v44, v63  }
0x175: {  	v11 =	vmul.f32 v17, v14;
	v10 =	vshra.s32 v1, $0x1;
	v17 =	vmul.f32 $5.000000000e-01, v1  }
0x176: {  	v9 =	vsub.s32 $0x5F3759DF, v10;
	v10 =	vadd.f32 v37, v15;
	v19 =	vadd.f32 v38, v16  }
0x177: {  	v24 =	vshra.s32 v22, $0x1;
	v25 =	vmul.f32 $5.000000000e-01, v22;
	v21 =	vmul.f32 v9, v17  }
0x178: {  	v8 =	vadd.f32 v35, v18;
	v10 =	vmul.f32 v10, v10;
	v19 =	vmul.f32 v19, v19  }
0x179: {  	v26 =	vadd.f32 v36, v23;
	v34 =	vadd.f32 v39, v15;
	v21 =	vmul.f32 v9, v21  }
0x17a: {  	v8 =	vmul.f32 v8, v8;
	v11 =	vsub.f32 $1.500000000e+00, v11;
	v10 =	vsub.f32 v10, v19  }
0x17b: {  	v26 =	vmul.f32 v26, v26;
	v19 =	vsub.f32 $1.500000000e+00, v21;
	v21 =	vsub.s32 $0x5F3759DF, v24  }
0x17c: {  	v11 =	vmul.f32 v11, v14;
	v24 =	vmul.f32 v21, v25;
	v10 =	vsub.f32 v10, v8  }
0x17d: {  	v8 =	vmul.f32 v0, v12;
	v12 =	vadd.f32 v40, v16;
	v19 =	vmul.f32 v9, v19  }
0x17e: {  	v27 =	vadd.f32 v52, v18;
	v0 =	vmul.f32 v34, v34;
	v9 =	vmul.f32 v21, v24  }
0x17f: {  	v24 =	vadd.f32 v42, v18;
	v10 =	vsub.f32 v10, v26;
	v12 =	vmul.f32 v12, v12  }
0x180: {  	v18 =	vadd.f32 v53, v18;
	v17 =	vmul.f32 v19, v17;
	v9 =	vsub.f32 $1.500000000e+00, v9  }
0x181: {  	v26 =	vmax.f32 v10, $9.999999960e-13;
	v0 =	vsub.f32 v0, v12;
	v12 =	vmul.f32 v24, v24  }
0x182: {  	v10 =	vadd.f32 v41, v23;
	v17 =	vmul.f32 v17, v19;
	v21 =	vmul.f32 v21, v9  }
0x183: {  	v9 =	vshra.s32 v26, $0x1;
	v24 =	vmul.f32 $5.000000000e-01, v26;
	v0 =	vsub.f32 v0, v12  }
0x184: {  	v10 =	vmul.f32 v10, v10;
	v12 =	vsub.f32 $1.500000000e+00, v17;
	v14 =	vsub.s32 $0x5F3759DF, v9  }
0x185: {  	v9 =	vmul.f32 v11, v20;
	v20 =	vadd.f32 v50, v16;
	v16 =	vadd.f32 v51, v16  }
0x186: {  	v17 =	vmul.f32 v21, v25;
	v25 =	vmul.f32 v14, v24;
	v0 =	vsub.f32 v0, v10  }
0x187: {  	v10 =	vmul.f32 v12, v19;
	v19 =	vadd.f32 v47, v15;
	v20 =	vmul.f32 v20, v20  }
0x188: {  	v15 =	vadd.f32 v48, v15;
	v16 =	vmul.f32 v16, v16;
	v11 =	vmul.f32 v17, v21  }
0x189: {  	v12 =	vmul.f32 v14, v25;
	v0 =	vmax.f32 v0, $9.999999960e-13;
	v19 =	vmul.f32 v19, v19  }
0x18a: {  	v10 =	vmul.f32 v10, v1;
	v15 =	vmul.f32 v15, v15;
	v17 =	vshra.s32 v0, $0x1  }
0x18b: {  	v12 =	vsub.f32 $1.500000000e+00, v12;
	v25 =	vmul.f32 $5.000000000e-01, v0;
	v55 =	vsub.f32 $1.500000000e+00, v11  }
0x18c: {  	v17 =	vsub.s32 $0x5F3759DF, v17;
	v19 =	vsub.f32 v19, v20;
	v20 =	vmul.f32 v27, v27  }
0x18d: {  	v15 =	vsub.f32 v15, v16;
	v16 =	vmul.f32 v18, v18;
	v12 =	vmul.f32 v14, v12  }
0x18e: {  	v34 =	vadd.f32 v41, v60;
	v14 =	vmul.f32 v17, v25;
	v1 =	vmul.f32 v55, v21  }
0x18f: {  	v21 =	vadd.f32 v38, v63;
	v19 =	vsub.f32 v19, v20;
	v11 =	vmul.f32 v12, v24  }
0x190: {  	v20 =	vmul.f32 v28, v28;
	v15 =	vsub.f32 v15, v16;
	v14 =	vmul.f32 v17, v14  }
0x191: {  	v16 =	vadd.f32 v35, v62;
	v24 =	vadd.f32 v40, v21;
	v11 =	vmul.f32 v11, v12  }
0x192: {  	v19 =	vsub.f32 v19, v20;
	v14 =	vsub.f32 $1.500000000e+00, v14  }
0x193: {  	v59 =	vmul.f32 v5, v6;
	v20 =	vsub.f32 $1.500000000e+00, v11;
	v11 =	vadd.f32 v54, v23  }
0x194: {  	v14 =	vmul.f32 v17, v14;
	v17 =	vmax.f32 v19, $9.999999960e-13;
	v19 =	vadd.f32 v37, v61  }
0x195: {  	v28 =	vadd.f32 v42, v16;
	v24 =	vmul.f32 v24, v24;
	v11 =	vmul.f32 v11, v11  }
0x196: {  	v18 =	vshra.s32 v17, $0x1;
	v27 =	vmul.f32 $5.000000000e-01, v17;
	v23 =	vadd.f32 v39, v19  }
0x197: {  	v18 =	vsub.s32 $0x5F3759DF, v18;
	v25 =	vmul.f32 v14, v25;
	v11 =	vsub.f32 v15, v11  }
0x198: {  	v12 =	vmul.f32 v20, v12;
	v15 =	vadd.f32 v36, v60;
	v23 =	vmul.f32 v23, v23  }
0x199: {  	v6 =	vmovc v29;
	v29 =	vmul.f32 v18, v27;
	v20 =	vmul.f32 v25, v14;
	v30 =	vmax.f32 v11, $9.999999960e-13  }
0x19a: {  	v11 =	vadd.f32 v41, v15;
	v23 =	vsub.f32 v23, v24;
	v24 =	vmul.f32 v28, v28  }
0x19b: {  	v28 =	vmul.f32 v18, v29;
	v32 =	vadd.f32 v49, v15;
	v20 =	vsub.f32 $1.500000000e+00, v20  }
0x19c: {  	v15 =	vadd.f32 v54, v15;
	v29 =	vshra.s32 v30, $0x1;
	v31 =	vmul.f32 $5.000000000e-01, v30  }
0x19d: {  	v29 =	vsub.s32 $0x5F3759DF, v29;
	v23 =	vsub.f32 v23, v24;
	v24 =	vmul.f32 v11, v11  }
0x19e: {  	v11 =	vmul.f32 v1, v22;
	v56 =	vsub.f32 $1.500000000e+00, v28;
	v22 =	vmul.f32 v29, v31  }
0x19f: {  	v20 =	vmul.f32 v20, v14;
	v14 =	vmul.f32 v12, v26;
	v23 =	vsub.f32 v23, v24  }
0x1a0: {  	v28 =	vadd.f32 v52, v16;
	v1 =	vmul.f32 v18, v56;
	v18 =	vmul.f32 v29, v22  }
0x1a1: {  	v24 =	vadd.f32 v50, v21;
	v22 =	vmax.f32 v23, $9.999999960e-13;
	v23 =	vadd.f32 v47, v19  }
0x1a2: {  	v15 =	vmul.f32 v15, v15;
	v25 =	vmul.f32 v1, v27;
	v18 =	vsub.f32 $1.500000000e+00, v18  }
0x1a3: {  	v16 =	vadd.f32 v53, v16;
	v24 =	vmul.f32 v24, v24;
	v23 =	vmul.f32 v23, v23  }
0x1a4: {  	v27 =	vshra.s32 v22, $0x1;
	v18 =	vmul.f32 v29, v18;
	v29 =	vmul.f32 $5.000000000e-01, v22  }
0x1a5: {  	v12 =	vmul.f32 v20, v0;
	v21 =	vadd.f32 v51, v21;
	v27 =	vsub.s32 $0x5F3759DF, v27  }
0x1a6: {  	v23 =	vsub.f32 v23, v24;
	v24 =	vmul.f32 v28, v28;
	v28 =	vmul.f32 v27, v29  }
0x1a7: {  	v19 =	vadd.f32 v48, v19;
	v21 =	vmul.f32 v21, v21;
	v25 =	vmul.f32 v25, v1  }
0x1a8: {  	v23 =	vsub.f32 v23, v24;
	v24 =	vmul.f32 v32, v32;
	v28 =	vmul.f32 v27, v28  }
0x1a9: {  	v19 =	vmul.f32 v19, v19;
	v25 =	vsub.f32 $1.500000000e+00, v25;
	v31 =	vmul.f32 v18, v31  }
0x1aa: {  	v16 =	vmul.f32 v16, v16;
	v23 =	vsub.f32 v23, v24;
	v4 =	vsub.f32 $1.500000000e+00, v28  }
0x1ab: {  	v19 =	vsub.f32 v19, v21;
	v1 =	vmul.f32 v25, v1;
	v31 =	vmul.f32 v31, v18  }
0x1ac: {  	v28 =	vadd.f32 v40, v63;
	v23 =	vmax.f32 v23, $9.999999960e-13;
	v0 =	vmul.f32 v27, v4  }
0x1ad: {  	v24 =	vshra.s32 v23, $0x1;
	v25 =	vmul.f32 $5.000000000e-01, v23;
	v27 =	vadd.f32 v39, v61  }
0x1ae: {  	v20 =	vsub.f32 $1.500000000e+00, v31;
	v33 =	vadd.f32 v50, v28;
	v24 =	vsub.s32 $0x5F3759DF, v24  }
0x1af: {  	v31 =	vadd.f32 v42, v62;
	v26 =	vmul.f32 v24, v25;
	v5 =	vadd.f32 v47, v27  }
0x1b0: {  	v21 =	vadd.f32 v49, v34;
	v29 =	vmul.f32 v0, v29;
	v33 =	vmul.f32 v33, v33  }
0x1b1: {  	v56 =	vmovc v13;
	v13 =	vadd.f32 v52, v31;
	v26 =	vmul.f32 v24, v26;
	v32 =	vmul.f32 v5, v5  }
0x1b2: {  	v16 =	vsub.f32 v19, v16;
	v21 =	vmul.f32 v21, v21;
	v29 =	vmul.f32 v29, v0  }
0x1b3: {  	v13 =	vmul.f32 v13, v13;
	v32 =	vsub.f32 v32, v33;
	v19 =	vsub.f32 $1.500000000e+00, v26  }
0x1b4: {  	v18 =	vmul.f32 v20, v18;
	v20 =	vsub.f32 $1.500000000e+00, v29;
	v26 =	vsub.f32 v16, v15  }
0x1b5: {  	v16 =	vmul.f32 v1, v17;
	v13 =	vsub.f32 v32, v13;
	v17 =	vmul.f32 v24, v19  }
0x1b6: {  	v15 =	vmul.f32 v18, v30;
	v33 =	vadd.f32 v48, v27;
	v0 =	vmul.f32 v20, v0  }
0x1b7: {  	v32 =	vsub.f32 v13, v21;
	v13 =	vmax.f32 v26, $9.999999960e-13;
	v18 =	vmul.f32 v17, v25  }
0x1b8: {  	v55 =	vmul.f32 v0, v22;
	v22 =	vadd.f32 v51, v28;
	v0 =	vmul.f32 v33, v33  }
0x1b9: {  	v19 =	vshra.s32 v13, $0x1;
	v21 =	vmul.f32 $5.000000000e-01, v13;
	v20 =	vmax.f32 v32, $9.999999960e-13  }
0x1ba: {  	v19 =	vsub.s32 $0x5F3759DF, v19;
	v1 =	vshra.s32 v20, $0x1;
	v24 =	vmul.f32 $5.000000000e-01, v20  }
0x1bb: {  	v18 =	vmul.f32 v18, v17;
	v26 =	vmul.f32 v19, v21;
	v25 =	vsub.s32 $0x5F3759DF, v1  }
0x1bc: {  	v28 =	vadd.f32 v53, v31;
	v22 =	vmul.f32 v22, v22;
	v29 =	vmul.f32 v25, v24  }
0x1bd: {  	v18 =	vsub.f32 $1.500000000e+00, v18;
	v26 =	vmul.f32 v19, v26  }
0x1be: {  	v0 =	vsub.f32 v0, v22;
	v22 =	vmul.f32 v28, v28;
	v27 =	vmul.f32 v25, v29  }
0x1bf: {  	v28 =	vadd.f32 v50, v63;
	v17 =	vmul.f32 v18, v17;
	v18 =	vsub.f32 $1.500000000e+00, v26  }
0x1c0: {  	v26 =	vsub.f32 $1.500000000e+00, v27;
	v27 =	vadd.f32 v54, v34  }
0x1c1: {  	v18 =	vmul.f32 v19, v18;
	v19 =	vadd.f32 v47, v61  }
0x1c2: {  	v0 =	vsub.f32 v0, v22;
	v28 =	vadd.f32 v51, v28;
	v22 =	vmul.f32 v27, v27  }
0x1c3: {  	v27 =	vadd.f32 v52, v62;
	v21 =	vmul.f32 v18, v21;
	v19 =	vadd.f32 v48, v19  }
0x1c4: {  	v25 =	vmul.f32 v25, v26;
	v0 =	vsub.f32 v0, v22;
	v22 =	vadd.f32 v49, v60  }
0x1c5: {  	v26 =	vadd.f32 v53, v27;
	v19 =	vmul.f32 v19, v19;
	v27 =	vmul.f32 v28, v28  }
0x1c6: {  	v30 =	vadd.f32 v36, v46;
	v21 =	vmul.f32 v21, v18;
	v24 =	vmul.f32 v25, v24  }
0x1c7: {  	v60 =	vmul.f32 v17, v23;
	v5 =	vmax.f32 v0, $9.999999960e-13;
	v22 =	vadd.f32 v54, v22  }
0x1c8: {  	v19 =	vsub.f32 v19, v27;
	v26 =	vmul.f32 v26, v26;
	v21 =	vsub.f32 $1.500000000e+00, v21  }
0x1c9: {  	v24 =	vmul.f32 v24, v25;
	v27 =	vshra.s32 v5, $0x1;
	v28 =	vmul.f32 $5.000000000e-01, v5  }
0x1ca: {  	v19 =	vsub.f32 v19, v26;
	v22 =	vmul.f32 v22, v22;
	v17 =	vmul.f32 v21, v18  }
0x1cb: {  	v2 =	vadd.f32 v41, v30;
	v18 =	vsub.s32 $0x5F3759DF, v27;
	v21 =	vsub.f32 $1.500000000e+00, v24  }
0x1cc: {  	v23 =	vmul.f32 v18, v28;
	v19 =	vsub.f32 v19, v22;
	v61 =	vmul.f32 v17, v13  }
0x1cd: {  	v13 =	vadd.f32 v37, v43;
	v17 =	vadd.f32 v38, v44;
	v21 =	vmul.f32 v21, v25  }
0x1ce: {  	v22 =	vmul.f32 v18, v23;
	v23 =	vadd.f32 v35, v45;
	v19 =	vmax.f32 v19, $9.999999960e-13  }
0x1cf: {  	v26 =	vadd.f32 v39, v13;
	v27 =	vadd.f32 v40, v17;
	v24 =	vshra.s32 v19, $0x1  }
0x1d0: {  	v29 =	vmul.f32 $5.000000000e-01, v19;
	v31 =	vadd.f32 v42, v23;
	v22 =	vsub.f32 $1.500000000e+00, v22  }
0x1d1: {  	v24 =	vsub.s32 $0x5F3759DF, v24;
	v26 =	vmul.f32 v26, v26;
	v27 =	vmul.f32 v27, v27  }
0x1d2: {  	v25 =	vmul.f32 v24, v29;
	v18 =	vmul.f32 v18, v22;
	v22 =	vadd.f32 v47, v13  }
0x1d3: {  	v62 =	vmul.f32 v21, v20;
	v13 =	vadd.f32 v48, v13;
	v26 =	vsub.f32 v26, v27  }
0x1d4: {  	v27 =	vmul.f32 v31, v31;
	v31 =	vadd.f32 v50, v17;
	v25 =	vmul.f32 v24, v25  }
0x1d5: {  	v17 =	vadd.f32 v51, v17;
	v22 =	vmul.f32 v22, v22;
	v28 =	vmul.f32 v18, v28  }
0x1d6: {  	v13 =	vmul.f32 v13, v13;
	v26 =	vsub.f32 v26, v27;
	v27 =	vmul.f32 v2, v2  }
0x1d7: {  	v3 =	vadd.f32 v52, v23;
	v31 =	vmul.f32 v31, v31;
	v17 =	vmul.f32 v17, v17  }
0x1d8: {  	v25 =	vsub.f32 $1.500000000e+00, v25;
	v20 =	vmul.f32 v28, v18;
	v28 =	vadd.f32 v39, v43  }
0x1d9: {  	v26 =	vsub.f32 v26, v27;
	v27 =	vadd.f32 v49, v30  }
0x1da: {  	v22 =	vsub.f32 v22, v31;
	v31 =	vmul.f32 v3, v3;
	v13 =	vsub.f32 v13, v17  }
0x1db: {  	v4 =	vadd.f32 v47, v28;
	v20 =	vsub.f32 $1.500000000e+00, v20  }
0x1dc: {  	v24 =	vmul.f32 v24, v25;
	v21 =	vsub.f32 v22, v31;
	v22 =	vadd.f32 v53, v23  }
0x1dd: {  	v23 =	vadd.f32 v54, v30;
	v26 =	vmax.f32 v26, $9.999999960e-13;
	v27 =	vmul.f32 v27, v27  }
0x1de: {  	v30 =	vadd.f32 v40, v44;
	v34 =	vmul.f32 $5.000000000e-01, v26;
	v32 =	vmul.f32 v4, v4  }
0x1df: {  	v31 =	vshra.s32 v26, $0x1;
	v29 =	vmul.f32 v24, v29;
	v17 =	vmul.f32 v22, v22  }
0x1e0: {  	v18 =	vmul.f32 v20, v18;
	v22 =	vadd.f32 v42, v45;
	v0 =	vadd.f32 v50, v30  }
0x1e1: {  	v31 =	vsub.s32 $0x5F3759DF, v31;
	v23 =	vmul.f32 v23, v23;
	v13 =	vsub.f32 v13, v17  }
0x1e2: {  	v17 =	vadd.f32 v41, v46;
	v1 =	vadd.f32 v52, v22;
	v33 =	vmul.f32 v0, v0  }
0x1e3: {  	v21 =	vsub.f32 v21, v27;
	v25 =	vmul.f32 v31, v34;
	v29 =	vmul.f32 v29, v24  }
0x1e4: {  	v32 =	vsub.f32 v32, v33;
	v2 =	vadd.f32 v49, v17;
	v63 =	vmul.f32 v1, v1  }
0x1e5: {  	v21 =	vmax.f32 v21, $9.999999960e-13;
	v22 =	vadd.f32 v53, v22;
	v25 =	vmul.f32 v31, v25  }
0x1e6: {  	v13 =	vsub.f32 v13, v23;
	v23 =	vsub.f32 v32, v63;
	v27 =	vmul.f32 v2, v2  }
0x1e7: {  	v3 =	vshra.s32 v21, $0x1;
	v29 =	vsub.f32 $1.500000000e+00, v29;
	v25 =	vsub.f32 $1.500000000e+00, v25  }
0x1e8: {  	v13 =	vmax.f32 v13, $9.999999960e-13;
	v32 =	vmul.f32 $5.000000000e-01, v21;
	v23 =	vsub.f32 v23, v27  }
0x1e9: {  	v4 =	vshra.s32 v13, $0x1;
	v63 =	vmul.f32 $5.000000000e-01, v13;
	v27 =	vsub.s32 $0x5F3759DF, v3  }
0x1ea: {  	v33 =	vsub.s32 $0x5F3759DF, v4;
	v2 =	vmul.f32 v27, v32;
	v23 =	vmax.f32 v23, $9.999999960e-13  }
0x1eb: {  	v1 =	vmul.f32 v33, v63;
	v0 =	vshra.s32 v23, $0x1;
	v4 =	vmul.f32 $5.000000000e-01, v23  }
0x1ec: {  	v25 =	vmul.f32 v31, v25;
	v2 =	vmul.f32 v27, v2;
	v0 =	vsub.s32 $0x5F3759DF, v0  }
0x1ed: {  	v1 =	vmul.f32 v33, v1;
	v3 =	vmul.f32 v0, v4  }
0x1ee: {  	v22 =	vmul.f32 v22, v22;
	v20 =	vmul.f32 v29, v24;
	v2 =	vsub.f32 $1.500000000e+00, v2  }
0x1ef: {  	v24 =	vmul.f32 v25, v34;
	v1 =	vsub.f32 $1.500000000e+00, v1;
	v3 =	vmul.f32 v0, v3  }
0x1f0: {  	v2 =	vmul.f32 v27, v2;
	v27 =	vadd.f32 v48, v28;
	v28 =	vadd.f32 v51, v30  }
0x1f1: {  	v17 =	vadd.f32 v54, v17;
	v1 =	vmul.f32 v33, v1;
	v33 =	vmul.f32 v24, v25  }
0x1f2: {  	v24 =	vmul.f32 v27, v27;
	v27 =	vmul.f32 v28, v28  }
0x1f3: {  	v17 =	vmul.f32 v17, v17;
	v28 =	vmul.f32 v2, v32  }
0x1f4: {  	v3 =	vsub.f32 $1.500000000e+00, v3;
	v29 =	vmul.f32 v1, v63;
	v24 =	vsub.f32 v24, v27  }
0x1f5: {  	v63 =	vmul.f32 v20, v19;
	v20 =	vadd.f32 v47, v43;
	v27 =	vmul.f32 v28, v2  }
0x1f6: {  	v3 =	vmul.f32 v0, v3;
	v28 =	vmul.f32 v29, v1;
	v22 =	vsub.f32 v24, v22  }
0x1f7: {  	v0 =	vmul.f32 v18, v5;
	v24 =	vsub.f32 $1.500000000e+00, v33;
	v34 =	vsub.f32 $1.500000000e+00, v27  }
0x1f8: {  	v4 =	vmul.f32 v3, v4;
	v18 =	vsub.f32 $1.500000000e+00, v28;
	v27 =	vadd.f32 v49, v46  }
0x1f9: {  	v33 =	vadd.f32 v39, v37;
	v19 =	vmul.f32 v24, v25;
	v24 =	vadd.f32 v50, v44  }
0x1fa: {  	v4 =	vmul.f32 v4, v3;
	v25 =	vadd.f32 v52, v45;
	v32 =	vsub.f32 v22, v17  }
0x1fb: {  	v22 =	vadd.f32 v54, v27;
	v1 =	vmul.f32 v18, v1;
	v18 =	vadd.f32 v47, v33  }
0x1fc: {  	v2 =	vmul.f32 v34, v2;
	v27 =	vadd.f32 v52, v42;
	v4 =	vsub.f32 $1.500000000e+00, v4  }
0x1fd: {  	v43 =	vmul.f32 v19, v26;
	v19 =	vadd.f32 v48, v20;
	v20 =	vadd.f32 v51, v24  }
0x1fe: {  	v17 =	vadd.f32 v53, v25;
	v44 =	vmul.f32 v2, v21;
	v21 =	vadd.f32 v40, v38  }
0x1ff: {  	v45 =	vmax.f32 v32, $9.999999960e-13;
	v18 =	vmul.f32 v18, v18;
	v2 =	vadd.f32 v48, v33  }
0x200: {  	v32 =	vadd.f32 v47, v37;
	v19 =	vmul.f32 v19, v19;
	v20 =	vmul.f32 v20, v20  }
0x201: {  	v25 =	vadd.f32 v50, v40;
	v46 =	vshra.s32 v45, $0x1;
	v17 =	vmul.f32 v17, v17  }
0x202: {  	v24 =	vadd.f32 v50, v21;
	v3 =	vmul.f32 v4, v3;
	v19 =	vsub.f32 v19, v20  }
0x203: {  	v4 =	vsub.s32 $0x5F3759DF, v46;
	v21 =	vadd.f32 v51, v21;
	v20 =	vadd.f32 v42, v35  }
0x204: {  	v2 =	vmul.f32 v2, v2;
	v34 =	vsub.f32 v19, v17;
	v17 =	vmul.f32 v22, v22  }
0x205: {  	v19 =	vadd.f32 v52, v20;
	v22 =	vmul.f32 v24, v24;
	v20 =	vadd.f32 v53, v20  }
0x206: {  	v21 =	vmul.f32 v21, v21;
	v24 =	vadd.f32 v50, v38;
	v5 =	vsub.f32 v34, v17  }
0x207: {  	v17 =	vadd.f32 v41, v36;
	v18 =	vsub.f32 v18, v22;
	v19 =	vmul.f32 v19, v19  }
0x208: {  	v2 =	vsub.f32 v2, v21;
	v22 =	vmul.f32 $5.000000000e-01, v45;
	v24 =	vadd.f32 v51, v24  }
0x209: {  	v20 =	vmul.f32 v20, v20;
	v18 =	vsub.f32 v18, v19;
	v19 =	vadd.f32 v49, v17  }
0x20a: {  	v46 =	vmax.f32 v5, $9.999999960e-13;
	v17 =	vadd.f32 v54, v17;
	v5 =	vadd.f32 v48, v32  }
0x20b: {  	v2 =	vsub.f32 v2, v20;
	v24 =	vmul.f32 v24, v24;
	v19 =	vmul.f32 v19, v19  }
0x20c: {  	v21 =	vmul.f32 $5.000000000e-01, v46;
	v20 =	vshra.s32 v46, $0x1;
	v17 =	vmul.f32 v17, v17  }
0x20d: {  	v20 =	vsub.s32 $0x5F3759DF, v20;
	v18 =	vsub.f32 v18, v19;
	v19 =	vmul.f32 v4, v22  }
0x20e: {  	v5 =	vmul.f32 v5, v5;
	v2 =	vsub.f32 v2, v17;
	v17 =	vmul.f32 v20, v21  }
0x20f: {  	v26 =	vadd.f32 v52, v35;
	v3 =	vmul.f32 v3, v23;
	v19 =	vmul.f32 v4, v19  }
0x210: {  	[tilespmem:$0x3A80] =	vst v57;
	v23 =	vadd.f32 v49, v41;
	v5 =	vsub.f32 v5, v24;
	v17 =	vmul.f32 v20, v17  }
0x211: {  	[tilespmem:$0x3A90] =	vst v59;
	v33 =	vld [tilespmem:$0x1FD90];
	v1 =	vmul.f32 v1, v13;
	v24 =	vadd.f32 v47, v39;
	v13 =	vsub.f32 $1.500000000e+00, v19  }
0x212: {  	[tilespmem:$0x3AA0] =	vst v58;
	v37 =	vld [tilespmem:$0x1FDD0];
	v23 =	vadd.f32 v54, v23;
	v17 =	vsub.f32 $1.500000000e+00, v17  }
0x213: {  	[tilespmem:$0x3AB0] =	vst v8;
	v40 =	vld [tilespmem:$0x1FE00];
	v4 =	vmul.f32 v4, v13;
	v13 =	vadd.f32 v48, v24;
	v24 =	vadd.f32 v51, v25  }
0x214: {  	[tilespmem:$0x3AC0] =	vst v9;
	v35 =	vld [tilespmem:$0x1FDB0];
	v19 =	vadd.f32 v49, v36;
	v17 =	vmul.f32 v20, v17;
	v20 =	vadd.f32 v53, v26  }
0x215: {  	[tilespmem:$0x3AD0] =	vst v10;
	v38 =	vld [tilespmem:$0x1FDE0];
	v25 =	vadd.f32 v53, v27;
	v13 =	vmul.f32 v13, v13;
	v24 =	vmul.f32 v24, v24  }
0x216: {  	[tilespmem:$0x3A00] =	vst v33;
	v34 =	vld [tilespmem:$0x1FDA0];
	v18 =	vmax.f32 v18, $9.999999960e-13;
	v19 =	vadd.f32 v54, v19;
	v20 =	vmul.f32 v20, v20  }
0x217: {  	[tilespmem:$0x3A40] =	vst v37;
	v39 =	vld [tilespmem:$0x1FDF0];
	v2 =	vmax.f32 v2, $9.999999960e-13;
	v25 =	vmul.f32 v25, v25;
	v13 =	vsub.f32 v13, v24  }
0x218: {  	[tilespmem:$0x3A70] =	vst v40;
	v41 =	vmul.f32 $5.000000000e-01, v18;
	v36 =	vld [tilespmem:$0x1FDC0];
	v19 =	vmul.f32 v19, v19;
	v5 =	vsub.f32 v5, v20  }
0x219: {  	[tilespmem:$0x3A20] =	vst v35;
	v24 =	vshra.s32 v18, $0x1;
	v20 =	vmul.f32 v23, v23;
	v13 =	vsub.f32 v13, v25  }
0x21a: {  	[tilespmem:$0x3A50] =	vst v38;
	v23 =	vshra.s32 v2, $0x1;
	v25 =	vmul.f32 $5.000000000e-01, v2;
	v5 =	vsub.f32 v5, v19  }
0x21b: {  	[tilespmem:$0x3A10] =	vst v34;
	v8 =	vsub.s32 $0x5F3759DF, v24;
	v19 =	vsub.s32 $0x5F3759DF, v23;
	v13 =	vsub.f32 v13, v20  }
0x21c: {  	[tilespmem:$0x3A60] =	vst v39;
	v9 =	vmul.f32 v8, v41;
	v20 =	vmul.f32 v19, v25;
	v5 =	vmax.f32 v5, $9.999999960e-13  }
0x21d: {  	v26 =	vld [tilespmem:$0x1FFE0];
	[tilespmem:$0x3A30] =	vst v36;
	v10 =	vshra.s32 v5, $0x1;
	v23 =	vmul.f32 $5.000000000e-01, v5;
	v13 =	vmax.f32 v13, $9.999999960e-13  }
0x21e: {  	v27 =	vld [tilespmem:$0x1FFF0];
	[tilespmem:$0x3AE0] =	vst v11;
	v10 =	vsub.s32 $0x5F3759DF, v10;
	v11 =	vshra.s32 v13, $0x1;
	v24 =	vmul.f32 $5.000000000e-01, v13  }
0x21f: {  	[tilespmem:$0x3AF0] =	vst v14;
	v9 =	vmul.f32 v8, v9;
	v14 =	vmul.f32 v10, v23;
	v11 =	vsub.s32 $0x5F3759DF, v11  }
0x220: {  	[tilespmem:$0x3B00] =	vst v12;
	v12 =	vmul.f32 v19, v20;
	v20 =	vmul.f32 v11, v24  }
0x221: {  	[tilespmem:$0x3B10] =	vst v16;
	v16 =	vmul.f32 v4, v22;
	v9 =	vsub.f32 $1.500000000e+00, v9;
	v14 =	vmul.f32 v10, v14  }
0x222: {  	[tilespmem:$0x3B20] =	vst v15;
	v15 =	vmul.f32 v17, v21;
	v12 =	vsub.f32 $1.500000000e+00, v12;
	v20 =	vmul.f32 v11, v20  }
0x223: {  	[tilespmem:$0x3B30] =	vst v55;
	v42 =	vmul.f32 v16, v4;
	v8 =	vmul.f32 v8, v9;
	v9 =	vsub.f32 $1.500000000e+00, v14  }
0x224: {  	[tilespmem:$0x3B40] =	vst v60;
	v12 =	vmul.f32 v19, v12;
	v14 =	vmul.f32 v15, v17;
	v15 =	vsub.f32 $1.500000000e+00, v20  }
0x225: {  	v28 =	vmov v7;
	[tilespmem:$0x3B50] =	vst v61;
	v7 =	vmul.f32 v8, v41;
	v9 =	vmul.f32 v10, v9  }
0x226: {  	[tilespmem:$0x3B60] =	vst v62;
	v10 =	vmul.f32 v12, v25;
	v11 =	vmul.f32 v11, v15  }
0x227: {  	[tilespmem:$0x3B70] =	vst v0;
	v47 =	vsub.f32 $1.500000000e+00, v42;
	v48 =	vmul.f32 v7, v8;
	v49 =	vmul.f32 v9, v23  }
0x228: {  	[tilespmem:$0x3B80] =	vst v63;
	v14 =	vsub.f32 $1.500000000e+00, v14;
	v10 =	vmul.f32 v10, v12;
	v15 =	vmul.f32 v11, v24  }
0x229: {  	[tilespmem:$0x3B90] =	vst v43;
	v0 =	vmul.f32 v47, v4;
	v50 =	vsub.f32 $1.500000000e+00, v48;
	v51 =	vmul.f32 v49, v9  }
0x22a: {  	[tilespmem:$0x3BA0] =	vst v44;
	v52 =	vmul.f32 v14, v17;
	v10 =	vsub.f32 $1.500000000e+00, v10;
	v14 =	vmul.f32 v15, v11  }
0x22b: {  	[tilespmem:$0x3BB0] =	vst v1;
	v0 =	vmul.f32 v0, v45;
	v53 =	vmul.f32 v50, v8;
	v54 =	vsub.f32 $1.500000000e+00, v51  }
0x22c: {  	[tilespmem:$0x3BC0] =	vst v3;
	v55 =	vmul.f32 v52, v46;
	v57 =	vmul.f32 v10, v12;
	v58 =	vsub.f32 $1.500000000e+00, v14  }
0x22d: {  	[tilespmem:$0x3BD0] =	vst v0;
	v59 =	vmul.f32 v53, v18;
	v60 =	vmul.f32 v54, v9  }
0x22e: {  	[tilespmem:$0x3BE0] =	vst v55;
	v2 =	vmul.f32 v57, v2;
	v61 =	vmul.f32 v58, v11  }
0x22f: {  	[tilespmem:$0x3BF0] =	vst v59;
	v62 =	vmul.f32 v60, v5  }
0x230: {  	[tilespmem:$0x3C00] =	vst v2;
	v63 =	vmul.f32 v61, v13  }
0x231: {  	[tilespmem:$0x3C10] =	vst v62  }
0x232: {  	s9 =	rddreg [dreg:$0x3];
	[tilespmem:$0x3C20] =	vst v63  }
0x233: {  	s10 =	rddreg [dreg:$0x4];
	v0 =	vld [tilespmem:s9+$0x0]  }
0x234: {  	v1 =	vld [tilespmem:s10+$0x0];
	_ =	sdelay $0x4  }
0x235: {  	v4 =	vadd.f32 v1, v0;
	_ =	sdelay $0x1  }
0x236: {  	v2 =	vmax.f32 v4, $9.999999930e-09  }
0x237: {  	(erf) = vrcp.f32 v2;
	_ =	sdelay $0x5  }
0x238: {  	v8 =	vlaneseq.u32  }
0x239: {  	v35 =	vmul.u32 $0x46, v8;
	v0 =	vsub.f32 v0, v1;
	_ =	sdelay $0x1  }
0x23a: {  	v5 =	vadd.s32 s8, v35;
	v0 =	vand.u32 $0x7FFFFFFF, v0;
	v2 =	vpop (erf)  }
0x23b: {  	v0 =	vmul.f32 v2, v0;
	_ =	sdelay $0x1  }
0x23c: {  	v0 =	vsub.f32 $0.0e+00, v0;
	_ =	sdelay $0x1  }
0x23d: {  	s9 =	rddreg [dreg:$0x5];
	[tilespmem:v5+s11+$0x0] =	vst.idx.msk $0xffff, v0  }
0x23e: {  	s10 =	rddreg [dreg:$0x6];
	v0 =	vld [tilespmem:s9+$0x0]  }
0x23f: {  	v1 =	vld [tilespmem:s10+$0x0];
	_ =	sdelay $0x4  }
0x240: {  	v29 =	vmov v6;
	v6 =	vadd.f32 v1, v0;
	_ =	sdelay $0x1  }
0x241: {  	v2 =	vmax.f32 v6, $9.999999930e-09  }
0x242: {  	(erf) = vrcp.f32 v2;
	_ =	sdelay $0x6  }
0x243: {  	v0 =	vsub.f32 v0, v1  }
0x244: {  	v7 =	vor.u32 $0x1, v35  }
0x245: {  	v1 =	vadd.s32 s8, v7;
	v0 =	vand.u32 $0x7FFFFFFF, v0;
	v2 =	vpop (erf)  }
0x246: {  	v0 =	vmul.f32 v2, v0;
	_ =	sdelay $0x1  }
0x247: {  	v0 =	vsub.f32 $0.0e+00, v0;
	_ =	sdelay $0x1  }
0x248: {  	s9 =	rddreg [dreg:$0x7];
	[tilespmem:v1+s11+$0x0] =	vst.idx.msk $0xffff, v0  }
0x249: {  	s10 =	rddreg [dreg:$0x8];
	v0 =	vld [tilespmem:s9+$0x0]  }
0x24a: {  	v1 =	vld [tilespmem:s10+$0x0];
	_ =	sdelay $0x4  }
0x24b: {  	v32 =	vadd.f32 v1, v0;
	_ =	sdelay $0x1  }
0x24c: {  	v2 =	vmax.f32 v32, $9.999999930e-09  }
0x24d: {  	(erf) = vrcp.f32 v2;
	_ =	sdelay $0x6  }
0x24e: {  	v0 =	vsub.f32 v0, v1  }
0x24f: {  	v33 =	vadd.s32 $0x2, v35  }
0x250: {  	v1 =	vadd.s32 s8, v33;
	v0 =	vand.u32 $0x7FFFFFFF, v0;
	v2 =	vpop (erf)  }
0x251: {  	v0 =	vmul.f32 v2, v0;
	_ =	sdelay $0x1  }
0x252: {  	v0 =	vsub.f32 $0.0e+00, v0;
	_ =	sdelay $0x1  }
0x253: {  	s9 =	rddreg [dreg:$0x9];
	[tilespmem:v1+s11+$0x0] =	vst.idx.msk $0xffff, v0  }
0x254: {  	s10 =	rddreg [dreg:$0xa];
	v0 =	vld [tilespmem:s9+$0x0]  }
0x255: {  	v1 =	vld [tilespmem:s10+$0x0];
	_ =	sdelay $0x4  }
0x256: {  	v34 =	vadd.f32 v1, v0;
	_ =	sdelay $0x1  }
0x257: {  	v2 =	vmax.f32 v34, $9.999999930e-09  }
0x258: {  	(erf) = vrcp.f32 v2;
	_ =	sdelay $0x6  }
0x259: {  	v0 =	vsub.f32 v0, v1  }
0x25a: {  	v36 =	vadd.s32 $0x3, v35  }
0x25b: {  	v1 =	vadd.s32 s8, v36;
	v0 =	vand.u32 $0x7FFFFFFF, v0;
	v2 =	vpop (erf)  }
0x25c: {  	v0 =	vmul.f32 v2, v0;
	_ =	sdelay $0x1  }
0x25d: {  	v0 =	vsub.f32 $0.0e+00, v0;
	_ =	sdelay $0x1  }
0x25e: {  	s9 =	rddreg [dreg:$0xb];
	[tilespmem:v1+s11+$0x0] =	vst.idx.msk $0xffff, v0  }
0x25f: {  	s10 =	rddreg [dreg:$0xc];
	v0 =	vld [tilespmem:s9+$0x0]  }
0x260: {  	v1 =	vld [tilespmem:s10+$0x0];
	_ =	sdelay $0x4  }
0x261: {  	v37 =	vadd.f32 v1, v0;
	_ =	sdelay $0x1  }
0x262: {  	v2 =	vmax.f32 v37, $9.999999930e-09  }
0x263: {  	(erf) = vrcp.f32 v2;
	_ =	sdelay $0x6  }
0x264: {  	v0 =	vsub.f32 v0, v1  }
0x265: {  	v38 =	vadd.s32 $0x4, v35  }
0x266: {  	v1 =	vadd.s32 s8, v38;
	v0 =	vand.u32 $0x7FFFFFFF, v0;
	v2 =	vpop (erf)  }
0x267: {  	v0 =	vmul.f32 v2, v0;
	_ =	sdelay $0x1  }
0x268: {  	v0 =	vsub.f32 $0.0e+00, v0;
	_ =	sdelay $0x1  }
0x269: {  	s9 =	rddreg [dreg:$0xd];
	[tilespmem:v1+s11+$0x0] =	vst.idx.msk $0xffff, v0  }
0x26a: {  	s10 =	rddreg [dreg:$0xe];
	v0 =	vld [tilespmem:s9+$0x0]  }
0x26b: {  	v1 =	vld [tilespmem:s10+$0x0];
	_ =	sdelay $0x4  }
0x26c: {  	v39 =	vadd.f32 v1, v0;
	_ =	sdelay $0x1  }
0x26d: {  	v2 =	vmax.f32 v39, $9.999999930e-09  }
0x26e: {  	(erf) = vrcp.f32 v2;
	_ =	sdelay $0x6  }
0x26f: {  	v0 =	vsub.f32 v0, v1  }
0x270: {  	v40 =	vadd.s32 $0x5, v35  }
0x271: {  	v1 =	vadd.s32 s8, v40;
	v0 =	vand.u32 $0x7FFFFFFF, v0;
	v2 =	vpop (erf)  }
0x272: {  	v0 =	vmul.f32 v2, v0;
	_ =	sdelay $0x1  }
0x273: {  	v0 =	vsub.f32 $0.0e+00, v0;
	_ =	sdelay $0x1  }
0x274: {  	s9 =	rddreg [dreg:$0xf];
	[tilespmem:v1+s11+$0x0] =	vst.idx.msk $0xffff, v0  }
0x275: {  	s10 =	rddreg [dreg:$0x10];
	v0 =	vld [tilespmem:s9+$0x0]  }
0x276: {  	v1 =	vld [tilespmem:s10+$0x0];
	_ =	sdelay $0x4  }
0x277: {  	v41 =	vadd.f32 v1, v0;
	_ =	sdelay $0x1  }
0x278: {  	v2 =	vmax.f32 v41, $9.999999930e-09  }
0x279: {  	(erf) = vrcp.f32 v2;
	_ =	sdelay $0x6  }
0x27a: {  	v0 =	vsub.f32 v0, v1  }
0x27b: {  	v42 =	vadd.s32 $0x6, v35  }
0x27c: {  	v1 =	vadd.s32 s8, v42;
	v0 =	vand.u32 $0x7FFFFFFF, v0;
	v2 =	vpop (erf)  }
0x27d: {  	v0 =	vmul.f32 v2, v0;
	_ =	sdelay $0x1  }
0x27e: {  	v0 =	vsub.f32 $0.0e+00, v0;
	_ =	sdelay $0x1  }
0x27f: {  	s9 =	rddreg [dreg:$0x11];
	[tilespmem:v1+s11+$0x0] =	vst.idx.msk $0xffff, v0  }
0x280: {  	s10 =	rddreg [dreg:$0x12];
	v0 =	vld [tilespmem:s9+$0x0]  }
0x281: {  	v1 =	vld [tilespmem:s10+$0x0];
	_ =	sdelay $0x4  }
0x282: {  	v43 =	vadd.f32 v1, v0;
	_ =	sdelay $0x1  }
0x283: {  	v2 =	vmax.f32 v43, $9.999999930e-09  }
0x284: {  	(erf) = vrcp.f32 v2;
	_ =	sdelay $0x6  }
0x285: {  	v0 =	vsub.f32 v0, v1  }
0x286: {  	v44 =	vadd.s32 $0x7, v35  }
0x287: {  	v1 =	vadd.s32 s8, v44;
	v0 =	vand.u32 $0x7FFFFFFF, v0;
	v2 =	vpop (erf)  }
0x288: {  	v0 =	vmul.f32 v2, v0;
	_ =	sdelay $0x1  }
0x289: {  	v0 =	vsub.f32 $0.0e+00, v0;
	_ =	sdelay $0x1  }
0x28a: {  	s9 =	rddreg [dreg:$0x13];
	[tilespmem:v1+s11+$0x0] =	vst.idx.msk $0xffff, v0  }
0x28b: {  	s10 =	rddreg [dreg:$0x14];
	v0 =	vld [tilespmem:s9+$0x0]  }
0x28c: {  	v1 =	vld [tilespmem:s10+$0x0];
	_ =	sdelay $0x4  }
0x28d: {  	v45 =	vadd.f32 v1, v0;
	_ =	sdelay $0x1  }
0x28e: {  	v2 =	vmax.f32 v45, $9.999999930e-09  }
0x28f: {  	(erf) = vrcp.f32 v2;
	_ =	sdelay $0x6  }
0x290: {  	v0 =	vsub.f32 v0, v1  }
0x291: {  	v46 =	vadd.s32 $0x8, v35  }
0x292: {  	v1 =	vadd.s32 s8, v46;
	v0 =	vand.u32 $0x7FFFFFFF, v0;
	v2 =	vpop (erf)  }
0x293: {  	v0 =	vmul.f32 v2, v0;
	_ =	sdelay $0x1  }
0x294: {  	v0 =	vsub.f32 $0.0e+00, v0;
	_ =	sdelay $0x1  }
0x295: {  	s9 =	rddreg [dreg:$0x15];
	[tilespmem:v1+s11+$0x0] =	vst.idx.msk $0xffff, v0  }
0x296: {  	s10 =	rddreg [dreg:$0x16];
	v0 =	vld [tilespmem:s9+$0x0]  }
0x297: {  	v1 =	vld [tilespmem:s10+$0x0];
	_ =	sdelay $0x4  }
0x298: {  	v47 =	vadd.f32 v1, v0;
	_ =	sdelay $0x1  }
0x299: {  	v2 =	vmax.f32 v47, $9.999999930e-09  }
0x29a: {  	(erf) = vrcp.f32 v2;
	_ =	sdelay $0x6  }
0x29b: {  	v0 =	vsub.f32 v0, v1  }
0x29c: {  	v48 =	vadd.s32 $0x9, v35  }
0x29d: {  	v1 =	vadd.s32 s8, v48;
	v0 =	vand.u32 $0x7FFFFFFF, v0;
	v2 =	vpop (erf)  }
0x29e: {  	v0 =	vmul.f32 v2, v0;
	_ =	sdelay $0x1  }
0x29f: {  	v0 =	vsub.f32 $0.0e+00, v0;
	_ =	sdelay $0x1  }
0x2a0: {  	s9 =	rddreg [dreg:$0x17];
	[tilespmem:v1+s11+$0x0] =	vst.idx.msk $0xffff, v0  }
0x2a1: {  	s10 =	rddreg [dreg:$0x18];
	v0 =	vld [tilespmem:s9+$0x0]  }
0x2a2: {  	v1 =	vld [tilespmem:s10+$0x0];
	_ =	sdelay $0x4  }
0x2a3: {  	v49 =	vadd.f32 v1, v0;
	_ =	sdelay $0x1  }
0x2a4: {  	v2 =	vmax.f32 v49, $9.999999930e-09  }
0x2a5: {  	(erf) = vrcp.f32 v2;
	_ =	sdelay $0x6  }
0x2a6: {  	v0 =	vsub.f32 v0, v1  }
0x2a7: {  	v50 =	vadd.s32 $0xA, v35  }
0x2a8: {  	v1 =	vadd.s32 s8, v50;
	v0 =	vand.u32 $0x7FFFFFFF, v0;
	v2 =	vpop (erf)  }
0x2a9: {  	v0 =	vmul.f32 v2, v0;
	_ =	sdelay $0x1  }
0x2aa: {  	v0 =	vsub.f32 $0.0e+00, v0;
	_ =	sdelay $0x1  }
0x2ab: {  	s9 =	rddreg [dreg:$0x19];
	[tilespmem:v1+s11+$0x0] =	vst.idx.msk $0xffff, v0  }
0x2ac: {  	s10 =	rddreg [dreg:$0x1a];
	v0 =	vld [tilespmem:s9+$0x0]  }
0x2ad: {  	v1 =	vld [tilespmem:s10+$0x0];
	_ =	sdelay $0x4  }
0x2ae: {  	v51 =	vadd.f32 v1, v0;
	_ =	sdelay $0x1  }
0x2af: {  	v2 =	vmax.f32 v51, $9.999999930e-09  }
0x2b0: {  	(erf) = vrcp.f32 v2;
	_ =	sdelay $0x6  }
0x2b1: {  	v0 =	vsub.f32 v0, v1  }
0x2b2: {  	v52 =	vadd.s32 $0xB, v35  }
0x2b3: {  	v1 =	vadd.s32 s8, v52;
	v0 =	vand.u32 $0x7FFFFFFF, v0;
	v2 =	vpop (erf)  }
0x2b4: {  	v0 =	vmul.f32 v2, v0;
	_ =	sdelay $0x1  }
0x2b5: {  	v0 =	vsub.f32 $0.0e+00, v0;
	_ =	sdelay $0x1  }
0x2b6: {  	s9 =	rddreg [dreg:$0x1b];
	[tilespmem:v1+s11+$0x0] =	vst.idx.msk $0xffff, v0  }
0x2b7: {  	s10 =	rddreg [dreg:$0x1c];
	v0 =	vld [tilespmem:s9+$0x0]  }
0x2b8: {  	v1 =	vld [tilespmem:s10+$0x0];
	_ =	sdelay $0x4  }
0x2b9: {  	v53 =	vadd.f32 v1, v0;
	_ =	sdelay $0x1  }
0x2ba: {  	v2 =	vmax.f32 v53, $9.999999930e-09  }
0x2bb: {  	(erf) = vrcp.f32 v2;
	_ =	sdelay $0x6  }
0x2bc: {  	v0 =	vsub.f32 v0, v1  }
0x2bd: {  	v54 =	vadd.s32 $0xC, v35  }
0x2be: {  	v1 =	vadd.s32 s8, v54;
	v0 =	vand.u32 $0x7FFFFFFF, v0;
	v2 =	vpop (erf)  }
0x2bf: {  	v0 =	vmul.f32 v2, v0;
	_ =	sdelay $0x1  }
0x2c0: {  	v0 =	vsub.f32 $0.0e+00, v0;
	_ =	sdelay $0x1  }
0x2c1: {  	s9 =	rddreg [dreg:$0x1d];
	[tilespmem:v1+s11+$0x0] =	vst.idx.msk $0xffff, v0  }
0x2c2: {  	s10 =	rddreg [dreg:$0x1e];
	v0 =	vld [tilespmem:s9+$0x0]  }
0x2c3: {  	v1 =	vld [tilespmem:s10+$0x0];
	_ =	sdelay $0x4  }
0x2c4: {  	v55 =	vadd.f32 v1, v0;
	_ =	sdelay $0x1  }
0x2c5: {  	v2 =	vmax.f32 v55, $9.999999930e-09  }
0x2c6: {  	(erf) = vrcp.f32 v2;
	_ =	sdelay $0x6  }
0x2c7: {  	v0 =	vsub.f32 v0, v1  }
0x2c8: {  	v13 =	vmov v56;
	v56 =	vadd.s32 $0xD, v35  }
0x2c9: {  	v1 =	vadd.s32 s8, v56;
	v0 =	vand.u32 $0x7FFFFFFF, v0;
	v2 =	vpop (erf)  }
0x2ca: {  	v0 =	vmul.f32 v2, v0;
	_ =	sdelay $0x1  }
0x2cb: {  	v0 =	vsub.f32 $0.0e+00, v0  }
0x2cc: {  	s10 =	sld [smem:$0x79B]  }
0x2cd: {  	s9 =	rddreg [dreg:$0x1f];
	[tilespmem:v1+s11+$0x0] =	vst.idx.msk $0xffff, v0  }
0x2ce: {  	v0 =	vld [tilespmem:s9+$0x0]  }
0x2cf: {  	v1 =	vld [tilespmem:s10+$0x0];
	_ =	sdelay $0x4  }
0x2d0: {  	v57 =	vadd.f32 v1, v0;
	_ =	sdelay $0x1  }
0x2d1: {  	v2 =	vmax.f32 v57, $9.999999930e-09  }
0x2d2: {  	(erf) = vrcp.f32 v2;
	_ =	sdelay $0x6  }
0x2d3: {  	v0 =	vsub.f32 v0, v1  }
0x2d4: {  	v58 =	vadd.s32 $0xE, v35  }
0x2d5: {  	v1 =	vadd.s32 s8, v58;
	v0 =	vand.u32 $0x7FFFFFFF, v0;
	v2 =	vpop (erf)  }
0x2d6: {  	v0 =	vmul.f32 v2, v0;
	_ =	sdelay $0x1  }
0x2d7: {  	s9 =	sld [smem:$0x79A];
	v0 =	vsub.f32 $0.0e+00, v0  }
0x2d8: {  	s10 =	sld [smem:$0x79C]  }
0x2d9: {  	[tilespmem:v1+s11+$0x0] =	vst.idx.msk $0xffff, v0  }
0x2da: {  	v0 =	vld [tilespmem:s9+$0x0]  }
0x2db: {  	v1 =	vld [tilespmem:s10+$0x0];
	_ =	sdelay $0x4  }
0x2dc: {  	v59 =	vadd.f32 v1, v0;
	_ =	sdelay $0x1  }
0x2dd: {  	v2 =	vmax.f32 v59, $9.999999930e-09  }
0x2de: {  	(erf) = vrcp.f32 v2;
	_ =	sdelay $0x6  }
0x2df: {  	v0 =	vsub.f32 v0, v1  }
0x2e0: {  	v60 =	vadd.s32 $0xF, v35  }
0x2e1: {  	v1 =	vadd.s32 s8, v60;
	v0 =	vand.u32 $0x7FFFFFFF, v0;
	v2 =	vpop (erf)  }
0x2e2: {  	v0 =	vmul.f32 v2, v0;
	_ =	sdelay $0x1  }
0x2e3: {  	s9 =	sld [smem:$0x79D];
	v0 =	vsub.f32 $0.0e+00, v0  }
0x2e4: {  	s10 =	sld [smem:$0x79F]  }
0x2e5: {  	[tilespmem:v1+s11+$0x0] =	vst.idx.msk $0xffff, v0  }
0x2e6: {  	v0 =	vld [tilespmem:s9+$0x0]  }
0x2e7: {  	v1 =	vld [tilespmem:s10+$0x0];
	_ =	sdelay $0x4  }
0x2e8: {  	v61 =	vadd.f32 v1, v0;
	_ =	sdelay $0x1  }
0x2e9: {  	v2 =	vmax.f32 v61, $9.999999930e-09  }
0x2ea: {  	(erf) = vrcp.f32 v2;
	_ =	sdelay $0x6  }
0x2eb: {  	v0 =	vsub.f32 v0, v1  }
0x2ec: {  	v62 =	vadd.s32 $0x10, v35  }
0x2ed: {  	v1 =	vadd.s32 s8, v62;
	v0 =	vand.u32 $0x7FFFFFFF, v0;
	v2 =	vpop (erf)  }
0x2ee: {  	v0 =	vmul.f32 v2, v0;
	_ =	sdelay $0x1  }
0x2ef: {  	s9 =	sld [smem:$0x79E];
	v0 =	vsub.f32 $0.0e+00, v0  }
0x2f0: {  	s10 =	sld [smem:$0x7A0]  }
0x2f1: {  	[tilespmem:v1+s11+$0x0] =	vst.idx.msk $0xffff, v0  }
0x2f2: {  	v0 =	vld [tilespmem:s9+$0x0]  }
0x2f3: {  	v1 =	vld [tilespmem:s10+$0x0];
	_ =	sdelay $0x4  }
0x2f4: {  	v63 =	vadd.f32 v1, v0;
	_ =	sdelay $0x1  }
0x2f5: {  	v2 =	vmax.f32 v63, $9.999999930e-09  }
0x2f6: {  	(erf) = vrcp.f32 v2;
	_ =	sdelay $0x6  }
0x2f7: {  	v0 =	vsub.f32 v0, v1  }
0x2f8: {  	v4 =	vadd.s32 $0x11, v35  }
0x2f9: {  	v1 =	vadd.s32 s8, v4;
	v0 =	vand.u32 $0x7FFFFFFF, v0;
	v2 =	vpop (erf)  }
0x2fa: {  	v0 =	vmul.f32 v2, v0;
	_ =	sdelay $0x1  }
0x2fb: {  	s9 =	sld [smem:$0x7A1];
	v0 =	vsub.f32 $0.0e+00, v0  }
0x2fc: {  	s10 =	sld [smem:$0x7A3]  }
0x2fd: {  	[tilespmem:v1+s11+$0x0] =	vst.idx.msk $0xffff, v0  }
0x2fe: {  	v0 =	vld [tilespmem:s9+$0x0]  }
0x2ff: {  	v1 =	vld [tilespmem:s10+$0x0];
	_ =	sdelay $0x4  }
0x300: {  	v5 =	vadd.f32 v1, v0;
	_ =	sdelay $0x1  }
0x301: {  	v2 =	vmax.f32 v5, $9.999999930e-09  }
0x302: {  	(erf) = vrcp.f32 v2;
	_ =	sdelay $0x6  }
0x303: {  	v0 =	vsub.f32 v0, v1  }
0x304: {  	v6 =	vadd.s32 $0x12, v35  }
0x305: {  	v1 =	vadd.s32 s8, v6;
	v0 =	vand.u32 $0x7FFFFFFF, v0;
	v2 =	vpop (erf)  }
0x306: {  	v0 =	vmul.f32 v2, v0;
	_ =	sdelay $0x1  }
0x307: {  	s9 =	sld [smem:$0x7A2];
	v0 =	vsub.f32 $0.0e+00, v0  }
0x308: {  	s10 =	sld [smem:$0x7A4]  }
0x309: {  	[tilespmem:v1+s11+$0x0] =	vst.idx.msk $0xffff, v0  }
0x30a: {  	v0 =	vld [tilespmem:s9+$0x0]  }
0x30b: {  	v1 =	vld [tilespmem:s10+$0x0];
	_ =	sdelay $0x4  }
0x30c: {  	v7 =	vadd.f32 v1, v0;
	_ =	sdelay $0x1  }
0x30d: {  	v2 =	vmax.f32 v7, $9.999999930e-09  }
0x30e: {  	(erf) = vrcp.f32 v2;
	_ =	sdelay $0x6  }
0x30f: {  	v0 =	vsub.f32 v0, v1  }
0x310: {  	v32 =	vadd.s32 $0x13, v35  }
0x311: {  	v1 =	vadd.s32 s8, v32;
	v0 =	vand.u32 $0x7FFFFFFF, v0;
	v2 =	vpop (erf)  }
0x312: {  	v0 =	vmul.f32 v2, v0;
	_ =	sdelay $0x1  }
0x313: {  	s9 =	sld [smem:$0x7A5];
	v0 =	vsub.f32 $0.0e+00, v0  }
0x314: {  	s10 =	sld [smem:$0x7A7]  }
0x315: {  	[tilespmem:v1+s11+$0x0] =	vst.idx.msk $0xffff, v0  }
0x316: {  	v0 =	vld [tilespmem:s9+$0x0]  }
0x317: {  	v1 =	vld [tilespmem:s10+$0x0];
	_ =	sdelay $0x4  }
0x318: {  	v33 =	vadd.f32 v1, v0;
	_ =	sdelay $0x1  }
0x319: {  	v2 =	vmax.f32 v33, $9.999999930e-09  }
0x31a: {  	(erf) = vrcp.f32 v2;
	_ =	sdelay $0x6  }
0x31b: {  	v0 =	vsub.f32 v0, v1  }
0x31c: {  	v34 =	vadd.s32 $0x14, v35  }
0x31d: {  	v1 =	vadd.s32 s8, v34;
	v0 =	vand.u32 $0x7FFFFFFF, v0;
	v2 =	vpop (erf)  }
0x31e: {  	v0 =	vmul.f32 v2, v0;
	_ =	sdelay $0x1  }
0x31f: {  	s9 =	sld [smem:$0x7A6];
	v0 =	vsub.f32 $0.0e+00, v0  }
0x320: {  	s10 =	sld [smem:$0x7A8]  }
0x321: {  	[tilespmem:v1+s11+$0x0] =	vst.idx.msk $0xffff, v0  }
0x322: {  	v0 =	vld [tilespmem:s9+$0x0]  }
0x323: {  	v1 =	vld [tilespmem:s10+$0x0];
	_ =	sdelay $0x4  }
0x324: {  	v36 =	vadd.f32 v1, v0;
	_ =	sdelay $0x1  }
0x325: {  	v2 =	vmax.f32 v36, $9.999999930e-09  }
0x326: {  	(erf) = vrcp.f32 v2;
	_ =	sdelay $0x6  }
0x327: {  	v0 =	vsub.f32 v0, v1  }
0x328: {  	v37 =	vadd.s32 $0x15, v35  }
0x329: {  	v1 =	vadd.s32 s8, v37;
	v0 =	vand.u32 $0x7FFFFFFF, v0;
	v2 =	vpop (erf)  }
0x32a: {  	v0 =	vmul.f32 v2, v0;
	_ =	sdelay $0x1  }
0x32b: {  	s9 =	sld [smem:$0x7A9];
	v0 =	vsub.f32 $0.0e+00, v0  }
0x32c: {  	s10 =	sld [smem:$0x7AB]  }
0x32d: {  	[tilespmem:v1+s11+$0x0] =	vst.idx.msk $0xffff, v0  }
0x32e: {  	v0 =	vld [tilespmem:s9+$0x0]  }
0x32f: {  	v1 =	vld [tilespmem:s10+$0x0];
	_ =	sdelay $0x4  }
0x330: {  	v38 =	vadd.f32 v1, v0;
	_ =	sdelay $0x1  }
0x331: {  	v2 =	vmax.f32 v38, $9.999999930e-09  }
0x332: {  	(erf) = vrcp.f32 v2;
	_ =	sdelay $0x6  }
0x333: {  	v0 =	vsub.f32 v0, v1  }
0x334: {  	v39 =	vadd.s32 $0x16, v35  }
0x335: {  	v1 =	vadd.s32 s8, v39;
	v0 =	vand.u32 $0x7FFFFFFF, v0;
	v2 =	vpop (erf)  }
0x336: {  	v0 =	vmul.f32 v2, v0;
	_ =	sdelay $0x1  }
0x337: {  	s9 =	sld [smem:$0x7AA];
	v0 =	vsub.f32 $0.0e+00, v0  }
0x338: {  	s10 =	sld [smem:$0x7AC]  }
0x339: {  	[tilespmem:v1+s11+$0x0] =	vst.idx.msk $0xffff, v0  }
0x33a: {  	v0 =	vld [tilespmem:s9+$0x0]  }
0x33b: {  	v1 =	vld [tilespmem:s10+$0x0];
	_ =	sdelay $0x4  }
0x33c: {  	v40 =	vadd.f32 v1, v0;
	_ =	sdelay $0x1  }
0x33d: {  	v2 =	vmax.f32 v40, $9.999999930e-09  }
0x33e: {  	(erf) = vrcp.f32 v2;
	_ =	sdelay $0x6  }
0x33f: {  	v0 =	vsub.f32 v0, v1  }
0x340: {  	v41 =	vadd.s32 $0x17, v35  }
0x341: {  	v1 =	vadd.s32 s8, v41;
	v0 =	vand.u32 $0x7FFFFFFF, v0;
	v2 =	vpop (erf)  }
0x342: {  	v0 =	vmul.f32 v2, v0;
	_ =	sdelay $0x1  }
0x343: {  	s9 =	sld [smem:$0x7AD];
	v0 =	vsub.f32 $0.0e+00, v0  }
0x344: {  	s10 =	sld [smem:$0x7AF]  }
0x345: {  	[tilespmem:v1+s11+$0x0] =	vst.idx.msk $0xffff, v0  }
0x346: {  	v0 =	vld [tilespmem:s9+$0x0]  }
0x347: {  	v1 =	vld [tilespmem:s10+$0x0];
	_ =	sdelay $0x4  }
0x348: {  	v42 =	vadd.f32 v1, v0;
	_ =	sdelay $0x1  }
0x349: {  	v2 =	vmax.f32 v42, $9.999999930e-09  }
0x34a: {  	(erf) = vrcp.f32 v2;
	_ =	sdelay $0x6  }
0x34b: {  	v0 =	vsub.f32 v0, v1  }
0x34c: {  	v43 =	vadd.s32 $0x18, v35  }
0x34d: {  	v1 =	vadd.s32 s8, v43;
	v0 =	vand.u32 $0x7FFFFFFF, v0;
	v2 =	vpop (erf)  }
0x34e: {  	v0 =	vmul.f32 v2, v0;
	_ =	sdelay $0x1  }
0x34f: {  	s9 =	sld [smem:$0x7AE];
	v0 =	vsub.f32 $0.0e+00, v0  }
0x350: {  	s10 =	sld [smem:$0x7B0]  }
0x351: {  	[tilespmem:v1+s11+$0x0] =	vst.idx.msk $0xffff, v0  }
0x352: {  	v0 =	vld [tilespmem:s9+$0x0]  }
0x353: {  	v1 =	vld [tilespmem:s10+$0x0];
	_ =	sdelay $0x4  }
0x354: {  	v44 =	vadd.f32 v1, v0;
	_ =	sdelay $0x1  }
0x355: {  	v2 =	vmax.f32 v44, $9.999999930e-09  }
0x356: {  	(erf) = vrcp.f32 v2;
	_ =	sdelay $0x6  }
0x357: {  	v0 =	vsub.f32 v0, v1  }
0x358: {  	v45 =	vadd.s32 $0x19, v35  }
0x359: {  	v1 =	vadd.s32 s8, v45;
	v0 =	vand.u32 $0x7FFFFFFF, v0;
	v2 =	vpop (erf)  }
0x35a: {  	v0 =	vmul.f32 v2, v0;
	_ =	sdelay $0x1  }
0x35b: {  	s9 =	sld [smem:$0x7B1];
	v0 =	vsub.f32 $0.0e+00, v0  }
0x35c: {  	s10 =	sld [smem:$0x7B3]  }
0x35d: {  	[tilespmem:v1+s11+$0x0] =	vst.idx.msk $0xffff, v0  }
0x35e: {  	v0 =	vld [tilespmem:s9+$0x0]  }
0x35f: {  	v1 =	vld [tilespmem:s10+$0x0];
	_ =	sdelay $0x4  }
0x360: {  	v46 =	vadd.f32 v1, v0;
	_ =	sdelay $0x1  }
0x361: {  	v2 =	vmax.f32 v46, $9.999999930e-09  }
0x362: {  	(erf) = vrcp.f32 v2;
	_ =	sdelay $0x6  }
0x363: {  	v0 =	vsub.f32 v0, v1  }
0x364: {  	v47 =	vadd.s32 $0x1A, v35  }
0x365: {  	v1 =	vadd.s32 s8, v47;
	v0 =	vand.u32 $0x7FFFFFFF, v0;
	v2 =	vpop (erf)  }
0x366: {  	v0 =	vmul.f32 v2, v0;
	_ =	sdelay $0x1  }
0x367: {  	s9 =	sld [smem:$0x7B2];
	v0 =	vsub.f32 $0.0e+00, v0  }
0x368: {  	s10 =	sld [smem:$0x7B4]  }
0x369: {  	[tilespmem:v1+s11+$0x0] =	vst.idx.msk $0xffff, v0  }
0x36a: {  	v0 =	vld [tilespmem:s9+$0x0]  }
0x36b: {  	v1 =	vld [tilespmem:s10+$0x0];
	_ =	sdelay $0x4  }
0x36c: {  	v48 =	vadd.f32 v1, v0;
	_ =	sdelay $0x1  }
0x36d: {  	v2 =	vmax.f32 v48, $9.999999930e-09  }
0x36e: {  	(erf) = vrcp.f32 v2;
	_ =	sdelay $0x6  }
0x36f: {  	v0 =	vsub.f32 v0, v1  }
0x370: {  	v49 =	vadd.s32 $0x1B, v35  }
0x371: {  	v1 =	vadd.s32 s8, v49;
	v0 =	vand.u32 $0x7FFFFFFF, v0;
	v2 =	vpop (erf)  }
0x372: {  	v0 =	vmul.f32 v2, v0;
	_ =	sdelay $0x1  }
0x373: {  	s9 =	sld [smem:$0x7B6];
	v0 =	vsub.f32 $0.0e+00, v0  }
0x374: {  	s10 =	sld [smem:$0x7BA]  }
0x375: {  	[tilespmem:v1+s11+$0x0] =	vst.idx.msk $0xffff, v0  }
0x376: {  	v0 =	vld [tilespmem:s9+$0x0]  }
0x377: {  	v1 =	vld [tilespmem:s10+$0x0];
	_ =	sdelay $0x4  }
0x378: {  	v50 =	vadd.f32 v1, v0;
	_ =	sdelay $0x1  }
0x379: {  	v2 =	vmax.f32 v50, $9.999999930e-09  }
0x37a: {  	(erf) = vrcp.f32 v2;
	_ =	sdelay $0x6  }
0x37b: {  	v0 =	vsub.f32 v0, v1  }
0x37c: {  	v51 =	vadd.s32 $0x1C, v35  }
0x37d: {  	v1 =	vadd.s32 s8, v51;
	v0 =	vand.u32 $0x7FFFFFFF, v0;
	v2 =	vpop (erf)  }
0x37e: {  	v0 =	vmul.f32 v2, v0;
	_ =	sdelay $0x1  }
0x37f: {  	s9 =	sld [smem:$0x7B8];
	v0 =	vsub.f32 $0.0e+00, v0  }
0x380: {  	s10 =	sld [smem:$0x7BC]  }
0x381: {  	[tilespmem:v1+s11+$0x0] =	vst.idx.msk $0xffff, v0  }
0x382: {  	v0 =	vld [tilespmem:s9+$0x0]  }
0x383: {  	v1 =	vld [tilespmem:s10+$0x0];
	_ =	sdelay $0x4  }
0x384: {  	v52 =	vadd.f32 v1, v0;
	_ =	sdelay $0x1  }
0x385: {  	v2 =	vmax.f32 v52, $9.999999930e-09  }
0x386: {  	(erf) = vrcp.f32 v2;
	_ =	sdelay $0x6  }
0x387: {  	v0 =	vsub.f32 v0, v1  }
0x388: {  	v53 =	vadd.s32 $0x1D, v35  }
0x389: {  	v1 =	vadd.s32 s8, v53;
	v0 =	vand.u32 $0x7FFFFFFF, v0;
	v2 =	vpop (erf)  }
0x38a: {  	v0 =	vmul.f32 v2, v0;
	_ =	sdelay $0x1  }
0x38b: {  	s9 =	sld [smem:$0x7BD];
	v0 =	vsub.f32 $0.0e+00, v0  }
0x38c: {  	s10 =	sld [smem:$0x7BF]  }
0x38d: {  	[tilespmem:v1+s11+$0x0] =	vst.idx.msk $0xffff, v0  }
0x38e: {  	v0 =	vld [tilespmem:s9+$0x0]  }
0x38f: {  	v1 =	vld [tilespmem:s10+$0x0];
	_ =	sdelay $0x4  }
0x390: {  	v54 =	vadd.f32 v1, v0;
	_ =	sdelay $0x1  }
0x391: {  	v2 =	vmax.f32 v54, $9.999999930e-09  }
0x392: {  	(erf) = vrcp.f32 v2;
	_ =	sdelay $0x6  }
0x393: {  	v0 =	vsub.f32 v0, v1  }
0x394: {  	v55 =	vadd.s32 $0x1E, v35  }
0x395: {  	v1 =	vadd.s32 s8, v55;
	v0 =	vand.u32 $0x7FFFFFFF, v0;
	v2 =	vpop (erf)  }
0x396: {  	v0 =	vmul.f32 v2, v0;
	_ =	sdelay $0x1  }
0x397: {  	s9 =	sld [smem:$0x7BE];
	v0 =	vsub.f32 $0.0e+00, v0  }
0x398: {  	s10 =	sld [smem:$0x7C0]  }
0x399: {  	[tilespmem:v1+s11+$0x0] =	vst.idx.msk $0xffff, v0  }
0x39a: {  	v0 =	vld [tilespmem:s9+$0x0]  }
0x39b: {  	v1 =	vld [tilespmem:s10+$0x0];
	_ =	sdelay $0x4  }
0x39c: {  	v56 =	vadd.f32 v1, v0;
	_ =	sdelay $0x1  }
0x39d: {  	v2 =	vmax.f32 v56, $9.999999930e-09  }
0x39e: {  	(erf) = vrcp.f32 v2;
	_ =	sdelay $0x6  }
0x39f: {  	v0 =	vsub.f32 v0, v1  }
0x3a0: {  	v57 =	vadd.s32 $0x1F, v35  }
0x3a1: {  	v1 =	vadd.s32 s8, v57;
	v0 =	vand.u32 $0x7FFFFFFF, v0;
	v2 =	vpop (erf)  }
0x3a2: {  	v0 =	vmul.f32 v2, v0;
	_ =	sdelay $0x1  }
0x3a3: {  	s9 =	sld [smem:$0x7C1];
	v0 =	vsub.f32 $0.0e+00, v0  }
0x3a4: {  	s10 =	sld [smem:$0x7C3]  }
0x3a5: {  	[tilespmem:v1+s11+$0x0] =	vst.idx.msk $0xffff, v0  }
0x3a6: {  	v0 =	vld [tilespmem:s9+$0x0]  }
0x3a7: {  	v1 =	vld [tilespmem:s10+$0x0];
	_ =	sdelay $0x4  }
0x3a8: {  	v58 =	vadd.f32 v1, v0;
	_ =	sdelay $0x1  }
0x3a9: {  	v2 =	vmax.f32 v58, $9.999999930e-09  }
0x3aa: {  	(erf) = vrcp.f32 v2;
	_ =	sdelay $0x6  }
0x3ab: {  	v0 =	vsub.f32 v0, v1  }
0x3ac: {  	v59 =	vadd.s32 $0x20, v35  }
0x3ad: {  	v1 =	vadd.s32 s8, v59;
	v0 =	vand.u32 $0x7FFFFFFF, v0;
	v2 =	vpop (erf)  }
0x3ae: {  	v0 =	vmul.f32 v2, v0;
	_ =	sdelay $0x1  }
0x3af: {  	s9 =	sld [smem:$0x7C2];
	v0 =	vsub.f32 $0.0e+00, v0  }
0x3b0: {  	s10 =	sld [smem:$0x7C4]  }
0x3b1: {  	[tilespmem:v1+s11+$0x0] =	vst.idx.msk $0xffff, v0  }
0x3b2: {  	v0 =	vld [tilespmem:s9+$0x0]  }
0x3b3: {  	v1 =	vld [tilespmem:s10+$0x0];
	_ =	sdelay $0x4  }
0x3b4: {  	v60 =	vadd.f32 v1, v0;
	_ =	sdelay $0x1  }
0x3b5: {  	v2 =	vmax.f32 v60, $9.999999930e-09  }
0x3b6: {  	(erf) = vrcp.f32 v2;
	_ =	sdelay $0x6  }
0x3b7: {  	v0 =	vsub.f32 v0, v1  }
0x3b8: {  	v61 =	vadd.s32 $0x21, v35  }
0x3b9: {  	v1 =	vadd.s32 s8, v61;
	v0 =	vand.u32 $0x7FFFFFFF, v0;
	v2 =	vpop (erf)  }
0x3ba: {  	v0 =	vmul.f32 v2, v0;
	_ =	sdelay $0x1  }
0x3bb: {  	s9 =	sld [smem:$0x7C5];
	v0 =	vsub.f32 $0.0e+00, v0  }
0x3bc: {  	s10 =	sld [smem:$0x7C7]  }
0x3bd: {  	[tilespmem:v1+s11+$0x0] =	vst.idx.msk $0xffff, v0  }
0x3be: {  	v0 =	vld [tilespmem:s9+$0x0]  }
0x3bf: {  	v1 =	vld [tilespmem:s10+$0x0];
	_ =	sdelay $0x4  }
0x3c0: {  	v62 =	vadd.f32 v1, v0;
	_ =	sdelay $0x1  }
0x3c1: {  	v2 =	vmax.f32 v62, $9.999999930e-09  }
0x3c2: {  	(erf) = vrcp.f32 v2;
	_ =	sdelay $0x6  }
0x3c3: {  	v0 =	vsub.f32 v0, v1  }
0x3c4: {  	v63 =	vadd.s32 $0x22, v35  }
0x3c5: {  	v1 =	vadd.s32 s8, v63;
	v0 =	vand.u32 $0x7FFFFFFF, v0;
	v2 =	vpop (erf)  }
0x3c6: {  	v0 =	vmul.f32 v2, v0;
	_ =	sdelay $0x1  }
0x3c7: {  	s9 =	sld [smem:$0x7C6];
	v0 =	vsub.f32 $0.0e+00, v0  }
0x3c8: {  	s10 =	sld [smem:$0x7C8]  }
0x3c9: {  	[tilespmem:v1+s11+$0x0] =	vst.idx.msk $0xffff, v0  }
0x3ca: {  	v0 =	vld [tilespmem:s9+$0x0]  }
0x3cb: {  	v1 =	vld [tilespmem:s10+$0x0];
	_ =	sdelay $0x4  }
0x3cc: {  	v4 =	vadd.f32 v1, v0;
	_ =	sdelay $0x1  }
0x3cd: {  	v2 =	vmax.f32 v4, $9.999999930e-09  }
0x3ce: {  	(erf) = vrcp.f32 v2;
	_ =	sdelay $0x6  }
0x3cf: {  	v0 =	vsub.f32 v0, v1  }
0x3d0: {  	v5 =	vadd.s32 $0x23, v35  }
0x3d1: {  	v1 =	vadd.s32 s8, v5;
	v0 =	vand.u32 $0x7FFFFFFF, v0;
	v2 =	vpop (erf)  }
0x3d2: {  	v0 =	vmul.f32 v2, v0;
	_ =	sdelay $0x1  }
0x3d3: {  	s9 =	sld [smem:$0x7C9];
	v0 =	vsub.f32 $0.0e+00, v0  }
0x3d4: {  	s10 =	sld [smem:$0x7CB]  }
0x3d5: {  	[tilespmem:v1+s11+$0x0] =	vst.idx.msk $0xffff, v0  }
0x3d6: {  	v0 =	vld [tilespmem:s9+$0x0]  }
0x3d7: {  	v1 =	vld [tilespmem:s10+$0x0];
	_ =	sdelay $0x4  }
0x3d8: {  	v6 =	vadd.f32 v1, v0;
	_ =	sdelay $0x1  }
0x3d9: {  	v2 =	vmax.f32 v6, $9.999999930e-09  }
0x3da: {  	(erf) = vrcp.f32 v2;
	_ =	sdelay $0x6  }
0x3db: {  	v0 =	vsub.f32 v0, v1  }
0x3dc: {  	v7 =	vadd.s32 $0x24, v35  }
0x3dd: {  	v1 =	vadd.s32 s8, v7;
	v0 =	vand.u32 $0x7FFFFFFF, v0;
	v2 =	vpop (erf)  }
0x3de: {  	v0 =	vmul.f32 v2, v0;
	_ =	sdelay $0x1  }
0x3df: {  	s9 =	sld [smem:$0x7CA];
	v0 =	vsub.f32 $0.0e+00, v0  }
0x3e0: {  	s10 =	sld [smem:$0x7CC]  }
0x3e1: {  	[tilespmem:v1+s11+$0x0] =	vst.idx.msk $0xffff, v0  }
0x3e2: {  	v0 =	vld [tilespmem:s9+$0x0]  }
0x3e3: {  	v1 =	vld [tilespmem:s10+$0x0];
	_ =	sdelay $0x4  }
0x3e4: {  	v32 =	vadd.f32 v1, v0;
	_ =	sdelay $0x1  }
0x3e5: {  	v2 =	vmax.f32 v32, $9.999999930e-09  }
0x3e6: {  	(erf) = vrcp.f32 v2;
	_ =	sdelay $0x6  }
0x3e7: {  	v0 =	vsub.f32 v0, v1  }
0x3e8: {  	v33 =	vadd.s32 $0x25, v35  }
0x3e9: {  	v1 =	vadd.s32 s8, v33;
	v0 =	vand.u32 $0x7FFFFFFF, v0;
	v2 =	vpop (erf)  }
0x3ea: {  	v0 =	vmul.f32 v2, v0;
	_ =	sdelay $0x1  }
0x3eb: {  	s9 =	sld [smem:$0x7CD];
	v0 =	vsub.f32 $0.0e+00, v0  }
0x3ec: {  	s10 =	sld [smem:$0x7CF]  }
0x3ed: {  	[tilespmem:v1+s11+$0x0] =	vst.idx.msk $0xffff, v0  }
0x3ee: {  	v0 =	vld [tilespmem:s9+$0x0]  }
0x3ef: {  	v1 =	vld [tilespmem:s10+$0x0];
	_ =	sdelay $0x4  }
0x3f0: {  	v34 =	vadd.f32 v1, v0;
	_ =	sdelay $0x1  }
0x3f1: {  	v2 =	vmax.f32 v34, $9.999999930e-09  }
0x3f2: {  	(erf) = vrcp.f32 v2;
	_ =	sdelay $0x6  }
0x3f3: {  	v0 =	vsub.f32 v0, v1  }
0x3f4: {  	v36 =	vadd.s32 $0x26, v35  }
0x3f5: {  	v1 =	vadd.s32 s8, v36;
	v0 =	vand.u32 $0x7FFFFFFF, v0;
	v2 =	vpop (erf)  }
0x3f6: {  	v0 =	vmul.f32 v2, v0;
	_ =	sdelay $0x1  }
0x3f7: {  	s9 =	sld [smem:$0x7CE];
	v0 =	vsub.f32 $0.0e+00, v0  }
0x3f8: {  	s10 =	sld [smem:$0x7D0]  }
0x3f9: {  	[tilespmem:v1+s11+$0x0] =	vst.idx.msk $0xffff, v0  }
0x3fa: {  	v0 =	vld [tilespmem:s9+$0x0]  }
0x3fb: {  	v1 =	vld [tilespmem:s10+$0x0];
	_ =	sdelay $0x4  }
0x3fc: {  	v37 =	vadd.f32 v1, v0;
	_ =	sdelay $0x1  }
0x3fd: {  	v2 =	vmax.f32 v37, $9.999999930e-09  }
0x3fe: {  	(erf) = vrcp.f32 v2;
	_ =	sdelay $0x6  }
0x3ff: {  	v0 =	vsub.f32 v0, v1  }
0x400: {  	v38 =	vadd.s32 $0x27, v35  }
0x401: {  	v1 =	vadd.s32 s8, v38;
	v0 =	vand.u32 $0x7FFFFFFF, v0;
	v2 =	vpop (erf)  }
0x402: {  	v0 =	vmul.f32 v2, v0;
	_ =	sdelay $0x1  }
0x403: {  	s9 =	sld [smem:$0x7D1];
	v0 =	vsub.f32 $0.0e+00, v0  }
0x404: {  	s10 =	sld [smem:$0x7D3]  }
0x405: {  	[tilespmem:v1+s11+$0x0] =	vst.idx.msk $0xffff, v0  }
0x406: {  	v0 =	vld [tilespmem:s9+$0x0]  }
0x407: {  	v1 =	vld [tilespmem:s10+$0x0];
	_ =	sdelay $0x4  }
0x408: {  	v39 =	vadd.f32 v1, v0;
	_ =	sdelay $0x1  }
0x409: {  	v2 =	vmax.f32 v39, $9.999999930e-09  }
0x40a: {  	(erf) = vrcp.f32 v2;
	_ =	sdelay $0x6  }
0x40b: {  	v0 =	vsub.f32 v0, v1  }
0x40c: {  	v40 =	vadd.s32 $0x28, v35  }
0x40d: {  	v1 =	vadd.s32 s8, v40;
	v0 =	vand.u32 $0x7FFFFFFF, v0;
	v2 =	vpop (erf)  }
0x40e: {  	v0 =	vmul.f32 v2, v0;
	_ =	sdelay $0x1  }
0x40f: {  	s9 =	sld [smem:$0x7D2];
	v0 =	vsub.f32 $0.0e+00, v0  }
0x410: {  	s10 =	sld [smem:$0x7D4]  }
0x411: {  	[tilespmem:v1+s11+$0x0] =	vst.idx.msk $0xffff, v0  }
0x412: {  	v0 =	vld [tilespmem:s9+$0x0]  }
0x413: {  	v1 =	vld [tilespmem:s10+$0x0];
	_ =	sdelay $0x4  }
0x414: {  	v41 =	vadd.f32 v1, v0;
	_ =	sdelay $0x1  }
0x415: {  	v2 =	vmax.f32 v41, $9.999999930e-09  }
0x416: {  	(erf) = vrcp.f32 v2;
	_ =	sdelay $0x6  }
0x417: {  	v0 =	vsub.f32 v0, v1  }
0x418: {  	v42 =	vadd.s32 $0x29, v35  }
0x419: {  	v1 =	vadd.s32 s8, v42;
	v0 =	vand.u32 $0x7FFFFFFF, v0;
	v2 =	vpop (erf)  }
0x41a: {  	v0 =	vmul.f32 v2, v0;
	_ =	sdelay $0x1  }
0x41b: {  	s9 =	sld [smem:$0x7D5];
	v0 =	vsub.f32 $0.0e+00, v0  }
0x41c: {  	s10 =	sld [smem:$0x7D7]  }
0x41d: {  	[tilespmem:v1+s11+$0x0] =	vst.idx.msk $0xffff, v0  }
0x41e: {  	v0 =	vld [tilespmem:s9+$0x0]  }
0x41f: {  	v1 =	vld [tilespmem:s10+$0x0];
	_ =	sdelay $0x4  }
0x420: {  	v43 =	vadd.f32 v1, v0;
	_ =	sdelay $0x1  }
0x421: {  	v2 =	vmax.f32 v43, $9.999999930e-09  }
0x422: {  	(erf) = vrcp.f32 v2;
	_ =	sdelay $0x6  }
0x423: {  	v0 =	vsub.f32 v0, v1  }
0x424: {  	v44 =	vadd.s32 $0x2A, v35  }
0x425: {  	v1 =	vadd.s32 s8, v44;
	v0 =	vand.u32 $0x7FFFFFFF, v0;
	v2 =	vpop (erf)  }
0x426: {  	v0 =	vmul.f32 v2, v0;
	_ =	sdelay $0x1  }
0x427: {  	s9 =	sld [smem:$0x7D6];
	v0 =	vsub.f32 $0.0e+00, v0  }
0x428: {  	s10 =	sld [smem:$0x7D8]  }
0x429: {  	[tilespmem:v1+s11+$0x0] =	vst.idx.msk $0xffff, v0  }
0x42a: {  	v0 =	vld [tilespmem:s9+$0x0]  }
0x42b: {  	v1 =	vld [tilespmem:s10+$0x0];
	_ =	sdelay $0x4  }
0x42c: {  	v45 =	vadd.f32 v1, v0;
	_ =	sdelay $0x1  }
0x42d: {  	v2 =	vmax.f32 v45, $9.999999930e-09  }
0x42e: {  	(erf) = vrcp.f32 v2;
	_ =	sdelay $0x6  }
0x42f: {  	v0 =	vsub.f32 v0, v1  }
0x430: {  	v46 =	vadd.s32 $0x2B, v35  }
0x431: {  	v1 =	vadd.s32 s8, v46;
	v0 =	vand.u32 $0x7FFFFFFF, v0;
	v2 =	vpop (erf)  }
0x432: {  	v0 =	vmul.f32 v2, v0;
	_ =	sdelay $0x1  }
0x433: {  	s9 =	sld [smem:$0x7D9];
	v0 =	vsub.f32 $0.0e+00, v0  }
0x434: {  	s10 =	sld [smem:$0x7DD]  }
0x435: {  	[tilespmem:v1+s11+$0x0] =	vst.idx.msk $0xffff, v0  }
0x436: {  	v0 =	vld [tilespmem:s9+$0x0]  }
0x437: {  	v1 =	vld [tilespmem:s10+$0x0];
	_ =	sdelay $0x4  }
0x438: {  	v47 =	vadd.f32 v1, v0;
	_ =	sdelay $0x1  }
0x439: {  	v2 =	vmax.f32 v47, $9.999999930e-09  }
0x43a: {  	(erf) = vrcp.f32 v2;
	_ =	sdelay $0x6  }
0x43b: {  	v0 =	vsub.f32 v0, v1  }
0x43c: {  	v48 =	vadd.s32 $0x2C, v35  }
0x43d: {  	v1 =	vadd.s32 s8, v48;
	v0 =	vand.u32 $0x7FFFFFFF, v0;
	v2 =	vpop (erf)  }
0x43e: {  	v0 =	vmul.f32 v2, v0;
	_ =	sdelay $0x1  }
0x43f: {  	s9 =	sld [smem:$0x7DB];
	v0 =	vsub.f32 $0.0e+00, v0  }
0x440: {  	s10 =	sld [smem:$0x7DF]  }
0x441: {  	[tilespmem:v1+s11+$0x0] =	vst.idx.msk $0xffff, v0  }
0x442: {  	v0 =	vld [tilespmem:s9+$0x0]  }
0x443: {  	v1 =	vld [tilespmem:s10+$0x0];
	_ =	sdelay $0x4  }
0x444: {  	v49 =	vadd.f32 v1, v0;
	_ =	sdelay $0x1  }
0x445: {  	v2 =	vmax.f32 v49, $9.999999930e-09  }
0x446: {  	(erf) = vrcp.f32 v2;
	_ =	sdelay $0x6  }
0x447: {  	v0 =	vsub.f32 v0, v1  }
0x448: {  	v50 =	vadd.s32 $0x2D, v35  }
0x449: {  	v1 =	vadd.s32 s8, v50;
	v0 =	vand.u32 $0x7FFFFFFF, v0;
	v2 =	vpop (erf)  }
0x44a: {  	v0 =	vmul.f32 v2, v0;
	_ =	sdelay $0x1  }
0x44b: {  	s9 =	sld [smem:$0x7E1];
	v0 =	vsub.f32 $0.0e+00, v0  }
0x44c: {  	s10 =	sld [smem:$0x7E3]  }
0x44d: {  	[tilespmem:v1+s11+$0x0] =	vst.idx.msk $0xffff, v0  }
0x44e: {  	v0 =	vld [tilespmem:s9+$0x0]  }
0x44f: {  	v1 =	vld [tilespmem:s10+$0x0];
	_ =	sdelay $0x4  }
0x450: {  	v51 =	vadd.f32 v1, v0;
	_ =	sdelay $0x1  }
0x451: {  	v2 =	vmax.f32 v51, $9.999999930e-09  }
0x452: {  	(erf) = vrcp.f32 v2;
	_ =	sdelay $0x6  }
0x453: {  	v0 =	vsub.f32 v0, v1  }
0x454: {  	v52 =	vadd.s32 $0x2E, v35  }
0x455: {  	v1 =	vadd.s32 s8, v52;
	v0 =	vand.u32 $0x7FFFFFFF, v0;
	v2 =	vpop (erf)  }
0x456: {  	v0 =	vmul.f32 v2, v0;
	_ =	sdelay $0x1  }
0x457: {  	s9 =	sld [smem:$0x7E2];
	v0 =	vsub.f32 $0.0e+00, v0  }
0x458: {  	s10 =	sld [smem:$0x7E5]  }
0x459: {  	[tilespmem:v1+s11+$0x0] =	vst.idx.msk $0xffff, v0  }
0x45a: {  	v0 =	vld [tilespmem:s9+$0x0]  }
0x45b: {  	v1 =	vld [tilespmem:s10+$0x0];
	_ =	sdelay $0x4  }
0x45c: {  	v53 =	vadd.f32 v1, v0;
	_ =	sdelay $0x1  }
0x45d: {  	v2 =	vmax.f32 v53, $9.999999930e-09  }
0x45e: {  	(erf) = vrcp.f32 v2;
	_ =	sdelay $0x6  }
0x45f: {  	v0 =	vsub.f32 v0, v1  }
0x460: {  	v54 =	vadd.s32 $0x2F, v35  }
0x461: {  	v1 =	vadd.s32 s8, v54;
	v0 =	vand.u32 $0x7FFFFFFF, v0;
	v2 =	vpop (erf)  }
0x462: {  	v0 =	vmul.f32 v2, v0;
	_ =	sdelay $0x1  }
0x463: {  	s9 =	sld [smem:$0x7E6];
	v0 =	vsub.f32 $0.0e+00, v0  }
0x464: {  	s10 =	sld [smem:$0x7E8]  }
0x465: {  	[tilespmem:v1+s11+$0x0] =	vst.idx.msk $0xffff, v0  }
0x466: {  	v0 =	vld [tilespmem:s9+$0x0]  }
0x467: {  	v1 =	vld [tilespmem:s10+$0x0];
	_ =	sdelay $0x4  }
0x468: {  	v55 =	vadd.f32 v1, v0;
	_ =	sdelay $0x1  }
0x469: {  	v2 =	vmax.f32 v55, $9.999999930e-09  }
0x46a: {  	(erf) = vrcp.f32 v2;
	_ =	sdelay $0x6  }
0x46b: {  	v0 =	vsub.f32 v0, v1  }
0x46c: {  	v56 =	vadd.s32 $0x30, v35  }
0x46d: {  	v1 =	vadd.s32 s8, v56;
	v0 =	vand.u32 $0x7FFFFFFF, v0;
	v2 =	vpop (erf)  }
0x46e: {  	v0 =	vmul.f32 v2, v0;
	_ =	sdelay $0x1  }
0x46f: {  	s9 =	sld [smem:$0x7E7];
	v0 =	vsub.f32 $0.0e+00, v0  }
0x470: {  	s10 =	sld [smem:$0x7E9]  }
0x471: {  	[tilespmem:v1+s11+$0x0] =	vst.idx.msk $0xffff, v0  }
0x472: {  	v0 =	vld [tilespmem:s9+$0x0]  }
0x473: {  	v1 =	vld [tilespmem:s10+$0x0];
	_ =	sdelay $0x4  }
0x474: {  	v57 =	vadd.f32 v1, v0;
	_ =	sdelay $0x1  }
0x475: {  	v2 =	vmax.f32 v57, $9.999999930e-09  }
0x476: {  	(erf) = vrcp.f32 v2;
	_ =	sdelay $0x6  }
0x477: {  	v0 =	vsub.f32 v0, v1  }
0x478: {  	v58 =	vadd.s32 $0x31, v35  }
0x479: {  	v1 =	vadd.s32 s8, v58;
	v0 =	vand.u32 $0x7FFFFFFF, v0;
	v2 =	vpop (erf)  }
0x47a: {  	v0 =	vmul.f32 v2, v0;
	_ =	sdelay $0x1  }
0x47b: {  	s9 =	sld [smem:$0x7EA];
	v0 =	vsub.f32 $0.0e+00, v0  }
0x47c: {  	s10 =	sld [smem:$0x7EC]  }
0x47d: {  	[tilespmem:v1+s11+$0x0] =	vst.idx.msk $0xffff, v0  }
0x47e: {  	v0 =	vld [tilespmem:s9+$0x0]  }
0x47f: {  	v1 =	vld [tilespmem:s10+$0x0];
	_ =	sdelay $0x4  }
0x480: {  	v59 =	vadd.f32 v1, v0;
	_ =	sdelay $0x1  }
0x481: {  	v2 =	vmax.f32 v59, $9.999999930e-09  }
0x482: {  	(erf) = vrcp.f32 v2;
	_ =	sdelay $0x6  }
0x483: {  	v0 =	vsub.f32 v0, v1  }
0x484: {  	v60 =	vadd.s32 $0x32, v35  }
0x485: {  	v1 =	vadd.s32 s8, v60;
	v0 =	vand.u32 $0x7FFFFFFF, v0;
	v2 =	vpop (erf)  }
0x486: {  	v0 =	vmul.f32 v2, v0;
	_ =	sdelay $0x1  }
0x487: {  	s9 =	sld [smem:$0x7EB];
	v0 =	vsub.f32 $0.0e+00, v0  }
0x488: {  	s10 =	sld [smem:$0x7ED]  }
0x489: {  	[tilespmem:v1+s11+$0x0] =	vst.idx.msk $0xffff, v0  }
0x48a: {  	v0 =	vld [tilespmem:s9+$0x0]  }
0x48b: {  	v1 =	vld [tilespmem:s10+$0x0];
	_ =	sdelay $0x4  }
0x48c: {  	v61 =	vadd.f32 v1, v0;
	_ =	sdelay $0x1  }
0x48d: {  	v2 =	vmax.f32 v61, $9.999999930e-09  }
0x48e: {  	(erf) = vrcp.f32 v2;
	_ =	sdelay $0x6  }
0x48f: {  	v0 =	vsub.f32 v0, v1  }
0x490: {  	v62 =	vadd.s32 $0x33, v35  }
0x491: {  	v1 =	vadd.s32 s8, v62;
	v0 =	vand.u32 $0x7FFFFFFF, v0;
	v2 =	vpop (erf)  }
0x492: {  	v0 =	vmul.f32 v2, v0;
	_ =	sdelay $0x1  }
0x493: {  	s9 =	sld [smem:$0x7EE];
	v0 =	vsub.f32 $0.0e+00, v0  }
0x494: {  	s10 =	sld [smem:$0x7F0]  }
0x495: {  	[tilespmem:v1+s11+$0x0] =	vst.idx.msk $0xffff, v0  }
0x496: {  	v0 =	vld [tilespmem:s9+$0x0]  }
0x497: {  	v1 =	vld [tilespmem:s10+$0x0];
	_ =	sdelay $0x4  }
0x498: {  	v63 =	vadd.f32 v1, v0;
	_ =	sdelay $0x1  }
0x499: {  	v2 =	vmax.f32 v63, $9.999999930e-09  }
0x49a: {  	(erf) = vrcp.f32 v2;
	_ =	sdelay $0x6  }
0x49b: {  	v0 =	vsub.f32 v0, v1  }
0x49c: {  	v4 =	vadd.s32 $0x34, v35  }
0x49d: {  	v1 =	vadd.s32 s8, v4;
	v0 =	vand.u32 $0x7FFFFFFF, v0;
	v2 =	vpop (erf)  }
0x49e: {  	v0 =	vmul.f32 v2, v0;
	_ =	sdelay $0x1  }
0x49f: {  	s9 =	sld [smem:$0x7EF];
	v0 =	vsub.f32 $0.0e+00, v0  }
0x4a0: {  	s10 =	sld [smem:$0x7F1]  }
0x4a1: {  	[tilespmem:v1+s11+$0x0] =	vst.idx.msk $0xffff, v0  }
0x4a2: {  	v0 =	vld [tilespmem:s9+$0x0]  }
0x4a3: {  	v1 =	vld [tilespmem:s10+$0x0];
	_ =	sdelay $0x4  }
0x4a4: {  	v5 =	vadd.f32 v1, v0;
	_ =	sdelay $0x1  }
0x4a5: {  	v2 =	vmax.f32 v5, $9.999999930e-09  }
0x4a6: {  	(erf) = vrcp.f32 v2;
	_ =	sdelay $0x6  }
0x4a7: {  	v0 =	vsub.f32 v0, v1  }
0x4a8: {  	v6 =	vadd.s32 $0x35, v35  }
0x4a9: {  	v1 =	vadd.s32 s8, v6;
	v0 =	vand.u32 $0x7FFFFFFF, v0;
	v2 =	vpop (erf)  }
0x4aa: {  	v0 =	vmul.f32 v2, v0;
	_ =	sdelay $0x1  }
0x4ab: {  	s9 =	sld [smem:$0x7F2];
	v0 =	vsub.f32 $0.0e+00, v0  }
0x4ac: {  	s10 =	sld [smem:$0x7F4]  }
0x4ad: {  	[tilespmem:v1+s11+$0x0] =	vst.idx.msk $0xffff, v0  }
0x4ae: {  	v0 =	vld [tilespmem:s9+$0x0]  }
0x4af: {  	v1 =	vld [tilespmem:s10+$0x0];
	_ =	sdelay $0x4  }
0x4b0: {  	v7 =	vadd.f32 v1, v0;
	_ =	sdelay $0x1  }
0x4b1: {  	v2 =	vmax.f32 v7, $9.999999930e-09  }
0x4b2: {  	(erf) = vrcp.f32 v2;
	_ =	sdelay $0x6  }
0x4b3: {  	v0 =	vsub.f32 v0, v1  }
0x4b4: {  	v32 =	vadd.s32 $0x36, v35  }
0x4b5: {  	v1 =	vadd.s32 s8, v32;
	v0 =	vand.u32 $0x7FFFFFFF, v0;
	v2 =	vpop (erf)  }
0x4b6: {  	v0 =	vmul.f32 v2, v0;
	_ =	sdelay $0x1  }
0x4b7: {  	s9 =	sld [smem:$0x7F3];
	v0 =	vsub.f32 $0.0e+00, v0  }
0x4b8: {  	s10 =	sld [smem:$0x7F5]  }
0x4b9: {  	[tilespmem:v1+s11+$0x0] =	vst.idx.msk $0xffff, v0  }
0x4ba: {  	v0 =	vld [tilespmem:s9+$0x0]  }
0x4bb: {  	v1 =	vld [tilespmem:s10+$0x0];
	_ =	sdelay $0x4  }
0x4bc: {  	v33 =	vadd.f32 v1, v0;
	_ =	sdelay $0x1  }
0x4bd: {  	v2 =	vmax.f32 v33, $9.999999930e-09  }
0x4be: {  	(erf) = vrcp.f32 v2;
	_ =	sdelay $0x6  }
0x4bf: {  	v0 =	vsub.f32 v0, v1  }
0x4c0: {  	v34 =	vadd.s32 $0x37, v35  }
0x4c1: {  	v1 =	vadd.s32 s8, v34;
	v0 =	vand.u32 $0x7FFFFFFF, v0;
	v2 =	vpop (erf)  }
0x4c2: {  	v0 =	vmul.f32 v2, v0;
	_ =	sdelay $0x1  }
0x4c3: {  	s9 =	sld [smem:$0x7F6];
	v0 =	vsub.f32 $0.0e+00, v0  }
0x4c4: {  	s10 =	sld [smem:$0x7F8]  }
0x4c5: {  	[tilespmem:v1+s11+$0x0] =	vst.idx.msk $0xffff, v0  }
0x4c6: {  	v0 =	vld [tilespmem:s9+$0x0]  }
0x4c7: {  	v1 =	vld [tilespmem:s10+$0x0];
	_ =	sdelay $0x4  }
0x4c8: {  	v36 =	vadd.f32 v1, v0;
	_ =	sdelay $0x1  }
0x4c9: {  	v2 =	vmax.f32 v36, $9.999999930e-09  }
0x4ca: {  	(erf) = vrcp.f32 v2;
	_ =	sdelay $0x6  }
0x4cb: {  	v0 =	vsub.f32 v0, v1  }
0x4cc: {  	v37 =	vadd.s32 $0x38, v35  }
0x4cd: {  	v1 =	vadd.s32 s8, v37;
	v0 =	vand.u32 $0x7FFFFFFF, v0;
	v2 =	vpop (erf)  }
0x4ce: {  	v0 =	vmul.f32 v2, v0;
	_ =	sdelay $0x1  }
0x4cf: {  	s10 =	sld [smem:$0x7F7];
	v0 =	vsub.f32 $0.0e+00, v0;
	_ =	sdelay $0x1  }
0x4d0: {  	[tilespmem:v1+s11+$0x0] =	vst.idx.msk $0xffff, v0  }
0x4d1: {  	v0 =	vld [tilespmem:s10+$0x0]  }
0x4d2: {  	v1 =	vld [tilespmem:s13+$0x0];
	_ =	sdelay $0x4  }
0x4d3: {  	v38 =	vadd.f32 v1, v0;
	_ =	sdelay $0x1  }
0x4d4: {  	v2 =	vmax.f32 v38, $9.999999930e-09  }
0x4d5: {  	(erf) = vrcp.f32 v2;
	_ =	sdelay $0x6  }
0x4d6: {  	v0 =	vsub.f32 v0, v1  }
0x4d7: {  	v39 =	vadd.s32 $0x39, v35  }
0x4d8: {  	v1 =	vadd.s32 s8, v39;
	v0 =	vand.u32 $0x7FFFFFFF, v0;
	v2 =	vpop (erf)  }
0x4d9: {  	v0 =	vmul.f32 v2, v0;
	_ =	sdelay $0x1  }
0x4da: {  	v0 =	vsub.f32 $0.0e+00, v0;
	_ =	sdelay $0x1  }
0x4db: {  	[tilespmem:v1+s11+$0x0] =	vst.idx.msk $0xffff, v0  }
0x4dc: {  	v0 =	vld [tilespmem:s14+$0x0]  }
0x4dd: {  	v1 =	vld [tilespmem:s16+$0x0];
	_ =	sdelay $0x4  }
0x4de: {  	v40 =	vadd.f32 v1, v0;
	_ =	sdelay $0x1  }
0x4df: {  	v2 =	vmax.f32 v40, $9.999999930e-09  }
0x4e0: {  	(erf) = vrcp.f32 v2;
	_ =	sdelay $0x6  }
0x4e1: {  	v0 =	vsub.f32 v0, v1  }
0x4e2: {  	v41 =	vadd.s32 $0x3A, v35  }
0x4e3: {  	v1 =	vadd.s32 s8, v41;
	v0 =	vand.u32 $0x7FFFFFFF, v0;
	v2 =	vpop (erf)  }
0x4e4: {  	v0 =	vmul.f32 v2, v0;
	_ =	sdelay $0x1  }
0x4e5: {  	v0 =	vsub.f32 $0.0e+00, v0;
	_ =	sdelay $0x1  }
0x4e6: {  	[tilespmem:v1+s11+$0x0] =	vst.idx.msk $0xffff, v0  }
0x4e7: {  	v0 =	vld [tilespmem:s15+$0x0]  }
0x4e8: {  	v1 =	vld [tilespmem:s19+$0x0];
	_ =	sdelay $0x4  }
0x4e9: {  	v42 =	vadd.f32 v1, v0;
	_ =	sdelay $0x1  }
0x4ea: {  	v2 =	vmax.f32 v42, $9.999999930e-09  }
0x4eb: {  	(erf) = vrcp.f32 v2;
	_ =	sdelay $0x6  }
0x4ec: {  	v0 =	vsub.f32 v0, v1  }
0x4ed: {  	v43 =	vadd.s32 $0x3B, v35  }
0x4ee: {  	v1 =	vadd.s32 s8, v43;
	v0 =	vand.u32 $0x7FFFFFFF, v0;
	v2 =	vpop (erf)  }
0x4ef: {  	v0 =	vmul.f32 v2, v0;
	_ =	sdelay $0x1  }
0x4f0: {  	v0 =	vsub.f32 $0.0e+00, v0;
	_ =	sdelay $0x1  }
0x4f1: {  	[tilespmem:v1+s11+$0x0] =	vst.idx.msk $0xffff, v0  }
0x4f2: {  	v0 =	vld [tilespmem:s20+$0x0]  }
0x4f3: {  	v1 =	vld [tilespmem:s23+$0x0];
	_ =	sdelay $0x4  }
0x4f4: {  	v44 =	vadd.f32 v1, v0;
	_ =	sdelay $0x1  }
0x4f5: {  	v2 =	vmax.f32 v44, $9.999999930e-09  }
0x4f6: {  	(erf) = vrcp.f32 v2;
	_ =	sdelay $0x6  }
0x4f7: {  	v0 =	vsub.f32 v0, v1  }
0x4f8: {  	v45 =	vadd.s32 $0x3C, v35  }
0x4f9: {  	v1 =	vadd.s32 s8, v45;
	v0 =	vand.u32 $0x7FFFFFFF, v0;
	v2 =	vpop (erf)  }
0x4fa: {  	v0 =	vmul.f32 v2, v0;
	_ =	sdelay $0x1  }
0x4fb: {  	v0 =	vsub.f32 $0.0e+00, v0;
	_ =	sdelay $0x1  }
0x4fc: {  	[tilespmem:v1+s11+$0x0] =	vst.idx.msk $0xffff, v0  }
0x4fd: {  	v0 =	vld [tilespmem:s21+$0x0]  }
0x4fe: {  	v1 =	vld [tilespmem:s26+$0x0];
	_ =	sdelay $0x4  }
0x4ff: {  	v46 =	vadd.f32 v1, v0;
	_ =	sdelay $0x1  }
0x500: {  	v2 =	vmax.f32 v46, $9.999999930e-09  }
0x501: {  	(erf) = vrcp.f32 v2;
	_ =	sdelay $0x6  }
0x502: {  	v0 =	vsub.f32 v0, v1  }
0x503: {  	v47 =	vadd.s32 $0x3D, v35  }
0x504: {  	v1 =	vadd.s32 s8, v47;
	v0 =	vand.u32 $0x7FFFFFFF, v0;
	v2 =	vpop (erf)  }
0x505: {  	v0 =	vmul.f32 v2, v0;
	_ =	sdelay $0x1  }
0x506: {  	v0 =	vsub.f32 $0.0e+00, v0;
	_ =	sdelay $0x1  }
0x507: {  	[tilespmem:v1+s11+$0x0] =	vst.idx.msk $0xffff, v0  }
0x508: {  	v0 =	vld [tilespmem:s0+$0x0]  }
0x509: {  	v1 =	vld [tilespmem:s1+$0x0];
	_ =	sdelay $0x4  }
0x50a: {  	v48 =	vadd.f32 v1, v0;
	_ =	sdelay $0x1  }
0x50b: {  	v2 =	vmax.f32 v48, $9.999999930e-09  }
0x50c: {  	(erf) = vrcp.f32 v2;
	_ =	sdelay $0x6  }
0x50d: {  	v0 =	vsub.f32 v0, v1  }
0x50e: {  	v49 =	vadd.s32 $0x3E, v35  }
0x50f: {  	v1 =	vadd.s32 s8, v49;
	v0 =	vand.u32 $0x7FFFFFFF, v0;
	v2 =	vpop (erf)  }
0x510: {  	v0 =	vmul.f32 v2, v0;
	_ =	sdelay $0x1  }
0x511: {  	v0 =	vsub.f32 $0.0e+00, v0;
	_ =	sdelay $0x1  }
0x512: {  	[tilespmem:v1+s11+$0x0] =	vst.idx.msk $0xffff, v0  }
0x513: {  	v0 =	vld [tilespmem:s28+$0x0]  }
0x514: {  	v1 =	vld [tilespmem:s25+$0x0];
	_ =	sdelay $0x4  }
0x515: {  	v50 =	vadd.f32 v1, v0;
	_ =	sdelay $0x1  }
0x516: {  	v2 =	vmax.f32 v50, $9.999999930e-09  }
0x517: {  	(erf) = vrcp.f32 v2;
	_ =	sdelay $0x6  }
0x518: {  	v0 =	vsub.f32 v0, v1  }
0x519: {  	v51 =	vadd.s32 $0x3F, v35  }
0x51a: {  	v1 =	vadd.s32 s8, v51;
	v0 =	vand.u32 $0x7FFFFFFF, v0;
	v2 =	vpop (erf)  }
0x51b: {  	v0 =	vmul.f32 v2, v0;
	_ =	sdelay $0x1  }
0x51c: {  	v0 =	vsub.f32 $0.0e+00, v0;
	_ =	sdelay $0x1  }
0x51d: {  	[tilespmem:v1+s11+$0x0] =	vst.idx.msk $0xffff, v0  }
0x51e: {  	v0 =	vld [tilespmem:s22+$0x0]  }
0x51f: {  	v1 =	vld [tilespmem:s29+$0x0];
	_ =	sdelay $0x4  }
0x520: {  	v52 =	vadd.f32 v1, v0;
	_ =	sdelay $0x1  }
0x521: {  	v2 =	vmax.f32 v52, $9.999999930e-09  }
0x522: {  	(erf) = vrcp.f32 v2;
	_ =	sdelay $0x6  }
0x523: {  	v0 =	vsub.f32 v0, v1  }
0x524: {  	v53 =	vadd.s32 $0x40, v35  }
0x525: {  	v1 =	vadd.s32 s8, v53;
	v0 =	vand.u32 $0x7FFFFFFF, v0;
	v2 =	vpop (erf)  }
0x526: {  	v0 =	vmul.f32 v2, v0;
	_ =	sdelay $0x1  }
0x527: {  	v0 =	vsub.f32 $0.0e+00, v0;
	_ =	sdelay $0x1  }
0x528: {  	[tilespmem:v1+s11+$0x0] =	vst.idx.msk $0xffff, v0  }
0x529: {  	v0 =	vld [tilespmem:s24+$0x0]  }
0x52a: {  	v1 =	vld [tilespmem:s30+$0x0];
	_ =	sdelay $0x4  }
0x52b: {  	v54 =	vadd.f32 v1, v0;
	_ =	sdelay $0x1  }
0x52c: {  	v2 =	vmax.f32 v54, $9.999999930e-09  }
0x52d: {  	(erf) = vrcp.f32 v2;
	_ =	sdelay $0x6  }
0x52e: {  	v0 =	vsub.f32 v0, v1  }
0x52f: {  	v55 =	vadd.s32 $0x41, v35  }
0x530: {  	v1 =	vadd.s32 s8, v55;
	v0 =	vand.u32 $0x7FFFFFFF, v0;
	v2 =	vpop (erf)  }
0x531: {  	v0 =	vmul.f32 v2, v0;
	_ =	sdelay $0x1  }
0x532: {  	v0 =	vsub.f32 $0.0e+00, v0;
	_ =	sdelay $0x1  }
0x533: {  	[tilespmem:v1+s11+$0x0] =	vst.idx.msk $0xffff, v0  }
0x534: {  	v0 =	vld [tilespmem:s31+$0x0]  }
0x535: {  	v1 =	vld [tilespmem:s18+$0x0];
	_ =	sdelay $0x4  }
0x536: {  	v56 =	vadd.f32 v1, v0;
	_ =	sdelay $0x1  }
0x537: {  	v2 =	vmax.f32 v56, $9.999999930e-09  }
0x538: {  	(erf) = vrcp.f32 v2;
	_ =	sdelay $0x6  }
0x539: {  	v0 =	vsub.f32 v0, v1  }
0x53a: {  	v57 =	vadd.s32 $0x42, v35  }
0x53b: {  	v1 =	vadd.s32 s8, v57;
	v0 =	vand.u32 $0x7FFFFFFF, v0;
	v2 =	vpop (erf)  }
0x53c: {  	v0 =	vmul.f32 v2, v0;
	_ =	sdelay $0x1  }
0x53d: {  	v0 =	vsub.f32 $0.0e+00, v0;
	_ =	sdelay $0x1  }
0x53e: {  	[tilespmem:v1+s11+$0x0] =	vst.idx.msk $0xffff, v0  }
0x53f: {  	v0 =	vld [tilespmem:s17+$0x0]  }
0x540: {  	v1 =	vld [tilespmem:s3+$0x0];
	_ =	sdelay $0x4  }
0x541: {  	v58 =	vadd.f32 v1, v0;
	_ =	sdelay $0x1  }
0x542: {  	v2 =	vmax.f32 v58, $9.999999930e-09  }
0x543: {  	(erf) = vrcp.f32 v2;
	_ =	sdelay $0x6  }
0x544: {  	v0 =	vsub.f32 v0, v1  }
0x545: {  	v59 =	vadd.s32 $0x43, v35  }
0x546: {  	v1 =	vadd.s32 s8, v59;
	v0 =	vand.u32 $0x7FFFFFFF, v0;
	v2 =	vpop (erf)  }
0x547: {  	v0 =	vmul.f32 v2, v0;
	_ =	sdelay $0x1  }
0x548: {  	v0 =	vsub.f32 $0.0e+00, v0;
	_ =	sdelay $0x1  }
0x549: {  	[tilespmem:v1+s11+$0x0] =	vst.idx.msk $0xffff, v0  }
0x54a: {  	v0 =	vld [tilespmem:s4+$0x0]  }
0x54b: {  	v1 =	vld [tilespmem:s6+$0x0];
	_ =	sdelay $0x4  }
0x54c: {  	v60 =	vadd.f32 v1, v0;
	_ =	sdelay $0x1  }
0x54d: {  	v2 =	vmax.f32 v60, $9.999999930e-09  }
0x54e: {  	(erf) = vrcp.f32 v2;
	_ =	sdelay $0x6  }
0x54f: {  	v0 =	vsub.f32 v0, v1  }
0x550: {  	v61 =	vadd.s32 $0x44, v35  }
0x551: {  	v1 =	vadd.s32 s8, v61;
	v0 =	vand.u32 $0x7FFFFFFF, v0;
	v2 =	vpop (erf)  }
0x552: {  	v0 =	vmul.f32 v2, v0;
	_ =	sdelay $0x1  }
0x553: {  	v0 =	vsub.f32 $0.0e+00, v0;
	_ =	sdelay $0x1  }
0x554: {  	[tilespmem:v1+s11+$0x0] =	vst.idx.msk $0xffff, v0  }
0x555: {  	v0 =	vld [tilespmem:s5+$0x0]  }
0x556: {  	v1 =	vld [tilespmem:s7+$0x0];
	_ =	sdelay $0x4  }
0x557: {  	v62 =	vadd.f32 v1, v0;
	_ =	sdelay $0x1  }
0x558: {  	v2 =	vmax.f32 v62, $9.999999930e-09  }
0x559: {  	(erf) = vrcp.f32 v2  }
0x55a: {  	v22 =	vld [tilespmem:$0x1FFA0]  }
0x55b: {  	v21 =	vld [tilespmem:$0x1FF90]  }
0x55c: {  	v16 =	vld [tilespmem:$0x1FF40]  }
0x55d: {  	v19 =	vld [tilespmem:$0x1FF70]  }
0x55e: {  	v20 =	vld [tilespmem:$0x1FF80]  }
0x55f: {  	v25 =	vld [tilespmem:$0x1FFD0]  }
0x560: {  	v23 =	vld [tilespmem:$0x1FFB0];
	v0 =	vsub.f32 v0, v1  }
0x561: {  	v17 =	vld [tilespmem:$0x1FF50];
	v63 =	vadd.s32 $0x45, v35  }
0x562: {  	p0 =	sne.s32 s12, $0x3640;
	v24 =	vld [tilespmem:$0x1FFC0];
	v1 =	vadd.s32 s8, v63;
	v0 =	vand.u32 $0x7FFFFFFF, v0;
	v2 =	vpop (erf)  }
.Ltmp0:
0x563: {  	v18 =	vld [tilespmem:$0x1FF60];
	v0 =	vmul.f32 v2, v0;
	(pc) =	sbr.rel @p0 .LBB2_2-.Ltmp0, $4  }
0x564: {  	v15 =	vld [tilespmem:$0x1FF30]  }
0x565: {  	v12 =	vld [tilespmem:$0x1FF10];
	v0 =	vsub.f32 $0.0e+00, v0  }
0x566: {  	v14 =	vld [tilespmem:$0x1FF20]  }
0x567: {  	s12 =	sadd.s32 $0x1C0, s12;
	v11 =	vld [tilespmem:$0x1FF00];
	s8 =	sadd.s32 $0x460, s8;
	[tilespmem:v1+s11+$0x0] =	vst.idx.msk $0xffff, v0  }
0x568: {  	s0 =	sld [smem:$0x7FC];
	_ =	sdelay $0x1  }
0x569: {  	s1 =	simm.s32 $0x1  }
0x56a: {  	[hbm4b:s0+s2] =	stream.linear.scatter [tilespmem:s11], [sflag:$0x1], $0x8C00, $0x38;
	[tilespmem:$0xC880] =	vst v63  }
0x56b: {  	_ =	swait.ge [sflag:s1], $0x8C00  }
0x56c: {  	s3 =	sld [smem:$0x796]  }
0x56d: {  	s31 =	sld [smem:$0x7FD];
	_ =	sdelay $0x1  }
0x56e: {  	s3 =	sadd.s32 $0x1, s3  }
0x56f: {  	p0 =	sne.s32 s3, s31  }
.Ltmp1:
0x570: {  	_ = 	snop;
	(pc) =	sbr.rel @p0 .LBB2_1-.Ltmp1, $3  }
0x571: {  	_ =	sdelay $0x1  }
0x572: {  	[sflag:s1] =	ssyncset.done $0x0  }
0x573: {  	[sflag:s1] =	ssyncadd.s32 $0xFFFF7400  }
0x574: {  	_ =	sfence.sel $0x180000  }
0x575: {  	[bflag:$0x0] =	sbarrier.arrive $0xFFFF  }
0x576: {  	_ =	strace $0x90000047  }
0x577: {  	s0 =	stileid.u32;
	[bflag:$0x2] =	sbarrier.arrive $0xFFFF  }
0x578: {  	p0 =	sne.s32 s0, $0x0;
	s0 =	rddreg [dreg:$0x2]  }
0x579: {  	s0 =	sadd.s32 @!p0 $0x100000, s0  }
0x57a: {  	[sflag:s0] =	ssyncadd.tile.s32 @!p0 $0x1;
	_ =	shalt  }
.Lfunc_end2:
_tile_overlayer_lowered:
.L_overlay_start_2:
0x57b: {  	(tag) =	ssettag $0x2  }
0x57c: {  	s0 =	rddreg [dreg:$0x0];
	s2 =	stileid.u32  }
0x57d: {  	s1 =	rddreg [dreg:$0x1];
	p0 =	sne.s32 s2, $0x0  }
0x57e: {  	s3 =	rddreg [dreg:$0x2];
	[bflag:$0x3] =	sbarrier.arrive $0xFFFF;
	s2 =	simm.s32 @!p0 $0x1C01  }
0x57f: {  	[timem:s3], [sflag:s2] =	dma.local @!p0 [hbm:s0], s1  }
0x580: {  	s0 =	simm.s32 @!p0 $0x1  }
0x581: {  	_ =	swait.ge @!p0 [sflag:s0], s1  }
0x582: {  	s1 =	ssub.s32 @!p0 $0x0, s1;
	[sflag:s0] =	ssyncset.done @!p0 $0x0  }
0x583: {  	[sflag:s0] =	ssyncadd.s32 @!p0 s1  }
0x584: {  	[bflag:$0x3] =	sbarrier.arrive $0xFFFF  }
0x585: {  	_ =	shalt  }

</sc_bundles>
